<compile_context>
chip_gen: v7x
topology: tpu7x:2x2x1
jax: 0.10.2.dev20260603
libtpu: 0.0.44.dev20260713+nightly
codegen_flags: <defaults>
</compile_context>

<pallas_src>
import functools

import jax
import jax.numpy as jnp
from jax import lax
from jax.experimental import pallas as pl
from jax.experimental.pallas import tpu as pltpu
from jax.experimental.pallas import tpu_sc as plsc

_T = 100
_C = 1000
_B = 1024
_L = 16
_NFULL = 62
_TAIL = 984
_NW = 32
_EPW = _B // _NW
_TPS = 7

_MESH = plsc.VectorSubcoreMesh(core_axis_name="c", subcore_axis_name="s")


_EA = [2.718281828459045, 2.718281828459045, 1.3591409142295225,
       0.45304697140984085, 0.11326174285246021, 0.022652348570492042,
       0.0037753914284153404, 5.393416326307629e-4, 6.741770407884536e-5]


def _exp_poly(p):
    u = p - 1.0
    u2 = u * u
    u4 = u2 * u2
    q01 = _EA[0] + _EA[1] * u
    q23 = _EA[2] + _EA[3] * u
    q45 = _EA[4] + _EA[5] * u
    q67 = _EA[6] + _EA[7] * u
    lo = q01 + u2 * q23
    hi = (q45 + u2 * q67) + u4 * _EA[8]
    return lo + u4 * hi


def _xlane_sum(v):
    i = lax.iota(jnp.int32, _L)
    for sh in (8, 4, 2, 1):
        p = jnp.bitwise_xor(i, sh)
        v = v + v.at[p].get(mode="promise_in_bounds")
    return v


@functools.partial(
    pl.kernel,
    mesh=_MESH,
    out_type=jax.ShapeDtypeStruct((_NW, _L), jnp.float32),
    scratch_types=[
        pltpu.VMEM_SHARED((_T, _C), jnp.float32),
        pltpu.VMEM((_EPW, _C), jnp.float32),
        [pltpu.VMEM((8,), jnp.int32)] * 4,
        pltpu.VMEM((_L,), jnp.int32),
        pltpu.VMEM((_L, _C), jnp.float32),
        pltpu.VMEM((_TPS * _C,), jnp.float32),
        pltpu.VMEM((_TPS * _L,), jnp.float32),
        pltpu.VMEM((_C,), jnp.float32),
        pltpu.VMEM((_L,), jnp.float32),
        pltpu.SemaphoreType.DMA,
        pltpu.SemaphoreType.DMA,
        pltpu.SemaphoreType.DMA,
        pltpu.SemaphoreType.DMA,
        pltpu.SemaphoreType.DMA,
    ],
    compiler_params=pltpu.CompilerParams(use_tc_tiling_on_sc=False),
)
def _sc_weighted_loss(losses_hbm, idx_hbm, params_hbm, out_hbm,
                      acc, loss_v, idx4, tidx_v, prows_v, e_v, r_v,
                      zrow_v, part_v, sem_l, sem_p, sem_z, sem_s, sem_i):
    cid = lax.axis_index("c")
    sid = lax.axis_index("s")
    wid = cid * 16 + sid
    base = wid * (_EPW * _C)
    zvec = jnp.zeros((_L,), jnp.float32)
    lane = lax.iota(jnp.int32, _L)
    himask = lane >= 8

    with jax.named_scope("ph_pgather"):
        tidx_v[...] = jnp.minimum(sid + 16 * lane, _T - 1)
        pcopies = [
            pltpu.async_copy(
                params_hbm.at[jnp.minimum(sid + 16 * k, _T - 1)],
                prows_v.at[k], sem_p)
            for k in range(_TPS)
        ]

    with jax.named_scope("ph_stage_fire"):
        icopies = [
            pltpu.async_copy(idx_hbm.at[pl.ds(wid * _EPW + 8 * g, 8)],
                             idx4[g], sem_i)
            for g in range(4)
        ]
        stages = [
            pltpu.async_copy(losses_hbm.at[pl.ds(base + e * _C, _C)],
                             loss_v.at[e], sem_l)
            for e in range(_EPW)
        ]

    with jax.named_scope("ph_zero"):
        for j in range(_C // _L):
            zrow_v[pl.ds(j * _L, _L)] = zvec
        zrow_v[pl.ds(_C - _L, _L)] = zvec
        zcopies = [
            pltpu.async_copy(
                zrow_v, acc.at[jnp.minimum(sid + 16 * k, _T - 1)], sem_z)
            for k in range(_TPS)
        ]
        for cp in zcopies:
            cp.wait()

    with jax.named_scope("ph_bar1"):
        plsc.subcore_barrier()

    ntab = jnp.where(sid < _T - 16 * (_TPS - 1), _TPS, _TPS - 1)

    with jax.named_scope("ph_A_softmax"):
        for cp in pcopies:
            cp.wait()

        def _ta(k, carry):
            koff = k * _C

            def _eb(j, c):
                e_v[pl.ds(koff + j * _L, _L)] = _exp_poly(
                    prows_v[k, pl.ds(j * _L, _L)])
                return c
            plsc.parallel_loop(0, _NFULL, unroll=8, carry=jnp.int32(0))(_eb)
            et = _exp_poly(prows_v[k, pl.ds(_TAIL, _L)])
            e_v[pl.ds(koff + _TAIL, _L)] = et

            def _sb(j, s):
                return tuple(
                    s[i] + e_v[pl.ds(koff + (j + i) * _L, _L)]
                    for i in range(4))
            s4 = plsc.parallel_loop(0, 60, step=4,
                                    carry=(zvec,) * 4)(_sb)
            svec = (s4[0] + s4[1]) + (s4[2] + s4[3])
            svec = svec + e_v[pl.ds(koff + 60 * _L, _L)]
            svec = svec + e_v[pl.ds(koff + 61 * _L, _L)]
            svec = svec + jnp.where(himask, et, 0.0)
            r_v[pl.ds(k * _L, _L)] = 1.0 / _xlane_sum(svec)
            return carry

        lax.fori_loop(0, ntab, _ta, 0)

    with jax.named_scope("ph_scatter"):
        for cp in icopies:
            cp.wait()
        scats = []
        for g in range(4):
            for cp in stages[8 * g:8 * (g + 1)]:
                cp.wait()
            scats.append(
                pltpu.async_copy(loss_v.at[pl.ds(8 * g, 8)],
                                 acc.at[idx4[g]], sem_s, add=True))
        for cp in scats:
            cp.wait()
    with jax.named_scope("ph_bar2"):
        plsc.subcore_barrier()

    with jax.named_scope("ph_B_dot"):
        pltpu.async_copy(acc.at[tidx_v], prows_v, sem_p).wait()

        def _tb(k, pv):
            koff = k * _C

            def _db(j, a):
                return tuple(
                    a[i] + (prows_v[k, pl.ds((j + i) * _L, _L)]
                            * e_v[pl.ds(koff + (j + i) * _L, _L)])
                    for i in range(4))
            a4 = plsc.parallel_loop(0, 60, step=4, carry=(zvec,) * 4)(_db)
            part = (a4[0] + a4[1]) + (a4[2] + a4[3])
            for jj in (60, 61):
                part = part + (prows_v[k, pl.ds(jj * _L, _L)]
                               * e_v[pl.ds(koff + jj * _L, _L)])
            pt = (prows_v[k, pl.ds(_TAIL, _L)]
                  * e_v[pl.ds(koff + _TAIL, _L)])
            part = part + jnp.where(himask, pt, 0.0)
            return pv + part * r_v[pl.ds(k * _L, _L)]

        pv = lax.fori_loop(0, ntab, _tb, zvec)

    with jax.named_scope("ph_out"):
        part_v[...] = pv
        pltpu.sync_copy(part_v, out_hbm.at[wid])


def kernel(losses, inputs_idx, params):
    partials = _sc_weighted_loss(losses, inputs_idx, params)
    return jnp.sum(partials)

# --- scband reference (transcript-rebuilt; emitter-appended) ---
"""Pipeline reference for scband-example-label-weights-58377195487799 (READ-ONLY COPY).

The authoritative reference and input builder live on the scoring server;
editing this copy changes nothing except your own understanding.
"""

import jax, jax.numpy as jnp
import numpy as np

NUM_TABLES = 100
CARD = 1000
BATCH = 1024


def setup_inputs(seed: int = 0) -> dict:
    key = jax.random.key(seed)
    k1, k2, k3 = jax.random.split(key, 3)
    # losses: one loss value per (example, class) pair, concatenated: [BATCH * CARD]
    losses = jax.random.uniform(k1, (BATCH * CARD,), dtype=jnp.float32)
    # inputs_idx: which label-weight table each example uses
    inputs_idx = jax.random.randint(k2, (BATCH,), 0, NUM_TABLES, dtype=jnp.int32)
    # learned parameters: the nn.ParameterList, one row of size CARD per table.
    # Original inits to ones; add small noise so softmax is non-degenerate.
    params = 1.0 + 0.1 * jax.random.normal(k3, (NUM_TABLES, CARD), dtype=jnp.float32)
    return {"losses": losses, "inputs_idx": inputs_idx, "params": params}


def reference(losses, inputs_idx, params):
    # Faithful translation of the training-mode forward path:
    #   for each example idx: w_i = softmax(params[idx]); weights = concat(w_i)
    #   return sum(losses * weights)
    rows = jnp.take(params, inputs_idx, axis=0)          # gather: [BATCH, CARD]
    w = jax.nn.softmax(rows, axis=-1)                    # per-example softmax
    weights = w.reshape(-1)                              # torch.cat(weights, dim=0)
    return jnp.sum(losses * weights)

if __name__ == "__main__":
    import jax
    _d = setup_inputs()
    print(jax.jit(kernel)(*tuple(_d.values())))

</pallas_src>

<mosaic_0001>
#map = affine_map<(d0, d1) -> (0)>
#map1 = affine_map<(d0, d1) -> (0, 0)>
module attributes {stable_mosaic.version = 14 : i64} {
  func.func @_sc_weighted_loss(%arg0: i32, %arg1: i32, %arg2: memref<1024000xf32, #tpu.memory_space<hbm>>, %arg3: memref<1024xi32, #tpu.memory_space<hbm>>, %arg4: memref<100x1000xf32, #tpu.memory_space<hbm>>, %arg5: memref<32x16xf32, #tpu.memory_space<hbm>>, %arg6: memref<100x1000xf32, #tpu.memory_space<vmem_shared>>, %arg7: memref<32x1000xf32, #tpu.memory_space<vmem>>, %arg8: memref<8xi32, #tpu.memory_space<vmem>>, %arg9: memref<8xi32, #tpu.memory_space<vmem>>, %arg10: memref<8xi32, #tpu.memory_space<vmem>>, %arg11: memref<8xi32, #tpu.memory_space<vmem>>, %arg12: memref<16xi32, #tpu.memory_space<vmem>>, %arg13: memref<16x1000xf32, #tpu.memory_space<vmem>>, %arg14: memref<7000xf32, #tpu.memory_space<vmem>>, %arg15: memref<112xf32, #tpu.memory_space<vmem>>, %arg16: memref<1000xf32, #tpu.memory_space<vmem>>, %arg17: memref<16xf32, #tpu.memory_space<vmem>>, %arg18: memref<!tpu.dma_semaphore, #tpu.memory_space<semaphore_mem>>, %arg19: memref<!tpu.dma_semaphore, #tpu.memory_space<semaphore_mem>>, %arg20: memref<!tpu.dma_semaphore, #tpu.memory_space<semaphore_mem>>, %arg21: memref<!tpu.dma_semaphore, #tpu.memory_space<semaphore_mem>>, %arg22: memref<!tpu.dma_semaphore, #tpu.memory_space<semaphore_mem>>) attributes {dimension_semantics = [#tpu.dimension_semantics<core_parallel>, #tpu.dimension_semantics<subcore_parallel>], iteration_bounds = array<i64: 2, 16>, scalar_prefetch = 0 : i64, scratch_operands = 17 : i64, tpu.core_type = #tpu.core_type<sc_vector_subcore>, window_params = [{transform_indices = #map}, {transform_indices = #map}, {transform_indices = #map1}, {transform_indices = #map1}]} {
    %mul3A = arith.constant 16 : i32
    %mul3A_0 = arith.muli %arg0, %mul3A : i32
    %add3A = arith.addi %mul3A_0, %arg1 : i32
    %mul3A_1 = arith.constant 32000 : i32
    %mul3A_2 = arith.muli %add3A, %mul3A_1 : i32
    %broadcast_in_dim3A = arith.constant 0.000000e+00 : f32
    %broadcast_in_dim3A_3 = vector.broadcast %broadcast_in_dim3A : f32 to vector<16xf32>
    %iota3A = tpu.iota {dimensions = array<i32: 0>} : vector<16xi32>
    %ge3A = arith.constant 8 : i32
    %ge3A_4 = vector.broadcast %ge3A : i32 to vector<16xi32>
    %ge3A_5 = arith.cmpi sge, %iota3A, %ge3A_4 : vector<16xi32>
    "tpu.trace_start"() <{level = 10 : i32, message = "ph_pgather"}> : () -> ()
    %mul3A_6 = arith.constant 16 : i32
    %mul3A_7 = vector.broadcast %mul3A_6 : i32 to vector<16xi32>
    %mul3A_8 = arith.muli %mul3A_7, %iota3A : vector<16xi32>
    %add3A_9 = vector.broadcast %arg1 : i32 to vector<16xi32>
    %add3A_10 = arith.addi %add3A_9, %mul3A_8 : vector<16xi32>
    %min3A = arith.constant 99 : i32
    %min3A_11 = vector.broadcast %min3A : i32 to vector<16xi32>
    %min3A_12 = arith.minsi %add3A_10, %min3A_11 : vector<16xi32>
    %swap3A = arith.constant 0 : index
    %swap3A_13 = tpu.vector_load %arg12[%swap3A] {strides = array<i32>} : memref<16xi32, #tpu.memory_space<vmem>>, vector<16xi32>,
    %swap3A_14 = vector.shape_cast %swap3A_13 : vector<16xi32> to vector<16xi32>
    %swap3A_15 = vector.shape_cast %min3A_12 : vector<16xi32> to vector<16xi32>
    tpu.vector_store %arg12[%swap3A], %swap3A_15 {strides = array<i32>} : memref<16xi32, #tpu.memory_space<vmem>>, vector<16xi32>,
    %add3A_16 = arith.constant 0 : i32
    %add3A_17 = arith.addi %arg1, %add3A_16 : i32
    %min3A_18 = arith.constant 99 : i32
    %min3A_19 = arith.minsi %add3A_17, %min3A_18 : i32
    %dma_start3A = arith.constant 0 : i32
    %dma_start3A_20 = arith.constant 0 : i32
    %dma_start3A_21 = tpu.memref_slice %arg13[%dma_start3A, %dma_start3A_20] : memref<16x1000xf32, #tpu.memory_space<vmem>> -> memref<1x1000xf32, #tpu.memory_space<vmem>>
    %dma_start3A_22 = tpu.memref_squeeze %dma_start3A_21 : memref<1x1000xf32, #tpu.memory_space<vmem>> -> memref<1000xf32, #tpu.memory_space<vmem>>
    %dma_start3A_23 = arith.constant 0 : i32
    %dma_start3A_24 = tpu.memref_slice %arg4[%min3A_19, %dma_start3A_23] : memref<100x1000xf32, #tpu.memory_space<hbm>> -> memref<1x1000xf32, #tpu.memory_space<hbm>>
    %dma_start3A_25 = tpu.memref_squeeze %dma_start3A_24 : memref<1x1000xf32, #tpu.memory_space<hbm>> -> memref<1000xf32, #tpu.memory_space<hbm>>
    %dma_start3A_26 = arith.constant 0 : i32
    %dma_start3A_27 = tpu.memref_slice %arg13[%dma_start3A, %dma_start3A_26] : memref<16x1000xf32, #tpu.memory_space<vmem>> -> memref<1x1000xf32, #tpu.memory_space<vmem>>
    %dma_start3A_28 = tpu.memref_squeeze %dma_start3A_27 : memref<1x1000xf32, #tpu.memory_space<vmem>> -> memref<1000xf32, #tpu.memory_space<vmem>>
    %dma_start3A_29 = arith.constant 0 : i32
    %dma_start3A_30 = tpu.memref_slice %arg4[%min3A_19, %dma_start3A_29] : memref<100x1000xf32, #tpu.memory_space<hbm>> -> memref<1x1000xf32, #tpu.memory_space<hbm>>
    %dma_start3A_31 = tpu.memref_squeeze %dma_start3A_30 : memref<1x1000xf32, #tpu.memory_space<hbm>> -> memref<1000xf32, #tpu.memory_space<hbm>>
    tpu.enqueue_dma source(%dma_start3A_31 : memref<1000xf32, #tpu.memory_space<hbm>>) target(%dma_start3A_28 : memref<1000xf32, #tpu.memory_space<vmem>>) target_semaphore(%arg19 : memref<!tpu.dma_semaphore, #tpu.memory_space<semaphore_mem>>)
    %add3A_32 = arith.constant 16 : i32
    %add3A_33 = arith.addi %arg1, %add3A_32 : i32
    %min3A_34 = arith.constant 99 : i32
    %min3A_35 = arith.minsi %add3A_33, %min3A_34 : i32
    %dma_start3A_36 = arith.constant 1 : i32
    %dma_start3A_37 = arith.constant 0 : i32
    %dma_start3A_38 = tpu.memref_slice %arg13[%dma_start3A_36, %dma_start3A_37] : memref<16x1000xf32, #tpu.memory_space<vmem>> -> memref<1x1000xf32, #tpu.memory_space<vmem>>
    %dma_start3A_39 = tpu.memref_squeeze %dma_start3A_38 : memref<1x1000xf32, #tpu.memory_space<vmem>> -> memref<1000xf32, #tpu.memory_space<vmem>>
    %dma_start3A_40 = arith.constant 0 : i32
    %dma_start3A_41 = tpu.memref_slice %arg4[%min3A_35, %dma_start3A_40] : memref<100x1000xf32, #tpu.memory_space<hbm>> -> memref<1x1000xf32, #tpu.memory_space<hbm>>
    %dma_start3A_42 = tpu.memref_squeeze %dma_start3A_41 : memref<1x1000xf32, #tpu.memory_space<hbm>> -> memref<1000xf32, #tpu.memory_space<hbm>>
    %dma_start3A_43 = arith.constant 0 : i32
    %dma_start3A_44 = tpu.memref_slice %arg13[%dma_start3A_36, %dma_start3A_43] : memref<16x1000xf32, #tpu.memory_space<vmem>> -> memref<1x1000xf32, #tpu.memory_space<vmem>>
    %dma_start3A_45 = tpu.memref_squeeze %dma_start3A_44 : memref<1x1000xf32, #tpu.memory_space<vmem>> -> memref<1000xf32, #tpu.memory_space<vmem>>
    %dma_start3A_46 = arith.constant 0 : i32
    %dma_start3A_47 = tpu.memref_slice %arg4[%min3A_35, %dma_start3A_46] : memref<100x1000xf32, #tpu.memory_space<hbm>> -> memref<1x1000xf32, #tpu.memory_space<hbm>>
    %dma_start3A_48 = tpu.memref_squeeze %dma_start3A_47 : memref<1x1000xf32, #tpu.memory_space<hbm>> -> memref<1000xf32, #tpu.memory_space<hbm>>
    tpu.enqueue_dma source(%dma_start3A_48 : memref<1000xf32, #tpu.memory_space<hbm>>) target(%dma_start3A_45 : memref<1000xf32, #tpu.memory_space<vmem>>) target_semaphore(%arg19 : memref<!tpu.dma_semaphore, #tpu.memory_space<semaphore_mem>>)
    %add3A_49 = arith.constant 32 : i32
    %add3A_50 = arith.addi %arg1, %add3A_49 : i32
    %min3A_51 = arith.constant 99 : i32
    %min3A_52 = arith.minsi %add3A_50, %min3A_51 : i32
    %dma_start3A_53 = arith.constant 2 : i32
    %dma_start3A_54 = arith.constant 0 : i32
    %dma_start3A_55 = tpu.memref_slice %arg13[%dma_start3A_53, %dma_start3A_54] : memref<16x1000xf32, #tpu.memory_space<vmem>> -> memref<1x1000xf32, #tpu.memory_space<vmem>>
    %dma_start3A_56 = tpu.memref_squeeze %dma_start3A_55 : memref<1x1000xf32, #tpu.memory_space<vmem>> -> memref<1000xf32, #tpu.memory_space<vmem>>
    %dma_start3A_57 = arith.constant 0 : i32
    %dma_start3A_58 = tpu.memref_slice %arg4[%min3A_52, %dma_start3A_57] : memref<100x1000xf32, #tpu.memory_space<hbm>> -> memref<1x1000xf32, #tpu.memory_space<hbm>>
    %dma_start3A_59 = tpu.memref_squeeze %dma_start3A_58 : memref<1x1000xf32, #tpu.memory_space<hbm>> -> memref<1000xf32, #tpu.memory_space<hbm>>
    %dma_start3A_60 = arith.constant 0 : i32
    %dma_start3A_61 = tpu.memref_slice %arg13[%dma_start3A_53, %dma_start3A_60] : memref<16x1000xf32, #tpu.memory_space<vmem>> -> memref<1x1000xf32, #tpu.memory_space<vmem>>
    %dma_start3A_62 = tpu.memref_squeeze %dma_start3A_61 : memref<1x1000xf32, #tpu.memory_space<vmem>> -> memref<1000xf32, #tpu.memory_space<vmem>>
    %dma_start3A_63 = arith.constant 0 : i32
    %dma_start3A_64 = tpu.memref_slice %arg4[%min3A_52, %dma_start3A_63] : memref<100x1000xf32, #tpu.memory_space<hbm>> -> memref<1x1000xf32, #tpu.memory_space<hbm>>
    %dma_start3A_65 = tpu.memref_squeeze %dma_start3A_64 : memref<1x1000xf32, #tpu.memory_space<hbm>> -> memref<1000xf32, #tpu.memory_space<hbm>>
    tpu.enqueue_dma source(%dma_start3A_65 : memref<1000xf32, #tpu.memory_space<hbm>>) target(%dma_start3A_62 : memref<1000xf32, #tpu.memory_space<vmem>>) target_semaphore(%arg19 : memref<!tpu.dma_semaphore, #tpu.memory_space<semaphore_mem>>)
    %add3A_66 = arith.constant 48 : i32
    %add3A_67 = arith.addi %arg1, %add3A_66 : i32
    %min3A_68 = arith.constant 99 : i32
    %min3A_69 = arith.minsi %add3A_67, %min3A_68 : i32
    %dma_start3A_70 = arith.constant 3 : i32
    %dma_start3A_71 = arith.constant 0 : i32
    %dma_start3A_72 = tpu.memref_slice %arg13[%dma_start3A_70, %dma_start3A_71] : memref<16x1000xf32, #tpu.memory_space<vmem>> -> memref<1x1000xf32, #tpu.memory_space<vmem>>
    %dma_start3A_73 = tpu.memref_squeeze %dma_start3A_72 : memref<1x1000xf32, #tpu.memory_space<vmem>> -> memref<1000xf32, #tpu.memory_space<vmem>>
    %dma_start3A_74 = arith.constant 0 : i32
    %dma_start3A_75 = tpu.memref_slice %arg4[%min3A_69, %dma_start3A_74] : memref<100x1000xf32, #tpu.memory_space<hbm>> -> memref<1x1000xf32, #tpu.memory_space<hbm>>
    %dma_start3A_76 = tpu.memref_squeeze %dma_start3A_75 : memref<1x1000xf32, #tpu.memory_space<hbm>> -> memref<1000xf32, #tpu.memory_space<hbm>>
    %dma_start3A_77 = arith.constant 0 : i32
    %dma_start3A_78 = tpu.memref_slice %arg13[%dma_start3A_70, %dma_start3A_77] : memref<16x1000xf32, #tpu.memory_space<vmem>> -> memref<1x1000xf32, #tpu.memory_space<vmem>>
    %dma_start3A_79 = tpu.memref_squeeze %dma_start3A_78 : memref<1x1000xf32, #tpu.memory_space<vmem>> -> memref<1000xf32, #tpu.memory_space<vmem>>
    %dma_start3A_80 = arith.constant 0 : i32
    %dma_start3A_81 = tpu.memref_slice %arg4[%min3A_69, %dma_start3A_80] : memref<100x1000xf32, #tpu.memory_space<hbm>> -> memref<1x1000xf32, #tpu.memory_space<hbm>>
    %dma_start3A_82 = tpu.memref_squeeze %dma_start3A_81 : memref<1x1000xf32, #tpu.memory_space<hbm>> -> memref<1000xf32, #tpu.memory_space<hbm>>
    tpu.enqueue_dma source(%dma_start3A_82 : memref<1000xf32, #tpu.memory_space<hbm>>) target(%dma_start3A_79 : memref<1000xf32, #tpu.memory_space<vmem>>) target_semaphore(%arg19 : memref<!tpu.dma_semaphore, #tpu.memory_space<semaphore_mem>>)
    %add3A_83 = arith.constant 64 : i32
    %add3A_84 = arith.addi %arg1, %add3A_83 : i32
    %min3A_85 = arith.constant 99 : i32
    %min3A_86 = arith.minsi %add3A_84, %min3A_85 : i32
    %dma_start3A_87 = arith.constant 4 : i32
    %dma_start3A_88 = arith.constant 0 : i32
    %dma_start3A_89 = tpu.memref_slice %arg13[%dma_start3A_87, %dma_start3A_88] : memref<16x1000xf32, #tpu.memory_space<vmem>> -> memref<1x1000xf32, #tpu.memory_space<vmem>>
    %dma_start3A_90 = tpu.memref_squeeze %dma_start3A_89 : memref<1x1000xf32, #tpu.memory_space<vmem>> -> memref<1000xf32, #tpu.memory_space<vmem>>
    %dma_start3A_91 = arith.constant 0 : i32
    %dma_start3A_92 = tpu.memref_slice %arg4[%min3A_86, %dma_start3A_91] : memref<100x1000xf32, #tpu.memory_space<hbm>> -> memref<1x1000xf32, #tpu.memory_space<hbm>>
    %dma_start3A_93 = tpu.memref_squeeze %dma_start3A_92 : memref<1x1000xf32, #tpu.memory_space<hbm>> -> memref<1000xf32, #tpu.memory_space<hbm>>
    %dma_start3A_94 = arith.constant 0 : i32
    %dma_start3A_95 = tpu.memref_slice %arg13[%dma_start3A_87, %dma_start3A_94] : memref<16x1000xf32, #tpu.memory_space<vmem>> -> memref<1x1000xf32, #tpu.memory_space<vmem>>
    %dma_start3A_96 = tpu.memref_squeeze %dma_start3A_95 : memref<1x1000xf32, #tpu.memory_space<vmem>> -> memref<1000xf32, #tpu.memory_space<vmem>>
    %dma_start3A_97 = arith.constant 0 : i32
    %dma_start3A_98 = tpu.memref_slice %arg4[%min3A_86, %dma_start3A_97] : memref<100x1000xf32, #tpu.memory_space<hbm>> -> memref<1x1000xf32, #tpu.memory_space<hbm>>
    %dma_start3A_99 = tpu.memref_squeeze %dma_start3A_98 : memref<1x1000xf32, #tpu.memory_space<hbm>> -> memref<1000xf32, #tpu.memory_space<hbm>>
    tpu.enqueue_dma source(%dma_start3A_99 : memref<1000xf32, #tpu.memory_space<hbm>>) target(%dma_start3A_96 : memref<1000xf32, #tpu.memory_space<vmem>>) target_semaphore(%arg19 : memref<!tpu.dma_semaphore, #tpu.memory_space<semaphore_mem>>)
    %add3A_100 = arith.constant 80 : i32
    %add3A_101 = arith.addi %arg1, %add3A_100 : i32
    %min3A_102 = arith.constant 99 : i32
    %min3A_103 = arith.minsi %add3A_101, %min3A_102 : i32
    %dma_start3A_104 = arith.constant 5 : i32
    %dma_start3A_105 = arith.constant 0 : i32
    %dma_start3A_106 = tpu.memref_slice %arg13[%dma_start3A_104, %dma_start3A_105] : memref<16x1000xf32, #tpu.memory_space<vmem>> -> memref<1x1000xf32, #tpu.memory_space<vmem>>
    %dma_start3A_107 = tpu.memref_squeeze %dma_start3A_106 : memref<1x1000xf32, #tpu.memory_space<vmem>> -> memref<1000xf32, #tpu.memory_space<vmem>>
    %dma_start3A_108 = arith.constant 0 : i32
    %dma_start3A_109 = tpu.memref_slice %arg4[%min3A_103, %dma_start3A_108] : memref<100x1000xf32, #tpu.memory_space<hbm>> -> memref<1x1000xf32, #tpu.memory_space<hbm>>
    %dma_start3A_110 = tpu.memref_squeeze %dma_start3A_109 : memref<1x1000xf32, #tpu.memory_space<hbm>> -> memref<1000xf32, #tpu.memory_space<hbm>>
    %dma_start3A_111 = arith.constant 0 : i32
    %dma_start3A_112 = tpu.memref_slice %arg13[%dma_start3A_104, %dma_start3A_111] : memref<16x1000xf32, #tpu.memory_space<vmem>> -> memref<1x1000xf32, #tpu.memory_space<vmem>>
    %dma_start3A_113 = tpu.memref_squeeze %dma_start3A_112 : memref<1x1000xf32, #tpu.memory_space<vmem>> -> memref<1000xf32, #tpu.memory_space<vmem>>
    %dma_start3A_114 = arith.constant 0 : i32
    %dma_start3A_115 = tpu.memref_slice %arg4[%min3A_103, %dma_start3A_114] : memref<100x1000xf32, #tpu.memory_space<hbm>> -> memref<1x1000xf32, #tpu.memory_space<hbm>>
    %dma_start3A_116 = tpu.memref_squeeze %dma_start3A_115 : memref<1x1000xf32, #tpu.memory_space<hbm>> -> memref<1000xf32, #tpu.memory_space<hbm>>
    tpu.enqueue_dma source(%dma_start3A_116 : memref<1000xf32, #tpu.memory_space<hbm>>) target(%dma_start3A_113 : memref<1000xf32, #tpu.memory_space<vmem>>) target_semaphore(%arg19 : memref<!tpu.dma_semaphore, #tpu.memory_space<semaphore_mem>>)
    %add3A_117 = arith.constant 96 : i32
    %add3A_118 = arith.addi %arg1, %add3A_117 : i32
    %min3A_119 = arith.constant 99 : i32
    %min3A_120 = arith.minsi %add3A_118, %min3A_119 : i32
    %dma_start3A_121 = arith.constant 6 : i32
    %dma_start3A_122 = arith.constant 0 : i32
    %dma_start3A_123 = tpu.memref_slice %arg13[%dma_start3A_121, %dma_start3A_122] : memref<16x1000xf32, #tpu.memory_space<vmem>> -> memref<1x1000xf32, #tpu.memory_space<vmem>>
    %dma_start3A_124 = tpu.memref_squeeze %dma_start3A_123 : memref<1x1000xf32, #tpu.memory_space<vmem>> -> memref<1000xf32, #tpu.memory_space<vmem>>
    %dma_start3A_125 = arith.constant 0 : i32
    %dma_start3A_126 = tpu.memref_slice %arg4[%min3A_120, %dma_start3A_125] : memref<100x1000xf32, #tpu.memory_space<hbm>> -> memref<1x1000xf32, #tpu.memory_space<hbm>>
    %dma_start3A_127 = tpu.memref_squeeze %dma_start3A_126 : memref<1x1000xf32, #tpu.memory_space<hbm>> -> memref<1000xf32, #tpu.memory_space<hbm>>
    %dma_start3A_128 = arith.constant 0 : i32
    %dma_start3A_129 = tpu.memref_slice %arg13[%dma_start3A_121, %dma_start3A_128] : memref<16x1000xf32, #tpu.memory_space<vmem>> -> memref<1x1000xf32, #tpu.memory_space<vmem>>
    %dma_start3A_130 = tpu.memref_squeeze %dma_start3A_129 : memref<1x1000xf32, #tpu.memory_space<vmem>> -> memref<1000xf32, #tpu.memory_space<vmem>>
    %dma_start3A_131 = arith.constant 0 : i32
    %dma_start3A_132 = tpu.memref_slice %arg4[%min3A_120, %dma_start3A_131] : memref<100x1000xf32, #tpu.memory_space<hbm>> -> memref<1x1000xf32, #tpu.memory_space<hbm>>
    %dma_start3A_133 = tpu.memref_squeeze %dma_start3A_132 : memref<1x1000xf32, #tpu.memory_space<hbm>> -> memref<1000xf32, #tpu.memory_space<hbm>>
    tpu.enqueue_dma source(%dma_start3A_133 : memref<1000xf32, #tpu.memory_space<hbm>>) target(%dma_start3A_130 : memref<1000xf32, #tpu.memory_space<vmem>>) target_semaphore(%arg19 : memref<!tpu.dma_semaphore, #tpu.memory_space<semaphore_mem>>)
    "tpu.trace_stop"() : () -> ()
    "tpu.trace_start"() <{level = 10 : i32, message = "ph_stage_fire"}> : () -> ()
    %mul3A_134 = arith.constant 32 : i32
    %mul3A_135 = arith.muli %add3A, %mul3A_134 : i32
    %add3A_136 = arith.constant 0 : i32
    %add3A_137 = arith.addi %mul3A_135, %add3A_136 : i32
    %dma_start3A_138 = tpu.memref_slice %arg3[%add3A_137] : memref<1024xi32, #tpu.memory_space<hbm>> -> memref<8xi32, #tpu.memory_space<hbm>>
    %dma_start3A_139 = tpu.memref_slice %arg3[%add3A_137] : memref<1024xi32, #tpu.memory_space<hbm>> -> memref<8xi32, #tpu.memory_space<hbm>>
    tpu.enqueue_dma source(%dma_start3A_139 : memref<8xi32, #tpu.memory_space<hbm>>) target(%arg8 : memref<8xi32, #tpu.memory_space<vmem>>) target_semaphore(%arg22 : memref<!tpu.dma_semaphore, #tpu.memory_space<semaphore_mem>>)
    %mul3A_140 = arith.constant 32 : i32
    %mul3A_141 = arith.muli %add3A, %mul3A_140 : i32
    %add3A_142 = arith.constant 8 : i32
    %add3A_143 = arith.addi %mul3A_141, %add3A_142 : i32
    %dma_start3A_144 = tpu.memref_slice %arg3[%add3A_143] : memref<1024xi32, #tpu.memory_space<hbm>> -> memref<8xi32, #tpu.memory_space<hbm>>
    %dma_start3A_145 = tpu.memref_slice %arg3[%add3A_143] : memref<1024xi32, #tpu.memory_space<hbm>> -> memref<8xi32, #tpu.memory_space<hbm>>
    tpu.enqueue_dma source(%dma_start3A_145 : memref<8xi32, #tpu.memory_space<hbm>>) target(%arg9 : memref<8xi32, #tpu.memory_space<vmem>>) target_semaphore(%arg22 : memref<!tpu.dma_semaphore, #tpu.memory_space<semaphore_mem>>)
    %mul3A_146 = arith.constant 32 : i32
    %mul3A_147 = arith.muli %add3A, %mul3A_146 : i32
    %add3A_148 = arith.constant 16 : i32
    %add3A_149 = arith.addi %mul3A_147, %add3A_148 : i32
    %dma_start3A_150 = tpu.memref_slice %arg3[%add3A_149] : memref<1024xi32, #tpu.memory_space<hbm>> -> memref<8xi32, #tpu.memory_space<hbm>>
    %dma_start3A_151 = tpu.memref_slice %arg3[%add3A_149] : memref<1024xi32, #tpu.memory_space<hbm>> -> memref<8xi32, #tpu.memory_space<hbm>>
    tpu.enqueue_dma source(%dma_start3A_151 : memref<8xi32, #tpu.memory_space<hbm>>) target(%arg10 : memref<8xi32, #tpu.memory_space<vmem>>) target_semaphore(%arg22 : memref<!tpu.dma_semaphore, #tpu.memory_space<semaphore_mem>>)
    %mul3A_152 = arith.constant 32 : i32
    %mul3A_153 = arith.muli %add3A, %mul3A_152 : i32
    %add3A_154 = arith.constant 24 : i32
    %add3A_155 = arith.addi %mul3A_153, %add3A_154 : i32
    %dma_start3A_156 = tpu.memref_slice %arg3[%add3A_155] : memref<1024xi32, #tpu.memory_space<hbm>> -> memref<8xi32, #tpu.memory_space<hbm>>
    %dma_start3A_157 = tpu.memref_slice %arg3[%add3A_155] : memref<1024xi32, #tpu.memory_space<hbm>> -> memref<8xi32, #tpu.memory_space<hbm>>
    tpu.enqueue_dma source(%dma_start3A_157 : memref<8xi32, #tpu.memory_space<hbm>>) target(%arg11 : memref<8xi32, #tpu.memory_space<vmem>>) target_semaphore(%arg22 : memref<!tpu.dma_semaphore, #tpu.memory_space<semaphore_mem>>)
    %add3A_158 = arith.constant 0 : i32
    %add3A_159 = arith.addi %mul3A_2, %add3A_158 : i32
    %dma_start3A_160 = arith.constant 0 : i32
    %dma_start3A_161 = arith.constant 0 : i32
    %dma_start3A_162 = tpu.memref_slice %arg7[%dma_start3A_160, %dma_start3A_161] : memref<32x1000xf32, #tpu.memory_space<vmem>> -> memref<1x1000xf32, #tpu.memory_space<vmem>>
    %dma_start3A_163 = tpu.memref_squeeze %dma_start3A_162 : memref<1x1000xf32, #tpu.memory_space<vmem>> -> memref<1000xf32, #tpu.memory_space<vmem>>
    %dma_start3A_164 = tpu.memref_slice %arg2[%add3A_159] : memref<1024000xf32, #tpu.memory_space<hbm>> -> memref<1000xf32, #tpu.memory_space<hbm>>
    %dma_start3A_165 = arith.constant 0 : i32
    %dma_start3A_166 = tpu.memref_slice %arg7[%dma_start3A_160, %dma_start3A_165] : memref<32x1000xf32, #tpu.memory_space<vmem>> -> memref<1x1000xf32, #tpu.memory_space<vmem>>
    %dma_start3A_167 = tpu.memref_squeeze %dma_start3A_166 : memref<1x1000xf32, #tpu.memory_space<vmem>> -> memref<1000xf32, #tpu.memory_space<vmem>>
    %dma_start3A_168 = tpu.memref_slice %arg2[%add3A_159] : memref<1024000xf32, #tpu.memory_space<hbm>> -> memref<1000xf32, #tpu.memory_space<hbm>>
    tpu.enqueue_dma source(%dma_start3A_168 : memref<1000xf32, #tpu.memory_space<hbm>>) target(%dma_start3A_167 : memref<1000xf32, #tpu.memory_space<vmem>>) target_semaphore(%arg18 : memref<!tpu.dma_semaphore, #tpu.memory_space<semaphore_mem>>)
    %add3A_169 = arith.constant 1000 : i32
    %add3A_170 = arith.addi %mul3A_2, %add3A_169 : i32
    %dma_start3A_171 = arith.constant 1 : i32
    %dma_start3A_172 = arith.constant 0 : i32
    %dma_start3A_173 = tpu.memref_slice %arg7[%dma_start3A_171, %dma_start3A_172] : memref<32x1000xf32, #tpu.memory_space<vmem>> -> memref<1x1000xf32, #tpu.memory_space<vmem>>
    %dma_start3A_174 = tpu.memref_squeeze %dma_start3A_173 : memref<1x1000xf32, #tpu.memory_space<vmem>> -> memref<1000xf32, #tpu.memory_space<vmem>>
    %dma_start3A_175 = tpu.memref_slice %arg2[%add3A_170] : memref<1024000xf32, #tpu.memory_space<hbm>> -> memref<1000xf32, #tpu.memory_space<hbm>>
    %dma_start3A_176 = arith.constant 0 : i32
    %dma_start3A_177 = tpu.memref_slice %arg7[%dma_start3A_171, %dma_start3A_176] : memref<32x1000xf32, #tpu.memory_space<vmem>> -> memref<1x1000xf32, #tpu.memory_space<vmem>>
    %dma_start3A_178 = tpu.memref_squeeze %dma_start3A_177 : memref<1x1000xf32, #tpu.memory_space<vmem>> -> memref<1000xf32, #tpu.memory_space<vmem>>
    %dma_start3A_179 = tpu.memref_slice %arg2[%add3A_170] : memref<1024000xf32, #tpu.memory_space<hbm>> -> memref<1000xf32, #tpu.memory_space<hbm>>
    tpu.enqueue_dma source(%dma_start3A_179 : memref<1000xf32, #tpu.memory_space<hbm>>) target(%dma_start3A_178 : memref<1000xf32, #tpu.memory_space<vmem>>) target_semaphore(%arg18 : memref<!tpu.dma_semaphore, #tpu.memory_space<semaphore_mem>>)
    %add3A_180 = arith.constant 2000 : i32
    %add3A_181 = arith.addi %mul3A_2, %add3A_180 : i32
    %dma_start3A_182 = arith.constant 2 : i32
    %dma_start3A_183 = arith.constant 0 : i32
    %dma_start3A_184 = tpu.memref_slice %arg7[%dma_start3A_182, %dma_start3A_183] : memref<32x1000xf32, #tpu.memory_space<vmem>> -> memref<1x1000xf32, #tpu.memory_space<vmem>>
    %dma_start3A_185 = tpu.memref_squeeze %dma_start3A_184 : memref<1x1000xf32, #tpu.memory_space<vmem>> -> memref<1000xf32, #tpu.memory_space<vmem>>
    %dma_start3A_186 = tpu.memref_slice %arg2[%add3A_181] : memref<1024000xf32, #tpu.memory_space<hbm>> -> memref<1000xf32, #tpu.memory_space<hbm>>
    %dma_start3A_187 = arith.constant 0 : i32
    %dma_start3A_188 = tpu.memref_slice %arg7[%dma_start3A_182, %dma_start3A_187] : memref<32x1000xf32, #tpu.memory_space<vmem>> -> memref<1x1000xf32, #tpu.memory_space<vmem>>
    %dma_start3A_189 = tpu.memref_squeeze %dma_start3A_188 : memref<1x1000xf32, #tpu.memory_space<vmem>> -> memref<1000xf32, #tpu.memory_space<vmem>>
    %dma_start3A_190 = tpu.memref_slice %arg2[%add3A_181] : memref<1024000xf32, #tpu.memory_space<hbm>> -> memref<1000xf32, #tpu.memory_space<hbm>>
    tpu.enqueue_dma source(%dma_start3A_190 : memref<1000xf32, #tpu.memory_space<hbm>>) target(%dma_start3A_189 : memref<1000xf32, #tpu.memory_space<vmem>>) target_semaphore(%arg18 : memref<!tpu.dma_semaphore, #tpu.memory_space<semaphore_mem>>)
    %add3A_191 = arith.constant 3000 : i32
    %add3A_192 = arith.addi %mul3A_2, %add3A_191 : i32
    %dma_start3A_193 = arith.constant 3 : i32
    %dma_start3A_194 = arith.constant 0 : i32
    %dma_start3A_195 = tpu.memref_slice %arg7[%dma_start3A_193, %dma_start3A_194] : memref<32x1000xf32, #tpu.memory_space<vmem>> -> memref<1x1000xf32, #tpu.memory_space<vmem>>
    %dma_start3A_196 = tpu.memref_squeeze %dma_start3A_195 : memref<1x1000xf32, #tpu.memory_space<vmem>> -> memref<1000xf32, #tpu.memory_space<vmem>>
    %dma_start3A_197 = tpu.memref_slice %arg2[%add3A_192] : memref<1024000xf32, #tpu.memory_space<hbm>> -> memref<1000xf32, #tpu.memory_space<hbm>>
    %dma_start3A_198 = arith.constant 0 : i32
    %dma_start3A_199 = tpu.memref_slice %arg7[%dma_start3A_193, %dma_start3A_198] : memref<32x1000xf32, #tpu.memory_space<vmem>> -> memref<1x1000xf32, #tpu.memory_space<vmem>>
    %dma_start3A_200 = tpu.memref_squeeze %dma_start3A_199 : memref<1x1000xf32, #tpu.memory_space<vmem>> -> memref<1000xf32, #tpu.memory_space<vmem>>
    %dma_start3A_201 = tpu.memref_slice %arg2[%add3A_192] : memref<1024000xf32, #tpu.memory_space<hbm>> -> memref<1000xf32, #tpu.memory_space<hbm>>
    tpu.enqueue_dma source(%dma_start3A_201 : memref<1000xf32, #tpu.memory_space<hbm>>) target(%dma_start3A_200 : memref<1000xf32, #tpu.memory_space<vmem>>) target_semaphore(%arg18 : memref<!tpu.dma_semaphore, #tpu.memory_space<semaphore_mem>>)
    %add3A_202 = arith.constant 4000 : i32
    %add3A_203 = arith.addi %mul3A_2, %add3A_202 : i32
    %dma_start3A_204 = arith.constant 4 : i32
    %dma_start3A_205 = arith.constant 0 : i32
    %dma_start3A_206 = tpu.memref_slice %arg7[%dma_start3A_204, %dma_start3A_205] : memref<32x1000xf32, #tpu.memory_space<vmem>> -> memref<1x1000xf32, #tpu.memory_space<vmem>>
    %dma_start3A_207 = tpu.memref_squeeze %dma_start3A_206 : memref<1x1000xf32, #tpu.memory_space<vmem>> -> memref<1000xf32, #tpu.memory_space<vmem>>
    %dma_start3A_208 = tpu.memref_slice %arg2[%add3A_203] : memref<1024000xf32, #tpu.memory_space<hbm>> -> memref<1000xf32, #tpu.memory_space<hbm>>
    %dma_start3A_209 = arith.constant 0 : i32
    %dma_start3A_210 = tpu.memref_slice %arg7[%dma_start3A_204, %dma_start3A_209] : memref<32x1000xf32, #tpu.memory_space<vmem>> -> memref<1x1000xf32, #tpu.memory_space<vmem>>
    %dma_start3A_211 = tpu.memref_squeeze %dma_start3A_210 : memref<1x1000xf32, #tpu.memory_space<vmem>> -> memref<1000xf32, #tpu.memory_space<vmem>>
    %dma_start3A_212 = tpu.memref_slice %arg2[%add3A_203] : memref<1024000xf32, #tpu.memory_space<hbm>> -> memref<1000xf32, #tpu.memory_space<hbm>>
    tpu.enqueue_dma source(%dma_start3A_212 : memref<1000xf32, #tpu.memory_space<hbm>>) target(%dma_start3A_211 : memref<1000xf32, #tpu.memory_space<vmem>>) target_semaphore(%arg18 : memref<!tpu.dma_semaphore, #tpu.memory_space<semaphore_mem>>)
    %add3A_213 = arith.constant 5000 : i32
    %add3A_214 = arith.addi %mul3A_2, %add3A_213 : i32
    %dma_start3A_215 = arith.constant 5 : i32
    %dma_start3A_216 = arith.constant 0 : i32
    %dma_start3A_217 = tpu.memref_slice %arg7[%dma_start3A_215, %dma_start3A_216] : memref<32x1000xf32, #tpu.memory_space<vmem>> -> memref<1x1000xf32, #tpu.memory_space<vmem>>
    %dma_start3A_218 = tpu.memref_squeeze %dma_start3A_217 : memref<1x1000xf32, #tpu.memory_space<vmem>> -> memref<1000xf32, #tpu.memory_space<vmem>>
    %dma_start3A_219 = tpu.memref_slice %arg2[%add3A_214] : memref<1024000xf32, #tpu.memory_space<hbm>> -> memref<1000xf32, #tpu.memory_space<hbm>>
    %dma_start3A_220 = arith.constant 0 : i32
    %dma_start3A_221 = tpu.memref_slice %arg7[%dma_start3A_215, %dma_start3A_220] : memref<32x1000xf32, #tpu.memory_space<vmem>> -> memref<1x1000xf32, #tpu.memory_space<vmem>>
    %dma_start3A_222 = tpu.memref_squeeze %dma_start3A_221 : memref<1x1000xf32, #tpu.memory_space<vmem>> -> memref<1000xf32, #tpu.memory_space<vmem>>
    %dma_start3A_223 = tpu.memref_slice %arg2[%add3A_214] : memref<1024000xf32, #tpu.memory_space<hbm>> -> memref<1000xf32, #tpu.memory_space<hbm>>
    tpu.enqueue_dma source(%dma_start3A_223 : memref<1000xf32, #tpu.memory_space<hbm>>) target(%dma_start3A_222 : memref<1000xf32, #tpu.memory_space<vmem>>) target_semaphore(%arg18 : memref<!tpu.dma_semaphore, #tpu.memory_space<semaphore_mem>>)
    %add3A_224 = arith.constant 6000 : i32
    %add3A_225 = arith.addi %mul3A_2, %add3A_224 : i32
    %dma_start3A_226 = arith.constant 6 : i32
    %dma_start3A_227 = arith.constant 0 : i32
    %dma_start3A_228 = tpu.memref_slice %arg7[%dma_start3A_226, %dma_start3A_227] : memref<32x1000xf32, #tpu.memory_space<vmem>> -> memref<1x1000xf32, #tpu.memory_space<vmem>>
    %dma_start3A_229 = tpu.memref_squeeze %dma_start3A_228 : memref<1x1000xf32, #tpu.memory_space<vmem>> -> memref<1000xf32, #tpu.memory_space<vmem>>
    %dma_start3A_230 = tpu.memref_slice %arg2[%add3A_225] : memref<1024000xf32, #tpu.memory_space<hbm>> -> memref<1000xf32, #tpu.memory_space<hbm>>
    %dma_start3A_231 = arith.constant 0 : i32
    %dma_start3A_232 = tpu.memref_slice %arg7[%dma_start3A_226, %dma_start3A_231] : memref<32x1000xf32, #tpu.memory_space<vmem>> -> memref<1x1000xf32, #tpu.memory_space<vmem>>
    %dma_start3A_233 = tpu.memref_squeeze %dma_start3A_232 : memref<1x1000xf32, #tpu.memory_space<vmem>> -> memref<1000xf32, #tpu.memory_space<vmem>>
    %dma_start3A_234 = tpu.memref_slice %arg2[%add3A_225] : memref<1024000xf32, #tpu.memory_space<hbm>> -> memref<1000xf32, #tpu.memory_space<hbm>>
    tpu.enqueue_dma source(%dma_start3A_234 : memref<1000xf32, #tpu.memory_space<hbm>>) target(%dma_start3A_233 : memref<1000xf32, #tpu.memory_space<vmem>>) target_semaphore(%arg18 : memref<!tpu.dma_semaphore, #tpu.memory_space<semaphore_mem>>)
    %add3A_235 = arith.constant 7000 : i32
    %add3A_236 = arith.addi %mul3A_2, %add3A_235 : i32
    %dma_start3A_237 = arith.constant 7 : i32
    %dma_start3A_238 = arith.constant 0 : i32
    %dma_start3A_239 = tpu.memref_slice %arg7[%dma_start3A_237, %dma_start3A_238] : memref<32x1000xf32, #tpu.memory_space<vmem>> -> memref<1x1000xf32, #tpu.memory_space<vmem>>
    %dma_start3A_240 = tpu.memref_squeeze %dma_start3A_239 : memref<1x1000xf32, #tpu.memory_space<vmem>> -> memref<1000xf32, #tpu.memory_space<vmem>>
    %dma_start3A_241 = tpu.memref_slice %arg2[%add3A_236] : memref<1024000xf32, #tpu.memory_space<hbm>> -> memref<1000xf32, #tpu.memory_space<hbm>>
    %dma_start3A_242 = arith.constant 0 : i32
    %dma_start3A_243 = tpu.memref_slice %arg7[%dma_start3A_237, %dma_start3A_242] : memref<32x1000xf32, #tpu.memory_space<vmem>> -> memref<1x1000xf32, #tpu.memory_space<vmem>>
    %dma_start3A_244 = tpu.memref_squeeze %dma_start3A_243 : memref<1x1000xf32, #tpu.memory_space<vmem>> -> memref<1000xf32, #tpu.memory_space<vmem>>
    %dma_start3A_245 = tpu.memref_slice %arg2[%add3A_236] : memref<1024000xf32, #tpu.memory_space<hbm>> -> memref<1000xf32, #tpu.memory_space<hbm>>
    tpu.enqueue_dma source(%dma_start3A_245 : memref<1000xf32, #tpu.memory_space<hbm>>) target(%dma_start3A_244 : memref<1000xf32, #tpu.memory_space<vmem>>) target_semaphore(%arg18 : memref<!tpu.dma_semaphore, #tpu.memory_space<semaphore_mem>>)
    %add3A_246 = arith.constant 8000 : i32
    %add3A_247 = arith.addi %mul3A_2, %add3A_246 : i32
    %dma_start3A_248 = arith.constant 8 : i32
    %dma_start3A_249 = arith.constant 0 : i32
    %dma_start3A_250 = tpu.memref_slice %arg7[%dma_start3A_248, %dma_start3A_249] : memref<32x1000xf32, #tpu.memory_space<vmem>> -> memref<1x1000xf32, #tpu.memory_space<vmem>>
    %dma_start3A_251 = tpu.memref_squeeze %dma_start3A_250 : memref<1x1000xf32, #tpu.memory_space<vmem>> -> memref<1000xf32, #tpu.memory_space<vmem>>
    %dma_start3A_252 = tpu.memref_slice %arg2[%add3A_247] : memref<1024000xf32, #tpu.memory_space<hbm>> -> memref<1000xf32, #tpu.memory_space<hbm>>
    %dma_start3A_253 = arith.constant 0 : i32
    %dma_start3A_254 = tpu.memref_slice %arg7[%dma_start3A_248, %dma_start3A_253] : memref<32x1000xf32, #tpu.memory_space<vmem>> -> memref<1x1000xf32, #tpu.memory_space<vmem>>
    %dma_start3A_255 = tpu.memref_squeeze %dma_start3A_254 : memref<1x1000xf32, #tpu.memory_space<vmem>> -> memref<1000xf32, #tpu.memory_space<vmem>>
    %dma_start3A_256 = tpu.memref_slice %arg2[%add3A_247] : memref<1024000xf32, #tpu.memory_space<hbm>> -> memref<1000xf32, #tpu.memory_space<hbm>>
    tpu.enqueue_dma source(%dma_start3A_256 : memref<1000xf32, #tpu.memory_space<hbm>>) target(%dma_start3A_255 : memref<1000xf32, #tpu.memory_space<vmem>>) target_semaphore(%arg18 : memref<!tpu.dma_semaphore, #tpu.memory_space<semaphore_mem>>)
    %add3A_257 = arith.constant 9000 : i32
    %add3A_258 = arith.addi %mul3A_2, %add3A_257 : i32
    %dma_start3A_259 = arith.constant 9 : i32
    %dma_start3A_260 = arith.constant 0 : i32
    %dma_start3A_261 = tpu.memref_slice %arg7[%dma_start3A_259, %dma_start3A_260] : memref<32x1000xf32, #tpu.memory_space<vmem>> -> memref<1x1000xf32, #tpu.memory_space<vmem>>
    %dma_start3A_262 = tpu.memref_squeeze %dma_start3A_261 : memref<1x1000xf32, #tpu.memory_space<vmem>> -> memref<1000xf32, #tpu.memory_space<vmem>>
    %dma_start3A_263 = tpu.memref_slice %arg2[%add3A_258] : memref<1024000xf32, #tpu.memory_space<hbm>> -> memref<1000xf32, #tpu.memory_space<hbm>>
    %dma_start3A_264 = arith.constant 0 : i32
    %dma_start3A_265 = tpu.memref_slice %arg7[%dma_start3A_259, %dma_start3A_264] : memref<32x1000xf32, #tpu.memory_space<vmem>> -> memref<1x1000xf32, #tpu.memory_space<vmem>>
    %dma_start3A_266 = tpu.memref_squeeze %dma_start3A_265 : memref<1x1000xf32, #tpu.memory_space<vmem>> -> memref<1000xf32, #tpu.memory_space<vmem>>
    %dma_start3A_267 = tpu.memref_slice %arg2[%add3A_258] : memref<1024000xf32, #tpu.memory_space<hbm>> -> memref<1000xf32, #tpu.memory_space<hbm>>
    tpu.enqueue_dma source(%dma_start3A_267 : memref<1000xf32, #tpu.memory_space<hbm>>) target(%dma_start3A_266 : memref<1000xf32, #tpu.memory_space<vmem>>) target_semaphore(%arg18 : memref<!tpu.dma_semaphore, #tpu.memory_space<semaphore_mem>>)
    %add3A_268 = arith.constant 10000 : i32
    %add3A_269 = arith.addi %mul3A_2, %add3A_268 : i32
    %dma_start3A_270 = arith.constant 10 : i32
    %dma_start3A_271 = arith.constant 0 : i32
    %dma_start3A_272 = tpu.memref_slice %arg7[%dma_start3A_270, %dma_start3A_271] : memref<32x1000xf32, #tpu.memory_space<vmem>> -> memref<1x1000xf32, #tpu.memory_space<vmem>>
    %dma_start3A_273 = tpu.memref_squeeze %dma_start3A_272 : memref<1x1000xf32, #tpu.memory_space<vmem>> -> memref<1000xf32, #tpu.memory_space<vmem>>
    %dma_start3A_274 = tpu.memref_slice %arg2[%add3A_269] : memref<1024000xf32, #tpu.memory_space<hbm>> -> memref<1000xf32, #tpu.memory_space<hbm>>
    %dma_start3A_275 = arith.constant 0 : i32
    %dma_start3A_276 = tpu.memref_slice %arg7[%dma_start3A_270, %dma_start3A_275] : memref<32x1000xf32, #tpu.memory_space<vmem>> -> memref<1x1000xf32, #tpu.memory_space<vmem>>
    %dma_start3A_277 = tpu.memref_squeeze %dma_start3A_276 : memref<1x1000xf32, #tpu.memory_space<vmem>> -> memref<1000xf32, #tpu.memory_space<vmem>>
    %dma_start3A_278 = tpu.memref_slice %arg2[%add3A_269] : memref<1024000xf32, #tpu.memory_space<hbm>> -> memref<1000xf32, #tpu.memory_space<hbm>>
    tpu.enqueue_dma source(%dma_start3A_278 : memref<1000xf32, #tpu.memory_space<hbm>>) target(%dma_start3A_277 : memref<1000xf32, #tpu.memory_space<vmem>>) target_semaphore(%arg18 : memref<!tpu.dma_semaphore, #tpu.memory_space<semaphore_mem>>)
    %add3A_279 = arith.constant 11000 : i32
    %add3A_280 = arith.addi %mul3A_2, %add3A_279 : i32
    %dma_start3A_281 = arith.constant 11 : i32
    %dma_start3A_282 = arith.constant 0 : i32
    %dma_start3A_283 = tpu.memref_slice %arg7[%dma_start3A_281, %dma_start3A_282] : memref<32x1000xf32, #tpu.memory_space<vmem>> -> memref<1x1000xf32, #tpu.memory_space<vmem>>
    %dma_start3A_284 = tpu.memref_squeeze %dma_start3A_283 : memref<1x1000xf32, #tpu.memory_space<vmem>> -> memref<1000xf32, #tpu.memory_space<vmem>>
    %dma_start3A_285 = tpu.memref_slice %arg2[%add3A_280] : memref<1024000xf32, #tpu.memory_space<hbm>> -> memref<1000xf32, #tpu.memory_space<hbm>>
    %dma_start3A_286 = arith.constant 0 : i32
    %dma_start3A_287 = tpu.memref_slice %arg7[%dma_start3A_281, %dma_start3A_286] : memref<32x1000xf32, #tpu.memory_space<vmem>> -> memref<1x1000xf32, #tpu.memory_space<vmem>>
    %dma_start3A_288 = tpu.memref_squeeze %dma_start3A_287 : memref<1x1000xf32, #tpu.memory_space<vmem>> -> memref<1000xf32, #tpu.memory_space<vmem>>
    %dma_start3A_289 = tpu.memref_slice %arg2[%add3A_280] : memref<1024000xf32, #tpu.memory_space<hbm>> -> memref<1000xf32, #tpu.memory_space<hbm>>
    tpu.enqueue_dma source(%dma_start3A_289 : memref<1000xf32, #tpu.memory_space<hbm>>) target(%dma_start3A_288 : memref<1000xf32, #tpu.memory_space<vmem>>) target_semaphore(%arg18 : memref<!tpu.dma_semaphore, #tpu.memory_space<semaphore_mem>>)
    %add3A_290 = arith.constant 12000 : i32
    %add3A_291 = arith.addi %mul3A_2, %add3A_290 : i32
    %dma_start3A_292 = arith.constant 12 : i32
    %dma_start3A_293 = arith.constant 0 : i32
    %dma_start3A_294 = tpu.memref_slice %arg7[%dma_start3A_292, %dma_start3A_293] : memref<32x1000xf32, #tpu.memory_space<vmem>> -> memref<1x1000xf32, #tpu.memory_space<vmem>>
    %dma_start3A_295 = tpu.memref_squeeze %dma_start3A_294 : memref<1x1000xf32, #tpu.memory_space<vmem>> -> memref<1000xf32, #tpu.memory_space<vmem>>
    %dma_start3A_296 = tpu.memref_slice %arg2[%add3A_291] : memref<1024000xf32, #tpu.memory_space<hbm>> -> memref<1000xf32, #tpu.memory_space<hbm>>
    %dma_start3A_297 = arith.constant 0 : i32
    %dma_start3A_298 = tpu.memref_slice %arg7[%dma_start3A_292, %dma_start3A_297] : memref<32x1000xf32, #tpu.memory_space<vmem>> -> memref<1x1000xf32, #tpu.memory_space<vmem>>
    %dma_start3A_299 = tpu.memref_squeeze %dma_start3A_298 : memref<1x1000xf32, #tpu.memory_space<vmem>> -> memref<1000xf32, #tpu.memory_space<vmem>>
    %dma_start3A_300 = tpu.memref_slice %arg2[%add3A_291] : memref<1024000xf32, #tpu.memory_space<hbm>> -> memref<1000xf32, #tpu.memory_space<hbm>>
    tpu.enqueue_dma source(%dma_start3A_300 : memref<1000xf32, #tpu.memory_space<hbm>>) target(%dma_start3A_299 : memref<1000xf32, #tpu.memory_space<vmem>>) target_semaphore(%arg18 : memref<!tpu.dma_semaphore, #tpu.memory_space<semaphore_mem>>)
    %add3A_301 = arith.constant 13000 : i32
    %add3A_302 = arith.addi %mul3A_2, %add3A_301 : i32
    %dma_start3A_303 = arith.constant 13 : i32
    %dma_start3A_304 = arith.constant 0 : i32
    %dma_start3A_305 = tpu.memref_slice %arg7[%dma_start3A_303, %dma_start3A_304] : memref<32x1000xf32, #tpu.memory_space<vmem>> -> memref<1x1000xf32, #tpu.memory_space<vmem>>
    %dma_start3A_306 = tpu.memref_squeeze %dma_start3A_305 : memref<1x1000xf32, #tpu.memory_space<vmem>> -> memref<1000xf32, #tpu.memory_space<vmem>>
    %dma_start3A_307 = tpu.memref_slice %arg2[%add3A_302] : memref<1024000xf32, #tpu.memory_space<hbm>> -> memref<1000xf32, #tpu.memory_space<hbm>>
    %dma_start3A_308 = arith.constant 0 : i32
    %dma_start3A_309 = tpu.memref_slice %arg7[%dma_start3A_303, %dma_start3A_308] : memref<32x1000xf32, #tpu.memory_space<vmem>> -> memref<1x1000xf32, #tpu.memory_space<vmem>>
    %dma_start3A_310 = tpu.memref_squeeze %dma_start3A_309 : memref<1x1000xf32, #tpu.memory_space<vmem>> -> memref<1000xf32, #tpu.memory_space<vmem>>
    %dma_start3A_311 = tpu.memref_slice %arg2[%add3A_302] : memref<1024000xf32, #tpu.memory_space<hbm>> -> memref<1000xf32, #tpu.memory_space<hbm>>
    tpu.enqueue_dma source(%dma_start3A_311 : memref<1000xf32, #tpu.memory_space<hbm>>) target(%dma_start3A_310 : memref<1000xf32, #tpu.memory_space<vmem>>) target_semaphore(%arg18 : memref<!tpu.dma_semaphore, #tpu.memory_space<semaphore_mem>>)
    %add3A_312 = arith.constant 14000 : i32
    %add3A_313 = arith.addi %mul3A_2, %add3A_312 : i32
    %dma_start3A_314 = arith.constant 14 : i32
    %dma_start3A_315 = arith.constant 0 : i32
    %dma_start3A_316 = tpu.memref_slice %arg7[%dma_start3A_314, %dma_start3A_315] : memref<32x1000xf32, #tpu.memory_space<vmem>> -> memref<1x1000xf32, #tpu.memory_space<vmem>>
    %dma_start3A_317 = tpu.memref_squeeze %dma_start3A_316 : memref<1x1000xf32, #tpu.memory_space<vmem>> -> memref<1000xf32, #tpu.memory_space<vmem>>
    %dma_start3A_318 = tpu.memref_slice %arg2[%add3A_313] : memref<1024000xf32, #tpu.memory_space<hbm>> -> memref<1000xf32, #tpu.memory_space<hbm>>
    %dma_start3A_319 = arith.constant 0 : i32
    %dma_start3A_320 = tpu.memref_slice %arg7[%dma_start3A_314, %dma_start3A_319] : memref<32x1000xf32, #tpu.memory_space<vmem>> -> memref<1x1000xf32, #tpu.memory_space<vmem>>
    %dma_start3A_321 = tpu.memref_squeeze %dma_start3A_320 : memref<1x1000xf32, #tpu.memory_space<vmem>> -> memref<1000xf32, #tpu.memory_space<vmem>>
    %dma_start3A_322 = tpu.memref_slice %arg2[%add3A_313] : memref<1024000xf32, #tpu.memory_space<hbm>> -> memref<1000xf32, #tpu.memory_space<hbm>>
    tpu.enqueue_dma source(%dma_start3A_322 : memref<1000xf32, #tpu.memory_space<hbm>>) target(%dma_start3A_321 : memref<1000xf32, #tpu.memory_space<vmem>>) target_semaphore(%arg18 : memref<!tpu.dma_semaphore, #tpu.memory_space<semaphore_mem>>)
    %add3A_323 = arith.constant 15000 : i32
    %add3A_324 = arith.addi %mul3A_2, %add3A_323 : i32
    %dma_start3A_325 = arith.constant 15 : i32
    %dma_start3A_326 = arith.constant 0 : i32
    %dma_start3A_327 = tpu.memref_slice %arg7[%dma_start3A_325, %dma_start3A_326] : memref<32x1000xf32, #tpu.memory_space<vmem>> -> memref<1x1000xf32, #tpu.memory_space<vmem>>
    %dma_start3A_328 = tpu.memref_squeeze %dma_start3A_327 : memref<1x1000xf32, #tpu.memory_space<vmem>> -> memref<1000xf32, #tpu.memory_space<vmem>>
    %dma_start3A_329 = tpu.memref_slice %arg2[%add3A_324] : memref<1024000xf32, #tpu.memory_space<hbm>> -> memref<1000xf32, #tpu.memory_space<hbm>>
    %dma_start3A_330 = arith.constant 0 : i32
    %dma_start3A_331 = tpu.memref_slice %arg7[%dma_start3A_325, %dma_start3A_330] : memref<32x1000xf32, #tpu.memory_space<vmem>> -> memref<1x1000xf32, #tpu.memory_space<vmem>>
    %dma_start3A_332 = tpu.memref_squeeze %dma_start3A_331 : memref<1x1000xf32, #tpu.memory_space<vmem>> -> memref<1000xf32, #tpu.memory_space<vmem>>
    %dma_start3A_333 = tpu.memref_slice %arg2[%add3A_324] : memref<1024000xf32, #tpu.memory_space<hbm>> -> memref<1000xf32, #tpu.memory_space<hbm>>
    tpu.enqueue_dma source(%dma_start3A_333 : memref<1000xf32, #tpu.memory_space<hbm>>) target(%dma_start3A_332 : memref<1000xf32, #tpu.memory_space<vmem>>) target_semaphore(%arg18 : memref<!tpu.dma_semaphore, #tpu.memory_space<semaphore_mem>>)
    %add3A_334 = arith.constant 16000 : i32
    %add3A_335 = arith.addi %mul3A_2, %add3A_334 : i32
    %dma_start3A_336 = arith.constant 16 : i32
    %dma_start3A_337 = arith.constant 0 : i32
    %dma_start3A_338 = tpu.memref_slice %arg7[%dma_start3A_336, %dma_start3A_337] : memref<32x1000xf32, #tpu.memory_space<vmem>> -> memref<1x1000xf32, #tpu.memory_space<vmem>>
    %dma_start3A_339 = tpu.memref_squeeze %dma_start3A_338 : memref<1x1000xf32, #tpu.memory_space<vmem>> -> memref<1000xf32, #tpu.memory_space<vmem>>
    %dma_start3A_340 = tpu.memref_slice %arg2[%add3A_335] : memref<1024000xf32, #tpu.memory_space<hbm>> -> memref<1000xf32, #tpu.memory_space<hbm>>
    %dma_start3A_341 = arith.constant 0 : i32
    %dma_start3A_342 = tpu.memref_slice %arg7[%dma_start3A_336, %dma_start3A_341] : memref<32x1000xf32, #tpu.memory_space<vmem>> -> memref<1x1000xf32, #tpu.memory_space<vmem>>
    %dma_start3A_343 = tpu.memref_squeeze %dma_start3A_342 : memref<1x1000xf32, #tpu.memory_space<vmem>> -> memref<1000xf32, #tpu.memory_space<vmem>>
    %dma_start3A_344 = tpu.memref_slice %arg2[%add3A_335] : memref<1024000xf32, #tpu.memory_space<hbm>> -> memref<1000xf32, #tpu.memory_space<hbm>>
    tpu.enqueue_dma source(%dma_start3A_344 : memref<1000xf32, #tpu.memory_space<hbm>>) target(%dma_start3A_343 : memref<1000xf32, #tpu.memory_space<vmem>>) target_semaphore(%arg18 : memref<!tpu.dma_semaphore, #tpu.memory_space<semaphore_mem>>)
    %add3A_345 = arith.constant 17000 : i32
    %add3A_346 = arith.addi %mul3A_2, %add3A_345 : i32
    %dma_start3A_347 = arith.constant 17 : i32
    %dma_start3A_348 = arith.constant 0 : i32
    %dma_start3A_349 = tpu.memref_slice %arg7[%dma_start3A_347, %dma_start3A_348] : memref<32x1000xf32, #tpu.memory_space<vmem>> -> memref<1x1000xf32, #tpu.memory_space<vmem>>
    %dma_start3A_350 = tpu.memref_squeeze %dma_start3A_349 : memref<1x1000xf32, #tpu.memory_space<vmem>> -> memref<1000xf32, #tpu.memory_space<vmem>>
    %dma_start3A_351 = tpu.memref_slice %arg2[%add3A_346] : memref<1024000xf32, #tpu.memory_space<hbm>> -> memref<1000xf32, #tpu.memory_space<hbm>>
    %dma_start3A_352 = arith.constant 0 : i32
    %dma_start3A_353 = tpu.memref_slice %arg7[%dma_start3A_347, %dma_start3A_352] : memref<32x1000xf32, #tpu.memory_space<vmem>> -> memref<1x1000xf32, #tpu.memory_space<vmem>>
    %dma_start3A_354 = tpu.memref_squeeze %dma_start3A_353 : memref<1x1000xf32, #tpu.memory_space<vmem>> -> memref<1000xf32, #tpu.memory_space<vmem>>
    %dma_start3A_355 = tpu.memref_slice %arg2[%add3A_346] : memref<1024000xf32, #tpu.memory_space<hbm>> -> memref<1000xf32, #tpu.memory_space<hbm>>
    tpu.enqueue_dma source(%dma_start3A_355 : memref<1000xf32, #tpu.memory_space<hbm>>) target(%dma_start3A_354 : memref<1000xf32, #tpu.memory_space<vmem>>) target_semaphore(%arg18 : memref<!tpu.dma_semaphore, #tpu.memory_space<semaphore_mem>>)
    %add3A_356 = arith.constant 18000 : i32
    %add3A_357 = arith.addi %mul3A_2, %add3A_356 : i32
    %dma_start3A_358 = arith.constant 18 : i32
    %dma_start3A_359 = arith.constant 0 : i32
    %dma_start3A_360 = tpu.memref_slice %arg7[%dma_start3A_358, %dma_start3A_359] : memref<32x1000xf32, #tpu.memory_space<vmem>> -> memref<1x1000xf32, #tpu.memory_space<vmem>>
    %dma_start3A_361 = tpu.memref_squeeze %dma_start3A_360 : memref<1x1000xf32, #tpu.memory_space<vmem>> -> memref<1000xf32, #tpu.memory_space<vmem>>
    %dma_start3A_362 = tpu.memref_slice %arg2[%add3A_357] : memref<1024000xf32, #tpu.memory_space<hbm>> -> memref<1000xf32, #tpu.memory_space<hbm>>
    %dma_start3A_363 = arith.constant 0 : i32
    %dma_start3A_364 = tpu.memref_slice %arg7[%dma_start3A_358, %dma_start3A_363] : memref<32x1000xf32, #tpu.memory_space<vmem>> -> memref<1x1000xf32, #tpu.memory_space<vmem>>
    %dma_start3A_365 = tpu.memref_squeeze %dma_start3A_364 : memref<1x1000xf32, #tpu.memory_space<vmem>> -> memref<1000xf32, #tpu.memory_space<vmem>>
    %dma_start3A_366 = tpu.memref_slice %arg2[%add3A_357] : memref<1024000xf32, #tpu.memory_space<hbm>> -> memref<1000xf32, #tpu.memory_space<hbm>>
    tpu.enqueue_dma source(%dma_start3A_366 : memref<1000xf32, #tpu.memory_space<hbm>>) target(%dma_start3A_365 : memref<1000xf32, #tpu.memory_space<vmem>>) target_semaphore(%arg18 : memref<!tpu.dma_semaphore, #tpu.memory_space<semaphore_mem>>)
    %add3A_367 = arith.constant 19000 : i32
    %add3A_368 = arith.addi %mul3A_2, %add3A_367 : i32
    %dma_start3A_369 = arith.constant 19 : i32
    %dma_start3A_370 = arith.constant 0 : i32
    %dma_start3A_371 = tpu.memref_slice %arg7[%dma_start3A_369, %dma_start3A_370] : memref<32x1000xf32, #tpu.memory_space<vmem>> -> memref<1x1000xf32, #tpu.memory_space<vmem>>
    %dma_start3A_372 = tpu.memref_squeeze %dma_start3A_371 : memref<1x1000xf32, #tpu.memory_space<vmem>> -> memref<1000xf32, #tpu.memory_space<vmem>>
    %dma_start3A_373 = tpu.memref_slice %arg2[%add3A_368] : memref<1024000xf32, #tpu.memory_space<hbm>> -> memref<1000xf32, #tpu.memory_space<hbm>>
    %dma_start3A_374 = arith.constant 0 : i32
    %dma_start3A_375 = tpu.memref_slice %arg7[%dma_start3A_369, %dma_start3A_374] : memref<32x1000xf32, #tpu.memory_space<vmem>> -> memref<1x1000xf32, #tpu.memory_space<vmem>>
    %dma_start3A_376 = tpu.memref_squeeze %dma_start3A_375 : memref<1x1000xf32, #tpu.memory_space<vmem>> -> memref<1000xf32, #tpu.memory_space<vmem>>
    %dma_start3A_377 = tpu.memref_slice %arg2[%add3A_368] : memref<1024000xf32, #tpu.memory_space<hbm>> -> memref<1000xf32, #tpu.memory_space<hbm>>
    tpu.enqueue_dma source(%dma_start3A_377 : memref<1000xf32, #tpu.memory_space<hbm>>) target(%dma_start3A_376 : memref<1000xf32, #tpu.memory_space<vmem>>) target_semaphore(%arg18 : memref<!tpu.dma_semaphore, #tpu.memory_space<semaphore_mem>>)
    %add3A_378 = arith.constant 20000 : i32
    %add3A_379 = arith.addi %mul3A_2, %add3A_378 : i32
    %dma_start3A_380 = arith.constant 20 : i32
    %dma_start3A_381 = arith.constant 0 : i32
    %dma_start3A_382 = tpu.memref_slice %arg7[%dma_start3A_380, %dma_start3A_381] : memref<32x1000xf32, #tpu.memory_space<vmem>> -> memref<1x1000xf32, #tpu.memory_space<vmem>>
    %dma_start3A_383 = tpu.memref_squeeze %dma_start3A_382 : memref<1x1000xf32, #tpu.memory_space<vmem>> -> memref<1000xf32, #tpu.memory_space<vmem>>
    %dma_start3A_384 = tpu.memref_slice %arg2[%add3A_379] : memref<1024000xf32, #tpu.memory_space<hbm>> -> memref<1000xf32, #tpu.memory_space<hbm>>
    %dma_start3A_385 = arith.constant 0 : i32
    %dma_start3A_386 = tpu.memref_slice %arg7[%dma_start3A_380, %dma_start3A_385] : memref<32x1000xf32, #tpu.memory_space<vmem>> -> memref<1x1000xf32, #tpu.memory_space<vmem>>
    %dma_start3A_387 = tpu.memref_squeeze %dma_start3A_386 : memref<1x1000xf32, #tpu.memory_space<vmem>> -> memref<1000xf32, #tpu.memory_space<vmem>>
    %dma_start3A_388 = tpu.memref_slice %arg2[%add3A_379] : memref<1024000xf32, #tpu.memory_space<hbm>> -> memref<1000xf32, #tpu.memory_space<hbm>>
    tpu.enqueue_dma source(%dma_start3A_388 : memref<1000xf32, #tpu.memory_space<hbm>>) target(%dma_start3A_387 : memref<1000xf32, #tpu.memory_space<vmem>>) target_semaphore(%arg18 : memref<!tpu.dma_semaphore, #tpu.memory_space<semaphore_mem>>)
    %add3A_389 = arith.constant 21000 : i32
    %add3A_390 = arith.addi %mul3A_2, %add3A_389 : i32
    %dma_start3A_391 = arith.constant 21 : i32
    %dma_start3A_392 = arith.constant 0 : i32
    %dma_start3A_393 = tpu.memref_slice %arg7[%dma_start3A_391, %dma_start3A_392] : memref<32x1000xf32, #tpu.memory_space<vmem>> -> memref<1x1000xf32, #tpu.memory_space<vmem>>
    %dma_start3A_394 = tpu.memref_squeeze %dma_start3A_393 : memref<1x1000xf32, #tpu.memory_space<vmem>> -> memref<1000xf32, #tpu.memory_space<vmem>>
    %dma_start3A_395 = tpu.memref_slice %arg2[%add3A_390] : memref<1024000xf32, #tpu.memory_space<hbm>> -> memref<1000xf32, #tpu.memory_space<hbm>>
    %dma_start3A_396 = arith.constant 0 : i32
    %dma_start3A_397 = tpu.memref_slice %arg7[%dma_start3A_391, %dma_start3A_396] : memref<32x1000xf32, #tpu.memory_space<vmem>> -> memref<1x1000xf32, #tpu.memory_space<vmem>>
    %dma_start3A_398 = tpu.memref_squeeze %dma_start3A_397 : memref<1x1000xf32, #tpu.memory_space<vmem>> -> memref<1000xf32, #tpu.memory_space<vmem>>
    %dma_start3A_399 = tpu.memref_slice %arg2[%add3A_390] : memref<1024000xf32, #tpu.memory_space<hbm>> -> memref<1000xf32, #tpu.memory_space<hbm>>
    tpu.enqueue_dma source(%dma_start3A_399 : memref<1000xf32, #tpu.memory_space<hbm>>) target(%dma_start3A_398 : memref<1000xf32, #tpu.memory_space<vmem>>) target_semaphore(%arg18 : memref<!tpu.dma_semaphore, #tpu.memory_space<semaphore_mem>>)
    %add3A_400 = arith.constant 22000 : i32
    %add3A_401 = arith.addi %mul3A_2, %add3A_400 : i32
    %dma_start3A_402 = arith.constant 22 : i32
    %dma_start3A_403 = arith.constant 0 : i32
    %dma_start3A_404 = tpu.memref_slice %arg7[%dma_start3A_402, %dma_start3A_403] : memref<32x1000xf32, #tpu.memory_space<vmem>> -> memref<1x1000xf32, #tpu.memory_space<vmem>>
    %dma_start3A_405 = tpu.memref_squeeze %dma_start3A_404 : memref<1x1000xf32, #tpu.memory_space<vmem>> -> memref<1000xf32, #tpu.memory_space<vmem>>
    %dma_start3A_406 = tpu.memref_slice %arg2[%add3A_401] : memref<1024000xf32, #tpu.memory_space<hbm>> -> memref<1000xf32, #tpu.memory_space<hbm>>
    %dma_start3A_407 = arith.constant 0 : i32
    %dma_start3A_408 = tpu.memref_slice %arg7[%dma_start3A_402, %dma_start3A_407] : memref<32x1000xf32, #tpu.memory_space<vmem>> -> memref<1x1000xf32, #tpu.memory_space<vmem>>
    %dma_start3A_409 = tpu.memref_squeeze %dma_start3A_408 : memref<1x1000xf32, #tpu.memory_space<vmem>> -> memref<1000xf32, #tpu.memory_space<vmem>>
    %dma_start3A_410 = tpu.memref_slice %arg2[%add3A_401] : memref<1024000xf32, #tpu.memory_space<hbm>> -> memref<1000xf32, #tpu.memory_space<hbm>>
    tpu.enqueue_dma source(%dma_start3A_410 : memref<1000xf32, #tpu.memory_space<hbm>>) target(%dma_start3A_409 : memref<1000xf32, #tpu.memory_space<vmem>>) target_semaphore(%arg18 : memref<!tpu.dma_semaphore, #tpu.memory_space<semaphore_mem>>)
    %add3A_411 = arith.constant 23000 : i32
    %add3A_412 = arith.addi %mul3A_2, %add3A_411 : i32
    %dma_start3A_413 = arith.constant 23 : i32
    %dma_start3A_414 = arith.constant 0 : i32
    %dma_start3A_415 = tpu.memref_slice %arg7[%dma_start3A_413, %dma_start3A_414] : memref<32x1000xf32, #tpu.memory_space<vmem>> -> memref<1x1000xf32, #tpu.memory_space<vmem>>
    %dma_start3A_416 = tpu.memref_squeeze %dma_start3A_415 : memref<1x1000xf32, #tpu.memory_space<vmem>> -> memref<1000xf32, #tpu.memory_space<vmem>>
    %dma_start3A_417 = tpu.memref_slice %arg2[%add3A_412] : memref<1024000xf32, #tpu.memory_space<hbm>> -> memref<1000xf32, #tpu.memory_space<hbm>>
    %dma_start3A_418 = arith.constant 0 : i32
    %dma_start3A_419 = tpu.memref_slice %arg7[%dma_start3A_413, %dma_start3A_418] : memref<32x1000xf32, #tpu.memory_space<vmem>> -> memref<1x1000xf32, #tpu.memory_space<vmem>>
    %dma_start3A_420 = tpu.memref_squeeze %dma_start3A_419 : memref<1x1000xf32, #tpu.memory_space<vmem>> -> memref<1000xf32, #tpu.memory_space<vmem>>
    %dma_start3A_421 = tpu.memref_slice %arg2[%add3A_412] : memref<1024000xf32, #tpu.memory_space<hbm>> -> memref<1000xf32, #tpu.memory_space<hbm>>
    tpu.enqueue_dma source(%dma_start3A_421 : memref<1000xf32, #tpu.memory_space<hbm>>) target(%dma_start3A_420 : memref<1000xf32, #tpu.memory_space<vmem>>) target_semaphore(%arg18 : memref<!tpu.dma_semaphore, #tpu.memory_space<semaphore_mem>>)
    %add3A_422 = arith.constant 24000 : i32
    %add3A_423 = arith.addi %mul3A_2, %add3A_422 : i32
    %dma_start3A_424 = arith.constant 24 : i32
    %dma_start3A_425 = arith.constant 0 : i32
    %dma_start3A_426 = tpu.memref_slice %arg7[%dma_start3A_424, %dma_start3A_425] : memref<32x1000xf32, #tpu.memory_space<vmem>> -> memref<1x1000xf32, #tpu.memory_space<vmem>>
    %dma_start3A_427 = tpu.memref_squeeze %dma_start3A_426 : memref<1x1000xf32, #tpu.memory_space<vmem>> -> memref<1000xf32, #tpu.memory_space<vmem>>
    %dma_start3A_428 = tpu.memref_slice %arg2[%add3A_423] : memref<1024000xf32, #tpu.memory_space<hbm>> -> memref<1000xf32, #tpu.memory_space<hbm>>
    %dma_start3A_429 = arith.constant 0 : i32
    %dma_start3A_430 = tpu.memref_slice %arg7[%dma_start3A_424, %dma_start3A_429] : memref<32x1000xf32, #tpu.memory_space<vmem>> -> memref<1x1000xf32, #tpu.memory_space<vmem>>
    %dma_start3A_431 = tpu.memref_squeeze %dma_start3A_430 : memref<1x1000xf32, #tpu.memory_space<vmem>> -> memref<1000xf32, #tpu.memory_space<vmem>>
    %dma_start3A_432 = tpu.memref_slice %arg2[%add3A_423] : memref<1024000xf32, #tpu.memory_space<hbm>> -> memref<1000xf32, #tpu.memory_space<hbm>>
    tpu.enqueue_dma source(%dma_start3A_432 : memref<1000xf32, #tpu.memory_space<hbm>>) target(%dma_start3A_431 : memref<1000xf32, #tpu.memory_space<vmem>>) target_semaphore(%arg18 : memref<!tpu.dma_semaphore, #tpu.memory_space<semaphore_mem>>)
    %add3A_433 = arith.constant 25000 : i32
    %add3A_434 = arith.addi %mul3A_2, %add3A_433 : i32
    %dma_start3A_435 = arith.constant 25 : i32
    %dma_start3A_436 = arith.constant 0 : i32
    %dma_start3A_437 = tpu.memref_slice %arg7[%dma_start3A_435, %dma_start3A_436] : memref<32x1000xf32, #tpu.memory_space<vmem>> -> memref<1x1000xf32, #tpu.memory_space<vmem>>
    %dma_start3A_438 = tpu.memref_squeeze %dma_start3A_437 : memref<1x1000xf32, #tpu.memory_space<vmem>> -> memref<1000xf32, #tpu.memory_space<vmem>>
    %dma_start3A_439 = tpu.memref_slice %arg2[%add3A_434] : memref<1024000xf32, #tpu.memory_space<hbm>> -> memref<1000xf32, #tpu.memory_space<hbm>>
    %dma_start3A_440 = arith.constant 0 : i32
    %dma_start3A_441 = tpu.memref_slice %arg7[%dma_start3A_435, %dma_start3A_440] : memref<32x1000xf32, #tpu.memory_space<vmem>> -> memref<1x1000xf32, #tpu.memory_space<vmem>>
    %dma_start3A_442 = tpu.memref_squeeze %dma_start3A_441 : memref<1x1000xf32, #tpu.memory_space<vmem>> -> memref<1000xf32, #tpu.memory_space<vmem>>
    %dma_start3A_443 = tpu.memref_slice %arg2[%add3A_434] : memref<1024000xf32, #tpu.memory_space<hbm>> -> memref<1000xf32, #tpu.memory_space<hbm>>
    tpu.enqueue_dma source(%dma_start3A_443 : memref<1000xf32, #tpu.memory_space<hbm>>) target(%dma_start3A_442 : memref<1000xf32, #tpu.memory_space<vmem>>) target_semaphore(%arg18 : memref<!tpu.dma_semaphore, #tpu.memory_space<semaphore_mem>>)
    %add3A_444 = arith.constant 26000 : i32
    %add3A_445 = arith.addi %mul3A_2, %add3A_444 : i32
    %dma_start3A_446 = arith.constant 26 : i32
    %dma_start3A_447 = arith.constant 0 : i32
    %dma_start3A_448 = tpu.memref_slice %arg7[%dma_start3A_446, %dma_start3A_447] : memref<32x1000xf32, #tpu.memory_space<vmem>> -> memref<1x1000xf32, #tpu.memory_space<vmem>>
    %dma_start3A_449 = tpu.memref_squeeze %dma_start3A_448 : memref<1x1000xf32, #tpu.memory_space<vmem>> -> memref<1000xf32, #tpu.memory_space<vmem>>
    %dma_start3A_450 = tpu.memref_slice %arg2[%add3A_445] : memref<1024000xf32, #tpu.memory_space<hbm>> -> memref<1000xf32, #tpu.memory_space<hbm>>
    %dma_start3A_451 = arith.constant 0 : i32
    %dma_start3A_452 = tpu.memref_slice %arg7[%dma_start3A_446, %dma_start3A_451] : memref<32x1000xf32, #tpu.memory_space<vmem>> -> memref<1x1000xf32, #tpu.memory_space<vmem>>
    %dma_start3A_453 = tpu.memref_squeeze %dma_start3A_452 : memref<1x1000xf32, #tpu.memory_space<vmem>> -> memref<1000xf32, #tpu.memory_space<vmem>>
    %dma_start3A_454 = tpu.memref_slice %arg2[%add3A_445] : memref<1024000xf32, #tpu.memory_space<hbm>> -> memref<1000xf32, #tpu.memory_space<hbm>>
    tpu.enqueue_dma source(%dma_start3A_454 : memref<1000xf32, #tpu.memory_space<hbm>>) target(%dma_start3A_453 : memref<1000xf32, #tpu.memory_space<vmem>>) target_semaphore(%arg18 : memref<!tpu.dma_semaphore, #tpu.memory_space<semaphore_mem>>)
    %add3A_455 = arith.constant 27000 : i32
    %add3A_456 = arith.addi %mul3A_2, %add3A_455 : i32
    %dma_start3A_457 = arith.constant 27 : i32
    %dma_start3A_458 = arith.constant 0 : i32
    %dma_start3A_459 = tpu.memref_slice %arg7[%dma_start3A_457, %dma_start3A_458] : memref<32x1000xf32, #tpu.memory_space<vmem>> -> memref<1x1000xf32, #tpu.memory_space<vmem>>
    %dma_start3A_460 = tpu.memref_squeeze %dma_start3A_459 : memref<1x1000xf32, #tpu.memory_space<vmem>> -> memref<1000xf32, #tpu.memory_space<vmem>>
    %dma_start3A_461 = tpu.memref_slice %arg2[%add3A_456] : memref<1024000xf32, #tpu.memory_space<hbm>> -> memref<1000xf32, #tpu.memory_space<hbm>>
    %dma_start3A_462 = arith.constant 0 : i32
    %dma_start3A_463 = tpu.memref_slice %arg7[%dma_start3A_457, %dma_start3A_462] : memref<32x1000xf32, #tpu.memory_space<vmem>> -> memref<1x1000xf32, #tpu.memory_space<vmem>>
    %dma_start3A_464 = tpu.memref_squeeze %dma_start3A_463 : memref<1x1000xf32, #tpu.memory_space<vmem>> -> memref<1000xf32, #tpu.memory_space<vmem>>
    %dma_start3A_465 = tpu.memref_slice %arg2[%add3A_456] : memref<1024000xf32, #tpu.memory_space<hbm>> -> memref<1000xf32, #tpu.memory_space<hbm>>
    tpu.enqueue_dma source(%dma_start3A_465 : memref<1000xf32, #tpu.memory_space<hbm>>) target(%dma_start3A_464 : memref<1000xf32, #tpu.memory_space<vmem>>) target_semaphore(%arg18 : memref<!tpu.dma_semaphore, #tpu.memory_space<semaphore_mem>>)
    %add3A_466 = arith.constant 28000 : i32
    %add3A_467 = arith.addi %mul3A_2, %add3A_466 : i32
    %dma_start3A_468 = arith.constant 28 : i32
    %dma_start3A_469 = arith.constant 0 : i32
    %dma_start3A_470 = tpu.memref_slice %arg7[%dma_start3A_468, %dma_start3A_469] : memref<32x1000xf32, #tpu.memory_space<vmem>> -> memref<1x1000xf32, #tpu.memory_space<vmem>>
    %dma_start3A_471 = tpu.memref_squeeze %dma_start3A_470 : memref<1x1000xf32, #tpu.memory_space<vmem>> -> memref<1000xf32, #tpu.memory_space<vmem>>
    %dma_start3A_472 = tpu.memref_slice %arg2[%add3A_467] : memref<1024000xf32, #tpu.memory_space<hbm>> -> memref<1000xf32, #tpu.memory_space<hbm>>
    %dma_start3A_473 = arith.constant 0 : i32
    %dma_start3A_474 = tpu.memref_slice %arg7[%dma_start3A_468, %dma_start3A_473] : memref<32x1000xf32, #tpu.memory_space<vmem>> -> memref<1x1000xf32, #tpu.memory_space<vmem>>
    %dma_start3A_475 = tpu.memref_squeeze %dma_start3A_474 : memref<1x1000xf32, #tpu.memory_space<vmem>> -> memref<1000xf32, #tpu.memory_space<vmem>>
    %dma_start3A_476 = tpu.memref_slice %arg2[%add3A_467] : memref<1024000xf32, #tpu.memory_space<hbm>> -> memref<1000xf32, #tpu.memory_space<hbm>>
    tpu.enqueue_dma source(%dma_start3A_476 : memref<1000xf32, #tpu.memory_space<hbm>>) target(%dma_start3A_475 : memref<1000xf32, #tpu.memory_space<vmem>>) target_semaphore(%arg18 : memref<!tpu.dma_semaphore, #tpu.memory_space<semaphore_mem>>)
    %add3A_477 = arith.constant 29000 : i32
    %add3A_478 = arith.addi %mul3A_2, %add3A_477 : i32
    %dma_start3A_479 = arith.constant 29 : i32
    %dma_start3A_480 = arith.constant 0 : i32
    %dma_start3A_481 = tpu.memref_slice %arg7[%dma_start3A_479, %dma_start3A_480] : memref<32x1000xf32, #tpu.memory_space<vmem>> -> memref<1x1000xf32, #tpu.memory_space<vmem>>
    %dma_start3A_482 = tpu.memref_squeeze %dma_start3A_481 : memref<1x1000xf32, #tpu.memory_space<vmem>> -> memref<1000xf32, #tpu.memory_space<vmem>>
    %dma_start3A_483 = tpu.memref_slice %arg2[%add3A_478] : memref<1024000xf32, #tpu.memory_space<hbm>> -> memref<1000xf32, #tpu.memory_space<hbm>>
    %dma_start3A_484 = arith.constant 0 : i32
    %dma_start3A_485 = tpu.memref_slice %arg7[%dma_start3A_479, %dma_start3A_484] : memref<32x1000xf32, #tpu.memory_space<vmem>> -> memref<1x1000xf32, #tpu.memory_space<vmem>>
    %dma_start3A_486 = tpu.memref_squeeze %dma_start3A_485 : memref<1x1000xf32, #tpu.memory_space<vmem>> -> memref<1000xf32, #tpu.memory_space<vmem>>
    %dma_start3A_487 = tpu.memref_slice %arg2[%add3A_478] : memref<1024000xf32, #tpu.memory_space<hbm>> -> memref<1000xf32, #tpu.memory_space<hbm>>
    tpu.enqueue_dma source(%dma_start3A_487 : memref<1000xf32, #tpu.memory_space<hbm>>) target(%dma_start3A_486 : memref<1000xf32, #tpu.memory_space<vmem>>) target_semaphore(%arg18 : memref<!tpu.dma_semaphore, #tpu.memory_space<semaphore_mem>>)
    %add3A_488 = arith.constant 30000 : i32
    %add3A_489 = arith.addi %mul3A_2, %add3A_488 : i32
    %dma_start3A_490 = arith.constant 30 : i32
    %dma_start3A_491 = arith.constant 0 : i32
    %dma_start3A_492 = tpu.memref_slice %arg7[%dma_start3A_490, %dma_start3A_491] : memref<32x1000xf32, #tpu.memory_space<vmem>> -> memref<1x1000xf32, #tpu.memory_space<vmem>>
    %dma_start3A_493 = tpu.memref_squeeze %dma_start3A_492 : memref<1x1000xf32, #tpu.memory_space<vmem>> -> memref<1000xf32, #tpu.memory_space<vmem>>
    %dma_start3A_494 = tpu.memref_slice %arg2[%add3A_489] : memref<1024000xf32, #tpu.memory_space<hbm>> -> memref<1000xf32, #tpu.memory_space<hbm>>
    %dma_start3A_495 = arith.constant 0 : i32
    %dma_start3A_496 = tpu.memref_slice %arg7[%dma_start3A_490, %dma_start3A_495] : memref<32x1000xf32, #tpu.memory_space<vmem>> -> memref<1x1000xf32, #tpu.memory_space<vmem>>
    %dma_start3A_497 = tpu.memref_squeeze %dma_start3A_496 : memref<1x1000xf32, #tpu.memory_space<vmem>> -> memref<1000xf32, #tpu.memory_space<vmem>>
    %dma_start3A_498 = tpu.memref_slice %arg2[%add3A_489] : memref<1024000xf32, #tpu.memory_space<hbm>> -> memref<1000xf32, #tpu.memory_space<hbm>>
    tpu.enqueue_dma source(%dma_start3A_498 : memref<1000xf32, #tpu.memory_space<hbm>>) target(%dma_start3A_497 : memref<1000xf32, #tpu.memory_space<vmem>>) target_semaphore(%arg18 : memref<!tpu.dma_semaphore, #tpu.memory_space<semaphore_mem>>)
    %add3A_499 = arith.constant 31000 : i32
    %add3A_500 = arith.addi %mul3A_2, %add3A_499 : i32
    %dma_start3A_501 = arith.constant 31 : i32
    %dma_start3A_502 = arith.constant 0 : i32
    %dma_start3A_503 = tpu.memref_slice %arg7[%dma_start3A_501, %dma_start3A_502] : memref<32x1000xf32, #tpu.memory_space<vmem>> -> memref<1x1000xf32, #tpu.memory_space<vmem>>
    %dma_start3A_504 = tpu.memref_squeeze %dma_start3A_503 : memref<1x1000xf32, #tpu.memory_space<vmem>> -> memref<1000xf32, #tpu.memory_space<vmem>>
    %dma_start3A_505 = tpu.memref_slice %arg2[%add3A_500] : memref<1024000xf32, #tpu.memory_space<hbm>> -> memref<1000xf32, #tpu.memory_space<hbm>>
    %dma_start3A_506 = arith.constant 0 : i32
    %dma_start3A_507 = tpu.memref_slice %arg7[%dma_start3A_501, %dma_start3A_506] : memref<32x1000xf32, #tpu.memory_space<vmem>> -> memref<1x1000xf32, #tpu.memory_space<vmem>>
    %dma_start3A_508 = tpu.memref_squeeze %dma_start3A_507 : memref<1x1000xf32, #tpu.memory_space<vmem>> -> memref<1000xf32, #tpu.memory_space<vmem>>
    %dma_start3A_509 = tpu.memref_slice %arg2[%add3A_500] : memref<1024000xf32, #tpu.memory_space<hbm>> -> memref<1000xf32, #tpu.memory_space<hbm>>
    tpu.enqueue_dma source(%dma_start3A_509 : memref<1000xf32, #tpu.memory_space<hbm>>) target(%dma_start3A_508 : memref<1000xf32, #tpu.memory_space<vmem>>) target_semaphore(%arg18 : memref<!tpu.dma_semaphore, #tpu.memory_space<semaphore_mem>>)
    "tpu.trace_stop"() : () -> ()
    "tpu.trace_start"() <{level = 10 : i32, message = "ph_zero"}> : () -> ()
    %swap3A_510 = arith.constant 0 : index
    %swap3A_511 = tpu.vector_load %arg16[%swap3A_510] {strides = array<i32>} : memref<1000xf32, #tpu.memory_space<vmem>>, vector<16xf32>,
    %swap3A_512 = vector.shape_cast %swap3A_511 : vector<16xf32> to vector<16xf32>
    %swap3A_513 = vector.shape_cast %broadcast_in_dim3A_3 : vector<16xf32> to vector<16xf32>
    tpu.vector_store %arg16[%swap3A_510], %swap3A_513 {strides = array<i32>} : memref<1000xf32, #tpu.memory_space<vmem>>, vector<16xf32>,
    %swap3A_514 = arith.constant 16 : index
    %swap3A_515 = tpu.vector_load %arg16[%swap3A_514] {strides = array<i32>} : memref<1000xf32, #tpu.memory_space<vmem>>, vector<16xf32>,
    %swap3A_516 = vector.shape_cast %swap3A_515 : vector<16xf32> to vector<16xf32>
    %swap3A_517 = vector.shape_cast %broadcast_in_dim3A_3 : vector<16xf32> to vector<16xf32>
    tpu.vector_store %arg16[%swap3A_514], %swap3A_517 {strides = array<i32>} : memref<1000xf32, #tpu.memory_space<vmem>>, vector<16xf32>,
    %swap3A_518 = arith.constant 32 : index
    %swap3A_519 = tpu.vector_load %arg16[%swap3A_518] {strides = array<i32>} : memref<1000xf32, #tpu.memory_space<vmem>>, vector<16xf32>,
    %swap3A_520 = vector.shape_cast %swap3A_519 : vector<16xf32> to vector<16xf32>
    %swap3A_521 = vector.shape_cast %broadcast_in_dim3A_3 : vector<16xf32> to vector<16xf32>
    tpu.vector_store %arg16[%swap3A_518], %swap3A_521 {strides = array<i32>} : memref<1000xf32, #tpu.memory_space<vmem>>, vector<16xf32>,
    %swap3A_522 = arith.constant 48 : index
    %swap3A_523 = tpu.vector_load %arg16[%swap3A_522] {strides = array<i32>} : memref<1000xf32, #tpu.memory_space<vmem>>, vector<16xf32>,
    %swap3A_524 = vector.shape_cast %swap3A_523 : vector<16xf32> to vector<16xf32>
    %swap3A_525 = vector.shape_cast %broadcast_in_dim3A_3 : vector<16xf32> to vector<16xf32>
    tpu.vector_store %arg16[%swap3A_522], %swap3A_525 {strides = array<i32>} : memref<1000xf32, #tpu.memory_space<vmem>>, vector<16xf32>,
    %swap3A_526 = arith.constant 64 : index
    %swap3A_527 = tpu.vector_load %arg16[%swap3A_526] {strides = array<i32>} : memref<1000xf32, #tpu.memory_space<vmem>>, vector<16xf32>,
    %swap3A_528 = vector.shape_cast %swap3A_527 : vector<16xf32> to vector<16xf32>
    %swap3A_529 = vector.shape_cast %broadcast_in_dim3A_3 : vector<16xf32> to vector<16xf32>
    tpu.vector_store %arg16[%swap3A_526], %swap3A_529 {strides = array<i32>} : memref<1000xf32, #tpu.memory_space<vmem>>, vector<16xf32>,
    %swap3A_530 = arith.constant 80 : index
    %swap3A_531 = tpu.vector_load %arg16[%swap3A_530] {strides = array<i32>} : memref<1000xf32, #tpu.memory_space<vmem>>, vector<16xf32>,
    %swap3A_532 = vector.shape_cast %swap3A_531 : vector<16xf32> to vector<16xf32>
    %swap3A_533 = vector.shape_cast %broadcast_in_dim3A_3 : vector<16xf32> to vector<16xf32>
    tpu.vector_store %arg16[%swap3A_530], %swap3A_533 {strides = array<i32>} : memref<1000xf32, #tpu.memory_space<vmem>>, vector<16xf32>,
    %swap3A_534 = arith.constant 96 : index
    %swap3A_535 = tpu.vector_load %arg16[%swap3A_534] {strides = array<i32>} : memref<1000xf32, #tpu.memory_space<vmem>>, vector<16xf32>,
    %swap3A_536 = vector.shape_cast %swap3A_535 : vector<16xf32> to vector<16xf32>
    %swap3A_537 = vector.shape_cast %broadcast_in_dim3A_3 : vector<16xf32> to vector<16xf32>
    tpu.vector_store %arg16[%swap3A_534], %swap3A_537 {strides = array<i32>} : memref<1000xf32, #tpu.memory_space<vmem>>, vector<16xf32>,
    %swap3A_538 = arith.constant 112 : index
    %swap3A_539 = tpu.vector_load %arg16[%swap3A_538] {strides = array<i32>} : memref<1000xf32, #tpu.memory_space<vmem>>, vector<16xf32>,
    %swap3A_540 = vector.shape_cast %swap3A_539 : vector<16xf32> to vector<16xf32>
    %swap3A_541 = vector.shape_cast %broadcast_in_dim3A_3 : vector<16xf32> to vector<16xf32>
    tpu.vector_store %arg16[%swap3A_538], %swap3A_541 {strides = array<i32>} : memref<1000xf32, #tpu.memory_space<vmem>>, vector<16xf32>,
    %swap3A_542 = arith.constant 128 : index
    %swap3A_543 = tpu.vector_load %arg16[%swap3A_542] {strides = array<i32>} : memref<1000xf32, #tpu.memory_space<vmem>>, vector<16xf32>,
    %swap3A_544 = vector.shape_cast %swap3A_543 : vector<16xf32> to vector<16xf32>
    %swap3A_545 = vector.shape_cast %broadcast_in_dim3A_3 : vector<16xf32> to vector<16xf32>
    tpu.vector_store %arg16[%swap3A_542], %swap3A_545 {strides = array<i32>} : memref<1000xf32, #tpu.memory_space<vmem>>, vector<16xf32>,
    %swap3A_546 = arith.constant 144 : index
    %swap3A_547 = tpu.vector_load %arg16[%swap3A_546] {strides = array<i32>} : memref<1000xf32, #tpu.memory_space<vmem>>, vector<16xf32>,
    %swap3A_548 = vector.shape_cast %swap3A_547 : vector<16xf32> to vector<16xf32>
    %swap3A_549 = vector.shape_cast %broadcast_in_dim3A_3 : vector<16xf32> to vector<16xf32>
    tpu.vector_store %arg16[%swap3A_546], %swap3A_549 {strides = array<i32>} : memref<1000xf32, #tpu.memory_space<vmem>>, vector<16xf32>,
    %swap3A_550 = arith.constant 160 : index
    %swap3A_551 = tpu.vector_load %arg16[%swap3A_550] {strides = array<i32>} : memref<1000xf32, #tpu.memory_space<vmem>>, vector<16xf32>,
    %swap3A_552 = vector.shape_cast %swap3A_551 : vector<16xf32> to vector<16xf32>
    %swap3A_553 = vector.shape_cast %broadcast_in_dim3A_3 : vector<16xf32> to vector<16xf32>
    tpu.vector_store %arg16[%swap3A_550], %swap3A_553 {strides = array<i32>} : memref<1000xf32, #tpu.memory_space<vmem>>, vector<16xf32>,
    %swap3A_554 = arith.constant 176 : index
    %swap3A_555 = tpu.vector_load %arg16[%swap3A_554] {strides = array<i32>} : memref<1000xf32, #tpu.memory_space<vmem>>, vector<16xf32>,
    %swap3A_556 = vector.shape_cast %swap3A_555 : vector<16xf32> to vector<16xf32>
    %swap3A_557 = vector.shape_cast %broadcast_in_dim3A_3 : vector<16xf32> to vector<16xf32>
    tpu.vector_store %arg16[%swap3A_554], %swap3A_557 {strides = array<i32>} : memref<1000xf32, #tpu.memory_space<vmem>>, vector<16xf32>,
    %swap3A_558 = arith.constant 192 : index
    %swap3A_559 = tpu.vector_load %arg16[%swap3A_558] {strides = array<i32>} : memref<1000xf32, #tpu.memory_space<vmem>>, vector<16xf32>,
    %swap3A_560 = vector.shape_cast %swap3A_559 : vector<16xf32> to vector<16xf32>
    %swap3A_561 = vector.shape_cast %broadcast_in_dim3A_3 : vector<16xf32> to vector<16xf32>
    tpu.vector_store %arg16[%swap3A_558], %swap3A_561 {strides = array<i32>} : memref<1000xf32, #tpu.memory_space<vmem>>, vector<16xf32>,
    %swap3A_562 = arith.constant 208 : index
    %swap3A_563 = tpu.vector_load %arg16[%swap3A_562] {strides = array<i32>} : memref<1000xf32, #tpu.memory_space<vmem>>, vector<16xf32>,
    %swap3A_564 = vector.shape_cast %swap3A_563 : vector<16xf32> to vector<16xf32>
    %swap3A_565 = vector.shape_cast %broadcast_in_dim3A_3 : vector<16xf32> to vector<16xf32>
    tpu.vector_store %arg16[%swap3A_562], %swap3A_565 {strides = array<i32>} : memref<1000xf32, #tpu.memory_space<vmem>>, vector<16xf32>,
    %swap3A_566 = arith.constant 224 : index
    %swap3A_567 = tpu.vector_load %arg16[%swap3A_566] {strides = array<i32>} : memref<1000xf32, #tpu.memory_space<vmem>>, vector<16xf32>,
    %swap3A_568 = vector.shape_cast %swap3A_567 : vector<16xf32> to vector<16xf32>
    %swap3A_569 = vector.shape_cast %broadcast_in_dim3A_3 : vector<16xf32> to vector<16xf32>
    tpu.vector_store %arg16[%swap3A_566], %swap3A_569 {strides = array<i32>} : memref<1000xf32, #tpu.memory_space<vmem>>, vector<16xf32>,
    %swap3A_570 = arith.constant 240 : index
    %swap3A_571 = tpu.vector_load %arg16[%swap3A_570] {strides = array<i32>} : memref<1000xf32, #tpu.memory_space<vmem>>, vector<16xf32>,
    %swap3A_572 = vector.shape_cast %swap3A_571 : vector<16xf32> to vector<16xf32>
    %swap3A_573 = vector.shape_cast %broadcast_in_dim3A_3 : vector<16xf32> to vector<16xf32>
    tpu.vector_store %arg16[%swap3A_570], %swap3A_573 {strides = array<i32>} : memref<1000xf32, #tpu.memory_space<vmem>>, vector<16xf32>,
    %swap3A_574 = arith.constant 256 : index
    %swap3A_575 = tpu.vector_load %arg16[%swap3A_574] {strides = array<i32>} : memref<1000xf32, #tpu.memory_space<vmem>>, vector<16xf32>,
    %swap3A_576 = vector.shape_cast %swap3A_575 : vector<16xf32> to vector<16xf32>
    %swap3A_577 = vector.shape_cast %broadcast_in_dim3A_3 : vector<16xf32> to vector<16xf32>
    tpu.vector_store %arg16[%swap3A_574], %swap3A_577 {strides = array<i32>} : memref<1000xf32, #tpu.memory_space<vmem>>, vector<16xf32>,
    %swap3A_578 = arith.constant 272 : index
    %swap3A_579 = tpu.vector_load %arg16[%swap3A_578] {strides = array<i32>} : memref<1000xf32, #tpu.memory_space<vmem>>, vector<16xf32>,
    %swap3A_580 = vector.shape_cast %swap3A_579 : vector<16xf32> to vector<16xf32>
    %swap3A_581 = vector.shape_cast %broadcast_in_dim3A_3 : vector<16xf32> to vector<16xf32>
    tpu.vector_store %arg16[%swap3A_578], %swap3A_581 {strides = array<i32>} : memref<1000xf32, #tpu.memory_space<vmem>>, vector<16xf32>,
    %swap3A_582 = arith.constant 288 : index
    %swap3A_583 = tpu.vector_load %arg16[%swap3A_582] {strides = array<i32>} : memref<1000xf32, #tpu.memory_space<vmem>>, vector<16xf32>,
    %swap3A_584 = vector.shape_cast %swap3A_583 : vector<16xf32> to vector<16xf32>
    %swap3A_585 = vector.shape_cast %broadcast_in_dim3A_3 : vector<16xf32> to vector<16xf32>
    tpu.vector_store %arg16[%swap3A_582], %swap3A_585 {strides = array<i32>} : memref<1000xf32, #tpu.memory_space<vmem>>, vector<16xf32>,
    %swap3A_586 = arith.constant 304 : index
    %swap3A_587 = tpu.vector_load %arg16[%swap3A_586] {strides = array<i32>} : memref<1000xf32, #tpu.memory_space<vmem>>, vector<16xf32>,
    %swap3A_588 = vector.shape_cast %swap3A_587 : vector<16xf32> to vector<16xf32>
    %swap3A_589 = vector.shape_cast %broadcast_in_dim3A_3 : vector<16xf32> to vector<16xf32>
    tpu.vector_store %arg16[%swap3A_586], %swap3A_589 {strides = array<i32>} : memref<1000xf32, #tpu.memory_space<vmem>>, vector<16xf32>,
    %swap3A_590 = arith.constant 320 : index
    %swap3A_591 = tpu.vector_load %arg16[%swap3A_590] {strides = array<i32>} : memref<1000xf32, #tpu.memory_space<vmem>>, vector<16xf32>,
    %swap3A_592 = vector.shape_cast %swap3A_591 : vector<16xf32> to vector<16xf32>
    %swap3A_593 = vector.shape_cast %broadcast_in_dim3A_3 : vector<16xf32> to vector<16xf32>
    tpu.vector_store %arg16[%swap3A_590], %swap3A_593 {strides = array<i32>} : memref<1000xf32, #tpu.memory_space<vmem>>, vector<16xf32>,
    %swap3A_594 = arith.constant 336 : index
    %swap3A_595 = tpu.vector_load %arg16[%swap3A_594] {strides = array<i32>} : memref<1000xf32, #tpu.memory_space<vmem>>, vector<16xf32>,
    %swap3A_596 = vector.shape_cast %swap3A_595 : vector<16xf32> to vector<16xf32>
    %swap3A_597 = vector.shape_cast %broadcast_in_dim3A_3 : vector<16xf32> to vector<16xf32>
    tpu.vector_store %arg16[%swap3A_594], %swap3A_597 {strides = array<i32>} : memref<1000xf32, #tpu.memory_space<vmem>>, vector<16xf32>,
    %swap3A_598 = arith.constant 352 : index
    %swap3A_599 = tpu.vector_load %arg16[%swap3A_598] {strides = array<i32>} : memref<1000xf32, #tpu.memory_space<vmem>>, vector<16xf32>,
    %swap3A_600 = vector.shape_cast %swap3A_599 : vector<16xf32> to vector<16xf32>
    %swap3A_601 = vector.shape_cast %broadcast_in_dim3A_3 : vector<16xf32> to vector<16xf32>
    tpu.vector_store %arg16[%swap3A_598], %swap3A_601 {strides = array<i32>} : memref<1000xf32, #tpu.memory_space<vmem>>, vector<16xf32>,
    %swap3A_602 = arith.constant 368 : index
    %swap3A_603 = tpu.vector_load %arg16[%swap3A_602] {strides = array<i32>} : memref<1000xf32, #tpu.memory_space<vmem>>, vector<16xf32>,
    %swap3A_604 = vector.shape_cast %swap3A_603 : vector<16xf32> to vector<16xf32>
    %swap3A_605 = vector.shape_cast %broadcast_in_dim3A_3 : vector<16xf32> to vector<16xf32>
    tpu.vector_store %arg16[%swap3A_602], %swap3A_605 {strides = array<i32>} : memref<1000xf32, #tpu.memory_space<vmem>>, vector<16xf32>,
    %swap3A_606 = arith.constant 384 : index
    %swap3A_607 = tpu.vector_load %arg16[%swap3A_606] {strides = array<i32>} : memref<1000xf32, #tpu.memory_space<vmem>>, vector<16xf32>,
    %swap3A_608 = vector.shape_cast %swap3A_607 : vector<16xf32> to vector<16xf32>
    %swap3A_609 = vector.shape_cast %broadcast_in_dim3A_3 : vector<16xf32> to vector<16xf32>
    tpu.vector_store %arg16[%swap3A_606], %swap3A_609 {strides = array<i32>} : memref<1000xf32, #tpu.memory_space<vmem>>, vector<16xf32>,
    %swap3A_610 = arith.constant 400 : index
    %swap3A_611 = tpu.vector_load %arg16[%swap3A_610] {strides = array<i32>} : memref<1000xf32, #tpu.memory_space<vmem>>, vector<16xf32>,
    %swap3A_612 = vector.shape_cast %swap3A_611 : vector<16xf32> to vector<16xf32>
    %swap3A_613 = vector.shape_cast %broadcast_in_dim3A_3 : vector<16xf32> to vector<16xf32>
    tpu.vector_store %arg16[%swap3A_610], %swap3A_613 {strides = array<i32>} : memref<1000xf32, #tpu.memory_space<vmem>>, vector<16xf32>,
    %swap3A_614 = arith.constant 416 : index
    %swap3A_615 = tpu.vector_load %arg16[%swap3A_614] {strides = array<i32>} : memref<1000xf32, #tpu.memory_space<vmem>>, vector<16xf32>,
    %swap3A_616 = vector.shape_cast %swap3A_615 : vector<16xf32> to vector<16xf32>
    %swap3A_617 = vector.shape_cast %broadcast_in_dim3A_3 : vector<16xf32> to vector<16xf32>
    tpu.vector_store %arg16[%swap3A_614], %swap3A_617 {strides = array<i32>} : memref<1000xf32, #tpu.memory_space<vmem>>, vector<16xf32>,
    %swap3A_618 = arith.constant 432 : index
    %swap3A_619 = tpu.vector_load %arg16[%swap3A_618] {strides = array<i32>} : memref<1000xf32, #tpu.memory_space<vmem>>, vector<16xf32>,
    %swap3A_620 = vector.shape_cast %swap3A_619 : vector<16xf32> to vector<16xf32>
    %swap3A_621 = vector.shape_cast %broadcast_in_dim3A_3 : vector<16xf32> to vector<16xf32>
    tpu.vector_store %arg16[%swap3A_618], %swap3A_621 {strides = array<i32>} : memref<1000xf32, #tpu.memory_space<vmem>>, vector<16xf32>,
    %swap3A_622 = arith.constant 448 : index
    %swap3A_623 = tpu.vector_load %arg16[%swap3A_622] {strides = array<i32>} : memref<1000xf32, #tpu.memory_space<vmem>>, vector<16xf32>,
    %swap3A_624 = vector.shape_cast %swap3A_623 : vector<16xf32> to vector<16xf32>
    %swap3A_625 = vector.shape_cast %broadcast_in_dim3A_3 : vector<16xf32> to vector<16xf32>
    tpu.vector_store %arg16[%swap3A_622], %swap3A_625 {strides = array<i32>} : memref<1000xf32, #tpu.memory_space<vmem>>, vector<16xf32>,
    %swap3A_626 = arith.constant 464 : index
    %swap3A_627 = tpu.vector_load %arg16[%swap3A_626] {strides = array<i32>} : memref<1000xf32, #tpu.memory_space<vmem>>, vector<16xf32>,
    %swap3A_628 = vector.shape_cast %swap3A_627 : vector<16xf32> to vector<16xf32>
    %swap3A_629 = vector.shape_cast %broadcast_in_dim3A_3 : vector<16xf32> to vector<16xf32>
    tpu.vector_store %arg16[%swap3A_626], %swap3A_629 {strides = array<i32>} : memref<1000xf32, #tpu.memory_space<vmem>>, vector<16xf32>,
    %swap3A_630 = arith.constant 480 : index
    %swap3A_631 = tpu.vector_load %arg16[%swap3A_630] {strides = array<i32>} : memref<1000xf32, #tpu.memory_space<vmem>>, vector<16xf32>,
    %swap3A_632 = vector.shape_cast %swap3A_631 : vector<16xf32> to vector<16xf32>
    %swap3A_633 = vector.shape_cast %broadcast_in_dim3A_3 : vector<16xf32> to vector<16xf32>
    tpu.vector_store %arg16[%swap3A_630], %swap3A_633 {strides = array<i32>} : memref<1000xf32, #tpu.memory_space<vmem>>, vector<16xf32>,
    %swap3A_634 = arith.constant 496 : index
    %swap3A_635 = tpu.vector_load %arg16[%swap3A_634] {strides = array<i32>} : memref<1000xf32, #tpu.memory_space<vmem>>, vector<16xf32>,
    %swap3A_636 = vector.shape_cast %swap3A_635 : vector<16xf32> to vector<16xf32>
    %swap3A_637 = vector.shape_cast %broadcast_in_dim3A_3 : vector<16xf32> to vector<16xf32>
    tpu.vector_store %arg16[%swap3A_634], %swap3A_637 {strides = array<i32>} : memref<1000xf32, #tpu.memory_space<vmem>>, vector<16xf32>,
    %swap3A_638 = arith.constant 512 : index
    %swap3A_639 = tpu.vector_load %arg16[%swap3A_638] {strides = array<i32>} : memref<1000xf32, #tpu.memory_space<vmem>>, vector<16xf32>,
    %swap3A_640 = vector.shape_cast %swap3A_639 : vector<16xf32> to vector<16xf32>
    %swap3A_641 = vector.shape_cast %broadcast_in_dim3A_3 : vector<16xf32> to vector<16xf32>
    tpu.vector_store %arg16[%swap3A_638], %swap3A_641 {strides = array<i32>} : memref<1000xf32, #tpu.memory_space<vmem>>, vector<16xf32>,
    %swap3A_642 = arith.constant 528 : index
    %swap3A_643 = tpu.vector_load %arg16[%swap3A_642] {strides = array<i32>} : memref<1000xf32, #tpu.memory_space<vmem>>, vector<16xf32>,
    %swap3A_644 = vector.shape_cast %swap3A_643 : vector<16xf32> to vector<16xf32>
    %swap3A_645 = vector.shape_cast %broadcast_in_dim3A_3 : vector<16xf32> to vector<16xf32>
    tpu.vector_store %arg16[%swap3A_642], %swap3A_645 {strides = array<i32>} : memref<1000xf32, #tpu.memory_space<vmem>>, vector<16xf32>,
    %swap3A_646 = arith.constant 544 : index
    %swap3A_647 = tpu.vector_load %arg16[%swap3A_646] {strides = array<i32>} : memref<1000xf32, #tpu.memory_space<vmem>>, vector<16xf32>,
    %swap3A_648 = vector.shape_cast %swap3A_647 : vector<16xf32> to vector<16xf32>
    %swap3A_649 = vector.shape_cast %broadcast_in_dim3A_3 : vector<16xf32> to vector<16xf32>
    tpu.vector_store %arg16[%swap3A_646], %swap3A_649 {strides = array<i32>} : memref<1000xf32, #tpu.memory_space<vmem>>, vector<16xf32>,
    %swap3A_650 = arith.constant 560 : index
    %swap3A_651 = tpu.vector_load %arg16[%swap3A_650] {strides = array<i32>} : memref<1000xf32, #tpu.memory_space<vmem>>, vector<16xf32>,
    %swap3A_652 = vector.shape_cast %swap3A_651 : vector<16xf32> to vector<16xf32>
    %swap3A_653 = vector.shape_cast %broadcast_in_dim3A_3 : vector<16xf32> to vector<16xf32>
    tpu.vector_store %arg16[%swap3A_650], %swap3A_653 {strides = array<i32>} : memref<1000xf32, #tpu.memory_space<vmem>>, vector<16xf32>,
    %swap3A_654 = arith.constant 576 : index
    %swap3A_655 = tpu.vector_load %arg16[%swap3A_654] {strides = array<i32>} : memref<1000xf32, #tpu.memory_space<vmem>>, vector<16xf32>,
    %swap3A_656 = vector.shape_cast %swap3A_655 : vector<16xf32> to vector<16xf32>
    %swap3A_657 = vector.shape_cast %broadcast_in_dim3A_3 : vector<16xf32> to vector<16xf32>
    tpu.vector_store %arg16[%swap3A_654], %swap3A_657 {strides = array<i32>} : memref<1000xf32, #tpu.memory_space<vmem>>, vector<16xf32>,
    %swap3A_658 = arith.constant 592 : index
    %swap3A_659 = tpu.vector_load %arg16[%swap3A_658] {strides = array<i32>} : memref<1000xf32, #tpu.memory_space<vmem>>, vector<16xf32>,
    %swap3A_660 = vector.shape_cast %swap3A_659 : vector<16xf32> to vector<16xf32>
    %swap3A_661 = vector.shape_cast %broadcast_in_dim3A_3 : vector<16xf32> to vector<16xf32>
    tpu.vector_store %arg16[%swap3A_658], %swap3A_661 {strides = array<i32>} : memref<1000xf32, #tpu.memory_space<vmem>>, vector<16xf32>,
    %swap3A_662 = arith.constant 608 : index
    %swap3A_663 = tpu.vector_load %arg16[%swap3A_662] {strides = array<i32>} : memref<1000xf32, #tpu.memory_space<vmem>>, vector<16xf32>,
    %swap3A_664 = vector.shape_cast %swap3A_663 : vector<16xf32> to vector<16xf32>
    %swap3A_665 = vector.shape_cast %broadcast_in_dim3A_3 : vector<16xf32> to vector<16xf32>
    tpu.vector_store %arg16[%swap3A_662], %swap3A_665 {strides = array<i32>} : memref<1000xf32, #tpu.memory_space<vmem>>, vector<16xf32>,
    %swap3A_666 = arith.constant 624 : index
    %swap3A_667 = tpu.vector_load %arg16[%swap3A_666] {strides = array<i32>} : memref<1000xf32, #tpu.memory_space<vmem>>, vector<16xf32>,
    %swap3A_668 = vector.shape_cast %swap3A_667 : vector<16xf32> to vector<16xf32>
    %swap3A_669 = vector.shape_cast %broadcast_in_dim3A_3 : vector<16xf32> to vector<16xf32>
    tpu.vector_store %arg16[%swap3A_666], %swap3A_669 {strides = array<i32>} : memref<1000xf32, #tpu.memory_space<vmem>>, vector<16xf32>,
    %swap3A_670 = arith.constant 640 : index
    %swap3A_671 = tpu.vector_load %arg16[%swap3A_670] {strides = array<i32>} : memref<1000xf32, #tpu.memory_space<vmem>>, vector<16xf32>,
    %swap3A_672 = vector.shape_cast %swap3A_671 : vector<16xf32> to vector<16xf32>
    %swap3A_673 = vector.shape_cast %broadcast_in_dim3A_3 : vector<16xf32> to vector<16xf32>
    tpu.vector_store %arg16[%swap3A_670], %swap3A_673 {strides = array<i32>} : memref<1000xf32, #tpu.memory_space<vmem>>, vector<16xf32>,
    %swap3A_674 = arith.constant 656 : index
    %swap3A_675 = tpu.vector_load %arg16[%swap3A_674] {strides = array<i32>} : memref<1000xf32, #tpu.memory_space<vmem>>, vector<16xf32>,
    %swap3A_676 = vector.shape_cast %swap3A_675 : vector<16xf32> to vector<16xf32>
    %swap3A_677 = vector.shape_cast %broadcast_in_dim3A_3 : vector<16xf32> to vector<16xf32>
    tpu.vector_store %arg16[%swap3A_674], %swap3A_677 {strides = array<i32>} : memref<1000xf32, #tpu.memory_space<vmem>>, vector<16xf32>,
    %swap3A_678 = arith.constant 672 : index
    %swap3A_679 = tpu.vector_load %arg16[%swap3A_678] {strides = array<i32>} : memref<1000xf32, #tpu.memory_space<vmem>>, vector<16xf32>,
    %swap3A_680 = vector.shape_cast %swap3A_679 : vector<16xf32> to vector<16xf32>
    %swap3A_681 = vector.shape_cast %broadcast_in_dim3A_3 : vector<16xf32> to vector<16xf32>
    tpu.vector_store %arg16[%swap3A_678], %swap3A_681 {strides = array<i32>} : memref<1000xf32, #tpu.memory_space<vmem>>, vector<16xf32>,
    %swap3A_682 = arith.constant 688 : index
    %swap3A_683 = tpu.vector_load %arg16[%swap3A_682] {strides = array<i32>} : memref<1000xf32, #tpu.memory_space<vmem>>, vector<16xf32>,
    %swap3A_684 = vector.shape_cast %swap3A_683 : vector<16xf32> to vector<16xf32>
    %swap3A_685 = vector.shape_cast %broadcast_in_dim3A_3 : vector<16xf32> to vector<16xf32>
    tpu.vector_store %arg16[%swap3A_682], %swap3A_685 {strides = array<i32>} : memref<1000xf32, #tpu.memory_space<vmem>>, vector<16xf32>,
    %swap3A_686 = arith.constant 704 : index
    %swap3A_687 = tpu.vector_load %arg16[%swap3A_686] {strides = array<i32>} : memref<1000xf32, #tpu.memory_space<vmem>>, vector<16xf32>,
    %swap3A_688 = vector.shape_cast %swap3A_687 : vector<16xf32> to vector<16xf32>
    %swap3A_689 = vector.shape_cast %broadcast_in_dim3A_3 : vector<16xf32> to vector<16xf32>
    tpu.vector_store %arg16[%swap3A_686], %swap3A_689 {strides = array<i32>} : memref<1000xf32, #tpu.memory_space<vmem>>, vector<16xf32>,
    %swap3A_690 = arith.constant 720 : index
    %swap3A_691 = tpu.vector_load %arg16[%swap3A_690] {strides = array<i32>} : memref<1000xf32, #tpu.memory_space<vmem>>, vector<16xf32>,
    %swap3A_692 = vector.shape_cast %swap3A_691 : vector<16xf32> to vector<16xf32>
    %swap3A_693 = vector.shape_cast %broadcast_in_dim3A_3 : vector<16xf32> to vector<16xf32>
    tpu.vector_store %arg16[%swap3A_690], %swap3A_693 {strides = array<i32>} : memref<1000xf32, #tpu.memory_space<vmem>>, vector<16xf32>,
    %swap3A_694 = arith.constant 736 : index
    %swap3A_695 = tpu.vector_load %arg16[%swap3A_694] {strides = array<i32>} : memref<1000xf32, #tpu.memory_space<vmem>>, vector<16xf32>,
    %swap3A_696 = vector.shape_cast %swap3A_695 : vector<16xf32> to vector<16xf32>
    %swap3A_697 = vector.shape_cast %broadcast_in_dim3A_3 : vector<16xf32> to vector<16xf32>
    tpu.vector_store %arg16[%swap3A_694], %swap3A_697 {strides = array<i32>} : memref<1000xf32, #tpu.memory_space<vmem>>, vector<16xf32>,
    %swap3A_698 = arith.constant 752 : index
    %swap3A_699 = tpu.vector_load %arg16[%swap3A_698] {strides = array<i32>} : memref<1000xf32, #tpu.memory_space<vmem>>, vector<16xf32>,
    %swap3A_700 = vector.shape_cast %swap3A_699 : vector<16xf32> to vector<16xf32>
    %swap3A_701 = vector.shape_cast %broadcast_in_dim3A_3 : vector<16xf32> to vector<16xf32>
    tpu.vector_store %arg16[%swap3A_698], %swap3A_701 {strides = array<i32>} : memref<1000xf32, #tpu.memory_space<vmem>>, vector<16xf32>,
    %swap3A_702 = arith.constant 768 : index
    %swap3A_703 = tpu.vector_load %arg16[%swap3A_702] {strides = array<i32>} : memref<1000xf32, #tpu.memory_space<vmem>>, vector<16xf32>,
    %swap3A_704 = vector.shape_cast %swap3A_703 : vector<16xf32> to vector<16xf32>
    %swap3A_705 = vector.shape_cast %broadcast_in_dim3A_3 : vector<16xf32> to vector<16xf32>
    tpu.vector_store %arg16[%swap3A_702], %swap3A_705 {strides = array<i32>} : memref<1000xf32, #tpu.memory_space<vmem>>, vector<16xf32>,
    %swap3A_706 = arith.constant 784 : index
    %swap3A_707 = tpu.vector_load %arg16[%swap3A_706] {strides = array<i32>} : memref<1000xf32, #tpu.memory_space<vmem>>, vector<16xf32>,
    %swap3A_708 = vector.shape_cast %swap3A_707 : vector<16xf32> to vector<16xf32>
    %swap3A_709 = vector.shape_cast %broadcast_in_dim3A_3 : vector<16xf32> to vector<16xf32>
    tpu.vector_store %arg16[%swap3A_706], %swap3A_709 {strides = array<i32>} : memref<1000xf32, #tpu.memory_space<vmem>>, vector<16xf32>,
    %swap3A_710 = arith.constant 800 : index
    %swap3A_711 = tpu.vector_load %arg16[%swap3A_710] {strides = array<i32>} : memref<1000xf32, #tpu.memory_space<vmem>>, vector<16xf32>,
    %swap3A_712 = vector.shape_cast %swap3A_711 : vector<16xf32> to vector<16xf32>
    %swap3A_713 = vector.shape_cast %broadcast_in_dim3A_3 : vector<16xf32> to vector<16xf32>
    tpu.vector_store %arg16[%swap3A_710], %swap3A_713 {strides = array<i32>} : memref<1000xf32, #tpu.memory_space<vmem>>, vector<16xf32>,
    %swap3A_714 = arith.constant 816 : index
    %swap3A_715 = tpu.vector_load %arg16[%swap3A_714] {strides = array<i32>} : memref<1000xf32, #tpu.memory_space<vmem>>, vector<16xf32>,
    %swap3A_716 = vector.shape_cast %swap3A_715 : vector<16xf32> to vector<16xf32>
    %swap3A_717 = vector.shape_cast %broadcast_in_dim3A_3 : vector<16xf32> to vector<16xf32>
    tpu.vector_store %arg16[%swap3A_714], %swap3A_717 {strides = array<i32>} : memref<1000xf32, #tpu.memory_space<vmem>>, vector<16xf32>,
    %swap3A_718 = arith.constant 832 : index
    %swap3A_719 = tpu.vector_load %arg16[%swap3A_718] {strides = array<i32>} : memref<1000xf32, #tpu.memory_space<vmem>>, vector<16xf32>,
    %swap3A_720 = vector.shape_cast %swap3A_719 : vector<16xf32> to vector<16xf32>
    %swap3A_721 = vector.shape_cast %broadcast_in_dim3A_3 : vector<16xf32> to vector<16xf32>
    tpu.vector_store %arg16[%swap3A_718], %swap3A_721 {strides = array<i32>} : memref<1000xf32, #tpu.memory_space<vmem>>, vector<16xf32>,
    %swap3A_722 = arith.constant 848 : index
    %swap3A_723 = tpu.vector_load %arg16[%swap3A_722] {strides = array<i32>} : memref<1000xf32, #tpu.memory_space<vmem>>, vector<16xf32>,
    %swap3A_724 = vector.shape_cast %swap3A_723 : vector<16xf32> to vector<16xf32>
    %swap3A_725 = vector.shape_cast %broadcast_in_dim3A_3 : vector<16xf32> to vector<16xf32>
    tpu.vector_store %arg16[%swap3A_722], %swap3A_725 {strides = array<i32>} : memref<1000xf32, #tpu.memory_space<vmem>>, vector<16xf32>,
    %swap3A_726 = arith.constant 864 : index
    %swap3A_727 = tpu.vector_load %arg16[%swap3A_726] {strides = array<i32>} : memref<1000xf32, #tpu.memory_space<vmem>>, vector<16xf32>,
    %swap3A_728 = vector.shape_cast %swap3A_727 : vector<16xf32> to vector<16xf32>
    %swap3A_729 = vector.shape_cast %broadcast_in_dim3A_3 : vector<16xf32> to vector<16xf32>
    tpu.vector_store %arg16[%swap3A_726], %swap3A_729 {strides = array<i32>} : memref<1000xf32, #tpu.memory_space<vmem>>, vector<16xf32>,
    %swap3A_730 = arith.constant 880 : index
    %swap3A_731 = tpu.vector_load %arg16[%swap3A_730] {strides = array<i32>} : memref<1000xf32, #tpu.memory_space<vmem>>, vector<16xf32>,
    %swap3A_732 = vector.shape_cast %swap3A_731 : vector<16xf32> to vector<16xf32>
    %swap3A_733 = vector.shape_cast %broadcast_in_dim3A_3 : vector<16xf32> to vector<16xf32>
    tpu.vector_store %arg16[%swap3A_730], %swap3A_733 {strides = array<i32>} : memref<1000xf32, #tpu.memory_space<vmem>>, vector<16xf32>,
    %swap3A_734 = arith.constant 896 : index
    %swap3A_735 = tpu.vector_load %arg16[%swap3A_734] {strides = array<i32>} : memref<1000xf32, #tpu.memory_space<vmem>>, vector<16xf32>,
    %swap3A_736 = vector.shape_cast %swap3A_735 : vector<16xf32> to vector<16xf32>
    %swap3A_737 = vector.shape_cast %broadcast_in_dim3A_3 : vector<16xf32> to vector<16xf32>
    tpu.vector_store %arg16[%swap3A_734], %swap3A_737 {strides = array<i32>} : memref<1000xf32, #tpu.memory_space<vmem>>, vector<16xf32>,
    %swap3A_738 = arith.constant 912 : index
    %swap3A_739 = tpu.vector_load %arg16[%swap3A_738] {strides = array<i32>} : memref<1000xf32, #tpu.memory_space<vmem>>, vector<16xf32>,
    %swap3A_740 = vector.shape_cast %swap3A_739 : vector<16xf32> to vector<16xf32>
    %swap3A_741 = vector.shape_cast %broadcast_in_dim3A_3 : vector<16xf32> to vector<16xf32>
    tpu.vector_store %arg16[%swap3A_738], %swap3A_741 {strides = array<i32>} : memref<1000xf32, #tpu.memory_space<vmem>>, vector<16xf32>,
    %swap3A_742 = arith.constant 928 : index
    %swap3A_743 = tpu.vector_load %arg16[%swap3A_742] {strides = array<i32>} : memref<1000xf32, #tpu.memory_space<vmem>>, vector<16xf32>,
    %swap3A_744 = vector.shape_cast %swap3A_743 : vector<16xf32> to vector<16xf32>
    %swap3A_745 = vector.shape_cast %broadcast_in_dim3A_3 : vector<16xf32> to vector<16xf32>
    tpu.vector_store %arg16[%swap3A_742], %swap3A_745 {strides = array<i32>} : memref<1000xf32, #tpu.memory_space<vmem>>, vector<16xf32>,
    %swap3A_746 = arith.constant 944 : index
    %swap3A_747 = tpu.vector_load %arg16[%swap3A_746] {strides = array<i32>} : memref<1000xf32, #tpu.memory_space<vmem>>, vector<16xf32>,
    %swap3A_748 = vector.shape_cast %swap3A_747 : vector<16xf32> to vector<16xf32>
    %swap3A_749 = vector.shape_cast %broadcast_in_dim3A_3 : vector<16xf32> to vector<16xf32>
    tpu.vector_store %arg16[%swap3A_746], %swap3A_749 {strides = array<i32>} : memref<1000xf32, #tpu.memory_space<vmem>>, vector<16xf32>,
    %swap3A_750 = arith.constant 960 : index
    %swap3A_751 = tpu.vector_load %arg16[%swap3A_750] {strides = array<i32>} : memref<1000xf32, #tpu.memory_space<vmem>>, vector<16xf32>,
    %swap3A_752 = vector.shape_cast %swap3A_751 : vector<16xf32> to vector<16xf32>
    %swap3A_753 = vector.shape_cast %broadcast_in_dim3A_3 : vector<16xf32> to vector<16xf32>
    tpu.vector_store %arg16[%swap3A_750], %swap3A_753 {strides = array<i32>} : memref<1000xf32, #tpu.memory_space<vmem>>, vector<16xf32>,
    %swap3A_754 = arith.constant 976 : index
    %swap3A_755 = tpu.vector_load %arg16[%swap3A_754] {strides = array<i32>} : memref<1000xf32, #tpu.memory_space<vmem>>, vector<16xf32>,
    %swap3A_756 = vector.shape_cast %swap3A_755 : vector<16xf32> to vector<16xf32>
    %swap3A_757 = vector.shape_cast %broadcast_in_dim3A_3 : vector<16xf32> to vector<16xf32>
    tpu.vector_store %arg16[%swap3A_754], %swap3A_757 {strides = array<i32>} : memref<1000xf32, #tpu.memory_space<vmem>>, vector<16xf32>,
    %swap3A_758 = arith.constant 984 : index
    %swap3A_759 = tpu.vector_load %arg16[%swap3A_758] {strides = array<i32>} : memref<1000xf32, #tpu.memory_space<vmem>>, vector<16xf32>,
    %swap3A_760 = vector.shape_cast %swap3A_759 : vector<16xf32> to vector<16xf32>
    %swap3A_761 = vector.shape_cast %broadcast_in_dim3A_3 : vector<16xf32> to vector<16xf32>
    tpu.vector_store %arg16[%swap3A_758], %swap3A_761 {strides = array<i32>} : memref<1000xf32, #tpu.memory_space<vmem>>, vector<16xf32>,
    %add3A_762 = arith.constant 0 : i32
    %add3A_763 = arith.addi %arg1, %add3A_762 : i32
    %min3A_764 = arith.constant 99 : i32
    %min3A_765 = arith.minsi %add3A_763, %min3A_764 : i32
    %dma_start3A_766 = arith.constant 0 : i32
    %dma_start3A_767 = tpu.memref_slice %arg6[%min3A_765, %dma_start3A_766] : memref<100x1000xf32, #tpu.memory_space<vmem_shared>> -> memref<1x1000xf32, #tpu.memory_space<vmem_shared>>
    %dma_start3A_768 = tpu.memref_squeeze %dma_start3A_767 : memref<1x1000xf32, #tpu.memory_space<vmem_shared>> -> memref<1000xf32, #tpu.memory_space<vmem_shared>>
    %dma_start3A_769 = arith.constant 0 : i32
    %dma_start3A_770 = tpu.memref_slice %arg6[%min3A_765, %dma_start3A_769] : memref<100x1000xf32, #tpu.memory_space<vmem_shared>> -> memref<1x1000xf32, #tpu.memory_space<vmem_shared>>
    %dma_start3A_771 = tpu.memref_squeeze %dma_start3A_770 : memref<1x1000xf32, #tpu.memory_space<vmem_shared>> -> memref<1000xf32, #tpu.memory_space<vmem_shared>>
    tpu.enqueue_dma source(%arg16 : memref<1000xf32, #tpu.memory_space<vmem>>) target(%dma_start3A_771 : memref<1000xf32, #tpu.memory_space<vmem_shared>>) target_semaphore(%arg20 : memref<!tpu.dma_semaphore, #tpu.memory_space<semaphore_mem>>)
    %add3A_772 = arith.constant 16 : i32
    %add3A_773 = arith.addi %arg1, %add3A_772 : i32
    %min3A_774 = arith.constant 99 : i32
    %min3A_775 = arith.minsi %add3A_773, %min3A_774 : i32
    %dma_start3A_776 = arith.constant 0 : i32
    %dma_start3A_777 = tpu.memref_slice %arg6[%min3A_775, %dma_start3A_776] : memref<100x1000xf32, #tpu.memory_space<vmem_shared>> -> memref<1x1000xf32, #tpu.memory_space<vmem_shared>>
    %dma_start3A_778 = tpu.memref_squeeze %dma_start3A_777 : memref<1x1000xf32, #tpu.memory_space<vmem_shared>> -> memref<1000xf32, #tpu.memory_space<vmem_shared>>
    %dma_start3A_779 = arith.constant 0 : i32
    %dma_start3A_780 = tpu.memref_slice %arg6[%min3A_775, %dma_start3A_779] : memref<100x1000xf32, #tpu.memory_space<vmem_shared>> -> memref<1x1000xf32, #tpu.memory_space<vmem_shared>>
    %dma_start3A_781 = tpu.memref_squeeze %dma_start3A_780 : memref<1x1000xf32, #tpu.memory_space<vmem_shared>> -> memref<1000xf32, #tpu.memory_space<vmem_shared>>
    tpu.enqueue_dma source(%arg16 : memref<1000xf32, #tpu.memory_space<vmem>>) target(%dma_start3A_781 : memref<1000xf32, #tpu.memory_space<vmem_shared>>) target_semaphore(%arg20 : memref<!tpu.dma_semaphore, #tpu.memory_space<semaphore_mem>>)
    %add3A_782 = arith.constant 32 : i32
    %add3A_783 = arith.addi %arg1, %add3A_782 : i32
    %min3A_784 = arith.constant 99 : i32
    %min3A_785 = arith.minsi %add3A_783, %min3A_784 : i32
    %dma_start3A_786 = arith.constant 0 : i32
    %dma_start3A_787 = tpu.memref_slice %arg6[%min3A_785, %dma_start3A_786] : memref<100x1000xf32, #tpu.memory_space<vmem_shared>> -> memref<1x1000xf32, #tpu.memory_space<vmem_shared>>
    %dma_start3A_788 = tpu.memref_squeeze %dma_start3A_787 : memref<1x1000xf32, #tpu.memory_space<vmem_shared>> -> memref<1000xf32, #tpu.memory_space<vmem_shared>>
    %dma_start3A_789 = arith.constant 0 : i32
    %dma_start3A_790 = tpu.memref_slice %arg6[%min3A_785, %dma_start3A_789] : memref<100x1000xf32, #tpu.memory_space<vmem_shared>> -> memref<1x1000xf32, #tpu.memory_space<vmem_shared>>
    %dma_start3A_791 = tpu.memref_squeeze %dma_start3A_790 : memref<1x1000xf32, #tpu.memory_space<vmem_shared>> -> memref<1000xf32, #tpu.memory_space<vmem_shared>>
    tpu.enqueue_dma source(%arg16 : memref<1000xf32, #tpu.memory_space<vmem>>) target(%dma_start3A_791 : memref<1000xf32, #tpu.memory_space<vmem_shared>>) target_semaphore(%arg20 : memref<!tpu.dma_semaphore, #tpu.memory_space<semaphore_mem>>)
    %add3A_792 = arith.constant 48 : i32
    %add3A_793 = arith.addi %arg1, %add3A_792 : i32
    %min3A_794 = arith.constant 99 : i32
    %min3A_795 = arith.minsi %add3A_793, %min3A_794 : i32
    %dma_start3A_796 = arith.constant 0 : i32
    %dma_start3A_797 = tpu.memref_slice %arg6[%min3A_795, %dma_start3A_796] : memref<100x1000xf32, #tpu.memory_space<vmem_shared>> -> memref<1x1000xf32, #tpu.memory_space<vmem_shared>>
    %dma_start3A_798 = tpu.memref_squeeze %dma_start3A_797 : memref<1x1000xf32, #tpu.memory_space<vmem_shared>> -> memref<1000xf32, #tpu.memory_space<vmem_shared>>
    %dma_start3A_799 = arith.constant 0 : i32
    %dma_start3A_800 = tpu.memref_slice %arg6[%min3A_795, %dma_start3A_799] : memref<100x1000xf32, #tpu.memory_space<vmem_shared>> -> memref<1x1000xf32, #tpu.memory_space<vmem_shared>>
    %dma_start3A_801 = tpu.memref_squeeze %dma_start3A_800 : memref<1x1000xf32, #tpu.memory_space<vmem_shared>> -> memref<1000xf32, #tpu.memory_space<vmem_shared>>
    tpu.enqueue_dma source(%arg16 : memref<1000xf32, #tpu.memory_space<vmem>>) target(%dma_start3A_801 : memref<1000xf32, #tpu.memory_space<vmem_shared>>) target_semaphore(%arg20 : memref<!tpu.dma_semaphore, #tpu.memory_space<semaphore_mem>>)
    %add3A_802 = arith.constant 64 : i32
    %add3A_803 = arith.addi %arg1, %add3A_802 : i32
    %min3A_804 = arith.constant 99 : i32
    %min3A_805 = arith.minsi %add3A_803, %min3A_804 : i32
    %dma_start3A_806 = arith.constant 0 : i32
    %dma_start3A_807 = tpu.memref_slice %arg6[%min3A_805, %dma_start3A_806] : memref<100x1000xf32, #tpu.memory_space<vmem_shared>> -> memref<1x1000xf32, #tpu.memory_space<vmem_shared>>
    %dma_start3A_808 = tpu.memref_squeeze %dma_start3A_807 : memref<1x1000xf32, #tpu.memory_space<vmem_shared>> -> memref<1000xf32, #tpu.memory_space<vmem_shared>>
    %dma_start3A_809 = arith.constant 0 : i32
    %dma_start3A_810 = tpu.memref_slice %arg6[%min3A_805, %dma_start3A_809] : memref<100x1000xf32, #tpu.memory_space<vmem_shared>> -> memref<1x1000xf32, #tpu.memory_space<vmem_shared>>
    %dma_start3A_811 = tpu.memref_squeeze %dma_start3A_810 : memref<1x1000xf32, #tpu.memory_space<vmem_shared>> -> memref<1000xf32, #tpu.memory_space<vmem_shared>>
    tpu.enqueue_dma source(%arg16 : memref<1000xf32, #tpu.memory_space<vmem>>) target(%dma_start3A_811 : memref<1000xf32, #tpu.memory_space<vmem_shared>>) target_semaphore(%arg20 : memref<!tpu.dma_semaphore, #tpu.memory_space<semaphore_mem>>)
    %add3A_812 = arith.constant 80 : i32
    %add3A_813 = arith.addi %arg1, %add3A_812 : i32
    %min3A_814 = arith.constant 99 : i32
    %min3A_815 = arith.minsi %add3A_813, %min3A_814 : i32
    %dma_start3A_816 = arith.constant 0 : i32
    %dma_start3A_817 = tpu.memref_slice %arg6[%min3A_815, %dma_start3A_816] : memref<100x1000xf32, #tpu.memory_space<vmem_shared>> -> memref<1x1000xf32, #tpu.memory_space<vmem_shared>>
    %dma_start3A_818 = tpu.memref_squeeze %dma_start3A_817 : memref<1x1000xf32, #tpu.memory_space<vmem_shared>> -> memref<1000xf32, #tpu.memory_space<vmem_shared>>
    %dma_start3A_819 = arith.constant 0 : i32
    %dma_start3A_820 = tpu.memref_slice %arg6[%min3A_815, %dma_start3A_819] : memref<100x1000xf32, #tpu.memory_space<vmem_shared>> -> memref<1x1000xf32, #tpu.memory_space<vmem_shared>>
    %dma_start3A_821 = tpu.memref_squeeze %dma_start3A_820 : memref<1x1000xf32, #tpu.memory_space<vmem_shared>> -> memref<1000xf32, #tpu.memory_space<vmem_shared>>
    tpu.enqueue_dma source(%arg16 : memref<1000xf32, #tpu.memory_space<vmem>>) target(%dma_start3A_821 : memref<1000xf32, #tpu.memory_space<vmem_shared>>) target_semaphore(%arg20 : memref<!tpu.dma_semaphore, #tpu.memory_space<semaphore_mem>>)
    %add3A_822 = arith.constant 96 : i32
    %add3A_823 = arith.addi %arg1, %add3A_822 : i32
    %min3A_824 = arith.constant 99 : i32
    %min3A_825 = arith.minsi %add3A_823, %min3A_824 : i32
    %dma_start3A_826 = arith.constant 0 : i32
    %dma_start3A_827 = tpu.memref_slice %arg6[%min3A_825, %dma_start3A_826] : memref<100x1000xf32, #tpu.memory_space<vmem_shared>> -> memref<1x1000xf32, #tpu.memory_space<vmem_shared>>
    %dma_start3A_828 = tpu.memref_squeeze %dma_start3A_827 : memref<1x1000xf32, #tpu.memory_space<vmem_shared>> -> memref<1000xf32, #tpu.memory_space<vmem_shared>>
    %dma_start3A_829 = arith.constant 0 : i32
    %dma_start3A_830 = tpu.memref_slice %arg6[%min3A_825, %dma_start3A_829] : memref<100x1000xf32, #tpu.memory_space<vmem_shared>> -> memref<1x1000xf32, #tpu.memory_space<vmem_shared>>
    %dma_start3A_831 = tpu.memref_squeeze %dma_start3A_830 : memref<1x1000xf32, #tpu.memory_space<vmem_shared>> -> memref<1000xf32, #tpu.memory_space<vmem_shared>>
    tpu.enqueue_dma source(%arg16 : memref<1000xf32, #tpu.memory_space<vmem>>) target(%dma_start3A_831 : memref<1000xf32, #tpu.memory_space<vmem_shared>>) target_semaphore(%arg20 : memref<!tpu.dma_semaphore, #tpu.memory_space<semaphore_mem>>)
    %dma_wait3A = arith.constant 0 : i32
    %dma_wait3A_832 = tpu.memref_slice %arg6[%min3A_765, %dma_wait3A] : memref<100x1000xf32, #tpu.memory_space<vmem_shared>> -> memref<1x1000xf32, #tpu.memory_space<vmem_shared>>
    %dma_wait3A_833 = tpu.memref_squeeze %dma_wait3A_832 : memref<1x1000xf32, #tpu.memory_space<vmem_shared>> -> memref<1000xf32, #tpu.memory_space<vmem_shared>>
    %dma_wait3A_834 = arith.constant 0 : i32
    %dma_wait3A_835 = tpu.memref_slice %arg6[%min3A_765, %dma_wait3A_834] : memref<100x1000xf32, #tpu.memory_space<vmem_shared>> -> memref<1x1000xf32, #tpu.memory_space<vmem_shared>>
    %dma_wait3A_836 = tpu.memref_squeeze %dma_wait3A_835 : memref<1x1000xf32, #tpu.memory_space<vmem_shared>> -> memref<1000xf32, #tpu.memory_space<vmem_shared>>
    tpu.wait_dma2 semaphore(%arg20 : memref<!tpu.dma_semaphore, #tpu.memory_space<semaphore_mem>>) src(%arg16 : memref<1000xf32, #tpu.memory_space<vmem>>) dst(%dma_wait3A_836 : memref<1000xf32, #tpu.memory_space<vmem_shared>>)
    %dma_wait3A_837 = arith.constant 0 : i32
    %dma_wait3A_838 = tpu.memref_slice %arg6[%min3A_775, %dma_wait3A_837] : memref<100x1000xf32, #tpu.memory_space<vmem_shared>> -> memref<1x1000xf32, #tpu.memory_space<vmem_shared>>
    %dma_wait3A_839 = tpu.memref_squeeze %dma_wait3A_838 : memref<1x1000xf32, #tpu.memory_space<vmem_shared>> -> memref<1000xf32, #tpu.memory_space<vmem_shared>>
    %dma_wait3A_840 = arith.constant 0 : i32
    %dma_wait3A_841 = tpu.memref_slice %arg6[%min3A_775, %dma_wait3A_840] : memref<100x1000xf32, #tpu.memory_space<vmem_shared>> -> memref<1x1000xf32, #tpu.memory_space<vmem_shared>>
    %dma_wait3A_842 = tpu.memref_squeeze %dma_wait3A_841 : memref<1x1000xf32, #tpu.memory_space<vmem_shared>> -> memref<1000xf32, #tpu.memory_space<vmem_shared>>
    tpu.wait_dma2 semaphore(%arg20 : memref<!tpu.dma_semaphore, #tpu.memory_space<semaphore_mem>>) src(%arg16 : memref<1000xf32, #tpu.memory_space<vmem>>) dst(%dma_wait3A_842 : memref<1000xf32, #tpu.memory_space<vmem_shared>>)
    %dma_wait3A_843 = arith.constant 0 : i32
    %dma_wait3A_844 = tpu.memref_slice %arg6[%min3A_785, %dma_wait3A_843] : memref<100x1000xf32, #tpu.memory_space<vmem_shared>> -> memref<1x1000xf32, #tpu.memory_space<vmem_shared>>
    %dma_wait3A_845 = tpu.memref_squeeze %dma_wait3A_844 : memref<1x1000xf32, #tpu.memory_space<vmem_shared>> -> memref<1000xf32, #tpu.memory_space<vmem_shared>>
    %dma_wait3A_846 = arith.constant 0 : i32
    %dma_wait3A_847 = tpu.memref_slice %arg6[%min3A_785, %dma_wait3A_846] : memref<100x1000xf32, #tpu.memory_space<vmem_shared>> -> memref<1x1000xf32, #tpu.memory_space<vmem_shared>>
    %dma_wait3A_848 = tpu.memref_squeeze %dma_wait3A_847 : memref<1x1000xf32, #tpu.memory_space<vmem_shared>> -> memref<1000xf32, #tpu.memory_space<vmem_shared>>
    tpu.wait_dma2 semaphore(%arg20 : memref<!tpu.dma_semaphore, #tpu.memory_space<semaphore_mem>>) src(%arg16 : memref<1000xf32, #tpu.memory_space<vmem>>) dst(%dma_wait3A_848 : memref<1000xf32, #tpu.memory_space<vmem_shared>>)
    %dma_wait3A_849 = arith.constant 0 : i32
    %dma_wait3A_850 = tpu.memref_slice %arg6[%min3A_795, %dma_wait3A_849] : memref<100x1000xf32, #tpu.memory_space<vmem_shared>> -> memref<1x1000xf32, #tpu.memory_space<vmem_shared>>
    %dma_wait3A_851 = tpu.memref_squeeze %dma_wait3A_850 : memref<1x1000xf32, #tpu.memory_space<vmem_shared>> -> memref<1000xf32, #tpu.memory_space<vmem_shared>>
    %dma_wait3A_852 = arith.constant 0 : i32
    %dma_wait3A_853 = tpu.memref_slice %arg6[%min3A_795, %dma_wait3A_852] : memref<100x1000xf32, #tpu.memory_space<vmem_shared>> -> memref<1x1000xf32, #tpu.memory_space<vmem_shared>>
    %dma_wait3A_854 = tpu.memref_squeeze %dma_wait3A_853 : memref<1x1000xf32, #tpu.memory_space<vmem_shared>> -> memref<1000xf32, #tpu.memory_space<vmem_shared>>
    tpu.wait_dma2 semaphore(%arg20 : memref<!tpu.dma_semaphore, #tpu.memory_space<semaphore_mem>>) src(%arg16 : memref<1000xf32, #tpu.memory_space<vmem>>) dst(%dma_wait3A_854 : memref<1000xf32, #tpu.memory_space<vmem_shared>>)
    %dma_wait3A_855 = arith.constant 0 : i32
    %dma_wait3A_856 = tpu.memref_slice %arg6[%min3A_805, %dma_wait3A_855] : memref<100x1000xf32, #tpu.memory_space<vmem_shared>> -> memref<1x1000xf32, #tpu.memory_space<vmem_shared>>
    %dma_wait3A_857 = tpu.memref_squeeze %dma_wait3A_856 : memref<1x1000xf32, #tpu.memory_space<vmem_shared>> -> memref<1000xf32, #tpu.memory_space<vmem_shared>>
    %dma_wait3A_858 = arith.constant 0 : i32
    %dma_wait3A_859 = tpu.memref_slice %arg6[%min3A_805, %dma_wait3A_858] : memref<100x1000xf32, #tpu.memory_space<vmem_shared>> -> memref<1x1000xf32, #tpu.memory_space<vmem_shared>>
    %dma_wait3A_860 = tpu.memref_squeeze %dma_wait3A_859 : memref<1x1000xf32, #tpu.memory_space<vmem_shared>> -> memref<1000xf32, #tpu.memory_space<vmem_shared>>
    tpu.wait_dma2 semaphore(%arg20 : memref<!tpu.dma_semaphore, #tpu.memory_space<semaphore_mem>>) src(%arg16 : memref<1000xf32, #tpu.memory_space<vmem>>) dst(%dma_wait3A_860 : memref<1000xf32, #tpu.memory_space<vmem_shared>>)
    %dma_wait3A_861 = arith.constant 0 : i32
    %dma_wait3A_862 = tpu.memref_slice %arg6[%min3A_815, %dma_wait3A_861] : memref<100x1000xf32, #tpu.memory_space<vmem_shared>> -> memref<1x1000xf32, #tpu.memory_space<vmem_shared>>
    %dma_wait3A_863 = tpu.memref_squeeze %dma_wait3A_862 : memref<1x1000xf32, #tpu.memory_space<vmem_shared>> -> memref<1000xf32, #tpu.memory_space<vmem_shared>>
    %dma_wait3A_864 = arith.constant 0 : i32
    %dma_wait3A_865 = tpu.memref_slice %arg6[%min3A_815, %dma_wait3A_864] : memref<100x1000xf32, #tpu.memory_space<vmem_shared>> -> memref<1x1000xf32, #tpu.memory_space<vmem_shared>>
    %dma_wait3A_866 = tpu.memref_squeeze %dma_wait3A_865 : memref<1x1000xf32, #tpu.memory_space<vmem_shared>> -> memref<1000xf32, #tpu.memory_space<vmem_shared>>
    tpu.wait_dma2 semaphore(%arg20 : memref<!tpu.dma_semaphore, #tpu.memory_space<semaphore_mem>>) src(%arg16 : memref<1000xf32, #tpu.memory_space<vmem>>) dst(%dma_wait3A_866 : memref<1000xf32, #tpu.memory_space<vmem_shared>>)
    %dma_wait3A_867 = arith.constant 0 : i32
    %dma_wait3A_868 = tpu.memref_slice %arg6[%min3A_825, %dma_wait3A_867] : memref<100x1000xf32, #tpu.memory_space<vmem_shared>> -> memref<1x1000xf32, #tpu.memory_space<vmem_shared>>
    %dma_wait3A_869 = tpu.memref_squeeze %dma_wait3A_868 : memref<1x1000xf32, #tpu.memory_space<vmem_shared>> -> memref<1000xf32, #tpu.memory_space<vmem_shared>>
    %dma_wait3A_870 = arith.constant 0 : i32
    %dma_wait3A_871 = tpu.memref_slice %arg6[%min3A_825, %dma_wait3A_870] : memref<100x1000xf32, #tpu.memory_space<vmem_shared>> -> memref<1x1000xf32, #tpu.memory_space<vmem_shared>>
    %dma_wait3A_872 = tpu.memref_squeeze %dma_wait3A_871 : memref<1x1000xf32, #tpu.memory_space<vmem_shared>> -> memref<1000xf32, #tpu.memory_space<vmem_shared>>
    tpu.wait_dma2 semaphore(%arg20 : memref<!tpu.dma_semaphore, #tpu.memory_space<semaphore_mem>>) src(%arg16 : memref<1000xf32, #tpu.memory_space<vmem>>) dst(%dma_wait3A_872 : memref<1000xf32, #tpu.memory_space<vmem_shared>>)
    "tpu.trace_stop"() : () -> ()
    "tpu.trace_start"() <{level = 10 : i32, message = "ph_bar1"}> : () -> ()
    %barrier3A = arith.constant 0 : index
    tpu.barrier barrier_id(%barrier3A)
    %lt3A = arith.constant 4 : i32
    "tpu.trace_stop"() : () -> ()
    %lt3A_873 = arith.cmpi slt, %arg1, %lt3A : i32
    %jit3A = arith.constant 7 : i32
    %jit3A_874 = arith.constant 6 : i32
    %select_n3A = arith.select %lt3A_873, %jit3A, %jit3A_874 : i32
    %dma_wait3A_875 = arith.constant 0 : i32
    "tpu.trace_start"() <{level = 10 : i32, message = "ph_A_softmax"}> : () -> ()
    %dma_wait3A_876 = arith.constant 0 : i32
    %dma_wait3A_877 = tpu.memref_slice %arg13[%dma_wait3A_875, %dma_wait3A_876] : memref<16x1000xf32, #tpu.memory_space<vmem>> -> memref<1x1000xf32, #tpu.memory_space<vmem>>
    %dma_wait3A_878 = tpu.memref_squeeze %dma_wait3A_877 : memref<1x1000xf32, #tpu.memory_space<vmem>> -> memref<1000xf32, #tpu.memory_space<vmem>>
    %dma_wait3A_879 = arith.constant 0 : i32
    %dma_wait3A_880 = tpu.memref_slice %arg4[%min3A_19, %dma_wait3A_879] : memref<100x1000xf32, #tpu.memory_space<hbm>> -> memref<1x1000xf32, #tpu.memory_space<hbm>>
    %dma_wait3A_881 = tpu.memref_squeeze %dma_wait3A_880 : memref<1x1000xf32, #tpu.memory_space<hbm>> -> memref<1000xf32, #tpu.memory_space<hbm>>
    %dma_wait3A_882 = arith.constant 0 : i32
    %dma_wait3A_883 = tpu.memref_slice %arg13[%dma_wait3A_875, %dma_wait3A_882] : memref<16x1000xf32, #tpu.memory_space<vmem>> -> memref<1x1000xf32, #tpu.memory_space<vmem>>
    %dma_wait3A_884 = tpu.memref_squeeze %dma_wait3A_883 : memref<1x1000xf32, #tpu.memory_space<vmem>> -> memref<1000xf32, #tpu.memory_space<vmem>>
    %dma_wait3A_885 = arith.constant 0 : i32
    %dma_wait3A_886 = tpu.memref_slice %arg4[%min3A_19, %dma_wait3A_885] : memref<100x1000xf32, #tpu.memory_space<hbm>> -> memref<1x1000xf32, #tpu.memory_space<hbm>>
    %dma_wait3A_887 = tpu.memref_squeeze %dma_wait3A_886 : memref<1x1000xf32, #tpu.memory_space<hbm>> -> memref<1000xf32, #tpu.memory_space<hbm>>
    tpu.wait_dma2 semaphore(%arg19 : memref<!tpu.dma_semaphore, #tpu.memory_space<semaphore_mem>>) src(%dma_wait3A_887 : memref<1000xf32, #tpu.memory_space<hbm>>) dst(%dma_wait3A_884 : memref<1000xf32, #tpu.memory_space<vmem>>)
    %dma_wait3A_888 = arith.constant 1 : i32
    %dma_wait3A_889 = arith.constant 0 : i32
    %dma_wait3A_890 = tpu.memref_slice %arg13[%dma_wait3A_888, %dma_wait3A_889] : memref<16x1000xf32, #tpu.memory_space<vmem>> -> memref<1x1000xf32, #tpu.memory_space<vmem>>
    %dma_wait3A_891 = tpu.memref_squeeze %dma_wait3A_890 : memref<1x1000xf32, #tpu.memory_space<vmem>> -> memref<1000xf32, #tpu.memory_space<vmem>>
    %dma_wait3A_892 = arith.constant 0 : i32
    %dma_wait3A_893 = tpu.memref_slice %arg4[%min3A_35, %dma_wait3A_892] : memref<100x1000xf32, #tpu.memory_space<hbm>> -> memref<1x1000xf32, #tpu.memory_space<hbm>>
    %dma_wait3A_894 = tpu.memref_squeeze %dma_wait3A_893 : memref<1x1000xf32, #tpu.memory_space<hbm>> -> memref<1000xf32, #tpu.memory_space<hbm>>
    %dma_wait3A_895 = arith.constant 0 : i32
    %dma_wait3A_896 = tpu.memref_slice %arg13[%dma_wait3A_888, %dma_wait3A_895] : memref<16x1000xf32, #tpu.memory_space<vmem>> -> memref<1x1000xf32, #tpu.memory_space<vmem>>
    %dma_wait3A_897 = tpu.memref_squeeze %dma_wait3A_896 : memref<1x1000xf32, #tpu.memory_space<vmem>> -> memref<1000xf32, #tpu.memory_space<vmem>>
    %dma_wait3A_898 = arith.constant 0 : i32
    %dma_wait3A_899 = tpu.memref_slice %arg4[%min3A_35, %dma_wait3A_898] : memref<100x1000xf32, #tpu.memory_space<hbm>> -> memref<1x1000xf32, #tpu.memory_space<hbm>>
    %dma_wait3A_900 = tpu.memref_squeeze %dma_wait3A_899 : memref<1x1000xf32, #tpu.memory_space<hbm>> -> memref<1000xf32, #tpu.memory_space<hbm>>
    tpu.wait_dma2 semaphore(%arg19 : memref<!tpu.dma_semaphore, #tpu.memory_space<semaphore_mem>>) src(%dma_wait3A_900 : memref<1000xf32, #tpu.memory_space<hbm>>) dst(%dma_wait3A_897 : memref<1000xf32, #tpu.memory_space<vmem>>)
    %dma_wait3A_901 = arith.constant 2 : i32
    %dma_wait3A_902 = arith.constant 0 : i32
    %dma_wait3A_903 = tpu.memref_slice %arg13[%dma_wait3A_901, %dma_wait3A_902] : memref<16x1000xf32, #tpu.memory_space<vmem>> -> memref<1x1000xf32, #tpu.memory_space<vmem>>
    %dma_wait3A_904 = tpu.memref_squeeze %dma_wait3A_903 : memref<1x1000xf32, #tpu.memory_space<vmem>> -> memref<1000xf32, #tpu.memory_space<vmem>>
    %dma_wait3A_905 = arith.constant 0 : i32
    %dma_wait3A_906 = tpu.memref_slice %arg4[%min3A_52, %dma_wait3A_905] : memref<100x1000xf32, #tpu.memory_space<hbm>> -> memref<1x1000xf32, #tpu.memory_space<hbm>>
    %dma_wait3A_907 = tpu.memref_squeeze %dma_wait3A_906 : memref<1x1000xf32, #tpu.memory_space<hbm>> -> memref<1000xf32, #tpu.memory_space<hbm>>
    %dma_wait3A_908 = arith.constant 0 : i32
    %dma_wait3A_909 = tpu.memref_slice %arg13[%dma_wait3A_901, %dma_wait3A_908] : memref<16x1000xf32, #tpu.memory_space<vmem>> -> memref<1x1000xf32, #tpu.memory_space<vmem>>
    %dma_wait3A_910 = tpu.memref_squeeze %dma_wait3A_909 : memref<1x1000xf32, #tpu.memory_space<vmem>> -> memref<1000xf32, #tpu.memory_space<vmem>>
    %dma_wait3A_911 = arith.constant 0 : i32
    %dma_wait3A_912 = tpu.memref_slice %arg4[%min3A_52, %dma_wait3A_911] : memref<100x1000xf32, #tpu.memory_space<hbm>> -> memref<1x1000xf32, #tpu.memory_space<hbm>>
    %dma_wait3A_913 = tpu.memref_squeeze %dma_wait3A_912 : memref<1x1000xf32, #tpu.memory_space<hbm>> -> memref<1000xf32, #tpu.memory_space<hbm>>
    tpu.wait_dma2 semaphore(%arg19 : memref<!tpu.dma_semaphore, #tpu.memory_space<semaphore_mem>>) src(%dma_wait3A_913 : memref<1000xf32, #tpu.memory_space<hbm>>) dst(%dma_wait3A_910 : memref<1000xf32, #tpu.memory_space<vmem>>)
    %dma_wait3A_914 = arith.constant 3 : i32
    %dma_wait3A_915 = arith.constant 0 : i32
    %dma_wait3A_916 = tpu.memref_slice %arg13[%dma_wait3A_914, %dma_wait3A_915] : memref<16x1000xf32, #tpu.memory_space<vmem>> -> memref<1x1000xf32, #tpu.memory_space<vmem>>
    %dma_wait3A_917 = tpu.memref_squeeze %dma_wait3A_916 : memref<1x1000xf32, #tpu.memory_space<vmem>> -> memref<1000xf32, #tpu.memory_space<vmem>>
    %dma_wait3A_918 = arith.constant 0 : i32
    %dma_wait3A_919 = tpu.memref_slice %arg4[%min3A_69, %dma_wait3A_918] : memref<100x1000xf32, #tpu.memory_space<hbm>> -> memref<1x1000xf32, #tpu.memory_space<hbm>>
    %dma_wait3A_920 = tpu.memref_squeeze %dma_wait3A_919 : memref<1x1000xf32, #tpu.memory_space<hbm>> -> memref<1000xf32, #tpu.memory_space<hbm>>
    %dma_wait3A_921 = arith.constant 0 : i32
    %dma_wait3A_922 = tpu.memref_slice %arg13[%dma_wait3A_914, %dma_wait3A_921] : memref<16x1000xf32, #tpu.memory_space<vmem>> -> memref<1x1000xf32, #tpu.memory_space<vmem>>
    %dma_wait3A_923 = tpu.memref_squeeze %dma_wait3A_922 : memref<1x1000xf32, #tpu.memory_space<vmem>> -> memref<1000xf32, #tpu.memory_space<vmem>>
    %dma_wait3A_924 = arith.constant 0 : i32
    %dma_wait3A_925 = tpu.memref_slice %arg4[%min3A_69, %dma_wait3A_924] : memref<100x1000xf32, #tpu.memory_space<hbm>> -> memref<1x1000xf32, #tpu.memory_space<hbm>>
    %dma_wait3A_926 = tpu.memref_squeeze %dma_wait3A_925 : memref<1x1000xf32, #tpu.memory_space<hbm>> -> memref<1000xf32, #tpu.memory_space<hbm>>
    tpu.wait_dma2 semaphore(%arg19 : memref<!tpu.dma_semaphore, #tpu.memory_space<semaphore_mem>>) src(%dma_wait3A_926 : memref<1000xf32, #tpu.memory_space<hbm>>) dst(%dma_wait3A_923 : memref<1000xf32, #tpu.memory_space<vmem>>)
    %dma_wait3A_927 = arith.constant 4 : i32
    %dma_wait3A_928 = arith.constant 0 : i32
    %dma_wait3A_929 = tpu.memref_slice %arg13[%dma_wait3A_927, %dma_wait3A_928] : memref<16x1000xf32, #tpu.memory_space<vmem>> -> memref<1x1000xf32, #tpu.memory_space<vmem>>
    %dma_wait3A_930 = tpu.memref_squeeze %dma_wait3A_929 : memref<1x1000xf32, #tpu.memory_space<vmem>> -> memref<1000xf32, #tpu.memory_space<vmem>>
    %dma_wait3A_931 = arith.constant 0 : i32
    %dma_wait3A_932 = tpu.memref_slice %arg4[%min3A_86, %dma_wait3A_931] : memref<100x1000xf32, #tpu.memory_space<hbm>> -> memref<1x1000xf32, #tpu.memory_space<hbm>>
    %dma_wait3A_933 = tpu.memref_squeeze %dma_wait3A_932 : memref<1x1000xf32, #tpu.memory_space<hbm>> -> memref<1000xf32, #tpu.memory_space<hbm>>
    %dma_wait3A_934 = arith.constant 0 : i32
    %dma_wait3A_935 = tpu.memref_slice %arg13[%dma_wait3A_927, %dma_wait3A_934] : memref<16x1000xf32, #tpu.memory_space<vmem>> -> memref<1x1000xf32, #tpu.memory_space<vmem>>
    %dma_wait3A_936 = tpu.memref_squeeze %dma_wait3A_935 : memref<1x1000xf32, #tpu.memory_space<vmem>> -> memref<1000xf32, #tpu.memory_space<vmem>>
    %dma_wait3A_937 = arith.constant 0 : i32
    %dma_wait3A_938 = tpu.memref_slice %arg4[%min3A_86, %dma_wait3A_937] : memref<100x1000xf32, #tpu.memory_space<hbm>> -> memref<1x1000xf32, #tpu.memory_space<hbm>>
    %dma_wait3A_939 = tpu.memref_squeeze %dma_wait3A_938 : memref<1x1000xf32, #tpu.memory_space<hbm>> -> memref<1000xf32, #tpu.memory_space<hbm>>
    tpu.wait_dma2 semaphore(%arg19 : memref<!tpu.dma_semaphore, #tpu.memory_space<semaphore_mem>>) src(%dma_wait3A_939 : memref<1000xf32, #tpu.memory_space<hbm>>) dst(%dma_wait3A_936 : memref<1000xf32, #tpu.memory_space<vmem>>)
    %dma_wait3A_940 = arith.constant 5 : i32
    %dma_wait3A_941 = arith.constant 0 : i32
    %dma_wait3A_942 = tpu.memref_slice %arg13[%dma_wait3A_940, %dma_wait3A_941] : memref<16x1000xf32, #tpu.memory_space<vmem>> -> memref<1x1000xf32, #tpu.memory_space<vmem>>
    %dma_wait3A_943 = tpu.memref_squeeze %dma_wait3A_942 : memref<1x1000xf32, #tpu.memory_space<vmem>> -> memref<1000xf32, #tpu.memory_space<vmem>>
    %dma_wait3A_944 = arith.constant 0 : i32
    %dma_wait3A_945 = tpu.memref_slice %arg4[%min3A_103, %dma_wait3A_944] : memref<100x1000xf32, #tpu.memory_space<hbm>> -> memref<1x1000xf32, #tpu.memory_space<hbm>>
    %dma_wait3A_946 = tpu.memref_squeeze %dma_wait3A_945 : memref<1x1000xf32, #tpu.memory_space<hbm>> -> memref<1000xf32, #tpu.memory_space<hbm>>
    %dma_wait3A_947 = arith.constant 0 : i32
    %dma_wait3A_948 = tpu.memref_slice %arg13[%dma_wait3A_940, %dma_wait3A_947] : memref<16x1000xf32, #tpu.memory_space<vmem>> -> memref<1x1000xf32, #tpu.memory_space<vmem>>
    %dma_wait3A_949 = tpu.memref_squeeze %dma_wait3A_948 : memref<1x1000xf32, #tpu.memory_space<vmem>> -> memref<1000xf32, #tpu.memory_space<vmem>>
    %dma_wait3A_950 = arith.constant 0 : i32
    %dma_wait3A_951 = tpu.memref_slice %arg4[%min3A_103, %dma_wait3A_950] : memref<100x1000xf32, #tpu.memory_space<hbm>> -> memref<1x1000xf32, #tpu.memory_space<hbm>>
    %dma_wait3A_952 = tpu.memref_squeeze %dma_wait3A_951 : memref<1x1000xf32, #tpu.memory_space<hbm>> -> memref<1000xf32, #tpu.memory_space<hbm>>
    tpu.wait_dma2 semaphore(%arg19 : memref<!tpu.dma_semaphore, #tpu.memory_space<semaphore_mem>>) src(%dma_wait3A_952 : memref<1000xf32, #tpu.memory_space<hbm>>) dst(%dma_wait3A_949 : memref<1000xf32, #tpu.memory_space<vmem>>)
    %dma_wait3A_953 = arith.constant 6 : i32
    %dma_wait3A_954 = arith.constant 0 : i32
    %dma_wait3A_955 = tpu.memref_slice %arg13[%dma_wait3A_953, %dma_wait3A_954] : memref<16x1000xf32, #tpu.memory_space<vmem>> -> memref<1x1000xf32, #tpu.memory_space<vmem>>
    %dma_wait3A_956 = tpu.memref_squeeze %dma_wait3A_955 : memref<1x1000xf32, #tpu.memory_space<vmem>> -> memref<1000xf32, #tpu.memory_space<vmem>>
    %dma_wait3A_957 = arith.constant 0 : i32
    %dma_wait3A_958 = tpu.memref_slice %arg4[%min3A_120, %dma_wait3A_957] : memref<100x1000xf32, #tpu.memory_space<hbm>> -> memref<1x1000xf32, #tpu.memory_space<hbm>>
    %dma_wait3A_959 = tpu.memref_squeeze %dma_wait3A_958 : memref<1x1000xf32, #tpu.memory_space<hbm>> -> memref<1000xf32, #tpu.memory_space<hbm>>
    %dma_wait3A_960 = arith.constant 0 : i32
    %dma_wait3A_961 = tpu.memref_slice %arg13[%dma_wait3A_953, %dma_wait3A_960] : memref<16x1000xf32, #tpu.memory_space<vmem>> -> memref<1x1000xf32, #tpu.memory_space<vmem>>
    %dma_wait3A_962 = tpu.memref_squeeze %dma_wait3A_961 : memref<1x1000xf32, #tpu.memory_space<vmem>> -> memref<1000xf32, #tpu.memory_space<vmem>>
    %dma_wait3A_963 = arith.constant 0 : i32
    %dma_wait3A_964 = tpu.memref_slice %arg4[%min3A_120, %dma_wait3A_963] : memref<100x1000xf32, #tpu.memory_space<hbm>> -> memref<1x1000xf32, #tpu.memory_space<hbm>>
    %dma_wait3A_965 = tpu.memref_squeeze %dma_wait3A_964 : memref<1x1000xf32, #tpu.memory_space<hbm>> -> memref<1000xf32, #tpu.memory_space<hbm>>
    tpu.wait_dma2 semaphore(%arg19 : memref<!tpu.dma_semaphore, #tpu.memory_space<semaphore_mem>>) src(%dma_wait3A_965 : memref<1000xf32, #tpu.memory_space<hbm>>) dst(%dma_wait3A_962 : memref<1000xf32, #tpu.memory_space<vmem>>)
    %while3A = arith.constant 0 : i32
    %while3A_966 = arith.constant 0 : i32
    %while3A_967 = arith.subi %select_n3A, %while3A_966 : i32
    %while3A_968 = arith.addi %while3A_966, %while3A_967 : i32
    %while3A_969 = arith.constant 1 : i32
    %while3A_970 = arith.divsi %while3A_967, %while3A_969 : i32
    %while3A_971 = arith.muli %while3A_970, %while3A_969 : i32
    %while3A_972 = arith.addi %while3A_966, %while3A_971 : i32
    %while3A_973 = arith.constant 1 : i32
    scf.for %while3A_1341 = %while3A_966 to %while3A_972 step %while3A_973  : i32 {
      %mul3A_1342 = arith.constant 1000 : i32
      %mul3A_1343 = arith.muli %while3A_1341, %mul3A_1342 : i32
      %parallel_loop3A = arith.constant 0 : i32
      %parallel_loop3A_1344 = arith.constant 62 : i32
      %parallel_loop3A_1345 = arith.constant 1 : i32
      %parallel_loop3A_1346 = arith.constant 0 : i32
      %parallel_loop3A_1347 = scf.for %parallel_loop3A_1481 = %parallel_loop3A to %parallel_loop3A_1344 step %parallel_loop3A_1345 iter_args(%parallel_loop3A_1482 = %parallel_loop3A_1346) -> (i32)  : i32 {
        %parallel_loop3A_1483 = arith.constant 16 : i32
        %parallel_loop3A_1484 = arith.muli %parallel_loop3A_1481, %parallel_loop3A_1483 : i32
        %parallel_loop3A_1485 = arith.index_cast %while3A_1341 : i32 to index
        %parallel_loop3A_1486 = arith.index_cast %parallel_loop3A_1484 : i32 to index
        %parallel_loop3A_1487 = tpu.vector_load %arg13[%parallel_loop3A_1485, %parallel_loop3A_1486] {strides = array<i32>} : memref<16x1000xf32, #tpu.memory_space<vmem>>, vector<1x16xf32>,
        %parallel_loop3A_1488 = vector.shape_cast %parallel_loop3A_1487 : vector<1x16xf32> to vector<16xf32>
        %parallel_loop3A_1489 = arith.constant 1.000000e+00 : f32
        %parallel_loop3A_1490 = vector.broadcast %parallel_loop3A_1489 : f32 to vector<16xf32>
        %parallel_loop3A_1491 = arith.subf %parallel_loop3A_1488, %parallel_loop3A_1490 : vector<16xf32>
        %parallel_loop3A_1492 = arith.mulf %parallel_loop3A_1491, %parallel_loop3A_1491 : vector<16xf32>
        %parallel_loop3A_1493 = arith.mulf %parallel_loop3A_1492, %parallel_loop3A_1492 : vector<16xf32>
        %parallel_loop3A_1494 = arith.constant 2.71828175 : f32
        %parallel_loop3A_1495 = vector.broadcast %parallel_loop3A_1494 : f32 to vector<16xf32>
        %parallel_loop3A_1496 = arith.mulf %parallel_loop3A_1495, %parallel_loop3A_1491 : vector<16xf32>
        %parallel_loop3A_1497 = arith.constant 2.71828175 : f32
        %parallel_loop3A_1498 = vector.broadcast %parallel_loop3A_1497 : f32 to vector<16xf32>
        %parallel_loop3A_1499 = arith.addf %parallel_loop3A_1498, %parallel_loop3A_1496 : vector<16xf32>
        %parallel_loop3A_1500 = arith.constant 0.453046978 : f32
        %parallel_loop3A_1501 = vector.broadcast %parallel_loop3A_1500 : f32 to vector<16xf32>
        %parallel_loop3A_1502 = arith.mulf %parallel_loop3A_1501, %parallel_loop3A_1491 : vector<16xf32>
        %parallel_loop3A_1503 = arith.constant 1.35914087 : f32
        %parallel_loop3A_1504 = vector.broadcast %parallel_loop3A_1503 : f32 to vector<16xf32>
        %parallel_loop3A_1505 = arith.addf %parallel_loop3A_1504, %parallel_loop3A_1502 : vector<16xf32>
        %parallel_loop3A_1506 = arith.constant 0.0226523485 : f32
        %parallel_loop3A_1507 = vector.broadcast %parallel_loop3A_1506 : f32 to vector<16xf32>
        %parallel_loop3A_1508 = arith.mulf %parallel_loop3A_1507, %parallel_loop3A_1491 : vector<16xf32>
        %parallel_loop3A_1509 = arith.constant 0.113261744 : f32
        %parallel_loop3A_1510 = vector.broadcast %parallel_loop3A_1509 : f32 to vector<16xf32>
        %parallel_loop3A_1511 = arith.addf %parallel_loop3A_1510, %parallel_loop3A_1508 : vector<16xf32>
        %parallel_loop3A_1512 = arith.constant 5.3934165E-4 : f32
        %parallel_loop3A_1513 = vector.broadcast %parallel_loop3A_1512 : f32 to vector<16xf32>
        %parallel_loop3A_1514 = arith.mulf %parallel_loop3A_1513, %parallel_loop3A_1491 : vector<16xf32>
        %parallel_loop3A_1515 = arith.constant 0.00377539149 : f32
        %parallel_loop3A_1516 = vector.broadcast %parallel_loop3A_1515 : f32 to vector<16xf32>
        %parallel_loop3A_1517 = arith.addf %parallel_loop3A_1516, %parallel_loop3A_1514 : vector<16xf32>
        %parallel_loop3A_1518 = arith.mulf %parallel_loop3A_1492, %parallel_loop3A_1505 : vector<16xf32>
        %parallel_loop3A_1519 = arith.addf %parallel_loop3A_1499, %parallel_loop3A_1518 : vector<16xf32>
        %parallel_loop3A_1520 = arith.mulf %parallel_loop3A_1492, %parallel_loop3A_1517 : vector<16xf32>
        %parallel_loop3A_1521 = arith.addf %parallel_loop3A_1511, %parallel_loop3A_1520 : vector<16xf32>
        %parallel_loop3A_1522 = arith.constant 6.74177063E-5 : f32
        %parallel_loop3A_1523 = vector.broadcast %parallel_loop3A_1522 : f32 to vector<16xf32>
        %parallel_loop3A_1524 = arith.mulf %parallel_loop3A_1493, %parallel_loop3A_1523 : vector<16xf32>
        %parallel_loop3A_1525 = arith.addf %parallel_loop3A_1521, %parallel_loop3A_1524 : vector<16xf32>
        %parallel_loop3A_1526 = arith.mulf %parallel_loop3A_1493, %parallel_loop3A_1525 : vector<16xf32>
        %parallel_loop3A_1527 = arith.addf %parallel_loop3A_1519, %parallel_loop3A_1526 : vector<16xf32>
        %parallel_loop3A_1528 = arith.constant 16 : i32
        %parallel_loop3A_1529 = arith.muli %parallel_loop3A_1481, %parallel_loop3A_1528 : i32
        %parallel_loop3A_1530 = arith.addi %mul3A_1343, %parallel_loop3A_1529 : i32
        %parallel_loop3A_1531 = arith.index_cast %parallel_loop3A_1530 : i32 to index
        %parallel_loop3A_1532 = tpu.vector_load %arg14[%parallel_loop3A_1531] {strides = array<i32>} : memref<7000xf32, #tpu.memory_space<vmem>>, vector<16xf32>,
        %parallel_loop3A_1533 = vector.shape_cast %parallel_loop3A_1532 : vector<16xf32> to vector<16xf32>
        %parallel_loop3A_1534 = vector.shape_cast %parallel_loop3A_1527 : vector<16xf32> to vector<16xf32>
        tpu.vector_store %arg14[%parallel_loop3A_1531], %parallel_loop3A_1534 {strides = array<i32>} : memref<7000xf32, #tpu.memory_space<vmem>>, vector<16xf32>,
        scf.yield %parallel_loop3A_1482 : i32
      } {sc.loop_unroll_factor = 8 : i64, sc.parallel_access}
      %get3A = arith.index_cast %while3A_1341 : i32 to index
      %get3A_1348 = arith.constant 984 : index
      %get3A_1349 = tpu.vector_load %arg13[%get3A, %get3A_1348] {strides = array<i32>} : memref<16x1000xf32, #tpu.memory_space<vmem>>, vector<1x16xf32>,
      %get3A_1350 = vector.shape_cast %get3A_1349 : vector<1x16xf32> to vector<16xf32>
      %sub3A = arith.constant 1.000000e+00 : f32
      %sub3A_1351 = vector.broadcast %sub3A : f32 to vector<16xf32>
      %sub3A_1352 = arith.subf %get3A_1350, %sub3A_1351 : vector<16xf32>
      %mul3A_1353 = arith.mulf %sub3A_1352, %sub3A_1352 : vector<16xf32>
      %mul3A_1354 = arith.mulf %mul3A_1353, %mul3A_1353 : vector<16xf32>
      %mul3A_1355 = arith.constant 2.71828175 : f32
      %mul3A_1356 = vector.broadcast %mul3A_1355 : f32 to vector<16xf32>
      %mul3A_1357 = arith.mulf %mul3A_1356, %sub3A_1352 : vector<16xf32>
      %add3A_1358 = arith.constant 2.71828175 : f32
      %add3A_1359 = vector.broadcast %add3A_1358 : f32 to vector<16xf32>
      %add3A_1360 = arith.addf %add3A_1359, %mul3A_1357 : vector<16xf32>
      %mul3A_1361 = arith.constant 0.453046978 : f32
      %mul3A_1362 = vector.broadcast %mul3A_1361 : f32 to vector<16xf32>
      %mul3A_1363 = arith.mulf %mul3A_1362, %sub3A_1352 : vector<16xf32>
      %add3A_1364 = arith.constant 1.35914087 : f32
      %add3A_1365 = vector.broadcast %add3A_1364 : f32 to vector<16xf32>
      %add3A_1366 = arith.addf %add3A_1365, %mul3A_1363 : vector<16xf32>
      %mul3A_1367 = arith.constant 0.0226523485 : f32
      %mul3A_1368 = vector.broadcast %mul3A_1367 : f32 to vector<16xf32>
      %mul3A_1369 = arith.mulf %mul3A_1368, %sub3A_1352 : vector<16xf32>
      %add3A_1370 = arith.constant 0.113261744 : f32
      %add3A_1371 = vector.broadcast %add3A_1370 : f32 to vector<16xf32>
      %add3A_1372 = arith.addf %add3A_1371, %mul3A_1369 : vector<16xf32>
      %mul3A_1373 = arith.constant 5.3934165E-4 : f32
      %mul3A_1374 = vector.broadcast %mul3A_1373 : f32 to vector<16xf32>
      %mul3A_1375 = arith.mulf %mul3A_1374, %sub3A_1352 : vector<16xf32>
      %add3A_1376 = arith.constant 0.00377539149 : f32
      %add3A_1377 = vector.broadcast %add3A_1376 : f32 to vector<16xf32>
      %add3A_1378 = arith.addf %add3A_1377, %mul3A_1375 : vector<16xf32>
      %mul3A_1379 = arith.mulf %mul3A_1353, %add3A_1366 : vector<16xf32>
      %add3A_1380 = arith.addf %add3A_1360, %mul3A_1379 : vector<16xf32>
      %mul3A_1381 = arith.mulf %mul3A_1353, %add3A_1378 : vector<16xf32>
      %add3A_1382 = arith.addf %add3A_1372, %mul3A_1381 : vector<16xf32>
      %mul3A_1383 = arith.constant 6.74177063E-5 : f32
      %mul3A_1384 = vector.broadcast %mul3A_1383 : f32 to vector<16xf32>
      %mul3A_1385 = arith.mulf %mul3A_1354, %mul3A_1384 : vector<16xf32>
      %add3A_1386 = arith.addf %add3A_1382, %mul3A_1385 : vector<16xf32>
      %mul3A_1387 = arith.mulf %mul3A_1354, %add3A_1386 : vector<16xf32>
      %add3A_1388 = arith.addf %add3A_1380, %mul3A_1387 : vector<16xf32>
      %add3A_1389 = arith.constant 984 : i32
      %add3A_1390 = arith.addi %mul3A_1343, %add3A_1389 : i32
      %swap3A_1391 = arith.index_cast %add3A_1390 : i32 to index
      %swap3A_1392 = tpu.vector_load %arg14[%swap3A_1391] {strides = array<i32>} : memref<7000xf32, #tpu.memory_space<vmem>>, vector<16xf32>,
      %swap3A_1393 = vector.shape_cast %swap3A_1392 : vector<16xf32> to vector<16xf32>
      %swap3A_1394 = vector.shape_cast %add3A_1388 : vector<16xf32> to vector<16xf32>
      tpu.vector_store %arg14[%swap3A_1391], %swap3A_1394 {strides = array<i32>} : memref<7000xf32, #tpu.memory_space<vmem>>, vector<16xf32>,
      %parallel_loop3A_1395 = arith.constant 0 : i32
      %parallel_loop3A_1396 = arith.constant 60 : i32
      %parallel_loop3A_1397 = arith.constant 4 : i32
      %parallel_loop3A_1398:4 = scf.for %parallel_loop3A_1481 = %parallel_loop3A_1395 to %parallel_loop3A_1396 step %parallel_loop3A_1397 iter_args(%parallel_loop3A_1482 = %broadcast_in_dim3A_3, %parallel_loop3A_1483 = %broadcast_in_dim3A_3, %parallel_loop3A_1484 = %broadcast_in_dim3A_3, %parallel_loop3A_1485 = %broadcast_in_dim3A_3) -> (vector<16xf32>, vector<16xf32>, vector<16xf32>, vector<16xf32>)  : i32 {
        %parallel_loop3A_1486 = arith.constant 0 : i32
        %parallel_loop3A_1487 = arith.addi %parallel_loop3A_1481, %parallel_loop3A_1486 : i32
        %parallel_loop3A_1488 = arith.constant 16 : i32
        %parallel_loop3A_1489 = arith.muli %parallel_loop3A_1487, %parallel_loop3A_1488 : i32
        %parallel_loop3A_1490 = arith.addi %mul3A_1343, %parallel_loop3A_1489 : i32
        %parallel_loop3A_1491 = arith.index_cast %parallel_loop3A_1490 : i32 to index
        %parallel_loop3A_1492 = tpu.vector_load %arg14[%parallel_loop3A_1491] {strides = array<i32>} : memref<7000xf32, #tpu.memory_space<vmem>>, vector<16xf32>,
        %parallel_loop3A_1493 = vector.shape_cast %parallel_loop3A_1492 : vector<16xf32> to vector<16xf32>
        %parallel_loop3A_1494 = arith.addf %parallel_loop3A_1482, %parallel_loop3A_1493 : vector<16xf32>
        %parallel_loop3A_1495 = arith.constant 1 : i32
        %parallel_loop3A_1496 = arith.addi %parallel_loop3A_1481, %parallel_loop3A_1495 : i32
        %parallel_loop3A_1497 = arith.constant 16 : i32
        %parallel_loop3A_1498 = arith.muli %parallel_loop3A_1496, %parallel_loop3A_1497 : i32
        %parallel_loop3A_1499 = arith.addi %mul3A_1343, %parallel_loop3A_1498 : i32
        %parallel_loop3A_1500 = arith.index_cast %parallel_loop3A_1499 : i32 to index
        %parallel_loop3A_1501 = tpu.vector_load %arg14[%parallel_loop3A_1500] {strides = array<i32>} : memref<7000xf32, #tpu.memory_space<vmem>>, vector<16xf32>,
        %parallel_loop3A_1502 = vector.shape_cast %parallel_loop3A_1501 : vector<16xf32> to vector<16xf32>
        %parallel_loop3A_1503 = arith.addf %parallel_loop3A_1483, %parallel_loop3A_1502 : vector<16xf32>
        %parallel_loop3A_1504 = arith.constant 2 : i32
        %parallel_loop3A_1505 = arith.addi %parallel_loop3A_1481, %parallel_loop3A_1504 : i32
        %parallel_loop3A_1506 = arith.constant 16 : i32
        %parallel_loop3A_1507 = arith.muli %parallel_loop3A_1505, %parallel_loop3A_1506 : i32
        %parallel_loop3A_1508 = arith.addi %mul3A_1343, %parallel_loop3A_1507 : i32
        %parallel_loop3A_1509 = arith.index_cast %parallel_loop3A_1508 : i32 to index
        %parallel_loop3A_1510 = tpu.vector_load %arg14[%parallel_loop3A_1509] {strides = array<i32>} : memref<7000xf32, #tpu.memory_space<vmem>>, vector<16xf32>,
        %parallel_loop3A_1511 = vector.shape_cast %parallel_loop3A_1510 : vector<16xf32> to vector<16xf32>
        %parallel_loop3A_1512 = arith.addf %parallel_loop3A_1484, %parallel_loop3A_1511 : vector<16xf32>
        %parallel_loop3A_1513 = arith.constant 3 : i32
        %parallel_loop3A_1514 = arith.addi %parallel_loop3A_1481, %parallel_loop3A_1513 : i32
        %parallel_loop3A_1515 = arith.constant 16 : i32
        %parallel_loop3A_1516 = arith.muli %parallel_loop3A_1514, %parallel_loop3A_1515 : i32
        %parallel_loop3A_1517 = arith.addi %mul3A_1343, %parallel_loop3A_1516 : i32
        %parallel_loop3A_1518 = arith.index_cast %parallel_loop3A_1517 : i32 to index
        %parallel_loop3A_1519 = tpu.vector_load %arg14[%parallel_loop3A_1518] {strides = array<i32>} : memref<7000xf32, #tpu.memory_space<vmem>>, vector<16xf32>,
        %parallel_loop3A_1520 = vector.shape_cast %parallel_loop3A_1519 : vector<16xf32> to vector<16xf32>
        %parallel_loop3A_1521 = arith.addf %parallel_loop3A_1485, %parallel_loop3A_1520 : vector<16xf32>
        scf.yield %parallel_loop3A_1494, %parallel_loop3A_1503, %parallel_loop3A_1512, %parallel_loop3A_1521 : vector<16xf32>, vector<16xf32>, vector<16xf32>, vector<16xf32>
      } {sc.loop_unroll_factor = 1 : i64, sc.parallel_access}
      %add3A_1399 = arith.addf %parallel_loop3A_1398#0, %parallel_loop3A_1398#1 : vector<16xf32>
      %add3A_1400 = arith.addf %parallel_loop3A_1398#2, %parallel_loop3A_1398#3 : vector<16xf32>
      %add3A_1401 = arith.addf %add3A_1399, %add3A_1400 : vector<16xf32>
      %add3A_1402 = arith.constant 960 : i32
      %add3A_1403 = arith.addi %mul3A_1343, %add3A_1402 : i32
      %get3A_1404 = arith.index_cast %add3A_1403 : i32 to index
      %get3A_1405 = tpu.vector_load %arg14[%get3A_1404] {strides = array<i32>} : memref<7000xf32, #tpu.memory_space<vmem>>, vector<16xf32>,
      %get3A_1406 = vector.shape_cast %get3A_1405 : vector<16xf32> to vector<16xf32>
      %add3A_1407 = arith.addf %add3A_1401, %get3A_1406 : vector<16xf32>
      %add3A_1408 = arith.constant 976 : i32
      %add3A_1409 = arith.addi %mul3A_1343, %add3A_1408 : i32
      %get3A_1410 = arith.index_cast %add3A_1409 : i32 to index
      %get3A_1411 = tpu.vector_load %arg14[%get3A_1410] {strides = array<i32>} : memref<7000xf32, #tpu.memory_space<vmem>>, vector<16xf32>,
      %get3A_1412 = vector.shape_cast %get3A_1411 : vector<16xf32> to vector<16xf32>
      %add3A_1413 = arith.addf %add3A_1407, %get3A_1412 : vector<16xf32>
      %jit3A_1414 = arith.constant 0.000000e+00 : f32
      %broadcast_in_dim3A_1415 = vector.broadcast %jit3A_1414 : f32 to vector<16xf32>
      %select_n3A_1416 = arith.select %ge3A_5, %add3A_1388, %broadcast_in_dim3A_1415 : vector<16xi1>, vector<16xf32>
      %add3A_1417 = arith.addf %add3A_1413, %select_n3A_1416 : vector<16xf32>
      %iota3A_1418 = tpu.iota {dimensions = array<i32: 0>} : vector<16xi32>
      %xor3A = arith.constant 8 : i32
      %xor3A_1419 = vector.broadcast %xor3A : i32 to vector<16xi32>
      %xor3A_1420 = arith.xori %iota3A_1418, %xor3A_1419 : vector<16xi32>
      %lt3A_1421 = arith.constant 0 : i32
      %lt3A_1422 = vector.broadcast %lt3A_1421 : i32 to vector<16xi32>
      %lt3A_1423 = arith.cmpi slt, %xor3A_1420, %lt3A_1422 : vector<16xi32>
      %add3A_1424 = arith.constant 16 : i32
      %add3A_1425 = vector.broadcast %add3A_1424 : i32 to vector<16xi32>
      %add3A_1426 = arith.addi %xor3A_1420, %add3A_1425 : vector<16xi32>
      %select_n3A_1427 = arith.select %lt3A_1423, %add3A_1426, %xor3A_1420 : vector<16xi1>, vector<16xi32>
      %broadcast_in_dim3A_1428 = vector.shape_cast %select_n3A_1427 : vector<16xi32> to vector<16x1xi32>
      %gather3A = vector.shape_cast %broadcast_in_dim3A_1428 : vector<16x1xi32> to vector<16xi32>
      %gather3A_1429 = tpu.dynamic_gather %add3A_1417[%gather3A] in [0] : vector<16xf32>, vector<16xi32> -> vector<16xf32>
      %add3A_1430 = arith.addf %add3A_1417, %gather3A_1429 : vector<16xf32>
      %xor3A_1431 = arith.constant 4 : i32
      %xor3A_1432 = vector.broadcast %xor3A_1431 : i32 to vector<16xi32>
      %xor3A_1433 = arith.xori %iota3A_1418, %xor3A_1432 : vector<16xi32>
      %lt3A_1434 = arith.constant 0 : i32
      %lt3A_1435 = vector.broadcast %lt3A_1434 : i32 to vector<16xi32>
      %lt3A_1436 = arith.cmpi slt, %xor3A_1433, %lt3A_1435 : vector<16xi32>
      %add3A_1437 = arith.constant 16 : i32
      %add3A_1438 = vector.broadcast %add3A_1437 : i32 to vector<16xi32>
      %add3A_1439 = arith.addi %xor3A_1433, %add3A_1438 : vector<16xi32>
      %select_n3A_1440 = arith.select %lt3A_1436, %add3A_1439, %xor3A_1433 : vector<16xi1>, vector<16xi32>
      %broadcast_in_dim3A_1441 = vector.shape_cast %select_n3A_1440 : vector<16xi32> to vector<16x1xi32>
      %gather3A_1442 = vector.shape_cast %broadcast_in_dim3A_1441 : vector<16x1xi32> to vector<16xi32>
      %gather3A_1443 = tpu.dynamic_gather %add3A_1430[%gather3A_1442] in [0] : vector<16xf32>, vector<16xi32> -> vector<16xf32>
      %add3A_1444 = arith.addf %add3A_1430, %gather3A_1443 : vector<16xf32>
      %xor3A_1445 = arith.constant 2 : i32
      %xor3A_1446 = vector.broadcast %xor3A_1445 : i32 to vector<16xi32>
      %xor3A_1447 = arith.xori %iota3A_1418, %xor3A_1446 : vector<16xi32>
      %lt3A_1448 = arith.constant 0 : i32
      %lt3A_1449 = vector.broadcast %lt3A_1448 : i32 to vector<16xi32>
      %lt3A_1450 = arith.cmpi slt, %xor3A_1447, %lt3A_1449 : vector<16xi32>
      %add3A_1451 = arith.constant 16 : i32
      %add3A_1452 = vector.broadcast %add3A_1451 : i32 to vector<16xi32>
      %add3A_1453 = arith.addi %xor3A_1447, %add3A_1452 : vector<16xi32>
      %select_n3A_1454 = arith.select %lt3A_1450, %add3A_1453, %xor3A_1447 : vector<16xi1>, vector<16xi32>
      %broadcast_in_dim3A_1455 = vector.shape_cast %select_n3A_1454 : vector<16xi32> to vector<16x1xi32>
      %gather3A_1456 = vector.shape_cast %broadcast_in_dim3A_1455 : vector<16x1xi32> to vector<16xi32>
      %gather3A_1457 = tpu.dynamic_gather %add3A_1444[%gather3A_1456] in [0] : vector<16xf32>, vector<16xi32> -> vector<16xf32>
      %add3A_1458 = arith.addf %add3A_1444, %gather3A_1457 : vector<16xf32>
      %xor3A_1459 = arith.constant 1 : i32
      %xor3A_1460 = vector.broadcast %xor3A_1459 : i32 to vector<16xi32>
      %xor3A_1461 = arith.xori %iota3A_1418, %xor3A_1460 : vector<16xi32>
      %lt3A_1462 = arith.constant 0 : i32
      %lt3A_1463 = vector.broadcast %lt3A_1462 : i32 to vector<16xi32>
      %lt3A_1464 = arith.cmpi slt, %xor3A_1461, %lt3A_1463 : vector<16xi32>
      %add3A_1465 = arith.constant 16 : i32
      %add3A_1466 = vector.broadcast %add3A_1465 : i32 to vector<16xi32>
      %add3A_1467 = arith.addi %xor3A_1461, %add3A_1466 : vector<16xi32>
      %select_n3A_1468 = arith.select %lt3A_1464, %add3A_1467, %xor3A_1461 : vector<16xi1>, vector<16xi32>
      %broadcast_in_dim3A_1469 = vector.shape_cast %select_n3A_1468 : vector<16xi32> to vector<16x1xi32>
      %gather3A_1470 = vector.shape_cast %broadcast_in_dim3A_1469 : vector<16x1xi32> to vector<16xi32>
      %gather3A_1471 = tpu.dynamic_gather %add3A_1458[%gather3A_1470] in [0] : vector<16xf32>, vector<16xi32> -> vector<16xf32>
      %add3A_1472 = arith.addf %add3A_1458, %gather3A_1471 : vector<16xf32>
      %div3A = arith.constant 1.000000e+00 : f32
      %div3A_1473 = vector.broadcast %div3A : f32 to vector<16xf32>
      %div3A_1474 = arith.divf %div3A_1473, %add3A_1472 : vector<16xf32>
      %mul3A_1475 = arith.constant 16 : i32
      %mul3A_1476 = arith.muli %while3A_1341, %mul3A_1475 : i32
      %swap3A_1477 = arith.index_cast %mul3A_1476 : i32 to index
      %swap3A_1478 = tpu.vector_load %arg15[%swap3A_1477] {strides = array<i32>} : memref<112xf32, #tpu.memory_space<vmem>>, vector<16xf32>,
      %swap3A_1479 = vector.shape_cast %swap3A_1478 : vector<16xf32> to vector<16xf32>
      %swap3A_1480 = vector.shape_cast %div3A_1474 : vector<16xf32> to vector<16xf32>
      tpu.vector_store %arg15[%swap3A_1477], %swap3A_1480 {strides = array<i32>} : memref<112xf32, #tpu.memory_space<vmem>>, vector<16xf32>,
    }
    %while3A_974 = arith.constant 1 : i32
    scf.for %while3A_1341 = %while3A_972 to %while3A_968 step %while3A_974  : i32 {
      %mul3A_1342 = arith.constant 1000 : i32
      %mul3A_1343 = arith.muli %while3A_1341, %mul3A_1342 : i32
      %parallel_loop3A = arith.constant 0 : i32
      %parallel_loop3A_1344 = arith.constant 62 : i32
      %parallel_loop3A_1345 = arith.constant 1 : i32
      %parallel_loop3A_1346 = arith.constant 0 : i32
      %parallel_loop3A_1347 = scf.for %parallel_loop3A_1481 = %parallel_loop3A to %parallel_loop3A_1344 step %parallel_loop3A_1345 iter_args(%parallel_loop3A_1482 = %parallel_loop3A_1346) -> (i32)  : i32 {
        %parallel_loop3A_1483 = arith.constant 16 : i32
        %parallel_loop3A_1484 = arith.muli %parallel_loop3A_1481, %parallel_loop3A_1483 : i32
        %parallel_loop3A_1485 = arith.index_cast %while3A_1341 : i32 to index
        %parallel_loop3A_1486 = arith.index_cast %parallel_loop3A_1484 : i32 to index
        %parallel_loop3A_1487 = tpu.vector_load %arg13[%parallel_loop3A_1485, %parallel_loop3A_1486] {strides = array<i32>} : memref<16x1000xf32, #tpu.memory_space<vmem>>, vector<1x16xf32>,
        %parallel_loop3A_1488 = vector.shape_cast %parallel_loop3A_1487 : vector<1x16xf32> to vector<16xf32>
        %parallel_loop3A_1489 = arith.constant 1.000000e+00 : f32
        %parallel_loop3A_1490 = vector.broadcast %parallel_loop3A_1489 : f32 to vector<16xf32>
        %parallel_loop3A_1491 = arith.subf %parallel_loop3A_1488, %parallel_loop3A_1490 : vector<16xf32>
        %parallel_loop3A_1492 = arith.mulf %parallel_loop3A_1491, %parallel_loop3A_1491 : vector<16xf32>
        %parallel_loop3A_1493 = arith.mulf %parallel_loop3A_1492, %parallel_loop3A_1492 : vector<16xf32>
        %parallel_loop3A_1494 = arith.constant 2.71828175 : f32
        %parallel_loop3A_1495 = vector.broadcast %parallel_loop3A_1494 : f32 to vector<16xf32>
        %parallel_loop3A_1496 = arith.mulf %parallel_loop3A_1495, %parallel_loop3A_1491 : vector<16xf32>
        %parallel_loop3A_1497 = arith.constant 2.71828175 : f32
        %parallel_loop3A_1498 = vector.broadcast %parallel_loop3A_1497 : f32 to vector<16xf32>
        %parallel_loop3A_1499 = arith.addf %parallel_loop3A_1498, %parallel_loop3A_1496 : vector<16xf32>
        %parallel_loop3A_1500 = arith.constant 0.453046978 : f32
        %parallel_loop3A_1501 = vector.broadcast %parallel_loop3A_1500 : f32 to vector<16xf32>
        %parallel_loop3A_1502 = arith.mulf %parallel_loop3A_1501, %parallel_loop3A_1491 : vector<16xf32>
        %parallel_loop3A_1503 = arith.constant 1.35914087 : f32
        %parallel_loop3A_1504 = vector.broadcast %parallel_loop3A_1503 : f32 to vector<16xf32>
        %parallel_loop3A_1505 = arith.addf %parallel_loop3A_1504, %parallel_loop3A_1502 : vector<16xf32>
        %parallel_loop3A_1506 = arith.constant 0.0226523485 : f32
        %parallel_loop3A_1507 = vector.broadcast %parallel_loop3A_1506 : f32 to vector<16xf32>
        %parallel_loop3A_1508 = arith.mulf %parallel_loop3A_1507, %parallel_loop3A_1491 : vector<16xf32>
        %parallel_loop3A_1509 = arith.constant 0.113261744 : f32
        %parallel_loop3A_1510 = vector.broadcast %parallel_loop3A_1509 : f32 to vector<16xf32>
        %parallel_loop3A_1511 = arith.addf %parallel_loop3A_1510, %parallel_loop3A_1508 : vector<16xf32>
        %parallel_loop3A_1512 = arith.constant 5.3934165E-4 : f32
        %parallel_loop3A_1513 = vector.broadcast %parallel_loop3A_1512 : f32 to vector<16xf32>
        %parallel_loop3A_1514 = arith.mulf %parallel_loop3A_1513, %parallel_loop3A_1491 : vector<16xf32>
        %parallel_loop3A_1515 = arith.constant 0.00377539149 : f32
        %parallel_loop3A_1516 = vector.broadcast %parallel_loop3A_1515 : f32 to vector<16xf32>
        %parallel_loop3A_1517 = arith.addf %parallel_loop3A_1516, %parallel_loop3A_1514 : vector<16xf32>
        %parallel_loop3A_1518 = arith.mulf %parallel_loop3A_1492, %parallel_loop3A_1505 : vector<16xf32>
        %parallel_loop3A_1519 = arith.addf %parallel_loop3A_1499, %parallel_loop3A_1518 : vector<16xf32>
        %parallel_loop3A_1520 = arith.mulf %parallel_loop3A_1492, %parallel_loop3A_1517 : vector<16xf32>
        %parallel_loop3A_1521 = arith.addf %parallel_loop3A_1511, %parallel_loop3A_1520 : vector<16xf32>
        %parallel_loop3A_1522 = arith.constant 6.74177063E-5 : f32
        %parallel_loop3A_1523 = vector.broadcast %parallel_loop3A_1522 : f32 to vector<16xf32>
        %parallel_loop3A_1524 = arith.mulf %parallel_loop3A_1493, %parallel_loop3A_1523 : vector<16xf32>
        %parallel_loop3A_1525 = arith.addf %parallel_loop3A_1521, %parallel_loop3A_1524 : vector<16xf32>
        %parallel_loop3A_1526 = arith.mulf %parallel_loop3A_1493, %parallel_loop3A_1525 : vector<16xf32>
        %parallel_loop3A_1527 = arith.addf %parallel_loop3A_1519, %parallel_loop3A_1526 : vector<16xf32>
        %parallel_loop3A_1528 = arith.constant 16 : i32
        %parallel_loop3A_1529 = arith.muli %parallel_loop3A_1481, %parallel_loop3A_1528 : i32
        %parallel_loop3A_1530 = arith.addi %mul3A_1343, %parallel_loop3A_1529 : i32
        %parallel_loop3A_1531 = arith.index_cast %parallel_loop3A_1530 : i32 to index
        %parallel_loop3A_1532 = tpu.vector_load %arg14[%parallel_loop3A_1531] {strides = array<i32>} : memref<7000xf32, #tpu.memory_space<vmem>>, vector<16xf32>,
        %parallel_loop3A_1533 = vector.shape_cast %parallel_loop3A_1532 : vector<16xf32> to vector<16xf32>
        %parallel_loop3A_1534 = vector.shape_cast %parallel_loop3A_1527 : vector<16xf32> to vector<16xf32>
        tpu.vector_store %arg14[%parallel_loop3A_1531], %parallel_loop3A_1534 {strides = array<i32>} : memref<7000xf32, #tpu.memory_space<vmem>>, vector<16xf32>,
        scf.yield %parallel_loop3A_1482 : i32
      } {sc.loop_unroll_factor = 8 : i64, sc.parallel_access}
      %get3A = arith.index_cast %while3A_1341 : i32 to index
      %get3A_1348 = arith.constant 984 : index
      %get3A_1349 = tpu.vector_load %arg13[%get3A, %get3A_1348] {strides = array<i32>} : memref<16x1000xf32, #tpu.memory_space<vmem>>, vector<1x16xf32>,
      %get3A_1350 = vector.shape_cast %get3A_1349 : vector<1x16xf32> to vector<16xf32>
      %sub3A = arith.constant 1.000000e+00 : f32
      %sub3A_1351 = vector.broadcast %sub3A : f32 to vector<16xf32>
      %sub3A_1352 = arith.subf %get3A_1350, %sub3A_1351 : vector<16xf32>
      %mul3A_1353 = arith.mulf %sub3A_1352, %sub3A_1352 : vector<16xf32>
      %mul3A_1354 = arith.mulf %mul3A_1353, %mul3A_1353 : vector<16xf32>
      %mul3A_1355 = arith.constant 2.71828175 : f32
      %mul3A_1356 = vector.broadcast %mul3A_1355 : f32 to vector<16xf32>
      %mul3A_1357 = arith.mulf %mul3A_1356, %sub3A_1352 : vector<16xf32>
      %add3A_1358 = arith.constant 2.71828175 : f32
      %add3A_1359 = vector.broadcast %add3A_1358 : f32 to vector<16xf32>
      %add3A_1360 = arith.addf %add3A_1359, %mul3A_1357 : vector<16xf32>
      %mul3A_1361 = arith.constant 0.453046978 : f32
      %mul3A_1362 = vector.broadcast %mul3A_1361 : f32 to vector<16xf32>
      %mul3A_1363 = arith.mulf %mul3A_1362, %sub3A_1352 : vector<16xf32>
      %add3A_1364 = arith.constant 1.35914087 : f32
      %add3A_1365 = vector.broadcast %add3A_1364 : f32 to vector<16xf32>
      %add3A_1366 = arith.addf %add3A_1365, %mul3A_1363 : vector<16xf32>
      %mul3A_1367 = arith.constant 0.0226523485 : f32
      %mul3A_1368 = vector.broadcast %mul3A_1367 : f32 to vector<16xf32>
      %mul3A_1369 = arith.mulf %mul3A_1368, %sub3A_1352 : vector<16xf32>
      %add3A_1370 = arith.constant 0.113261744 : f32
      %add3A_1371 = vector.broadcast %add3A_1370 : f32 to vector<16xf32>
      %add3A_1372 = arith.addf %add3A_1371, %mul3A_1369 : vector<16xf32>
      %mul3A_1373 = arith.constant 5.3934165E-4 : f32
      %mul3A_1374 = vector.broadcast %mul3A_1373 : f32 to vector<16xf32>
      %mul3A_1375 = arith.mulf %mul3A_1374, %sub3A_1352 : vector<16xf32>
      %add3A_1376 = arith.constant 0.00377539149 : f32
      %add3A_1377 = vector.broadcast %add3A_1376 : f32 to vector<16xf32>
      %add3A_1378 = arith.addf %add3A_1377, %mul3A_1375 : vector<16xf32>
      %mul3A_1379 = arith.mulf %mul3A_1353, %add3A_1366 : vector<16xf32>
      %add3A_1380 = arith.addf %add3A_1360, %mul3A_1379 : vector<16xf32>
      %mul3A_1381 = arith.mulf %mul3A_1353, %add3A_1378 : vector<16xf32>
      %add3A_1382 = arith.addf %add3A_1372, %mul3A_1381 : vector<16xf32>
      %mul3A_1383 = arith.constant 6.74177063E-5 : f32
      %mul3A_1384 = vector.broadcast %mul3A_1383 : f32 to vector<16xf32>
      %mul3A_1385 = arith.mulf %mul3A_1354, %mul3A_1384 : vector<16xf32>
      %add3A_1386 = arith.addf %add3A_1382, %mul3A_1385 : vector<16xf32>
      %mul3A_1387 = arith.mulf %mul3A_1354, %add3A_1386 : vector<16xf32>
      %add3A_1388 = arith.addf %add3A_1380, %mul3A_1387 : vector<16xf32>
      %add3A_1389 = arith.constant 984 : i32
      %add3A_1390 = arith.addi %mul3A_1343, %add3A_1389 : i32
      %swap3A_1391 = arith.index_cast %add3A_1390 : i32 to index
      %swap3A_1392 = tpu.vector_load %arg14[%swap3A_1391] {strides = array<i32>} : memref<7000xf32, #tpu.memory_space<vmem>>, vector<16xf32>,
      %swap3A_1393 = vector.shape_cast %swap3A_1392 : vector<16xf32> to vector<16xf32>
      %swap3A_1394 = vector.shape_cast %add3A_1388 : vector<16xf32> to vector<16xf32>
      tpu.vector_store %arg14[%swap3A_1391], %swap3A_1394 {strides = array<i32>} : memref<7000xf32, #tpu.memory_space<vmem>>, vector<16xf32>,
      %parallel_loop3A_1395 = arith.constant 0 : i32
      %parallel_loop3A_1396 = arith.constant 60 : i32
      %parallel_loop3A_1397 = arith.constant 4 : i32
      %parallel_loop3A_1398:4 = scf.for %parallel_loop3A_1481 = %parallel_loop3A_1395 to %parallel_loop3A_1396 step %parallel_loop3A_1397 iter_args(%parallel_loop3A_1482 = %broadcast_in_dim3A_3, %parallel_loop3A_1483 = %broadcast_in_dim3A_3, %parallel_loop3A_1484 = %broadcast_in_dim3A_3, %parallel_loop3A_1485 = %broadcast_in_dim3A_3) -> (vector<16xf32>, vector<16xf32>, vector<16xf32>, vector<16xf32>)  : i32 {
        %parallel_loop3A_1486 = arith.constant 0 : i32
        %parallel_loop3A_1487 = arith.addi %parallel_loop3A_1481, %parallel_loop3A_1486 : i32
        %parallel_loop3A_1488 = arith.constant 16 : i32
        %parallel_loop3A_1489 = arith.muli %parallel_loop3A_1487, %parallel_loop3A_1488 : i32
        %parallel_loop3A_1490 = arith.addi %mul3A_1343, %parallel_loop3A_1489 : i32
        %parallel_loop3A_1491 = arith.index_cast %parallel_loop3A_1490 : i32 to index
        %parallel_loop3A_1492 = tpu.vector_load %arg14[%parallel_loop3A_1491] {strides = array<i32>} : memref<7000xf32, #tpu.memory_space<vmem>>, vector<16xf32>,
        %parallel_loop3A_1493 = vector.shape_cast %parallel_loop3A_1492 : vector<16xf32> to vector<16xf32>
        %parallel_loop3A_1494 = arith.addf %parallel_loop3A_1482, %parallel_loop3A_1493 : vector<16xf32>
        %parallel_loop3A_1495 = arith.constant 1 : i32
        %parallel_loop3A_1496 = arith.addi %parallel_loop3A_1481, %parallel_loop3A_1495 : i32
        %parallel_loop3A_1497 = arith.constant 16 : i32
        %parallel_loop3A_1498 = arith.muli %parallel_loop3A_1496, %parallel_loop3A_1497 : i32
        %parallel_loop3A_1499 = arith.addi %mul3A_1343, %parallel_loop3A_1498 : i32
        %parallel_loop3A_1500 = arith.index_cast %parallel_loop3A_1499 : i32 to index
        %parallel_loop3A_1501 = tpu.vector_load %arg14[%parallel_loop3A_1500] {strides = array<i32>} : memref<7000xf32, #tpu.memory_space<vmem>>, vector<16xf32>,
        %parallel_loop3A_1502 = vector.shape_cast %parallel_loop3A_1501 : vector<16xf32> to vector<16xf32>
        %parallel_loop3A_1503 = arith.addf %parallel_loop3A_1483, %parallel_loop3A_1502 : vector<16xf32>
        %parallel_loop3A_1504 = arith.constant 2 : i32
        %parallel_loop3A_1505 = arith.addi %parallel_loop3A_1481, %parallel_loop3A_1504 : i32
        %parallel_loop3A_1506 = arith.constant 16 : i32
        %parallel_loop3A_1507 = arith.muli %parallel_loop3A_1505, %parallel_loop3A_1506 : i32
        %parallel_loop3A_1508 = arith.addi %mul3A_1343, %parallel_loop3A_1507 : i32
        %parallel_loop3A_1509 = arith.index_cast %parallel_loop3A_1508 : i32 to index
        %parallel_loop3A_1510 = tpu.vector_load %arg14[%parallel_loop3A_1509] {strides = array<i32>} : memref<7000xf32, #tpu.memory_space<vmem>>, vector<16xf32>,
        %parallel_loop3A_1511 = vector.shape_cast %parallel_loop3A_1510 : vector<16xf32> to vector<16xf32>
        %parallel_loop3A_1512 = arith.addf %parallel_loop3A_1484, %parallel_loop3A_1511 : vector<16xf32>
        %parallel_loop3A_1513 = arith.constant 3 : i32
        %parallel_loop3A_1514 = arith.addi %parallel_loop3A_1481, %parallel_loop3A_1513 : i32
        %parallel_loop3A_1515 = arith.constant 16 : i32
        %parallel_loop3A_1516 = arith.muli %parallel_loop3A_1514, %parallel_loop3A_1515 : i32
        %parallel_loop3A_1517 = arith.addi %mul3A_1343, %parallel_loop3A_1516 : i32
        %parallel_loop3A_1518 = arith.index_cast %parallel_loop3A_1517 : i32 to index
        %parallel_loop3A_1519 = tpu.vector_load %arg14[%parallel_loop3A_1518] {strides = array<i32>} : memref<7000xf32, #tpu.memory_space<vmem>>, vector<16xf32>,
        %parallel_loop3A_1520 = vector.shape_cast %parallel_loop3A_1519 : vector<16xf32> to vector<16xf32>
        %parallel_loop3A_1521 = arith.addf %parallel_loop3A_1485, %parallel_loop3A_1520 : vector<16xf32>
        scf.yield %parallel_loop3A_1494, %parallel_loop3A_1503, %parallel_loop3A_1512, %parallel_loop3A_1521 : vector<16xf32>, vector<16xf32>, vector<16xf32>, vector<16xf32>
      } {sc.loop_unroll_factor = 1 : i64, sc.parallel_access}
      %add3A_1399 = arith.addf %parallel_loop3A_1398#0, %parallel_loop3A_1398#1 : vector<16xf32>
      %add3A_1400 = arith.addf %parallel_loop3A_1398#2, %parallel_loop3A_1398#3 : vector<16xf32>
      %add3A_1401 = arith.addf %add3A_1399, %add3A_1400 : vector<16xf32>
      %add3A_1402 = arith.constant 960 : i32
      %add3A_1403 = arith.addi %mul3A_1343, %add3A_1402 : i32
      %get3A_1404 = arith.index_cast %add3A_1403 : i32 to index
      %get3A_1405 = tpu.vector_load %arg14[%get3A_1404] {strides = array<i32>} : memref<7000xf32, #tpu.memory_space<vmem>>, vector<16xf32>,
      %get3A_1406 = vector.shape_cast %get3A_1405 : vector<16xf32> to vector<16xf32>
      %add3A_1407 = arith.addf %add3A_1401, %get3A_1406 : vector<16xf32>
      %add3A_1408 = arith.constant 976 : i32
      %add3A_1409 = arith.addi %mul3A_1343, %add3A_1408 : i32
      %get3A_1410 = arith.index_cast %add3A_1409 : i32 to index
      %get3A_1411 = tpu.vector_load %arg14[%get3A_1410] {strides = array<i32>} : memref<7000xf32, #tpu.memory_space<vmem>>, vector<16xf32>,
      %get3A_1412 = vector.shape_cast %get3A_1411 : vector<16xf32> to vector<16xf32>
      %add3A_1413 = arith.addf %add3A_1407, %get3A_1412 : vector<16xf32>
      %jit3A_1414 = arith.constant 0.000000e+00 : f32
      %broadcast_in_dim3A_1415 = vector.broadcast %jit3A_1414 : f32 to vector<16xf32>
      %select_n3A_1416 = arith.select %ge3A_5, %add3A_1388, %broadcast_in_dim3A_1415 : vector<16xi1>, vector<16xf32>
      %add3A_1417 = arith.addf %add3A_1413, %select_n3A_1416 : vector<16xf32>
      %iota3A_1418 = tpu.iota {dimensions = array<i32: 0>} : vector<16xi32>
      %xor3A = arith.constant 8 : i32
      %xor3A_1419 = vector.broadcast %xor3A : i32 to vector<16xi32>
      %xor3A_1420 = arith.xori %iota3A_1418, %xor3A_1419 : vector<16xi32>
      %lt3A_1421 = arith.constant 0 : i32
      %lt3A_1422 = vector.broadcast %lt3A_1421 : i32 to vector<16xi32>
      %lt3A_1423 = arith.cmpi slt, %xor3A_1420, %lt3A_1422 : vector<16xi32>
      %add3A_1424 = arith.constant 16 : i32
      %add3A_1425 = vector.broadcast %add3A_1424 : i32 to vector<16xi32>
      %add3A_1426 = arith.addi %xor3A_1420, %add3A_1425 : vector<16xi32>
      %select_n3A_1427 = arith.select %lt3A_1423, %add3A_1426, %xor3A_1420 : vector<16xi1>, vector<16xi32>
      %broadcast_in_dim3A_1428 = vector.shape_cast %select_n3A_1427 : vector<16xi32> to vector<16x1xi32>
      %gather3A = vector.shape_cast %broadcast_in_dim3A_1428 : vector<16x1xi32> to vector<16xi32>
      %gather3A_1429 = tpu.dynamic_gather %add3A_1417[%gather3A] in [0] : vector<16xf32>, vector<16xi32> -> vector<16xf32>
      %add3A_1430 = arith.addf %add3A_1417, %gather3A_1429 : vector<16xf32>
      %xor3A_1431 = arith.constant 4 : i32
      %xor3A_1432 = vector.broadcast %xor3A_1431 : i32 to vector<16xi32>
      %xor3A_1433 = arith.xori %iota3A_1418, %xor3A_1432 : vector<16xi32>
      %lt3A_1434 = arith.constant 0 : i32
      %lt3A_1435 = vector.broadcast %lt3A_1434 : i32 to vector<16xi32>
      %lt3A_1436 = arith.cmpi slt, %xor3A_1433, %lt3A_1435 : vector<16xi32>
      %add3A_1437 = arith.constant 16 : i32
      %add3A_1438 = vector.broadcast %add3A_1437 : i32 to vector<16xi32>
      %add3A_1439 = arith.addi %xor3A_1433, %add3A_1438 : vector<16xi32>
      %select_n3A_1440 = arith.select %lt3A_1436, %add3A_1439, %xor3A_1433 : vector<16xi1>, vector<16xi32>
      %broadcast_in_dim3A_1441 = vector.shape_cast %select_n3A_1440 : vector<16xi32> to vector<16x1xi32>
      %gather3A_1442 = vector.shape_cast %broadcast_in_dim3A_1441 : vector<16x1xi32> to vector<16xi32>
      %gather3A_1443 = tpu.dynamic_gather %add3A_1430[%gather3A_1442] in [0] : vector<16xf32>, vector<16xi32> -> vector<16xf32>
      %add3A_1444 = arith.addf %add3A_1430, %gather3A_1443 : vector<16xf32>
      %xor3A_1445 = arith.constant 2 : i32
      %xor3A_1446 = vector.broadcast %xor3A_1445 : i32 to vector<16xi32>
      %xor3A_1447 = arith.xori %iota3A_1418, %xor3A_1446 : vector<16xi32>
      %lt3A_1448 = arith.constant 0 : i32
      %lt3A_1449 = vector.broadcast %lt3A_1448 : i32 to vector<16xi32>
      %lt3A_1450 = arith.cmpi slt, %xor3A_1447, %lt3A_1449 : vector<16xi32>
      %add3A_1451 = arith.constant 16 : i32
      %add3A_1452 = vector.broadcast %add3A_1451 : i32 to vector<16xi32>
      %add3A_1453 = arith.addi %xor3A_1447, %add3A_1452 : vector<16xi32>
      %select_n3A_1454 = arith.select %lt3A_1450, %add3A_1453, %xor3A_1447 : vector<16xi1>, vector<16xi32>
      %broadcast_in_dim3A_1455 = vector.shape_cast %select_n3A_1454 : vector<16xi32> to vector<16x1xi32>
      %gather3A_1456 = vector.shape_cast %broadcast_in_dim3A_1455 : vector<16x1xi32> to vector<16xi32>
      %gather3A_1457 = tpu.dynamic_gather %add3A_1444[%gather3A_1456] in [0] : vector<16xf32>, vector<16xi32> -> vector<16xf32>
      %add3A_1458 = arith.addf %add3A_1444, %gather3A_1457 : vector<16xf32>
      %xor3A_1459 = arith.constant 1 : i32
      %xor3A_1460 = vector.broadcast %xor3A_1459 : i32 to vector<16xi32>
      %xor3A_1461 = arith.xori %iota3A_1418, %xor3A_1460 : vector<16xi32>
      %lt3A_1462 = arith.constant 0 : i32
      %lt3A_1463 = vector.broadcast %lt3A_1462 : i32 to vector<16xi32>
      %lt3A_1464 = arith.cmpi slt, %xor3A_1461, %lt3A_1463 : vector<16xi32>
      %add3A_1465 = arith.constant 16 : i32
      %add3A_1466 = vector.broadcast %add3A_1465 : i32 to vector<16xi32>
      %add3A_1467 = arith.addi %xor3A_1461, %add3A_1466 : vector<16xi32>
      %select_n3A_1468 = arith.select %lt3A_1464, %add3A_1467, %xor3A_1461 : vector<16xi1>, vector<16xi32>
      %broadcast_in_dim3A_1469 = vector.shape_cast %select_n3A_1468 : vector<16xi32> to vector<16x1xi32>
      %gather3A_1470 = vector.shape_cast %broadcast_in_dim3A_1469 : vector<16x1xi32> to vector<16xi32>
      %gather3A_1471 = tpu.dynamic_gather %add3A_1458[%gather3A_1470] in [0] : vector<16xf32>, vector<16xi32> -> vector<16xf32>
      %add3A_1472 = arith.addf %add3A_1458, %gather3A_1471 : vector<16xf32>
      %div3A = arith.constant 1.000000e+00 : f32
      %div3A_1473 = vector.broadcast %div3A : f32 to vector<16xf32>
      %div3A_1474 = arith.divf %div3A_1473, %add3A_1472 : vector<16xf32>
      %mul3A_1475 = arith.constant 16 : i32
      %mul3A_1476 = arith.muli %while3A_1341, %mul3A_1475 : i32
      %swap3A_1477 = arith.index_cast %mul3A_1476 : i32 to index
      %swap3A_1478 = tpu.vector_load %arg15[%swap3A_1477] {strides = array<i32>} : memref<112xf32, #tpu.memory_space<vmem>>, vector<16xf32>,
      %swap3A_1479 = vector.shape_cast %swap3A_1478 : vector<16xf32> to vector<16xf32>
      %swap3A_1480 = vector.shape_cast %div3A_1474 : vector<16xf32> to vector<16xf32>
      tpu.vector_store %arg15[%swap3A_1477], %swap3A_1480 {strides = array<i32>} : memref<112xf32, #tpu.memory_space<vmem>>, vector<16xf32>,
    }
    "tpu.trace_stop"() : () -> ()
    "tpu.trace_start"() <{level = 10 : i32, message = "ph_scatter"}> : () -> ()
    %dma_wait3A_975 = tpu.memref_slice %arg3[%add3A_137] : memref<1024xi32, #tpu.memory_space<hbm>> -> memref<8xi32, #tpu.memory_space<hbm>>
    %dma_wait3A_976 = tpu.memref_slice %arg3[%add3A_137] : memref<1024xi32, #tpu.memory_space<hbm>> -> memref<8xi32, #tpu.memory_space<hbm>>
    tpu.wait_dma2 semaphore(%arg22 : memref<!tpu.dma_semaphore, #tpu.memory_space<semaphore_mem>>) src(%dma_wait3A_976 : memref<8xi32, #tpu.memory_space<hbm>>) dst(%arg8 : memref<8xi32, #tpu.memory_space<vmem>>)
    %dma_wait3A_977 = tpu.memref_slice %arg3[%add3A_143] : memref<1024xi32, #tpu.memory_space<hbm>> -> memref<8xi32, #tpu.memory_space<hbm>>
    %dma_wait3A_978 = tpu.memref_slice %arg3[%add3A_143] : memref<1024xi32, #tpu.memory_space<hbm>> -> memref<8xi32, #tpu.memory_space<hbm>>
    tpu.wait_dma2 semaphore(%arg22 : memref<!tpu.dma_semaphore, #tpu.memory_space<semaphore_mem>>) src(%dma_wait3A_978 : memref<8xi32, #tpu.memory_space<hbm>>) dst(%arg9 : memref<8xi32, #tpu.memory_space<vmem>>)
    %dma_wait3A_979 = tpu.memref_slice %arg3[%add3A_149] : memref<1024xi32, #tpu.memory_space<hbm>> -> memref<8xi32, #tpu.memory_space<hbm>>
    %dma_wait3A_980 = tpu.memref_slice %arg3[%add3A_149] : memref<1024xi32, #tpu.memory_space<hbm>> -> memref<8xi32, #tpu.memory_space<hbm>>
    tpu.wait_dma2 semaphore(%arg22 : memref<!tpu.dma_semaphore, #tpu.memory_space<semaphore_mem>>) src(%dma_wait3A_980 : memref<8xi32, #tpu.memory_space<hbm>>) dst(%arg10 : memref<8xi32, #tpu.memory_space<vmem>>)
    %dma_wait3A_981 = tpu.memref_slice %arg3[%add3A_155] : memref<1024xi32, #tpu.memory_space<hbm>> -> memref<8xi32, #tpu.memory_space<hbm>>
    %dma_wait3A_982 = tpu.memref_slice %arg3[%add3A_155] : memref<1024xi32, #tpu.memory_space<hbm>> -> memref<8xi32, #tpu.memory_space<hbm>>
    tpu.wait_dma2 semaphore(%arg22 : memref<!tpu.dma_semaphore, #tpu.memory_space<semaphore_mem>>) src(%dma_wait3A_982 : memref<8xi32, #tpu.memory_space<hbm>>) dst(%arg11 : memref<8xi32, #tpu.memory_space<vmem>>)
    %dma_wait3A_983 = arith.constant 0 : i32
    %dma_wait3A_984 = arith.constant 0 : i32
    %dma_wait3A_985 = tpu.memref_slice %arg7[%dma_wait3A_983, %dma_wait3A_984] : memref<32x1000xf32, #tpu.memory_space<vmem>> -> memref<1x1000xf32, #tpu.memory_space<vmem>>
    %dma_wait3A_986 = tpu.memref_squeeze %dma_wait3A_985 : memref<1x1000xf32, #tpu.memory_space<vmem>> -> memref<1000xf32, #tpu.memory_space<vmem>>
    %dma_wait3A_987 = tpu.memref_slice %arg2[%add3A_159] : memref<1024000xf32, #tpu.memory_space<hbm>> -> memref<1000xf32, #tpu.memory_space<hbm>>
    %dma_wait3A_988 = arith.constant 0 : i32
    %dma_wait3A_989 = tpu.memref_slice %arg7[%dma_wait3A_983, %dma_wait3A_988] : memref<32x1000xf32, #tpu.memory_space<vmem>> -> memref<1x1000xf32, #tpu.memory_space<vmem>>
    %dma_wait3A_990 = tpu.memref_squeeze %dma_wait3A_989 : memref<1x1000xf32, #tpu.memory_space<vmem>> -> memref<1000xf32, #tpu.memory_space<vmem>>
    %dma_wait3A_991 = tpu.memref_slice %arg2[%add3A_159] : memref<1024000xf32, #tpu.memory_space<hbm>> -> memref<1000xf32, #tpu.memory_space<hbm>>
    tpu.wait_dma2 semaphore(%arg18 : memref<!tpu.dma_semaphore, #tpu.memory_space<semaphore_mem>>) src(%dma_wait3A_991 : memref<1000xf32, #tpu.memory_space<hbm>>) dst(%dma_wait3A_990 : memref<1000xf32, #tpu.memory_space<vmem>>)
    %dma_wait3A_992 = arith.constant 1 : i32
    %dma_wait3A_993 = arith.constant 0 : i32
    %dma_wait3A_994 = tpu.memref_slice %arg7[%dma_wait3A_992, %dma_wait3A_993] : memref<32x1000xf32, #tpu.memory_space<vmem>> -> memref<1x1000xf32, #tpu.memory_space<vmem>>
    %dma_wait3A_995 = tpu.memref_squeeze %dma_wait3A_994 : memref<1x1000xf32, #tpu.memory_space<vmem>> -> memref<1000xf32, #tpu.memory_space<vmem>>
    %dma_wait3A_996 = tpu.memref_slice %arg2[%add3A_170] : memref<1024000xf32, #tpu.memory_space<hbm>> -> memref<1000xf32, #tpu.memory_space<hbm>>
    %dma_wait3A_997 = arith.constant 0 : i32
    %dma_wait3A_998 = tpu.memref_slice %arg7[%dma_wait3A_992, %dma_wait3A_997] : memref<32x1000xf32, #tpu.memory_space<vmem>> -> memref<1x1000xf32, #tpu.memory_space<vmem>>
    %dma_wait3A_999 = tpu.memref_squeeze %dma_wait3A_998 : memref<1x1000xf32, #tpu.memory_space<vmem>> -> memref<1000xf32, #tpu.memory_space<vmem>>
    %dma_wait3A_1000 = tpu.memref_slice %arg2[%add3A_170] : memref<1024000xf32, #tpu.memory_space<hbm>> -> memref<1000xf32, #tpu.memory_space<hbm>>
    tpu.wait_dma2 semaphore(%arg18 : memref<!tpu.dma_semaphore, #tpu.memory_space<semaphore_mem>>) src(%dma_wait3A_1000 : memref<1000xf32, #tpu.memory_space<hbm>>) dst(%dma_wait3A_999 : memref<1000xf32, #tpu.memory_space<vmem>>)
    %dma_wait3A_1001 = arith.constant 2 : i32
    %dma_wait3A_1002 = arith.constant 0 : i32
    %dma_wait3A_1003 = tpu.memref_slice %arg7[%dma_wait3A_1001, %dma_wait3A_1002] : memref<32x1000xf32, #tpu.memory_space<vmem>> -> memref<1x1000xf32, #tpu.memory_space<vmem>>
    %dma_wait3A_1004 = tpu.memref_squeeze %dma_wait3A_1003 : memref<1x1000xf32, #tpu.memory_space<vmem>> -> memref<1000xf32, #tpu.memory_space<vmem>>
    %dma_wait3A_1005 = tpu.memref_slice %arg2[%add3A_181] : memref<1024000xf32, #tpu.memory_space<hbm>> -> memref<1000xf32, #tpu.memory_space<hbm>>
    %dma_wait3A_1006 = arith.constant 0 : i32
    %dma_wait3A_1007 = tpu.memref_slice %arg7[%dma_wait3A_1001, %dma_wait3A_1006] : memref<32x1000xf32, #tpu.memory_space<vmem>> -> memref<1x1000xf32, #tpu.memory_space<vmem>>
    %dma_wait3A_1008 = tpu.memref_squeeze %dma_wait3A_1007 : memref<1x1000xf32, #tpu.memory_space<vmem>> -> memref<1000xf32, #tpu.memory_space<vmem>>
    %dma_wait3A_1009 = tpu.memref_slice %arg2[%add3A_181] : memref<1024000xf32, #tpu.memory_space<hbm>> -> memref<1000xf32, #tpu.memory_space<hbm>>
    tpu.wait_dma2 semaphore(%arg18 : memref<!tpu.dma_semaphore, #tpu.memory_space<semaphore_mem>>) src(%dma_wait3A_1009 : memref<1000xf32, #tpu.memory_space<hbm>>) dst(%dma_wait3A_1008 : memref<1000xf32, #tpu.memory_space<vmem>>)
    %dma_wait3A_1010 = arith.constant 3 : i32
    %dma_wait3A_1011 = arith.constant 0 : i32
    %dma_wait3A_1012 = tpu.memref_slice %arg7[%dma_wait3A_1010, %dma_wait3A_1011] : memref<32x1000xf32, #tpu.memory_space<vmem>> -> memref<1x1000xf32, #tpu.memory_space<vmem>>
    %dma_wait3A_1013 = tpu.memref_squeeze %dma_wait3A_1012 : memref<1x1000xf32, #tpu.memory_space<vmem>> -> memref<1000xf32, #tpu.memory_space<vmem>>
    %dma_wait3A_1014 = tpu.memref_slice %arg2[%add3A_192] : memref<1024000xf32, #tpu.memory_space<hbm>> -> memref<1000xf32, #tpu.memory_space<hbm>>
    %dma_wait3A_1015 = arith.constant 0 : i32
    %dma_wait3A_1016 = tpu.memref_slice %arg7[%dma_wait3A_1010, %dma_wait3A_1015] : memref<32x1000xf32, #tpu.memory_space<vmem>> -> memref<1x1000xf32, #tpu.memory_space<vmem>>
    %dma_wait3A_1017 = tpu.memref_squeeze %dma_wait3A_1016 : memref<1x1000xf32, #tpu.memory_space<vmem>> -> memref<1000xf32, #tpu.memory_space<vmem>>
    %dma_wait3A_1018 = tpu.memref_slice %arg2[%add3A_192] : memref<1024000xf32, #tpu.memory_space<hbm>> -> memref<1000xf32, #tpu.memory_space<hbm>>
    tpu.wait_dma2 semaphore(%arg18 : memref<!tpu.dma_semaphore, #tpu.memory_space<semaphore_mem>>) src(%dma_wait3A_1018 : memref<1000xf32, #tpu.memory_space<hbm>>) dst(%dma_wait3A_1017 : memref<1000xf32, #tpu.memory_space<vmem>>)
    %dma_wait3A_1019 = arith.constant 4 : i32
    %dma_wait3A_1020 = arith.constant 0 : i32
    %dma_wait3A_1021 = tpu.memref_slice %arg7[%dma_wait3A_1019, %dma_wait3A_1020] : memref<32x1000xf32, #tpu.memory_space<vmem>> -> memref<1x1000xf32, #tpu.memory_space<vmem>>
    %dma_wait3A_1022 = tpu.memref_squeeze %dma_wait3A_1021 : memref<1x1000xf32, #tpu.memory_space<vmem>> -> memref<1000xf32, #tpu.memory_space<vmem>>
    %dma_wait3A_1023 = tpu.memref_slice %arg2[%add3A_203] : memref<1024000xf32, #tpu.memory_space<hbm>> -> memref<1000xf32, #tpu.memory_space<hbm>>
    %dma_wait3A_1024 = arith.constant 0 : i32
    %dma_wait3A_1025 = tpu.memref_slice %arg7[%dma_wait3A_1019, %dma_wait3A_1024] : memref<32x1000xf32, #tpu.memory_space<vmem>> -> memref<1x1000xf32, #tpu.memory_space<vmem>>
    %dma_wait3A_1026 = tpu.memref_squeeze %dma_wait3A_1025 : memref<1x1000xf32, #tpu.memory_space<vmem>> -> memref<1000xf32, #tpu.memory_space<vmem>>
    %dma_wait3A_1027 = tpu.memref_slice %arg2[%add3A_203] : memref<1024000xf32, #tpu.memory_space<hbm>> -> memref<1000xf32, #tpu.memory_space<hbm>>
    tpu.wait_dma2 semaphore(%arg18 : memref<!tpu.dma_semaphore, #tpu.memory_space<semaphore_mem>>) src(%dma_wait3A_1027 : memref<1000xf32, #tpu.memory_space<hbm>>) dst(%dma_wait3A_1026 : memref<1000xf32, #tpu.memory_space<vmem>>)
    %dma_wait3A_1028 = arith.constant 5 : i32
    %dma_wait3A_1029 = arith.constant 0 : i32
    %dma_wait3A_1030 = tpu.memref_slice %arg7[%dma_wait3A_1028, %dma_wait3A_1029] : memref<32x1000xf32, #tpu.memory_space<vmem>> -> memref<1x1000xf32, #tpu.memory_space<vmem>>
    %dma_wait3A_1031 = tpu.memref_squeeze %dma_wait3A_1030 : memref<1x1000xf32, #tpu.memory_space<vmem>> -> memref<1000xf32, #tpu.memory_space<vmem>>
    %dma_wait3A_1032 = tpu.memref_slice %arg2[%add3A_214] : memref<1024000xf32, #tpu.memory_space<hbm>> -> memref<1000xf32, #tpu.memory_space<hbm>>
    %dma_wait3A_1033 = arith.constant 0 : i32
    %dma_wait3A_1034 = tpu.memref_slice %arg7[%dma_wait3A_1028, %dma_wait3A_1033] : memref<32x1000xf32, #tpu.memory_space<vmem>> -> memref<1x1000xf32, #tpu.memory_space<vmem>>
    %dma_wait3A_1035 = tpu.memref_squeeze %dma_wait3A_1034 : memref<1x1000xf32, #tpu.memory_space<vmem>> -> memref<1000xf32, #tpu.memory_space<vmem>>
    %dma_wait3A_1036 = tpu.memref_slice %arg2[%add3A_214] : memref<1024000xf32, #tpu.memory_space<hbm>> -> memref<1000xf32, #tpu.memory_space<hbm>>
    tpu.wait_dma2 semaphore(%arg18 : memref<!tpu.dma_semaphore, #tpu.memory_space<semaphore_mem>>) src(%dma_wait3A_1036 : memref<1000xf32, #tpu.memory_space<hbm>>) dst(%dma_wait3A_1035 : memref<1000xf32, #tpu.memory_space<vmem>>)
    %dma_wait3A_1037 = arith.constant 6 : i32
    %dma_wait3A_1038 = arith.constant 0 : i32
    %dma_wait3A_1039 = tpu.memref_slice %arg7[%dma_wait3A_1037, %dma_wait3A_1038] : memref<32x1000xf32, #tpu.memory_space<vmem>> -> memref<1x1000xf32, #tpu.memory_space<vmem>>
    %dma_wait3A_1040 = tpu.memref_squeeze %dma_wait3A_1039 : memref<1x1000xf32, #tpu.memory_space<vmem>> -> memref<1000xf32, #tpu.memory_space<vmem>>
    %dma_wait3A_1041 = tpu.memref_slice %arg2[%add3A_225] : memref<1024000xf32, #tpu.memory_space<hbm>> -> memref<1000xf32, #tpu.memory_space<hbm>>
    %dma_wait3A_1042 = arith.constant 0 : i32
    %dma_wait3A_1043 = tpu.memref_slice %arg7[%dma_wait3A_1037, %dma_wait3A_1042] : memref<32x1000xf32, #tpu.memory_space<vmem>> -> memref<1x1000xf32, #tpu.memory_space<vmem>>
    %dma_wait3A_1044 = tpu.memref_squeeze %dma_wait3A_1043 : memref<1x1000xf32, #tpu.memory_space<vmem>> -> memref<1000xf32, #tpu.memory_space<vmem>>
    %dma_wait3A_1045 = tpu.memref_slice %arg2[%add3A_225] : memref<1024000xf32, #tpu.memory_space<hbm>> -> memref<1000xf32, #tpu.memory_space<hbm>>
    tpu.wait_dma2 semaphore(%arg18 : memref<!tpu.dma_semaphore, #tpu.memory_space<semaphore_mem>>) src(%dma_wait3A_1045 : memref<1000xf32, #tpu.memory_space<hbm>>) dst(%dma_wait3A_1044 : memref<1000xf32, #tpu.memory_space<vmem>>)
    %dma_wait3A_1046 = arith.constant 7 : i32
    %dma_wait3A_1047 = arith.constant 0 : i32
    %dma_wait3A_1048 = tpu.memref_slice %arg7[%dma_wait3A_1046, %dma_wait3A_1047] : memref<32x1000xf32, #tpu.memory_space<vmem>> -> memref<1x1000xf32, #tpu.memory_space<vmem>>
    %dma_wait3A_1049 = tpu.memref_squeeze %dma_wait3A_1048 : memref<1x1000xf32, #tpu.memory_space<vmem>> -> memref<1000xf32, #tpu.memory_space<vmem>>
    %dma_wait3A_1050 = tpu.memref_slice %arg2[%add3A_236] : memref<1024000xf32, #tpu.memory_space<hbm>> -> memref<1000xf32, #tpu.memory_space<hbm>>
    %dma_wait3A_1051 = arith.constant 0 : i32
    %dma_wait3A_1052 = tpu.memref_slice %arg7[%dma_wait3A_1046, %dma_wait3A_1051] : memref<32x1000xf32, #tpu.memory_space<vmem>> -> memref<1x1000xf32, #tpu.memory_space<vmem>>
    %dma_wait3A_1053 = tpu.memref_squeeze %dma_wait3A_1052 : memref<1x1000xf32, #tpu.memory_space<vmem>> -> memref<1000xf32, #tpu.memory_space<vmem>>
    %dma_wait3A_1054 = tpu.memref_slice %arg2[%add3A_236] : memref<1024000xf32, #tpu.memory_space<hbm>> -> memref<1000xf32, #tpu.memory_space<hbm>>
    tpu.wait_dma2 semaphore(%arg18 : memref<!tpu.dma_semaphore, #tpu.memory_space<semaphore_mem>>) src(%dma_wait3A_1054 : memref<1000xf32, #tpu.memory_space<hbm>>) dst(%dma_wait3A_1053 : memref<1000xf32, #tpu.memory_space<vmem>>)
    %dma_start3A_1055 = arith.constant 0 : i32
    %dma_start3A_1056 = arith.constant 0 : i32
    %dma_start3A_1057 = tpu.memref_slice %arg7[%dma_start3A_1055, %dma_start3A_1056] : memref<32x1000xf32, #tpu.memory_space<vmem>> -> memref<8x1000xf32, #tpu.memory_space<vmem>>
    %dma_start3A_1058 = arith.constant 0 : i32
    %dma_start3A_1059 = arith.constant 0 : i32
    %dma_start3A_1060 = tpu.memref_slice %arg6[%dma_start3A_1058, %dma_start3A_1059] : memref<100x1000xf32, #tpu.memory_space<vmem_shared>> -> memref<100x1000xf32, #tpu.memory_space<vmem_shared>>
    tpu.enqueue_indirect_dma source(%dma_start3A_1057 : memref<8x1000xf32, #tpu.memory_space<vmem>>) target(%dma_start3A_1060 : memref<100x1000xf32, #tpu.memory_space<vmem_shared>>) offsets(%arg8 : memref<8xi32, #tpu.memory_space<vmem>>) semaphore(%arg21 : memref<!tpu.dma_semaphore, #tpu.memory_space<semaphore_mem>>) {add = true}
    %dma_wait3A_1061 = arith.constant 8 : i32
    %dma_wait3A_1062 = arith.constant 0 : i32
    %dma_wait3A_1063 = tpu.memref_slice %arg7[%dma_wait3A_1061, %dma_wait3A_1062] : memref<32x1000xf32, #tpu.memory_space<vmem>> -> memref<1x1000xf32, #tpu.memory_space<vmem>>
    %dma_wait3A_1064 = tpu.memref_squeeze %dma_wait3A_1063 : memref<1x1000xf32, #tpu.memory_space<vmem>> -> memref<1000xf32, #tpu.memory_space<vmem>>
    %dma_wait3A_1065 = tpu.memref_slice %arg2[%add3A_247] : memref<1024000xf32, #tpu.memory_space<hbm>> -> memref<1000xf32, #tpu.memory_space<hbm>>
    %dma_wait3A_1066 = arith.constant 0 : i32
    %dma_wait3A_1067 = tpu.memref_slice %arg7[%dma_wait3A_1061, %dma_wait3A_1066] : memref<32x1000xf32, #tpu.memory_space<vmem>> -> memref<1x1000xf32, #tpu.memory_space<vmem>>
    %dma_wait3A_1068 = tpu.memref_squeeze %dma_wait3A_1067 : memref<1x1000xf32, #tpu.memory_space<vmem>> -> memref<1000xf32, #tpu.memory_space<vmem>>
    %dma_wait3A_1069 = tpu.memref_slice %arg2[%add3A_247] : memref<1024000xf32, #tpu.memory_space<hbm>> -> memref<1000xf32, #tpu.memory_space<hbm>>
    tpu.wait_dma2 semaphore(%arg18 : memref<!tpu.dma_semaphore, #tpu.memory_space<semaphore_mem>>) src(%dma_wait3A_1069 : memref<1000xf32, #tpu.memory_space<hbm>>) dst(%dma_wait3A_1068 : memref<1000xf32, #tpu.memory_space<vmem>>)
    %dma_wait3A_1070 = arith.constant 9 : i32
    %dma_wait3A_1071 = arith.constant 0 : i32
    %dma_wait3A_1072 = tpu.memref_slice %arg7[%dma_wait3A_1070, %dma_wait3A_1071] : memref<32x1000xf32, #tpu.memory_space<vmem>> -> memref<1x1000xf32, #tpu.memory_space<vmem>>
    %dma_wait3A_1073 = tpu.memref_squeeze %dma_wait3A_1072 : memref<1x1000xf32, #tpu.memory_space<vmem>> -> memref<1000xf32, #tpu.memory_space<vmem>>
    %dma_wait3A_1074 = tpu.memref_slice %arg2[%add3A_258] : memref<1024000xf32, #tpu.memory_space<hbm>> -> memref<1000xf32, #tpu.memory_space<hbm>>
    %dma_wait3A_1075 = arith.constant 0 : i32
    %dma_wait3A_1076 = tpu.memref_slice %arg7[%dma_wait3A_1070, %dma_wait3A_1075] : memref<32x1000xf32, #tpu.memory_space<vmem>> -> memref<1x1000xf32, #tpu.memory_space<vmem>>
    %dma_wait3A_1077 = tpu.memref_squeeze %dma_wait3A_1076 : memref<1x1000xf32, #tpu.memory_space<vmem>> -> memref<1000xf32, #tpu.memory_space<vmem>>
    %dma_wait3A_1078 = tpu.memref_slice %arg2[%add3A_258] : memref<1024000xf32, #tpu.memory_space<hbm>> -> memref<1000xf32, #tpu.memory_space<hbm>>
    tpu.wait_dma2 semaphore(%arg18 : memref<!tpu.dma_semaphore, #tpu.memory_space<semaphore_mem>>) src(%dma_wait3A_1078 : memref<1000xf32, #tpu.memory_space<hbm>>) dst(%dma_wait3A_1077 : memref<1000xf32, #tpu.memory_space<vmem>>)
    %dma_wait3A_1079 = arith.constant 10 : i32
    %dma_wait3A_1080 = arith.constant 0 : i32
    %dma_wait3A_1081 = tpu.memref_slice %arg7[%dma_wait3A_1079, %dma_wait3A_1080] : memref<32x1000xf32, #tpu.memory_space<vmem>> -> memref<1x1000xf32, #tpu.memory_space<vmem>>
    %dma_wait3A_1082 = tpu.memref_squeeze %dma_wait3A_1081 : memref<1x1000xf32, #tpu.memory_space<vmem>> -> memref<1000xf32, #tpu.memory_space<vmem>>
    %dma_wait3A_1083 = tpu.memref_slice %arg2[%add3A_269] : memref<1024000xf32, #tpu.memory_space<hbm>> -> memref<1000xf32, #tpu.memory_space<hbm>>
    %dma_wait3A_1084 = arith.constant 0 : i32
    %dma_wait3A_1085 = tpu.memref_slice %arg7[%dma_wait3A_1079, %dma_wait3A_1084] : memref<32x1000xf32, #tpu.memory_space<vmem>> -> memref<1x1000xf32, #tpu.memory_space<vmem>>
    %dma_wait3A_1086 = tpu.memref_squeeze %dma_wait3A_1085 : memref<1x1000xf32, #tpu.memory_space<vmem>> -> memref<1000xf32, #tpu.memory_space<vmem>>
    %dma_wait3A_1087 = tpu.memref_slice %arg2[%add3A_269] : memref<1024000xf32, #tpu.memory_space<hbm>> -> memref<1000xf32, #tpu.memory_space<hbm>>
    tpu.wait_dma2 semaphore(%arg18 : memref<!tpu.dma_semaphore, #tpu.memory_space<semaphore_mem>>) src(%dma_wait3A_1087 : memref<1000xf32, #tpu.memory_space<hbm>>) dst(%dma_wait3A_1086 : memref<1000xf32, #tpu.memory_space<vmem>>)
    %dma_wait3A_1088 = arith.constant 11 : i32
    %dma_wait3A_1089 = arith.constant 0 : i32
    %dma_wait3A_1090 = tpu.memref_slice %arg7[%dma_wait3A_1088, %dma_wait3A_1089] : memref<32x1000xf32, #tpu.memory_space<vmem>> -> memref<1x1000xf32, #tpu.memory_space<vmem>>
    %dma_wait3A_1091 = tpu.memref_squeeze %dma_wait3A_1090 : memref<1x1000xf32, #tpu.memory_space<vmem>> -> memref<1000xf32, #tpu.memory_space<vmem>>
    %dma_wait3A_1092 = tpu.memref_slice %arg2[%add3A_280] : memref<1024000xf32, #tpu.memory_space<hbm>> -> memref<1000xf32, #tpu.memory_space<hbm>>
    %dma_wait3A_1093 = arith.constant 0 : i32
    %dma_wait3A_1094 = tpu.memref_slice %arg7[%dma_wait3A_1088, %dma_wait3A_1093] : memref<32x1000xf32, #tpu.memory_space<vmem>> -> memref<1x1000xf32, #tpu.memory_space<vmem>>
    %dma_wait3A_1095 = tpu.memref_squeeze %dma_wait3A_1094 : memref<1x1000xf32, #tpu.memory_space<vmem>> -> memref<1000xf32, #tpu.memory_space<vmem>>
    %dma_wait3A_1096 = tpu.memref_slice %arg2[%add3A_280] : memref<1024000xf32, #tpu.memory_space<hbm>> -> memref<1000xf32, #tpu.memory_space<hbm>>
    tpu.wait_dma2 semaphore(%arg18 : memref<!tpu.dma_semaphore, #tpu.memory_space<semaphore_mem>>) src(%dma_wait3A_1096 : memref<1000xf32, #tpu.memory_space<hbm>>) dst(%dma_wait3A_1095 : memref<1000xf32, #tpu.memory_space<vmem>>)
    %dma_wait3A_1097 = arith.constant 12 : i32
    %dma_wait3A_1098 = arith.constant 0 : i32
    %dma_wait3A_1099 = tpu.memref_slice %arg7[%dma_wait3A_1097, %dma_wait3A_1098] : memref<32x1000xf32, #tpu.memory_space<vmem>> -> memref<1x1000xf32, #tpu.memory_space<vmem>>
    %dma_wait3A_1100 = tpu.memref_squeeze %dma_wait3A_1099 : memref<1x1000xf32, #tpu.memory_space<vmem>> -> memref<1000xf32, #tpu.memory_space<vmem>>
    %dma_wait3A_1101 = tpu.memref_slice %arg2[%add3A_291] : memref<1024000xf32, #tpu.memory_space<hbm>> -> memref<1000xf32, #tpu.memory_space<hbm>>
    %dma_wait3A_1102 = arith.constant 0 : i32
    %dma_wait3A_1103 = tpu.memref_slice %arg7[%dma_wait3A_1097, %dma_wait3A_1102] : memref<32x1000xf32, #tpu.memory_space<vmem>> -> memref<1x1000xf32, #tpu.memory_space<vmem>>
    %dma_wait3A_1104 = tpu.memref_squeeze %dma_wait3A_1103 : memref<1x1000xf32, #tpu.memory_space<vmem>> -> memref<1000xf32, #tpu.memory_space<vmem>>
    %dma_wait3A_1105 = tpu.memref_slice %arg2[%add3A_291] : memref<1024000xf32, #tpu.memory_space<hbm>> -> memref<1000xf32, #tpu.memory_space<hbm>>
    tpu.wait_dma2 semaphore(%arg18 : memref<!tpu.dma_semaphore, #tpu.memory_space<semaphore_mem>>) src(%dma_wait3A_1105 : memref<1000xf32, #tpu.memory_space<hbm>>) dst(%dma_wait3A_1104 : memref<1000xf32, #tpu.memory_space<vmem>>)
    %dma_wait3A_1106 = arith.constant 13 : i32
    %dma_wait3A_1107 = arith.constant 0 : i32
    %dma_wait3A_1108 = tpu.memref_slice %arg7[%dma_wait3A_1106, %dma_wait3A_1107] : memref<32x1000xf32, #tpu.memory_space<vmem>> -> memref<1x1000xf32, #tpu.memory_space<vmem>>
    %dma_wait3A_1109 = tpu.memref_squeeze %dma_wait3A_1108 : memref<1x1000xf32, #tpu.memory_space<vmem>> -> memref<1000xf32, #tpu.memory_space<vmem>>
    %dma_wait3A_1110 = tpu.memref_slice %arg2[%add3A_302] : memref<1024000xf32, #tpu.memory_space<hbm>> -> memref<1000xf32, #tpu.memory_space<hbm>>
    %dma_wait3A_1111 = arith.constant 0 : i32
    %dma_wait3A_1112 = tpu.memref_slice %arg7[%dma_wait3A_1106, %dma_wait3A_1111] : memref<32x1000xf32, #tpu.memory_space<vmem>> -> memref<1x1000xf32, #tpu.memory_space<vmem>>
    %dma_wait3A_1113 = tpu.memref_squeeze %dma_wait3A_1112 : memref<1x1000xf32, #tpu.memory_space<vmem>> -> memref<1000xf32, #tpu.memory_space<vmem>>
    %dma_wait3A_1114 = tpu.memref_slice %arg2[%add3A_302] : memref<1024000xf32, #tpu.memory_space<hbm>> -> memref<1000xf32, #tpu.memory_space<hbm>>
    tpu.wait_dma2 semaphore(%arg18 : memref<!tpu.dma_semaphore, #tpu.memory_space<semaphore_mem>>) src(%dma_wait3A_1114 : memref<1000xf32, #tpu.memory_space<hbm>>) dst(%dma_wait3A_1113 : memref<1000xf32, #tpu.memory_space<vmem>>)
    %dma_wait3A_1115 = arith.constant 14 : i32
    %dma_wait3A_1116 = arith.constant 0 : i32
    %dma_wait3A_1117 = tpu.memref_slice %arg7[%dma_wait3A_1115, %dma_wait3A_1116] : memref<32x1000xf32, #tpu.memory_space<vmem>> -> memref<1x1000xf32, #tpu.memory_space<vmem>>
    %dma_wait3A_1118 = tpu.memref_squeeze %dma_wait3A_1117 : memref<1x1000xf32, #tpu.memory_space<vmem>> -> memref<1000xf32, #tpu.memory_space<vmem>>
    %dma_wait3A_1119 = tpu.memref_slice %arg2[%add3A_313] : memref<1024000xf32, #tpu.memory_space<hbm>> -> memref<1000xf32, #tpu.memory_space<hbm>>
    %dma_wait3A_1120 = arith.constant 0 : i32
    %dma_wait3A_1121 = tpu.memref_slice %arg7[%dma_wait3A_1115, %dma_wait3A_1120] : memref<32x1000xf32, #tpu.memory_space<vmem>> -> memref<1x1000xf32, #tpu.memory_space<vmem>>
    %dma_wait3A_1122 = tpu.memref_squeeze %dma_wait3A_1121 : memref<1x1000xf32, #tpu.memory_space<vmem>> -> memref<1000xf32, #tpu.memory_space<vmem>>
    %dma_wait3A_1123 = tpu.memref_slice %arg2[%add3A_313] : memref<1024000xf32, #tpu.memory_space<hbm>> -> memref<1000xf32, #tpu.memory_space<hbm>>
    tpu.wait_dma2 semaphore(%arg18 : memref<!tpu.dma_semaphore, #tpu.memory_space<semaphore_mem>>) src(%dma_wait3A_1123 : memref<1000xf32, #tpu.memory_space<hbm>>) dst(%dma_wait3A_1122 : memref<1000xf32, #tpu.memory_space<vmem>>)
    %dma_wait3A_1124 = arith.constant 15 : i32
    %dma_wait3A_1125 = arith.constant 0 : i32
    %dma_wait3A_1126 = tpu.memref_slice %arg7[%dma_wait3A_1124, %dma_wait3A_1125] : memref<32x1000xf32, #tpu.memory_space<vmem>> -> memref<1x1000xf32, #tpu.memory_space<vmem>>
    %dma_wait3A_1127 = tpu.memref_squeeze %dma_wait3A_1126 : memref<1x1000xf32, #tpu.memory_space<vmem>> -> memref<1000xf32, #tpu.memory_space<vmem>>
    %dma_wait3A_1128 = tpu.memref_slice %arg2[%add3A_324] : memref<1024000xf32, #tpu.memory_space<hbm>> -> memref<1000xf32, #tpu.memory_space<hbm>>
    %dma_wait3A_1129 = arith.constant 0 : i32
    %dma_wait3A_1130 = tpu.memref_slice %arg7[%dma_wait3A_1124, %dma_wait3A_1129] : memref<32x1000xf32, #tpu.memory_space<vmem>> -> memref<1x1000xf32, #tpu.memory_space<vmem>>
    %dma_wait3A_1131 = tpu.memref_squeeze %dma_wait3A_1130 : memref<1x1000xf32, #tpu.memory_space<vmem>> -> memref<1000xf32, #tpu.memory_space<vmem>>
    %dma_wait3A_1132 = tpu.memref_slice %arg2[%add3A_324] : memref<1024000xf32, #tpu.memory_space<hbm>> -> memref<1000xf32, #tpu.memory_space<hbm>>
    tpu.wait_dma2 semaphore(%arg18 : memref<!tpu.dma_semaphore, #tpu.memory_space<semaphore_mem>>) src(%dma_wait3A_1132 : memref<1000xf32, #tpu.memory_space<hbm>>) dst(%dma_wait3A_1131 : memref<1000xf32, #tpu.memory_space<vmem>>)
    %dma_start3A_1133 = arith.constant 8 : i32
    %dma_start3A_1134 = arith.constant 0 : i32
    %dma_start3A_1135 = tpu.memref_slice %arg7[%dma_start3A_1133, %dma_start3A_1134] : memref<32x1000xf32, #tpu.memory_space<vmem>> -> memref<8x1000xf32, #tpu.memory_space<vmem>>
    %dma_start3A_1136 = arith.constant 0 : i32
    %dma_start3A_1137 = arith.constant 0 : i32
    %dma_start3A_1138 = tpu.memref_slice %arg6[%dma_start3A_1136, %dma_start3A_1137] : memref<100x1000xf32, #tpu.memory_space<vmem_shared>> -> memref<100x1000xf32, #tpu.memory_space<vmem_shared>>
    tpu.enqueue_indirect_dma source(%dma_start3A_1135 : memref<8x1000xf32, #tpu.memory_space<vmem>>) target(%dma_start3A_1138 : memref<100x1000xf32, #tpu.memory_space<vmem_shared>>) offsets(%arg9 : memref<8xi32, #tpu.memory_space<vmem>>) semaphore(%arg21 : memref<!tpu.dma_semaphore, #tpu.memory_space<semaphore_mem>>) {add = true}
    %dma_wait3A_1139 = arith.constant 16 : i32
    %dma_wait3A_1140 = arith.constant 0 : i32
    %dma_wait3A_1141 = tpu.memref_slice %arg7[%dma_wait3A_1139, %dma_wait3A_1140] : memref<32x1000xf32, #tpu.memory_space<vmem>> -> memref<1x1000xf32, #tpu.memory_space<vmem>>
    %dma_wait3A_1142 = tpu.memref_squeeze %dma_wait3A_1141 : memref<1x1000xf32, #tpu.memory_space<vmem>> -> memref<1000xf32, #tpu.memory_space<vmem>>
    %dma_wait3A_1143 = tpu.memref_slice %arg2[%add3A_335] : memref<1024000xf32, #tpu.memory_space<hbm>> -> memref<1000xf32, #tpu.memory_space<hbm>>
    %dma_wait3A_1144 = arith.constant 0 : i32
    %dma_wait3A_1145 = tpu.memref_slice %arg7[%dma_wait3A_1139, %dma_wait3A_1144] : memref<32x1000xf32, #tpu.memory_space<vmem>> -> memref<1x1000xf32, #tpu.memory_space<vmem>>
    %dma_wait3A_1146 = tpu.memref_squeeze %dma_wait3A_1145 : memref<1x1000xf32, #tpu.memory_space<vmem>> -> memref<1000xf32, #tpu.memory_space<vmem>>
    %dma_wait3A_1147 = tpu.memref_slice %arg2[%add3A_335] : memref<1024000xf32, #tpu.memory_space<hbm>> -> memref<1000xf32, #tpu.memory_space<hbm>>
    tpu.wait_dma2 semaphore(%arg18 : memref<!tpu.dma_semaphore, #tpu.memory_space<semaphore_mem>>) src(%dma_wait3A_1147 : memref<1000xf32, #tpu.memory_space<hbm>>) dst(%dma_wait3A_1146 : memref<1000xf32, #tpu.memory_space<vmem>>)
    %dma_wait3A_1148 = arith.constant 17 : i32
    %dma_wait3A_1149 = arith.constant 0 : i32
    %dma_wait3A_1150 = tpu.memref_slice %arg7[%dma_wait3A_1148, %dma_wait3A_1149] : memref<32x1000xf32, #tpu.memory_space<vmem>> -> memref<1x1000xf32, #tpu.memory_space<vmem>>
    %dma_wait3A_1151 = tpu.memref_squeeze %dma_wait3A_1150 : memref<1x1000xf32, #tpu.memory_space<vmem>> -> memref<1000xf32, #tpu.memory_space<vmem>>
    %dma_wait3A_1152 = tpu.memref_slice %arg2[%add3A_346] : memref<1024000xf32, #tpu.memory_space<hbm>> -> memref<1000xf32, #tpu.memory_space<hbm>>
    %dma_wait3A_1153 = arith.constant 0 : i32
    %dma_wait3A_1154 = tpu.memref_slice %arg7[%dma_wait3A_1148, %dma_wait3A_1153] : memref<32x1000xf32, #tpu.memory_space<vmem>> -> memref<1x1000xf32, #tpu.memory_space<vmem>>
    %dma_wait3A_1155 = tpu.memref_squeeze %dma_wait3A_1154 : memref<1x1000xf32, #tpu.memory_space<vmem>> -> memref<1000xf32, #tpu.memory_space<vmem>>
    %dma_wait3A_1156 = tpu.memref_slice %arg2[%add3A_346] : memref<1024000xf32, #tpu.memory_space<hbm>> -> memref<1000xf32, #tpu.memory_space<hbm>>
    tpu.wait_dma2 semaphore(%arg18 : memref<!tpu.dma_semaphore, #tpu.memory_space<semaphore_mem>>) src(%dma_wait3A_1156 : memref<1000xf32, #tpu.memory_space<hbm>>) dst(%dma_wait3A_1155 : memref<1000xf32, #tpu.memory_space<vmem>>)
    %dma_wait3A_1157 = arith.constant 18 : i32
    %dma_wait3A_1158 = arith.constant 0 : i32
    %dma_wait3A_1159 = tpu.memref_slice %arg7[%dma_wait3A_1157, %dma_wait3A_1158] : memref<32x1000xf32, #tpu.memory_space<vmem>> -> memref<1x1000xf32, #tpu.memory_space<vmem>>
    %dma_wait3A_1160 = tpu.memref_squeeze %dma_wait3A_1159 : memref<1x1000xf32, #tpu.memory_space<vmem>> -> memref<1000xf32, #tpu.memory_space<vmem>>
    %dma_wait3A_1161 = tpu.memref_slice %arg2[%add3A_357] : memref<1024000xf32, #tpu.memory_space<hbm>> -> memref<1000xf32, #tpu.memory_space<hbm>>
    %dma_wait3A_1162 = arith.constant 0 : i32
    %dma_wait3A_1163 = tpu.memref_slice %arg7[%dma_wait3A_1157, %dma_wait3A_1162] : memref<32x1000xf32, #tpu.memory_space<vmem>> -> memref<1x1000xf32, #tpu.memory_space<vmem>>
    %dma_wait3A_1164 = tpu.memref_squeeze %dma_wait3A_1163 : memref<1x1000xf32, #tpu.memory_space<vmem>> -> memref<1000xf32, #tpu.memory_space<vmem>>
    %dma_wait3A_1165 = tpu.memref_slice %arg2[%add3A_357] : memref<1024000xf32, #tpu.memory_space<hbm>> -> memref<1000xf32, #tpu.memory_space<hbm>>
    tpu.wait_dma2 semaphore(%arg18 : memref<!tpu.dma_semaphore, #tpu.memory_space<semaphore_mem>>) src(%dma_wait3A_1165 : memref<1000xf32, #tpu.memory_space<hbm>>) dst(%dma_wait3A_1164 : memref<1000xf32, #tpu.memory_space<vmem>>)
    %dma_wait3A_1166 = arith.constant 19 : i32
    %dma_wait3A_1167 = arith.constant 0 : i32
    %dma_wait3A_1168 = tpu.memref_slice %arg7[%dma_wait3A_1166, %dma_wait3A_1167] : memref<32x1000xf32, #tpu.memory_space<vmem>> -> memref<1x1000xf32, #tpu.memory_space<vmem>>
    %dma_wait3A_1169 = tpu.memref_squeeze %dma_wait3A_1168 : memref<1x1000xf32, #tpu.memory_space<vmem>> -> memref<1000xf32, #tpu.memory_space<vmem>>
    %dma_wait3A_1170 = tpu.memref_slice %arg2[%add3A_368] : memref<1024000xf32, #tpu.memory_space<hbm>> -> memref<1000xf32, #tpu.memory_space<hbm>>
    %dma_wait3A_1171 = arith.constant 0 : i32
    %dma_wait3A_1172 = tpu.memref_slice %arg7[%dma_wait3A_1166, %dma_wait3A_1171] : memref<32x1000xf32, #tpu.memory_space<vmem>> -> memref<1x1000xf32, #tpu.memory_space<vmem>>
    %dma_wait3A_1173 = tpu.memref_squeeze %dma_wait3A_1172 : memref<1x1000xf32, #tpu.memory_space<vmem>> -> memref<1000xf32, #tpu.memory_space<vmem>>
    %dma_wait3A_1174 = tpu.memref_slice %arg2[%add3A_368] : memref<1024000xf32, #tpu.memory_space<hbm>> -> memref<1000xf32, #tpu.memory_space<hbm>>
    tpu.wait_dma2 semaphore(%arg18 : memref<!tpu.dma_semaphore, #tpu.memory_space<semaphore_mem>>) src(%dma_wait3A_1174 : memref<1000xf32, #tpu.memory_space<hbm>>) dst(%dma_wait3A_1173 : memref<1000xf32, #tpu.memory_space<vmem>>)
    %dma_wait3A_1175 = arith.constant 20 : i32
    %dma_wait3A_1176 = arith.constant 0 : i32
    %dma_wait3A_1177 = tpu.memref_slice %arg7[%dma_wait3A_1175, %dma_wait3A_1176] : memref<32x1000xf32, #tpu.memory_space<vmem>> -> memref<1x1000xf32, #tpu.memory_space<vmem>>
    %dma_wait3A_1178 = tpu.memref_squeeze %dma_wait3A_1177 : memref<1x1000xf32, #tpu.memory_space<vmem>> -> memref<1000xf32, #tpu.memory_space<vmem>>
    %dma_wait3A_1179 = tpu.memref_slice %arg2[%add3A_379] : memref<1024000xf32, #tpu.memory_space<hbm>> -> memref<1000xf32, #tpu.memory_space<hbm>>
    %dma_wait3A_1180 = arith.constant 0 : i32
    %dma_wait3A_1181 = tpu.memref_slice %arg7[%dma_wait3A_1175, %dma_wait3A_1180] : memref<32x1000xf32, #tpu.memory_space<vmem>> -> memref<1x1000xf32, #tpu.memory_space<vmem>>
    %dma_wait3A_1182 = tpu.memref_squeeze %dma_wait3A_1181 : memref<1x1000xf32, #tpu.memory_space<vmem>> -> memref<1000xf32, #tpu.memory_space<vmem>>
    %dma_wait3A_1183 = tpu.memref_slice %arg2[%add3A_379] : memref<1024000xf32, #tpu.memory_space<hbm>> -> memref<1000xf32, #tpu.memory_space<hbm>>
    tpu.wait_dma2 semaphore(%arg18 : memref<!tpu.dma_semaphore, #tpu.memory_space<semaphore_mem>>) src(%dma_wait3A_1183 : memref<1000xf32, #tpu.memory_space<hbm>>) dst(%dma_wait3A_1182 : memref<1000xf32, #tpu.memory_space<vmem>>)
    %dma_wait3A_1184 = arith.constant 21 : i32
    %dma_wait3A_1185 = arith.constant 0 : i32
    %dma_wait3A_1186 = tpu.memref_slice %arg7[%dma_wait3A_1184, %dma_wait3A_1185] : memref<32x1000xf32, #tpu.memory_space<vmem>> -> memref<1x1000xf32, #tpu.memory_space<vmem>>
    %dma_wait3A_1187 = tpu.memref_squeeze %dma_wait3A_1186 : memref<1x1000xf32, #tpu.memory_space<vmem>> -> memref<1000xf32, #tpu.memory_space<vmem>>
    %dma_wait3A_1188 = tpu.memref_slice %arg2[%add3A_390] : memref<1024000xf32, #tpu.memory_space<hbm>> -> memref<1000xf32, #tpu.memory_space<hbm>>
    %dma_wait3A_1189 = arith.constant 0 : i32
    %dma_wait3A_1190 = tpu.memref_slice %arg7[%dma_wait3A_1184, %dma_wait3A_1189] : memref<32x1000xf32, #tpu.memory_space<vmem>> -> memref<1x1000xf32, #tpu.memory_space<vmem>>
    %dma_wait3A_1191 = tpu.memref_squeeze %dma_wait3A_1190 : memref<1x1000xf32, #tpu.memory_space<vmem>> -> memref<1000xf32, #tpu.memory_space<vmem>>
    %dma_wait3A_1192 = tpu.memref_slice %arg2[%add3A_390] : memref<1024000xf32, #tpu.memory_space<hbm>> -> memref<1000xf32, #tpu.memory_space<hbm>>
    tpu.wait_dma2 semaphore(%arg18 : memref<!tpu.dma_semaphore, #tpu.memory_space<semaphore_mem>>) src(%dma_wait3A_1192 : memref<1000xf32, #tpu.memory_space<hbm>>) dst(%dma_wait3A_1191 : memref<1000xf32, #tpu.memory_space<vmem>>)
    %dma_wait3A_1193 = arith.constant 22 : i32
    %dma_wait3A_1194 = arith.constant 0 : i32
    %dma_wait3A_1195 = tpu.memref_slice %arg7[%dma_wait3A_1193, %dma_wait3A_1194] : memref<32x1000xf32, #tpu.memory_space<vmem>> -> memref<1x1000xf32, #tpu.memory_space<vmem>>
    %dma_wait3A_1196 = tpu.memref_squeeze %dma_wait3A_1195 : memref<1x1000xf32, #tpu.memory_space<vmem>> -> memref<1000xf32, #tpu.memory_space<vmem>>
    %dma_wait3A_1197 = tpu.memref_slice %arg2[%add3A_401] : memref<1024000xf32, #tpu.memory_space<hbm>> -> memref<1000xf32, #tpu.memory_space<hbm>>
    %dma_wait3A_1198 = arith.constant 0 : i32
    %dma_wait3A_1199 = tpu.memref_slice %arg7[%dma_wait3A_1193, %dma_wait3A_1198] : memref<32x1000xf32, #tpu.memory_space<vmem>> -> memref<1x1000xf32, #tpu.memory_space<vmem>>
    %dma_wait3A_1200 = tpu.memref_squeeze %dma_wait3A_1199 : memref<1x1000xf32, #tpu.memory_space<vmem>> -> memref<1000xf32, #tpu.memory_space<vmem>>
    %dma_wait3A_1201 = tpu.memref_slice %arg2[%add3A_401] : memref<1024000xf32, #tpu.memory_space<hbm>> -> memref<1000xf32, #tpu.memory_space<hbm>>
    tpu.wait_dma2 semaphore(%arg18 : memref<!tpu.dma_semaphore, #tpu.memory_space<semaphore_mem>>) src(%dma_wait3A_1201 : memref<1000xf32, #tpu.memory_space<hbm>>) dst(%dma_wait3A_1200 : memref<1000xf32, #tpu.memory_space<vmem>>)
    %dma_wait3A_1202 = arith.constant 23 : i32
    %dma_wait3A_1203 = arith.constant 0 : i32
    %dma_wait3A_1204 = tpu.memref_slice %arg7[%dma_wait3A_1202, %dma_wait3A_1203] : memref<32x1000xf32, #tpu.memory_space<vmem>> -> memref<1x1000xf32, #tpu.memory_space<vmem>>
    %dma_wait3A_1205 = tpu.memref_squeeze %dma_wait3A_1204 : memref<1x1000xf32, #tpu.memory_space<vmem>> -> memref<1000xf32, #tpu.memory_space<vmem>>
    %dma_wait3A_1206 = tpu.memref_slice %arg2[%add3A_412] : memref<1024000xf32, #tpu.memory_space<hbm>> -> memref<1000xf32, #tpu.memory_space<hbm>>
    %dma_wait3A_1207 = arith.constant 0 : i32
    %dma_wait3A_1208 = tpu.memref_slice %arg7[%dma_wait3A_1202, %dma_wait3A_1207] : memref<32x1000xf32, #tpu.memory_space<vmem>> -> memref<1x1000xf32, #tpu.memory_space<vmem>>
    %dma_wait3A_1209 = tpu.memref_squeeze %dma_wait3A_1208 : memref<1x1000xf32, #tpu.memory_space<vmem>> -> memref<1000xf32, #tpu.memory_space<vmem>>
    %dma_wait3A_1210 = tpu.memref_slice %arg2[%add3A_412] : memref<1024000xf32, #tpu.memory_space<hbm>> -> memref<1000xf32, #tpu.memory_space<hbm>>
    tpu.wait_dma2 semaphore(%arg18 : memref<!tpu.dma_semaphore, #tpu.memory_space<semaphore_mem>>) src(%dma_wait3A_1210 : memref<1000xf32, #tpu.memory_space<hbm>>) dst(%dma_wait3A_1209 : memref<1000xf32, #tpu.memory_space<vmem>>)
    %dma_start3A_1211 = arith.constant 16 : i32
    %dma_start3A_1212 = arith.constant 0 : i32
    %dma_start3A_1213 = tpu.memref_slice %arg7[%dma_start3A_1211, %dma_start3A_1212] : memref<32x1000xf32, #tpu.memory_space<vmem>> -> memref<8x1000xf32, #tpu.memory_space<vmem>>
    %dma_start3A_1214 = arith.constant 0 : i32
    %dma_start3A_1215 = arith.constant 0 : i32
    %dma_start3A_1216 = tpu.memref_slice %arg6[%dma_start3A_1214, %dma_start3A_1215] : memref<100x1000xf32, #tpu.memory_space<vmem_shared>> -> memref<100x1000xf32, #tpu.memory_space<vmem_shared>>
    tpu.enqueue_indirect_dma source(%dma_start3A_1213 : memref<8x1000xf32, #tpu.memory_space<vmem>>) target(%dma_start3A_1216 : memref<100x1000xf32, #tpu.memory_space<vmem_shared>>) offsets(%arg10 : memref<8xi32, #tpu.memory_space<vmem>>) semaphore(%arg21 : memref<!tpu.dma_semaphore, #tpu.memory_space<semaphore_mem>>) {add = true}
    %dma_wait3A_1217 = arith.constant 24 : i32
    %dma_wait3A_1218 = arith.constant 0 : i32
    %dma_wait3A_1219 = tpu.memref_slice %arg7[%dma_wait3A_1217, %dma_wait3A_1218] : memref<32x1000xf32, #tpu.memory_space<vmem>> -> memref<1x1000xf32, #tpu.memory_space<vmem>>
    %dma_wait3A_1220 = tpu.memref_squeeze %dma_wait3A_1219 : memref<1x1000xf32, #tpu.memory_space<vmem>> -> memref<1000xf32, #tpu.memory_space<vmem>>
    %dma_wait3A_1221 = tpu.memref_slice %arg2[%add3A_423] : memref<1024000xf32, #tpu.memory_space<hbm>> -> memref<1000xf32, #tpu.memory_space<hbm>>
    %dma_wait3A_1222 = arith.constant 0 : i32
    %dma_wait3A_1223 = tpu.memref_slice %arg7[%dma_wait3A_1217, %dma_wait3A_1222] : memref<32x1000xf32, #tpu.memory_space<vmem>> -> memref<1x1000xf32, #tpu.memory_space<vmem>>
    %dma_wait3A_1224 = tpu.memref_squeeze %dma_wait3A_1223 : memref<1x1000xf32, #tpu.memory_space<vmem>> -> memref<1000xf32, #tpu.memory_space<vmem>>
    %dma_wait3A_1225 = tpu.memref_slice %arg2[%add3A_423] : memref<1024000xf32, #tpu.memory_space<hbm>> -> memref<1000xf32, #tpu.memory_space<hbm>>
    tpu.wait_dma2 semaphore(%arg18 : memref<!tpu.dma_semaphore, #tpu.memory_space<semaphore_mem>>) src(%dma_wait3A_1225 : memref<1000xf32, #tpu.memory_space<hbm>>) dst(%dma_wait3A_1224 : memref<1000xf32, #tpu.memory_space<vmem>>)
    %dma_wait3A_1226 = arith.constant 25 : i32
    %dma_wait3A_1227 = arith.constant 0 : i32
    %dma_wait3A_1228 = tpu.memref_slice %arg7[%dma_wait3A_1226, %dma_wait3A_1227] : memref<32x1000xf32, #tpu.memory_space<vmem>> -> memref<1x1000xf32, #tpu.memory_space<vmem>>
    %dma_wait3A_1229 = tpu.memref_squeeze %dma_wait3A_1228 : memref<1x1000xf32, #tpu.memory_space<vmem>> -> memref<1000xf32, #tpu.memory_space<vmem>>
    %dma_wait3A_1230 = tpu.memref_slice %arg2[%add3A_434] : memref<1024000xf32, #tpu.memory_space<hbm>> -> memref<1000xf32, #tpu.memory_space<hbm>>
    %dma_wait3A_1231 = arith.constant 0 : i32
    %dma_wait3A_1232 = tpu.memref_slice %arg7[%dma_wait3A_1226, %dma_wait3A_1231] : memref<32x1000xf32, #tpu.memory_space<vmem>> -> memref<1x1000xf32, #tpu.memory_space<vmem>>
    %dma_wait3A_1233 = tpu.memref_squeeze %dma_wait3A_1232 : memref<1x1000xf32, #tpu.memory_space<vmem>> -> memref<1000xf32, #tpu.memory_space<vmem>>
    %dma_wait3A_1234 = tpu.memref_slice %arg2[%add3A_434] : memref<1024000xf32, #tpu.memory_space<hbm>> -> memref<1000xf32, #tpu.memory_space<hbm>>
    tpu.wait_dma2 semaphore(%arg18 : memref<!tpu.dma_semaphore, #tpu.memory_space<semaphore_mem>>) src(%dma_wait3A_1234 : memref<1000xf32, #tpu.memory_space<hbm>>) dst(%dma_wait3A_1233 : memref<1000xf32, #tpu.memory_space<vmem>>)
    %dma_wait3A_1235 = arith.constant 26 : i32
    %dma_wait3A_1236 = arith.constant 0 : i32
    %dma_wait3A_1237 = tpu.memref_slice %arg7[%dma_wait3A_1235, %dma_wait3A_1236] : memref<32x1000xf32, #tpu.memory_space<vmem>> -> memref<1x1000xf32, #tpu.memory_space<vmem>>
    %dma_wait3A_1238 = tpu.memref_squeeze %dma_wait3A_1237 : memref<1x1000xf32, #tpu.memory_space<vmem>> -> memref<1000xf32, #tpu.memory_space<vmem>>
    %dma_wait3A_1239 = tpu.memref_slice %arg2[%add3A_445] : memref<1024000xf32, #tpu.memory_space<hbm>> -> memref<1000xf32, #tpu.memory_space<hbm>>
    %dma_wait3A_1240 = arith.constant 0 : i32
    %dma_wait3A_1241 = tpu.memref_slice %arg7[%dma_wait3A_1235, %dma_wait3A_1240] : memref<32x1000xf32, #tpu.memory_space<vmem>> -> memref<1x1000xf32, #tpu.memory_space<vmem>>
    %dma_wait3A_1242 = tpu.memref_squeeze %dma_wait3A_1241 : memref<1x1000xf32, #tpu.memory_space<vmem>> -> memref<1000xf32, #tpu.memory_space<vmem>>
    %dma_wait3A_1243 = tpu.memref_slice %arg2[%add3A_445] : memref<1024000xf32, #tpu.memory_space<hbm>> -> memref<1000xf32, #tpu.memory_space<hbm>>
    tpu.wait_dma2 semaphore(%arg18 : memref<!tpu.dma_semaphore, #tpu.memory_space<semaphore_mem>>) src(%dma_wait3A_1243 : memref<1000xf32, #tpu.memory_space<hbm>>) dst(%dma_wait3A_1242 : memref<1000xf32, #tpu.memory_space<vmem>>)
    %dma_wait3A_1244 = arith.constant 27 : i32
    %dma_wait3A_1245 = arith.constant 0 : i32
    %dma_wait3A_1246 = tpu.memref_slice %arg7[%dma_wait3A_1244, %dma_wait3A_1245] : memref<32x1000xf32, #tpu.memory_space<vmem>> -> memref<1x1000xf32, #tpu.memory_space<vmem>>
    %dma_wait3A_1247 = tpu.memref_squeeze %dma_wait3A_1246 : memref<1x1000xf32, #tpu.memory_space<vmem>> -> memref<1000xf32, #tpu.memory_space<vmem>>
    %dma_wait3A_1248 = tpu.memref_slice %arg2[%add3A_456] : memref<1024000xf32, #tpu.memory_space<hbm>> -> memref<1000xf32, #tpu.memory_space<hbm>>
    %dma_wait3A_1249 = arith.constant 0 : i32
    %dma_wait3A_1250 = tpu.memref_slice %arg7[%dma_wait3A_1244, %dma_wait3A_1249] : memref<32x1000xf32, #tpu.memory_space<vmem>> -> memref<1x1000xf32, #tpu.memory_space<vmem>>
    %dma_wait3A_1251 = tpu.memref_squeeze %dma_wait3A_1250 : memref<1x1000xf32, #tpu.memory_space<vmem>> -> memref<1000xf32, #tpu.memory_space<vmem>>
    %dma_wait3A_1252 = tpu.memref_slice %arg2[%add3A_456] : memref<1024000xf32, #tpu.memory_space<hbm>> -> memref<1000xf32, #tpu.memory_space<hbm>>
    tpu.wait_dma2 semaphore(%arg18 : memref<!tpu.dma_semaphore, #tpu.memory_space<semaphore_mem>>) src(%dma_wait3A_1252 : memref<1000xf32, #tpu.memory_space<hbm>>) dst(%dma_wait3A_1251 : memref<1000xf32, #tpu.memory_space<vmem>>)
    %dma_wait3A_1253 = arith.constant 28 : i32
    %dma_wait3A_1254 = arith.constant 0 : i32
    %dma_wait3A_1255 = tpu.memref_slice %arg7[%dma_wait3A_1253, %dma_wait3A_1254] : memref<32x1000xf32, #tpu.memory_space<vmem>> -> memref<1x1000xf32, #tpu.memory_space<vmem>>
    %dma_wait3A_1256 = tpu.memref_squeeze %dma_wait3A_1255 : memref<1x1000xf32, #tpu.memory_space<vmem>> -> memref<1000xf32, #tpu.memory_space<vmem>>
    %dma_wait3A_1257 = tpu.memref_slice %arg2[%add3A_467] : memref<1024000xf32, #tpu.memory_space<hbm>> -> memref<1000xf32, #tpu.memory_space<hbm>>
    %dma_wait3A_1258 = arith.constant 0 : i32
    %dma_wait3A_1259 = tpu.memref_slice %arg7[%dma_wait3A_1253, %dma_wait3A_1258] : memref<32x1000xf32, #tpu.memory_space<vmem>> -> memref<1x1000xf32, #tpu.memory_space<vmem>>
    %dma_wait3A_1260 = tpu.memref_squeeze %dma_wait3A_1259 : memref<1x1000xf32, #tpu.memory_space<vmem>> -> memref<1000xf32, #tpu.memory_space<vmem>>
    %dma_wait3A_1261 = tpu.memref_slice %arg2[%add3A_467] : memref<1024000xf32, #tpu.memory_space<hbm>> -> memref<1000xf32, #tpu.memory_space<hbm>>
    tpu.wait_dma2 semaphore(%arg18 : memref<!tpu.dma_semaphore, #tpu.memory_space<semaphore_mem>>) src(%dma_wait3A_1261 : memref<1000xf32, #tpu.memory_space<hbm>>) dst(%dma_wait3A_1260 : memref<1000xf32, #tpu.memory_space<vmem>>)
    %dma_wait3A_1262 = arith.constant 29 : i32
    %dma_wait3A_1263 = arith.constant 0 : i32
    %dma_wait3A_1264 = tpu.memref_slice %arg7[%dma_wait3A_1262, %dma_wait3A_1263] : memref<32x1000xf32, #tpu.memory_space<vmem>> -> memref<1x1000xf32, #tpu.memory_space<vmem>>
    %dma_wait3A_1265 = tpu.memref_squeeze %dma_wait3A_1264 : memref<1x1000xf32, #tpu.memory_space<vmem>> -> memref<1000xf32, #tpu.memory_space<vmem>>
    %dma_wait3A_1266 = tpu.memref_slice %arg2[%add3A_478] : memref<1024000xf32, #tpu.memory_space<hbm>> -> memref<1000xf32, #tpu.memory_space<hbm>>
    %dma_wait3A_1267 = arith.constant 0 : i32
    %dma_wait3A_1268 = tpu.memref_slice %arg7[%dma_wait3A_1262, %dma_wait3A_1267] : memref<32x1000xf32, #tpu.memory_space<vmem>> -> memref<1x1000xf32, #tpu.memory_space<vmem>>
    %dma_wait3A_1269 = tpu.memref_squeeze %dma_wait3A_1268 : memref<1x1000xf32, #tpu.memory_space<vmem>> -> memref<1000xf32, #tpu.memory_space<vmem>>
    %dma_wait3A_1270 = tpu.memref_slice %arg2[%add3A_478] : memref<1024000xf32, #tpu.memory_space<hbm>> -> memref<1000xf32, #tpu.memory_space<hbm>>
    tpu.wait_dma2 semaphore(%arg18 : memref<!tpu.dma_semaphore, #tpu.memory_space<semaphore_mem>>) src(%dma_wait3A_1270 : memref<1000xf32, #tpu.memory_space<hbm>>) dst(%dma_wait3A_1269 : memref<1000xf32, #tpu.memory_space<vmem>>)
    %dma_wait3A_1271 = arith.constant 30 : i32
    %dma_wait3A_1272 = arith.constant 0 : i32
    %dma_wait3A_1273 = tpu.memref_slice %arg7[%dma_wait3A_1271, %dma_wait3A_1272] : memref<32x1000xf32, #tpu.memory_space<vmem>> -> memref<1x1000xf32, #tpu.memory_space<vmem>>
    %dma_wait3A_1274 = tpu.memref_squeeze %dma_wait3A_1273 : memref<1x1000xf32, #tpu.memory_space<vmem>> -> memref<1000xf32, #tpu.memory_space<vmem>>
    %dma_wait3A_1275 = tpu.memref_slice %arg2[%add3A_489] : memref<1024000xf32, #tpu.memory_space<hbm>> -> memref<1000xf32, #tpu.memory_space<hbm>>
    %dma_wait3A_1276 = arith.constant 0 : i32
    %dma_wait3A_1277 = tpu.memref_slice %arg7[%dma_wait3A_1271, %dma_wait3A_1276] : memref<32x1000xf32, #tpu.memory_space<vmem>> -> memref<1x1000xf32, #tpu.memory_space<vmem>>
    %dma_wait3A_1278 = tpu.memref_squeeze %dma_wait3A_1277 : memref<1x1000xf32, #tpu.memory_space<vmem>> -> memref<1000xf32, #tpu.memory_space<vmem>>
    %dma_wait3A_1279 = tpu.memref_slice %arg2[%add3A_489] : memref<1024000xf32, #tpu.memory_space<hbm>> -> memref<1000xf32, #tpu.memory_space<hbm>>
    tpu.wait_dma2 semaphore(%arg18 : memref<!tpu.dma_semaphore, #tpu.memory_space<semaphore_mem>>) src(%dma_wait3A_1279 : memref<1000xf32, #tpu.memory_space<hbm>>) dst(%dma_wait3A_1278 : memref<1000xf32, #tpu.memory_space<vmem>>)
    %dma_wait3A_1280 = arith.constant 31 : i32
    %dma_wait3A_1281 = arith.constant 0 : i32
    %dma_wait3A_1282 = tpu.memref_slice %arg7[%dma_wait3A_1280, %dma_wait3A_1281] : memref<32x1000xf32, #tpu.memory_space<vmem>> -> memref<1x1000xf32, #tpu.memory_space<vmem>>
    %dma_wait3A_1283 = tpu.memref_squeeze %dma_wait3A_1282 : memref<1x1000xf32, #tpu.memory_space<vmem>> -> memref<1000xf32, #tpu.memory_space<vmem>>
    %dma_wait3A_1284 = tpu.memref_slice %arg2[%add3A_500] : memref<1024000xf32, #tpu.memory_space<hbm>> -> memref<1000xf32, #tpu.memory_space<hbm>>
    %dma_wait3A_1285 = arith.constant 0 : i32
    %dma_wait3A_1286 = tpu.memref_slice %arg7[%dma_wait3A_1280, %dma_wait3A_1285] : memref<32x1000xf32, #tpu.memory_space<vmem>> -> memref<1x1000xf32, #tpu.memory_space<vmem>>
    %dma_wait3A_1287 = tpu.memref_squeeze %dma_wait3A_1286 : memref<1x1000xf32, #tpu.memory_space<vmem>> -> memref<1000xf32, #tpu.memory_space<vmem>>
    %dma_wait3A_1288 = tpu.memref_slice %arg2[%add3A_500] : memref<1024000xf32, #tpu.memory_space<hbm>> -> memref<1000xf32, #tpu.memory_space<hbm>>
    tpu.wait_dma2 semaphore(%arg18 : memref<!tpu.dma_semaphore, #tpu.memory_space<semaphore_mem>>) src(%dma_wait3A_1288 : memref<1000xf32, #tpu.memory_space<hbm>>) dst(%dma_wait3A_1287 : memref<1000xf32, #tpu.memory_space<vmem>>)
    %dma_start3A_1289 = arith.constant 24 : i32
    %dma_start3A_1290 = arith.constant 0 : i32
    %dma_start3A_1291 = tpu.memref_slice %arg7[%dma_start3A_1289, %dma_start3A_1290] : memref<32x1000xf32, #tpu.memory_space<vmem>> -> memref<8x1000xf32, #tpu.memory_space<vmem>>
    %dma_start3A_1292 = arith.constant 0 : i32
    %dma_start3A_1293 = arith.constant 0 : i32
    %dma_start3A_1294 = tpu.memref_slice %arg6[%dma_start3A_1292, %dma_start3A_1293] : memref<100x1000xf32, #tpu.memory_space<vmem_shared>> -> memref<100x1000xf32, #tpu.memory_space<vmem_shared>>
    tpu.enqueue_indirect_dma source(%dma_start3A_1291 : memref<8x1000xf32, #tpu.memory_space<vmem>>) target(%dma_start3A_1294 : memref<100x1000xf32, #tpu.memory_space<vmem_shared>>) offsets(%arg11 : memref<8xi32, #tpu.memory_space<vmem>>) semaphore(%arg21 : memref<!tpu.dma_semaphore, #tpu.memory_space<semaphore_mem>>) {add = true}
    %dma_wait3A_1295 = arith.constant 0 : i32
    %dma_wait3A_1296 = arith.constant 0 : i32
    %dma_wait3A_1297 = tpu.memref_slice %arg7[%dma_wait3A_1295, %dma_wait3A_1296] : memref<32x1000xf32, #tpu.memory_space<vmem>> -> memref<8x1000xf32, #tpu.memory_space<vmem>>
    %dma_wait3A_1298 = arith.constant 0 : i32
    %dma_wait3A_1299 = arith.constant 0 : i32
    %dma_wait3A_1300 = tpu.memref_slice %arg6[%dma_wait3A_1298, %dma_wait3A_1299] : memref<100x1000xf32, #tpu.memory_space<vmem_shared>> -> memref<100x1000xf32, #tpu.memory_space<vmem_shared>>
    tpu.wait_indirect_dma semaphore(%arg21 : memref<!tpu.dma_semaphore, #tpu.memory_space<semaphore_mem>>) src(%dma_wait3A_1297 : memref<8x1000xf32, #tpu.memory_space<vmem>>) dst(%dma_wait3A_1300 : memref<100x1000xf32, #tpu.memory_space<vmem_shared>>)
    %dma_wait3A_1301 = arith.constant 8 : i32
    %dma_wait3A_1302 = arith.constant 0 : i32
    %dma_wait3A_1303 = tpu.memref_slice %arg7[%dma_wait3A_1301, %dma_wait3A_1302] : memref<32x1000xf32, #tpu.memory_space<vmem>> -> memref<8x1000xf32, #tpu.memory_space<vmem>>
    %dma_wait3A_1304 = arith.constant 0 : i32
    %dma_wait3A_1305 = arith.constant 0 : i32
    %dma_wait3A_1306 = tpu.memref_slice %arg6[%dma_wait3A_1304, %dma_wait3A_1305] : memref<100x1000xf32, #tpu.memory_space<vmem_shared>> -> memref<100x1000xf32, #tpu.memory_space<vmem_shared>>
    tpu.wait_indirect_dma semaphore(%arg21 : memref<!tpu.dma_semaphore, #tpu.memory_space<semaphore_mem>>) src(%dma_wait3A_1303 : memref<8x1000xf32, #tpu.memory_space<vmem>>) dst(%dma_wait3A_1306 : memref<100x1000xf32, #tpu.memory_space<vmem_shared>>)
    %dma_wait3A_1307 = arith.constant 16 : i32
    %dma_wait3A_1308 = arith.constant 0 : i32
    %dma_wait3A_1309 = tpu.memref_slice %arg7[%dma_wait3A_1307, %dma_wait3A_1308] : memref<32x1000xf32, #tpu.memory_space<vmem>> -> memref<8x1000xf32, #tpu.memory_space<vmem>>
    %dma_wait3A_1310 = arith.constant 0 : i32
    %dma_wait3A_1311 = arith.constant 0 : i32
    %dma_wait3A_1312 = tpu.memref_slice %arg6[%dma_wait3A_1310, %dma_wait3A_1311] : memref<100x1000xf32, #tpu.memory_space<vmem_shared>> -> memref<100x1000xf32, #tpu.memory_space<vmem_shared>>
    tpu.wait_indirect_dma semaphore(%arg21 : memref<!tpu.dma_semaphore, #tpu.memory_space<semaphore_mem>>) src(%dma_wait3A_1309 : memref<8x1000xf32, #tpu.memory_space<vmem>>) dst(%dma_wait3A_1312 : memref<100x1000xf32, #tpu.memory_space<vmem_shared>>)
    %dma_wait3A_1313 = arith.constant 24 : i32
    %dma_wait3A_1314 = arith.constant 0 : i32
    %dma_wait3A_1315 = tpu.memref_slice %arg7[%dma_wait3A_1313, %dma_wait3A_1314] : memref<32x1000xf32, #tpu.memory_space<vmem>> -> memref<8x1000xf32, #tpu.memory_space<vmem>>
    %dma_wait3A_1316 = arith.constant 0 : i32
    %dma_wait3A_1317 = arith.constant 0 : i32
    %dma_wait3A_1318 = tpu.memref_slice %arg6[%dma_wait3A_1316, %dma_wait3A_1317] : memref<100x1000xf32, #tpu.memory_space<vmem_shared>> -> memref<100x1000xf32, #tpu.memory_space<vmem_shared>>
    tpu.wait_indirect_dma semaphore(%arg21 : memref<!tpu.dma_semaphore, #tpu.memory_space<semaphore_mem>>) src(%dma_wait3A_1315 : memref<8x1000xf32, #tpu.memory_space<vmem>>) dst(%dma_wait3A_1318 : memref<100x1000xf32, #tpu.memory_space<vmem_shared>>)
    "tpu.trace_stop"() : () -> ()
    "tpu.trace_start"() <{level = 10 : i32, message = "ph_bar2"}> : () -> ()
    %barrier3A_1319 = arith.constant 0 : index
    tpu.barrier barrier_id(%barrier3A_1319)
    "tpu.trace_stop"() : () -> ()
    "tpu.trace_start"() <{level = 10 : i32, message = "ph_B_dot"}> : () -> ()
    %dma_start3A_1320 = arith.constant 0 : i32
    %dma_start3A_1321 = arith.constant 0 : i32
    %dma_start3A_1322 = tpu.memref_slice %arg6[%dma_start3A_1320, %dma_start3A_1321] : memref<100x1000xf32, #tpu.memory_space<vmem_shared>> -> memref<100x1000xf32, #tpu.memory_space<vmem_shared>>
    tpu.enqueue_indirect_dma source(%dma_start3A_1322 : memref<100x1000xf32, #tpu.memory_space<vmem_shared>>) target(%arg13 : memref<16x1000xf32, #tpu.memory_space<vmem>>) offsets(%arg12 : memref<16xi32, #tpu.memory_space<vmem>>) semaphore(%arg19 : memref<!tpu.dma_semaphore, #tpu.memory_space<semaphore_mem>>)
    %dma_wait3A_1323 = arith.constant 0 : i32
    %dma_wait3A_1324 = arith.constant 0 : i32
    %dma_wait3A_1325 = tpu.memref_slice %arg6[%dma_wait3A_1323, %dma_wait3A_1324] : memref<100x1000xf32, #tpu.memory_space<vmem_shared>> -> memref<100x1000xf32, #tpu.memory_space<vmem_shared>>
    tpu.wait_indirect_dma semaphore(%arg19 : memref<!tpu.dma_semaphore, #tpu.memory_space<semaphore_mem>>) src(%dma_wait3A_1325 : memref<100x1000xf32, #tpu.memory_space<vmem_shared>>) dst(%arg13 : memref<16x1000xf32, #tpu.memory_space<vmem>>)
    %while3A_1326 = arith.constant 0 : i32
    %while3A_1327 = arith.subi %select_n3A, %while3A_1326 : i32
    %while3A_1328 = arith.addi %while3A_1326, %while3A_1327 : i32
    %while3A_1329 = arith.constant 1 : i32
    %while3A_1330 = arith.divsi %while3A_1327, %while3A_1329 : i32
    %while3A_1331 = arith.muli %while3A_1330, %while3A_1329 : i32
    %while3A_1332 = arith.addi %while3A_1326, %while3A_1331 : i32
    %while3A_1333 = arith.constant 1 : i32
    %while3A_1334 = scf.for %while3A_1341 = %while3A_1326 to %while3A_1332 step %while3A_1333 iter_args(%while3A_1342 = %broadcast_in_dim3A_3) -> (vector<16xf32>)  : i32 {
      %mul3A_1343 = arith.constant 1000 : i32
      %mul3A_1344 = arith.muli %while3A_1341, %mul3A_1343 : i32
      %parallel_loop3A = arith.constant 0 : i32
      %parallel_loop3A_1345 = arith.constant 60 : i32
      %parallel_loop3A_1346 = arith.constant 4 : i32
      %parallel_loop3A_1347:4 = scf.for %parallel_loop3A_1393 = %parallel_loop3A to %parallel_loop3A_1345 step %parallel_loop3A_1346 iter_args(%parallel_loop3A_1394 = %broadcast_in_dim3A_3, %parallel_loop3A_1395 = %broadcast_in_dim3A_3, %parallel_loop3A_1396 = %broadcast_in_dim3A_3, %parallel_loop3A_1397 = %broadcast_in_dim3A_3) -> (vector<16xf32>, vector<16xf32>, vector<16xf32>, vector<16xf32>)  : i32 {
        %parallel_loop3A_1398 = arith.constant 0 : i32
        %parallel_loop3A_1399 = arith.addi %parallel_loop3A_1393, %parallel_loop3A_1398 : i32
        %parallel_loop3A_1400 = arith.constant 16 : i32
        %parallel_loop3A_1401 = arith.muli %parallel_loop3A_1399, %parallel_loop3A_1400 : i32
        %parallel_loop3A_1402 = arith.index_cast %while3A_1341 : i32 to index
        %parallel_loop3A_1403 = arith.index_cast %parallel_loop3A_1401 : i32 to index
        %parallel_loop3A_1404 = tpu.vector_load %arg13[%parallel_loop3A_1402, %parallel_loop3A_1403] {strides = array<i32>} : memref<16x1000xf32, #tpu.memory_space<vmem>>, vector<1x16xf32>,
        %parallel_loop3A_1405 = vector.shape_cast %parallel_loop3A_1404 : vector<1x16xf32> to vector<16xf32>
        %parallel_loop3A_1406 = arith.constant 0 : i32
        %parallel_loop3A_1407 = arith.addi %parallel_loop3A_1393, %parallel_loop3A_1406 : i32
        %parallel_loop3A_1408 = arith.constant 16 : i32
        %parallel_loop3A_1409 = arith.muli %parallel_loop3A_1407, %parallel_loop3A_1408 : i32
        %parallel_loop3A_1410 = arith.addi %mul3A_1344, %parallel_loop3A_1409 : i32
        %parallel_loop3A_1411 = arith.index_cast %parallel_loop3A_1410 : i32 to index
        %parallel_loop3A_1412 = tpu.vector_load %arg14[%parallel_loop3A_1411] {strides = array<i32>} : memref<7000xf32, #tpu.memory_space<vmem>>, vector<16xf32>,
        %parallel_loop3A_1413 = vector.shape_cast %parallel_loop3A_1412 : vector<16xf32> to vector<16xf32>
        %parallel_loop3A_1414 = arith.mulf %parallel_loop3A_1405, %parallel_loop3A_1413 : vector<16xf32>
        %parallel_loop3A_1415 = arith.addf %parallel_loop3A_1394, %parallel_loop3A_1414 : vector<16xf32>
        %parallel_loop3A_1416 = arith.constant 1 : i32
        %parallel_loop3A_1417 = arith.addi %parallel_loop3A_1393, %parallel_loop3A_1416 : i32
        %parallel_loop3A_1418 = arith.constant 16 : i32
        %parallel_loop3A_1419 = arith.muli %parallel_loop3A_1417, %parallel_loop3A_1418 : i32
        %parallel_loop3A_1420 = arith.index_cast %while3A_1341 : i32 to index
        %parallel_loop3A_1421 = arith.index_cast %parallel_loop3A_1419 : i32 to index
        %parallel_loop3A_1422 = tpu.vector_load %arg13[%parallel_loop3A_1420, %parallel_loop3A_1421] {strides = array<i32>} : memref<16x1000xf32, #tpu.memory_space<vmem>>, vector<1x16xf32>,
        %parallel_loop3A_1423 = vector.shape_cast %parallel_loop3A_1422 : vector<1x16xf32> to vector<16xf32>
        %parallel_loop3A_1424 = arith.constant 1 : i32
        %parallel_loop3A_1425 = arith.addi %parallel_loop3A_1393, %parallel_loop3A_1424 : i32
        %parallel_loop3A_1426 = arith.constant 16 : i32
        %parallel_loop3A_1427 = arith.muli %parallel_loop3A_1425, %parallel_loop3A_1426 : i32
        %parallel_loop3A_1428 = arith.addi %mul3A_1344, %parallel_loop3A_1427 : i32
        %parallel_loop3A_1429 = arith.index_cast %parallel_loop3A_1428 : i32 to index
        %parallel_loop3A_1430 = tpu.vector_load %arg14[%parallel_loop3A_1429] {strides = array<i32>} : memref<7000xf32, #tpu.memory_space<vmem>>, vector<16xf32>,
        %parallel_loop3A_1431 = vector.shape_cast %parallel_loop3A_1430 : vector<16xf32> to vector<16xf32>
        %parallel_loop3A_1432 = arith.mulf %parallel_loop3A_1423, %parallel_loop3A_1431 : vector<16xf32>
        %parallel_loop3A_1433 = arith.addf %parallel_loop3A_1395, %parallel_loop3A_1432 : vector<16xf32>
        %parallel_loop3A_1434 = arith.constant 2 : i32
        %parallel_loop3A_1435 = arith.addi %parallel_loop3A_1393, %parallel_loop3A_1434 : i32
        %parallel_loop3A_1436 = arith.constant 16 : i32
        %parallel_loop3A_1437 = arith.muli %parallel_loop3A_1435, %parallel_loop3A_1436 : i32
        %parallel_loop3A_1438 = arith.index_cast %while3A_1341 : i32 to index
        %parallel_loop3A_1439 = arith.index_cast %parallel_loop3A_1437 : i32 to index
        %parallel_loop3A_1440 = tpu.vector_load %arg13[%parallel_loop3A_1438, %parallel_loop3A_1439] {strides = array<i32>} : memref<16x1000xf32, #tpu.memory_space<vmem>>, vector<1x16xf32>,
        %parallel_loop3A_1441 = vector.shape_cast %parallel_loop3A_1440 : vector<1x16xf32> to vector<16xf32>
        %parallel_loop3A_1442 = arith.constant 2 : i32
        %parallel_loop3A_1443 = arith.addi %parallel_loop3A_1393, %parallel_loop3A_1442 : i32
        %parallel_loop3A_1444 = arith.constant 16 : i32
        %parallel_loop3A_1445 = arith.muli %parallel_loop3A_1443, %parallel_loop3A_1444 : i32
        %parallel_loop3A_1446 = arith.addi %mul3A_1344, %parallel_loop3A_1445 : i32
        %parallel_loop3A_1447 = arith.index_cast %parallel_loop3A_1446 : i32 to index
        %parallel_loop3A_1448 = tpu.vector_load %arg14[%parallel_loop3A_1447] {strides = array<i32>} : memref<7000xf32, #tpu.memory_space<vmem>>, vector<16xf32>,
        %parallel_loop3A_1449 = vector.shape_cast %parallel_loop3A_1448 : vector<16xf32> to vector<16xf32>
        %parallel_loop3A_1450 = arith.mulf %parallel_loop3A_1441, %parallel_loop3A_1449 : vector<16xf32>
        %parallel_loop3A_1451 = arith.addf %parallel_loop3A_1396, %parallel_loop3A_1450 : vector<16xf32>
        %parallel_loop3A_1452 = arith.constant 3 : i32
        %parallel_loop3A_1453 = arith.addi %parallel_loop3A_1393, %parallel_loop3A_1452 : i32
        %parallel_loop3A_1454 = arith.constant 16 : i32
        %parallel_loop3A_1455 = arith.muli %parallel_loop3A_1453, %parallel_loop3A_1454 : i32
        %parallel_loop3A_1456 = arith.index_cast %while3A_1341 : i32 to index
        %parallel_loop3A_1457 = arith.index_cast %parallel_loop3A_1455 : i32 to index
        %parallel_loop3A_1458 = tpu.vector_load %arg13[%parallel_loop3A_1456, %parallel_loop3A_1457] {strides = array<i32>} : memref<16x1000xf32, #tpu.memory_space<vmem>>, vector<1x16xf32>,
        %parallel_loop3A_1459 = vector.shape_cast %parallel_loop3A_1458 : vector<1x16xf32> to vector<16xf32>
        %parallel_loop3A_1460 = arith.constant 3 : i32
        %parallel_loop3A_1461 = arith.addi %parallel_loop3A_1393, %parallel_loop3A_1460 : i32
        %parallel_loop3A_1462 = arith.constant 16 : i32
        %parallel_loop3A_1463 = arith.muli %parallel_loop3A_1461, %parallel_loop3A_1462 : i32
        %parallel_loop3A_1464 = arith.addi %mul3A_1344, %parallel_loop3A_1463 : i32
        %parallel_loop3A_1465 = arith.index_cast %parallel_loop3A_1464 : i32 to index
        %parallel_loop3A_1466 = tpu.vector_load %arg14[%parallel_loop3A_1465] {strides = array<i32>} : memref<7000xf32, #tpu.memory_space<vmem>>, vector<16xf32>,
        %parallel_loop3A_1467 = vector.shape_cast %parallel_loop3A_1466 : vector<16xf32> to vector<16xf32>
        %parallel_loop3A_1468 = arith.mulf %parallel_loop3A_1459, %parallel_loop3A_1467 : vector<16xf32>
        %parallel_loop3A_1469 = arith.addf %parallel_loop3A_1397, %parallel_loop3A_1468 : vector<16xf32>
        scf.yield %parallel_loop3A_1415, %parallel_loop3A_1433, %parallel_loop3A_1451, %parallel_loop3A_1469 : vector<16xf32>, vector<16xf32>, vector<16xf32>, vector<16xf32>
      } {sc.loop_unroll_factor = 1 : i64, sc.parallel_access}
      %add3A_1348 = arith.addf %parallel_loop3A_1347#0, %parallel_loop3A_1347#1 : vector<16xf32>
      %add3A_1349 = arith.addf %parallel_loop3A_1347#2, %parallel_loop3A_1347#3 : vector<16xf32>
      %add3A_1350 = arith.addf %add3A_1348, %add3A_1349 : vector<16xf32>
      %get3A = arith.index_cast %while3A_1341 : i32 to index
      %get3A_1351 = arith.constant 960 : index
      %get3A_1352 = tpu.vector_load %arg13[%get3A, %get3A_1351] {strides = array<i32>} : memref<16x1000xf32, #tpu.memory_space<vmem>>, vector<1x16xf32>,
      %get3A_1353 = vector.shape_cast %get3A_1352 : vector<1x16xf32> to vector<16xf32>
      %add3A_1354 = arith.constant 960 : i32
      %add3A_1355 = arith.addi %mul3A_1344, %add3A_1354 : i32
      %get3A_1356 = arith.index_cast %add3A_1355 : i32 to index
      %get3A_1357 = tpu.vector_load %arg14[%get3A_1356] {strides = array<i32>} : memref<7000xf32, #tpu.memory_space<vmem>>, vector<16xf32>,
      %get3A_1358 = vector.shape_cast %get3A_1357 : vector<16xf32> to vector<16xf32>
      %mul3A_1359 = arith.mulf %get3A_1353, %get3A_1358 : vector<16xf32>
      %add3A_1360 = arith.addf %add3A_1350, %mul3A_1359 : vector<16xf32>
      %get3A_1361 = arith.index_cast %while3A_1341 : i32 to index
      %get3A_1362 = arith.constant 976 : index
      %get3A_1363 = tpu.vector_load %arg13[%get3A_1361, %get3A_1362] {strides = array<i32>} : memref<16x1000xf32, #tpu.memory_space<vmem>>, vector<1x16xf32>,
      %get3A_1364 = vector.shape_cast %get3A_1363 : vector<1x16xf32> to vector<16xf32>
      %add3A_1365 = arith.constant 976 : i32
      %add3A_1366 = arith.addi %mul3A_1344, %add3A_1365 : i32
      %get3A_1367 = arith.index_cast %add3A_1366 : i32 to index
      %get3A_1368 = tpu.vector_load %arg14[%get3A_1367] {strides = array<i32>} : memref<7000xf32, #tpu.memory_space<vmem>>, vector<16xf32>,
      %get3A_1369 = vector.shape_cast %get3A_1368 : vector<16xf32> to vector<16xf32>
      %mul3A_1370 = arith.mulf %get3A_1364, %get3A_1369 : vector<16xf32>
      %add3A_1371 = arith.addf %add3A_1360, %mul3A_1370 : vector<16xf32>
      %get3A_1372 = arith.index_cast %while3A_1341 : i32 to index
      %get3A_1373 = arith.constant 984 : index
      %get3A_1374 = tpu.vector_load %arg13[%get3A_1372, %get3A_1373] {strides = array<i32>} : memref<16x1000xf32, #tpu.memory_space<vmem>>, vector<1x16xf32>,
      %get3A_1375 = vector.shape_cast %get3A_1374 : vector<1x16xf32> to vector<16xf32>
      %add3A_1376 = arith.constant 984 : i32
      %add3A_1377 = arith.addi %mul3A_1344, %add3A_1376 : i32
      %get3A_1378 = arith.index_cast %add3A_1377 : i32 to index
      %get3A_1379 = tpu.vector_load %arg14[%get3A_1378] {strides = array<i32>} : memref<7000xf32, #tpu.memory_space<vmem>>, vector<16xf32>,
      %get3A_1380 = vector.shape_cast %get3A_1379 : vector<16xf32> to vector<16xf32>
      %mul3A_1381 = arith.mulf %get3A_1375, %get3A_1380 : vector<16xf32>
      %jit3A_1382 = arith.constant 0.000000e+00 : f32
      %broadcast_in_dim3A_1383 = vector.broadcast %jit3A_1382 : f32 to vector<16xf32>
      %select_n3A_1384 = arith.select %ge3A_5, %mul3A_1381, %broadcast_in_dim3A_1383 : vector<16xi1>, vector<16xf32>
      %add3A_1385 = arith.addf %add3A_1371, %select_n3A_1384 : vector<16xf32>
      %mul3A_1386 = arith.constant 16 : i32
      %mul3A_1387 = arith.muli %while3A_1341, %mul3A_1386 : i32
      %get3A_1388 = arith.index_cast %mul3A_1387 : i32 to index
      %get3A_1389 = tpu.vector_load %arg15[%get3A_1388] {strides = array<i32>} : memref<112xf32, #tpu.memory_space<vmem>>, vector<16xf32>,
      %get3A_1390 = vector.shape_cast %get3A_1389 : vector<16xf32> to vector<16xf32>
      %mul3A_1391 = arith.mulf %add3A_1385, %get3A_1390 : vector<16xf32>
      %add3A_1392 = arith.addf %while3A_1342, %mul3A_1391 : vector<16xf32>
      scf.yield %add3A_1392 : vector<16xf32>
    }
    %while3A_1335 = arith.constant 1 : i32
    %while3A_1336 = scf.for %while3A_1341 = %while3A_1332 to %while3A_1328 step %while3A_1335 iter_args(%while3A_1342 = %while3A_1334) -> (vector<16xf32>)  : i32 {
      %mul3A_1343 = arith.constant 1000 : i32
      %mul3A_1344 = arith.muli %while3A_1341, %mul3A_1343 : i32
      %parallel_loop3A = arith.constant 0 : i32
      %parallel_loop3A_1345 = arith.constant 60 : i32
      %parallel_loop3A_1346 = arith.constant 4 : i32
      %parallel_loop3A_1347:4 = scf.for %parallel_loop3A_1393 = %parallel_loop3A to %parallel_loop3A_1345 step %parallel_loop3A_1346 iter_args(%parallel_loop3A_1394 = %broadcast_in_dim3A_3, %parallel_loop3A_1395 = %broadcast_in_dim3A_3, %parallel_loop3A_1396 = %broadcast_in_dim3A_3, %parallel_loop3A_1397 = %broadcast_in_dim3A_3) -> (vector<16xf32>, vector<16xf32>, vector<16xf32>, vector<16xf32>)  : i32 {
        %parallel_loop3A_1398 = arith.constant 0 : i32
        %parallel_loop3A_1399 = arith.addi %parallel_loop3A_1393, %parallel_loop3A_1398 : i32
        %parallel_loop3A_1400 = arith.constant 16 : i32
        %parallel_loop3A_1401 = arith.muli %parallel_loop3A_1399, %parallel_loop3A_1400 : i32
        %parallel_loop3A_1402 = arith.index_cast %while3A_1341 : i32 to index
        %parallel_loop3A_1403 = arith.index_cast %parallel_loop3A_1401 : i32 to index
        %parallel_loop3A_1404 = tpu.vector_load %arg13[%parallel_loop3A_1402, %parallel_loop3A_1403] {strides = array<i32>} : memref<16x1000xf32, #tpu.memory_space<vmem>>, vector<1x16xf32>,
        %parallel_loop3A_1405 = vector.shape_cast %parallel_loop3A_1404 : vector<1x16xf32> to vector<16xf32>
        %parallel_loop3A_1406 = arith.constant 0 : i32
        %parallel_loop3A_1407 = arith.addi %parallel_loop3A_1393, %parallel_loop3A_1406 : i32
        %parallel_loop3A_1408 = arith.constant 16 : i32
        %parallel_loop3A_1409 = arith.muli %parallel_loop3A_1407, %parallel_loop3A_1408 : i32
        %parallel_loop3A_1410 = arith.addi %mul3A_1344, %parallel_loop3A_1409 : i32
        %parallel_loop3A_1411 = arith.index_cast %parallel_loop3A_1410 : i32 to index
        %parallel_loop3A_1412 = tpu.vector_load %arg14[%parallel_loop3A_1411] {strides = array<i32>} : memref<7000xf32, #tpu.memory_space<vmem>>, vector<16xf32>,
        %parallel_loop3A_1413 = vector.shape_cast %parallel_loop3A_1412 : vector<16xf32> to vector<16xf32>
        %parallel_loop3A_1414 = arith.mulf %parallel_loop3A_1405, %parallel_loop3A_1413 : vector<16xf32>
        %parallel_loop3A_1415 = arith.addf %parallel_loop3A_1394, %parallel_loop3A_1414 : vector<16xf32>
        %parallel_loop3A_1416 = arith.constant 1 : i32
        %parallel_loop3A_1417 = arith.addi %parallel_loop3A_1393, %parallel_loop3A_1416 : i32
        %parallel_loop3A_1418 = arith.constant 16 : i32
        %parallel_loop3A_1419 = arith.muli %parallel_loop3A_1417, %parallel_loop3A_1418 : i32
        %parallel_loop3A_1420 = arith.index_cast %while3A_1341 : i32 to index
        %parallel_loop3A_1421 = arith.index_cast %parallel_loop3A_1419 : i32 to index
        %parallel_loop3A_1422 = tpu.vector_load %arg13[%parallel_loop3A_1420, %parallel_loop3A_1421] {strides = array<i32>} : memref<16x1000xf32, #tpu.memory_space<vmem>>, vector<1x16xf32>,
        %parallel_loop3A_1423 = vector.shape_cast %parallel_loop3A_1422 : vector<1x16xf32> to vector<16xf32>
        %parallel_loop3A_1424 = arith.constant 1 : i32
        %parallel_loop3A_1425 = arith.addi %parallel_loop3A_1393, %parallel_loop3A_1424 : i32
        %parallel_loop3A_1426 = arith.constant 16 : i32
        %parallel_loop3A_1427 = arith.muli %parallel_loop3A_1425, %parallel_loop3A_1426 : i32
        %parallel_loop3A_1428 = arith.addi %mul3A_1344, %parallel_loop3A_1427 : i32
        %parallel_loop3A_1429 = arith.index_cast %parallel_loop3A_1428 : i32 to index
        %parallel_loop3A_1430 = tpu.vector_load %arg14[%parallel_loop3A_1429] {strides = array<i32>} : memref<7000xf32, #tpu.memory_space<vmem>>, vector<16xf32>,
        %parallel_loop3A_1431 = vector.shape_cast %parallel_loop3A_1430 : vector<16xf32> to vector<16xf32>
        %parallel_loop3A_1432 = arith.mulf %parallel_loop3A_1423, %parallel_loop3A_1431 : vector<16xf32>
        %parallel_loop3A_1433 = arith.addf %parallel_loop3A_1395, %parallel_loop3A_1432 : vector<16xf32>
        %parallel_loop3A_1434 = arith.constant 2 : i32
        %parallel_loop3A_1435 = arith.addi %parallel_loop3A_1393, %parallel_loop3A_1434 : i32
        %parallel_loop3A_1436 = arith.constant 16 : i32
        %parallel_loop3A_1437 = arith.muli %parallel_loop3A_1435, %parallel_loop3A_1436 : i32
        %parallel_loop3A_1438 = arith.index_cast %while3A_1341 : i32 to index
        %parallel_loop3A_1439 = arith.index_cast %parallel_loop3A_1437 : i32 to index
        %parallel_loop3A_1440 = tpu.vector_load %arg13[%parallel_loop3A_1438, %parallel_loop3A_1439] {strides = array<i32>} : memref<16x1000xf32, #tpu.memory_space<vmem>>, vector<1x16xf32>,
        %parallel_loop3A_1441 = vector.shape_cast %parallel_loop3A_1440 : vector<1x16xf32> to vector<16xf32>
        %parallel_loop3A_1442 = arith.constant 2 : i32
        %parallel_loop3A_1443 = arith.addi %parallel_loop3A_1393, %parallel_loop3A_1442 : i32
        %parallel_loop3A_1444 = arith.constant 16 : i32
        %parallel_loop3A_1445 = arith.muli %parallel_loop3A_1443, %parallel_loop3A_1444 : i32
        %parallel_loop3A_1446 = arith.addi %mul3A_1344, %parallel_loop3A_1445 : i32
        %parallel_loop3A_1447 = arith.index_cast %parallel_loop3A_1446 : i32 to index
        %parallel_loop3A_1448 = tpu.vector_load %arg14[%parallel_loop3A_1447] {strides = array<i32>} : memref<7000xf32, #tpu.memory_space<vmem>>, vector<16xf32>,
        %parallel_loop3A_1449 = vector.shape_cast %parallel_loop3A_1448 : vector<16xf32> to vector<16xf32>
        %parallel_loop3A_1450 = arith.mulf %parallel_loop3A_1441, %parallel_loop3A_1449 : vector<16xf32>
        %parallel_loop3A_1451 = arith.addf %parallel_loop3A_1396, %parallel_loop3A_1450 : vector<16xf32>
        %parallel_loop3A_1452 = arith.constant 3 : i32
        %parallel_loop3A_1453 = arith.addi %parallel_loop3A_1393, %parallel_loop3A_1452 : i32
        %parallel_loop3A_1454 = arith.constant 16 : i32
        %parallel_loop3A_1455 = arith.muli %parallel_loop3A_1453, %parallel_loop3A_1454 : i32
        %parallel_loop3A_1456 = arith.index_cast %while3A_1341 : i32 to index
        %parallel_loop3A_1457 = arith.index_cast %parallel_loop3A_1455 : i32 to index
        %parallel_loop3A_1458 = tpu.vector_load %arg13[%parallel_loop3A_1456, %parallel_loop3A_1457] {strides = array<i32>} : memref<16x1000xf32, #tpu.memory_space<vmem>>, vector<1x16xf32>,
        %parallel_loop3A_1459 = vector.shape_cast %parallel_loop3A_1458 : vector<1x16xf32> to vector<16xf32>
        %parallel_loop3A_1460 = arith.constant 3 : i32
        %parallel_loop3A_1461 = arith.addi %parallel_loop3A_1393, %parallel_loop3A_1460 : i32
        %parallel_loop3A_1462 = arith.constant 16 : i32
        %parallel_loop3A_1463 = arith.muli %parallel_loop3A_1461, %parallel_loop3A_1462 : i32
        %parallel_loop3A_1464 = arith.addi %mul3A_1344, %parallel_loop3A_1463 : i32
        %parallel_loop3A_1465 = arith.index_cast %parallel_loop3A_1464 : i32 to index
        %parallel_loop3A_1466 = tpu.vector_load %arg14[%parallel_loop3A_1465] {strides = array<i32>} : memref<7000xf32, #tpu.memory_space<vmem>>, vector<16xf32>,
        %parallel_loop3A_1467 = vector.shape_cast %parallel_loop3A_1466 : vector<16xf32> to vector<16xf32>
        %parallel_loop3A_1468 = arith.mulf %parallel_loop3A_1459, %parallel_loop3A_1467 : vector<16xf32>
        %parallel_loop3A_1469 = arith.addf %parallel_loop3A_1397, %parallel_loop3A_1468 : vector<16xf32>
        scf.yield %parallel_loop3A_1415, %parallel_loop3A_1433, %parallel_loop3A_1451, %parallel_loop3A_1469 : vector<16xf32>, vector<16xf32>, vector<16xf32>, vector<16xf32>
      } {sc.loop_unroll_factor = 1 : i64, sc.parallel_access}
      %add3A_1348 = arith.addf %parallel_loop3A_1347#0, %parallel_loop3A_1347#1 : vector<16xf32>
      %add3A_1349 = arith.addf %parallel_loop3A_1347#2, %parallel_loop3A_1347#3 : vector<16xf32>
      %add3A_1350 = arith.addf %add3A_1348, %add3A_1349 : vector<16xf32>
      %get3A = arith.index_cast %while3A_1341 : i32 to index
      %get3A_1351 = arith.constant 960 : index
      %get3A_1352 = tpu.vector_load %arg13[%get3A, %get3A_1351] {strides = array<i32>} : memref<16x1000xf32, #tpu.memory_space<vmem>>, vector<1x16xf32>,
      %get3A_1353 = vector.shape_cast %get3A_1352 : vector<1x16xf32> to vector<16xf32>
      %add3A_1354 = arith.constant 960 : i32
      %add3A_1355 = arith.addi %mul3A_1344, %add3A_1354 : i32
      %get3A_1356 = arith.index_cast %add3A_1355 : i32 to index
      %get3A_1357 = tpu.vector_load %arg14[%get3A_1356] {strides = array<i32>} : memref<7000xf32, #tpu.memory_space<vmem>>, vector<16xf32>,
      %get3A_1358 = vector.shape_cast %get3A_1357 : vector<16xf32> to vector<16xf32>
      %mul3A_1359 = arith.mulf %get3A_1353, %get3A_1358 : vector<16xf32>
      %add3A_1360 = arith.addf %add3A_1350, %mul3A_1359 : vector<16xf32>
      %get3A_1361 = arith.index_cast %while3A_1341 : i32 to index
      %get3A_1362 = arith.constant 976 : index
      %get3A_1363 = tpu.vector_load %arg13[%get3A_1361, %get3A_1362] {strides = array<i32>} : memref<16x1000xf32, #tpu.memory_space<vmem>>, vector<1x16xf32>,
      %get3A_1364 = vector.shape_cast %get3A_1363 : vector<1x16xf32> to vector<16xf32>
      %add3A_1365 = arith.constant 976 : i32
      %add3A_1366 = arith.addi %mul3A_1344, %add3A_1365 : i32
      %get3A_1367 = arith.index_cast %add3A_1366 : i32 to index
      %get3A_1368 = tpu.vector_load %arg14[%get3A_1367] {strides = array<i32>} : memref<7000xf32, #tpu.memory_space<vmem>>, vector<16xf32>,
      %get3A_1369 = vector.shape_cast %get3A_1368 : vector<16xf32> to vector<16xf32>
      %mul3A_1370 = arith.mulf %get3A_1364, %get3A_1369 : vector<16xf32>
      %add3A_1371 = arith.addf %add3A_1360, %mul3A_1370 : vector<16xf32>
      %get3A_1372 = arith.index_cast %while3A_1341 : i32 to index
      %get3A_1373 = arith.constant 984 : index
      %get3A_1374 = tpu.vector_load %arg13[%get3A_1372, %get3A_1373] {strides = array<i32>} : memref<16x1000xf32, #tpu.memory_space<vmem>>, vector<1x16xf32>,
      %get3A_1375 = vector.shape_cast %get3A_1374 : vector<1x16xf32> to vector<16xf32>
      %add3A_1376 = arith.constant 984 : i32
      %add3A_1377 = arith.addi %mul3A_1344, %add3A_1376 : i32
      %get3A_1378 = arith.index_cast %add3A_1377 : i32 to index
      %get3A_1379 = tpu.vector_load %arg14[%get3A_1378] {strides = array<i32>} : memref<7000xf32, #tpu.memory_space<vmem>>, vector<16xf32>,
      %get3A_1380 = vector.shape_cast %get3A_1379 : vector<16xf32> to vector<16xf32>
      %mul3A_1381 = arith.mulf %get3A_1375, %get3A_1380 : vector<16xf32>
      %jit3A_1382 = arith.constant 0.000000e+00 : f32
      %broadcast_in_dim3A_1383 = vector.broadcast %jit3A_1382 : f32 to vector<16xf32>
      %select_n3A_1384 = arith.select %ge3A_5, %mul3A_1381, %broadcast_in_dim3A_1383 : vector<16xi1>, vector<16xf32>
      %add3A_1385 = arith.addf %add3A_1371, %select_n3A_1384 : vector<16xf32>
      %mul3A_1386 = arith.constant 16 : i32
      %mul3A_1387 = arith.muli %while3A_1341, %mul3A_1386 : i32
      %get3A_1388 = arith.index_cast %mul3A_1387 : i32 to index
      %get3A_1389 = tpu.vector_load %arg15[%get3A_1388] {strides = array<i32>} : memref<112xf32, #tpu.memory_space<vmem>>, vector<16xf32>,
      %get3A_1390 = vector.shape_cast %get3A_1389 : vector<16xf32> to vector<16xf32>
      %mul3A_1391 = arith.mulf %add3A_1385, %get3A_1390 : vector<16xf32>
      %add3A_1392 = arith.addf %while3A_1342, %mul3A_1391 : vector<16xf32>
      scf.yield %add3A_1392 : vector<16xf32>
    }
    "tpu.trace_stop"() : () -> ()
    "tpu.trace_start"() <{level = 10 : i32, message = "ph_out"}> : () -> ()
    %swap3A_1337 = arith.constant 0 : index
    %swap3A_1338 = tpu.vector_load %arg17[%swap3A_1337] {strides = array<i32>} : memref<16xf32, #tpu.memory_space<vmem>>, vector<16xf32>,
    %swap3A_1339 = vector.shape_cast %swap3A_1338 : vector<16xf32> to vector<16xf32>
    %swap3A_1340 = vector.shape_cast %while3A_1336 : vector<16xf32> to vector<16xf32>
    tpu.vector_store %arg17[%swap3A_1337], %swap3A_1340 {strides = array<i32>} : memref<16xf32, #tpu.memory_space<vmem>>, vector<16xf32>,
    "tpu.region"() ({
      %run_scoped3A = tpu.sem_alloc : memref<!tpu.dma_semaphore, #tpu.memory_space<semaphore_mem>>
      %dma_start3A_1341 = arith.constant 0 : i32
      %dma_start3A_1342 = tpu.memref_slice %arg5[%add3A, %dma_start3A_1341] : memref<32x16xf32, #tpu.memory_space<hbm>> -> memref<1x16xf32, #tpu.memory_space<hbm>>
      %dma_start3A_1343 = tpu.memref_squeeze %dma_start3A_1342 : memref<1x16xf32, #tpu.memory_space<hbm>> -> memref<16xf32, #tpu.memory_space<hbm>>
      %dma_start3A_1344 = arith.constant 0 : i32
      %dma_start3A_1345 = tpu.memref_slice %arg5[%add3A, %dma_start3A_1344] : memref<32x16xf32, #tpu.memory_space<hbm>> -> memref<1x16xf32, #tpu.memory_space<hbm>>
      %dma_start3A_1346 = tpu.memref_squeeze %dma_start3A_1345 : memref<1x16xf32, #tpu.memory_space<hbm>> -> memref<16xf32, #tpu.memory_space<hbm>>
      tpu.enqueue_dma source(%arg17 : memref<16xf32, #tpu.memory_space<vmem>>) target(%dma_start3A_1346 : memref<16xf32, #tpu.memory_space<hbm>>) target_semaphore(%run_scoped3A : memref<!tpu.dma_semaphore, #tpu.memory_space<semaphore_mem>>)
      %dma_wait3A_1347 = arith.constant 0 : i32
      %dma_wait3A_1348 = tpu.memref_slice %arg5[%add3A, %dma_wait3A_1347] : memref<32x16xf32, #tpu.memory_space<hbm>> -> memref<1x16xf32, #tpu.memory_space<hbm>>
      %dma_wait3A_1349 = tpu.memref_squeeze %dma_wait3A_1348 : memref<1x16xf32, #tpu.memory_space<hbm>> -> memref<16xf32, #tpu.memory_space<hbm>>
      %dma_wait3A_1350 = arith.constant 0 : i32
      %dma_wait3A_1351 = tpu.memref_slice %arg5[%add3A, %dma_wait3A_1350] : memref<32x16xf32, #tpu.memory_space<hbm>> -> memref<1x16xf32, #tpu.memory_space<hbm>>
      %dma_wait3A_1352 = tpu.memref_squeeze %dma_wait3A_1351 : memref<1x16xf32, #tpu.memory_space<hbm>> -> memref<16xf32, #tpu.memory_space<hbm>>
      tpu.wait_dma2 semaphore(%run_scoped3A : memref<!tpu.dma_semaphore, #tpu.memory_space<semaphore_mem>>) src(%arg17 : memref<16xf32, #tpu.memory_space<vmem>>) dst(%dma_wait3A_1352 : memref<16xf32, #tpu.memory_space<hbm>>)
      tpu.yield
    }) : () -> ()
    "tpu.trace_stop"() : () -> ()
    return
  }
}

</mosaic_0001>

<sc_bundles>
// kernel: kernel.3.cloned.1.call-start
scs
__scs_entry_jumppad:
0x0: {  	(pc) =	sbr.rel $0x88, $3  }
0x1: {  	(tag) =	ssettag $0x0;
	lr =	simm.s32 $0x1  }
0x2: {  	[smem:$0x3F9E] =	sst lr;
	_ =	strace $0xD0000000  }
0x3: {  	_ = 	snop  }
0x4: {  	_ = 	snop  }
0x5: {  	_ = 	snop  }
0x6: {  	_ = 	snop  }
0x7: {  	_ = 	snop  }
__scs_overlays_trampoline_lowered:
0x8: {  	[smem:$0x3FAD] =	sst s0  }
0x9: {  	[smem:$0x3FAE] =	sst s1  }
0xa: {  	[smem:$0x3FAF] =	sst s2  }
0xb: {  	[smem:$0x3FB0] =	sst s3  }
0xc: {  	[smem:$0x3FB1] =	sst s4  }
0xd: {  	[smem:$0x3FB2] =	sst s5  }
0xe: {  	[smem:$0x3FB3] =	sst s6  }
0xf: {  	[smem:$0x3FB4] =	sst s7  }
0x10: {  	[smem:$0x3FB5] =	sst s8  }
0x11: {  	[smem:$0x3FB6] =	sst s9;
	s0 =	simm.s32 @!p0 $0x0  }
0x12: {  	s1 =	sld [smem:$0x3F9C];
	s0 =	simm.s32 @p0 $0x1  }
0x13: {  	[smem:$0x3FB7] =	sst s0;
	s0 =	simm.s32 @!p1 $0x0  }
0x14: {  	s2 =	sld [smem:$0x3F9B];
	s0 =	simm.s32 @p1 $0x1  }
0x15: {  	[smem:$0x3FB8] =	sst s0;
	s0 =	simm.s32 @!p2 $0x0  }
0x16: {  	s3 =	sld [smem:$0x3FDB];
	s0 =	simm.s32 @p2 $0x1  }
0x17: {  	s4 =	simm.s32 $0x1BF5;
	[smem:$0x3FBA] =	sst s0  }
0x18: {  	s0 =	sld [smem:$0x3F9D];
	_ =	swait.ge [sflag:s4], $0x0  }
0x19: {  	s7 =	sld [smem:$0x3F9E]  }
0x1a: {  	s8 =	sadd.s32 $0xFFFFE003, lr  }
0x1b: {  	s9 =	sadd.s32 $0xFFFFFEF7, lr;
	s5 =	simm.s32 $0xFFFFFFFF;
	p2 =	slt.u32 s8, $0xFFFFF086  }
0x1c: {  	p1 =	slt.u32 s9, $0xF7A;
	s5 =	simm.s32 @!p2 $0x0  }
0x1d: {  	s5 =	simm.s32 @p1 $0x1;
	p0 =	seq.s32 s7, s2  }
0x1e: {  	s7 =	smul.u32 @!p0 $0xF7A, s2;
	p2 =	seq.s32 @!p0 s5, $0x0  }
0x1f: {  	s9 =	smul.u32 $0xF7A, s1;
	s8 =	simm.s32 @!p0 $0x1BF5;
	p2 =	por !p2, p0  }
0x20: {  	[sflag:s8] =	ssyncset.s32 @!p0 $0xFFFFF086;
	s6 =	sadd.s32 @!p0 s3, s7;
	s7 =	simm.s32 @!p0 $0x108  }
0x21: {  	s3 =	sadd.s32 s3, s9;
	s6 =	sadd.s32 @!p0 $0x88, s6;
	s7 =	simm.s32 @p2 $0x1082  }
0x22: {  	[simem:s7], [sflag:s8] =	dma.local @!p0 [hbm:s6], $0xF7A  }
0x23: {  	s9 =	sor.u32 $0xD0000000, s2;
	s6 =	simm.s32 $0x108;
	_ =	swait.ge @!p0 [sflag:s8], $0x0  }
0x24: {  	s3 =	sadd.s32 $0x88, s3;
	s6 =	simm.s32 @!p1 $0x1082;
	[sflag:s4] =	ssyncset.s32 $0xFFFFF086  }
0x25: {  	[simem:s6], [sflag:s4] =	dma.local [hbm:s3], $0xF7A  }
0x26: {  	[smem:$0x3F9E] =	sst s1;
	(tag) =	ssettag s2;
	_ =	strace s9  }
0x27: {  	s1 =	sld [smem:$0x3FAE]  }
0x28: {  	s2 =	sld [smem:$0x3FAF]  }
0x29: {  	s4 =	sld [smem:$0x3FB1]  }
0x2a: {  	p0 =	seq.s32 s5, $0x0;
	s5 =	sld [smem:$0x3FB2]  }
0x2b: {  	s6 =	sld [smem:$0x3FB3]  }
0x2c: {  	s7 =	sld [smem:$0x3FB4]  }
0x2d: {  	s3 =	simm.s32 $0x108;
	s8 =	sld [smem:$0x3FB5]  }
0x2e: {  	s3 =	simm.s32 @!p0 $0x1082;
	s9 =	sld [smem:$0x3FB6]  }
0x2f: {  	lr =	sadd.s32 s0, s3;
	s0 =	sld [smem:$0x3FAD]  }
0x30: {  	s3 =	sld [smem:$0x3FB0]  }
0x31: {  	[smem:$0x3FB9] =	sst s10  }
0x32: {  	s10 =	sld [smem:$0x3FB7];
	_ =	sdelay $0x3  }
0x33: {  	p0 =	seq.s32 s10, $0x1;
	s10 =	sld [smem:$0x3FB9];
	_ =	sdelay $0x3  }
0x34: {  	[smem:$0x3FB9] =	sst s10  }
0x35: {  	s10 =	sld [smem:$0x3FB8];
	_ =	sdelay $0x3  }
0x36: {  	p1 =	seq.s32 s10, $0x1;
	s10 =	sld [smem:$0x3FB9];
	_ =	sdelay $0x3  }
0x37: {  	[smem:$0x3FB9] =	sst s10  }
0x38: {  	s10 =	sld [smem:$0x3FBA]  }
0x39: {  	_ = 	snop;
	(pc) =	sbr.ind lr, $3  }
0x3a: {  	_ = 	snop  }
0x3b: {  	_ = 	snop  }
0x3c: {  	p2 =	seq.s32 s10, $0x1;
	s10 =	sld [smem:$0x3FB9]  }
0x3d: {  	_ =	shalt  }
0x3e: {  	_ =	shalt  }
0x3f: {  	_ =	shalt  }
0x40: {  	_ =	shalt  }
0x41: {  	_ =	shalt  }
0x42: {  	_ =	shalt  }
0x43: {  	_ =	shalt  }
0x44: {  	_ =	shalt  }
0x45: {  	_ =	shalt  }
0x46: {  	_ =	shalt  }
0x47: {  	_ =	shalt  }
0x48: {  	_ =	shalt  }
0x49: {  	_ =	shalt  }
0x4a: {  	_ =	shalt  }
0x4b: {  	_ =	shalt  }
0x4c: {  	_ =	shalt  }
0x4d: {  	_ =	shalt  }
0x4e: {  	_ =	shalt  }
0x4f: {  	_ =	shalt  }
0x50: {  	_ =	shalt  }
0x51: {  	_ =	shalt  }
0x52: {  	_ =	shalt  }
0x53: {  	_ =	shalt  }
0x54: {  	_ =	shalt  }
0x55: {  	_ =	shalt  }
0x56: {  	_ =	shalt  }
0x57: {  	_ =	shalt  }
0x58: {  	_ =	shalt  }
0x59: {  	_ =	shalt  }
0x5a: {  	_ =	shalt  }
0x5b: {  	_ =	shalt  }
0x5c: {  	_ =	shalt  }
0x5d: {  	_ =	shalt  }
0x5e: {  	_ =	shalt  }
0x5f: {  	_ =	shalt  }
0x60: {  	_ =	shalt  }
0x61: {  	_ =	shalt  }
0x62: {  	_ =	shalt  }
0x63: {  	_ =	shalt  }
0x64: {  	_ =	shalt  }
0x65: {  	_ =	shalt  }
0x66: {  	_ =	shalt  }
0x67: {  	_ =	shalt  }
0x68: {  	_ =	shalt  }
0x69: {  	_ =	shalt  }
0x6a: {  	_ =	shalt  }
0x6b: {  	_ =	shalt  }
0x6c: {  	_ =	shalt  }
0x6d: {  	_ =	shalt  }
0x6e: {  	_ =	shalt  }
0x6f: {  	_ =	shalt  }
0x70: {  	_ =	shalt  }
0x71: {  	_ =	shalt  }
0x72: {  	_ =	shalt  }
0x73: {  	_ =	shalt  }
0x74: {  	_ =	shalt  }
0x75: {  	_ =	shalt  }
0x76: {  	_ =	shalt  }
0x77: {  	_ =	shalt  }
0x78: {  	_ =	shalt  }
0x79: {  	_ =	shalt  }
0x7a: {  	_ =	shalt  }
0x7b: {  	_ =	shalt  }
0x7c: {  	_ =	shalt  }
0x7d: {  	_ =	shalt  }
0x7e: {  	_ =	shalt  }
0x7f: {  	_ =	shalt  }
0x80: {  	_ =	shalt  }
0x81: {  	_ =	shalt  }
0x82: {  	_ =	shalt  }
0x83: {  	_ =	shalt  }
0x84: {  	_ =	shalt  }
0x85: {  	_ =	shalt  }
0x86: {  	_ =	shalt  }
0x87: {  	_ =	shalt  }
.Lfunc_end0:
.L_simem_size_0:
called_computation_lowered:
.L_overlay_start_0:
0x88: {  	s2 =	sld [smem:$0x3FD9]  }
0x89: {  	s3 =	sld [smem:$0x3FFE];
	_ =	sdelay $0x1  }
0x8a: {  	s1 =	srdreg.scid  }
0x8b: {  	s0 =	sand.u32 $0x1, s1  }
0x8c: {  	s17 =	sshll.u32 s0, $0xA;
	s2 =	sadd.s32 s3, s2  }
0x8d: {  	s2 =	sadd.s32 s2, s17  }
0x8e: {  	[smem:$0x3FC5] =	sst s2  }
0x8f: {  	_ = 	snop  }
0x90: {  	s2 =	sld [smem:$0x3FC9]  }
0x91: {  	s18 =	sld [smem:$0x3FC8];
	(tm) =	ssettm $0x1  }
0x92: {  	s4 =	sld [smem:$0x3FFB];
	_ =	sdelay $0x3  }
0x93: {  	_ =	strace s4  }
0x94: {  	s4 =	sld [smem:$0x3FFC];
	_ =	sdelay $0x3  }
0x95: {  	_ =	strace s4  }
0x96: {  	s4 =	sld [smem:$0x3FFD];
	_ =	sdelay $0x3  }
0x97: {  	_ =	strace s4  }
0x98: {  	_ =	strace $0x8FFFFFFF  }
0x99: {  	s19 =	sld [smem:$0x3FDB];
	_ =	sdelay $0x1  }
0x9a: {  	s5 =	simm.s32 $_scs_section_size  }
0x9b: {  	s6 =	simm.s32 $_size__tile_overlayer_lowered;
	s7 =	simm.s32 $_tile_overlayer_lowered  }
0x9c: {  	s22 =	simm.s32 $0x1BFF;
	s21 =	sshll.u32 s7, $0x1;
	s4 =	sadd.s32 s5, s19  }
0x9d: {  	s8 =	simm.s32 $0x0;
	s20 =	sshll.u32 s6, $0x1;
	s6 =	sadd.s32 s21, s4  }
0x9e: {  	[timem:s8], [sflag:s22] =	dma.local [hbm:s6], s20  }
0x9f: {  	_ =	swait.ge [sflag:s22], s20  }
0xa0: {  	s5 =	ssub.s32 $0x0, s20;
	[sflag:s22] =	ssyncset.done $0x0  }
0xa1: {  	[sflag:s22] =	ssyncadd.s32 s5;
	_ =	sdelay $0x1  }
0xa2: {  	s23 =	simm.s32 $0x1B8B  }
0xa3: {  	_ =	swait.ge [sflag:s23], $0x1  }
0xa4: {  	[sflag:s23] =	ssyncset.done $0x0  }
0xa5: {  	s25 =	simm.s32 $0x1B8E;
	s24 =	sld [smem:$0x3FFE];
	[sflag:s23] =	ssyncadd.s32 $0xFFFFFFFF  }
0xa6: {  	s26 =	simm.s32 $execute0_lowered;
	[smem:$0x3FD2] =	sst s25  }
0xa7: {  	s6 =	sshll.u32 s26, $0x1;
	_ =	strace $0x80000046;
	[dreg:$0x1] =	wrdreg $0xFFFFFFFF  }
0xa8: {  	s28 =	simm.s32 $_size_execute0_lowered;
	s4 =	sadd.s32 s4, s6;
	[dreg:$0x0] =	wrdreg $0x0  }
0xa9: {  	s6 =	sshll.u32 s28, $0x1;
	[dreg:$0x2] =	wrdreg s4  }
0xaa: {  	[dreg:$0x3] =	wrdreg s6  }
0xab: {  	[dreg:$0x4] =	wrdreg $0xC0  }
0xac: {  	_ =	task [dreg:s8], $0x5FFFF  }
0xad: {  	[dreg:$0x1] =	wrdreg $0xFFFFFFFF  }
0xae: {  	[dreg:$0x0] =	wrdreg $0x60  }
0xaf: {  	[dreg:$0x2] =	wrdreg s2  }
0xb0: {  	[dreg:$0x3] =	wrdreg s18  }
0xb1: {  	[dreg:$0x4] =	wrdreg s24  }
0xb2: {  	[dreg:$0x5] =	wrdreg $0x0  }
0xb3: {  	[dreg:$0x6] =	wrdreg $0x9  }
0xb4: {  	_ =	task.clear_ibuf [dreg:s8], $0x7FFFF;
	_ =	strace $0x90000046  }
0xb5: {  	s29 =	simm.s32 $0x9;
	_ =	strace $0x80000051  }
0xb6: {  	_ =	swait.ge [sflag:s29], $0x1  }
0xb7: {  	[sflag:s29] =	ssyncadd.s32 $0xFFFFFFFF  }
0xb8: {  	_ =	strace $0x90000051  }
0xb9: {  	_ =	sfence  }
0xba: {  	s30 =	sld [smem:$0x0];
	_ =	sdelay $0x2  }
0xbb: {  	s31 =	sshll.u32 s1, $0xD;
	s1 =	sshrl.u32 s1, $0x2  }
0xbc: {  	s3 =	sand.u32 $0x4000, s31;
	s1 =	sadd.s32 s1, s30  }
0xbd: {  	s0 =	sor.u32 s3, s0;
	s1 =	sshll.u32 s1, $0x11  }
0xbe: {  	s0 =	sor.u32 s1, s0  }
0xbf: {  	s0 =	sadd.s32 $0x8F2B, s0  }
0xc0: {  	[sflag:s0] =	ssyncadd.remote.s32 $0x1  }
0xc1: {  	_ =	sfence.sel $0xFFFF  }
0xc2: {  	[dreg:$0x0] =	wrdreg $0xFFFFFFFF;
	(pc) =	sbr.abs _section_cstart, $3  }
0xc3: {  	[dreg:$0x1] =	wrdreg $0xFFFFFFFF  }
0xc4: {  	_ =	task.clear_ibuf [dreg:s8], $0x2FFFF;
	_ =	strace $0x9FFFFFFF  }
0xc5: {  	(tm) =	ssettm $0x7FFFFFFF  }
tec
execute0_lowered:
.L_overlay_start_1:
0x0: {  	(tag) =	ssettag $0x1  }
0x1: {  	s0 =	rddreg [dreg:$0x0]  }
0x2: {  	s9 =	rddreg [dreg:$0x1]  }
0x3: {  	s1 =	srdreg.scid;
	s10 =	rddreg [dreg:$0x2]  }
0x4: {  	s17 =	stileid.u32;
	s2 =	sand.u32 $0x1, s1;
	s1 =	simm.s32 $0x0  }
0x5: {  	s13 =	smin.u32 s17, $0x3;
	s3 =	sshll.u32 s2, $0x4;
	s4 =	ssub.s32 $0x2, s2  }
0x6: {  	[smem:$0x7FF] =	sst s1;
	s13 =	smul.u32 $0x3E8, s13;
	s14 =	sor.u32 s17, s3  }
0x7: {  	s3 =	smul.u32 $0x3E8, s17;
	s5 =	sshrl.u32 s4, $0x1;
	s18 =	sshll.u32 s14, $0x1  }
0x8: {  	s4 =	ssub.s32 s4, s5;
	s11 =	smul.u32 $0x7D00, s14;
	s13 =	sadd.s32 $0x17700, s13  }
0x9: {  	s14 =	sshll.u32 s14, $0x2;
	s2 =	sadd.s32 s18, s10;
	s5 =	sadd.s32 $0x3E80, s3  }
0xa: {  	s6 =	sshrl.u32 s3, $0x3;
	s8 =	sadd.s32 $0xFA00, s3;
	s16 =	sshrl.u32 s13, $0x3  }
0xb: {  	s9 =	sadd.s32 s9, s14;
	s7 =	sshrl.u32 s5, $0x3;
	s6 =	sadd.s32 s10, s6  }
0xc: {  	s21 =	sshrl.u32 s8, $0x3;
	s23 =	sshrl.u32 s11, $0x3;
	s24 =	sadd.s32 $0x3E8, s11  }
0xd: {  	s25 =	sadd.s32 $0xBB8, s11;
	[dreg:$0x5] =	wrdreg s6;
	s19 =	sadd.s32 s10, s7  }
0xe: {  	s6 =	sadd.s32 $0x7D00, s3;
	s7 =	sadd.s32 $0xBB80, s3;
	s14 =	sshrl.u32 s24, $0x3  }
0xf: {  	[dreg:$0x6] =	wrdreg s19;
	s12 =	sshrl.u32 s6, $0x3;
	s14 =	sadd.s32 s0, s14  }
0x10: {  	s15 =	sshrl.u32 s7, $0x3;
	s12 =	sadd.s32 s10, s12;
	[dreg:$0xc] =	wrdreg s14  }
0x11: {  	s18 =	sadd.s32 $0x2328, s11;
	s20 =	sadd.s32 s10, s15;
	[dreg:$0x7] =	wrdreg s12  }
0x12: {  	s24 =	sadd.s32 $0x3A98, s11;
	[dreg:$0x8] =	wrdreg s20;
	s12 =	sadd.s32 s10, s21  }
0x13: {  	s20 =	sshrl.u32 s18, $0x3;
	[dreg:$0x9] =	wrdreg s12;
	s12 =	sadd.s32 $0x13880, s3  }
0x14: {  	s18 =	sadd.s32 $0x4268, s11;
	s21 =	sadd.s32 s0, s20;
	s22 =	sshrl.u32 s12, $0x3  }
0x15: {  	s20 =	sadd.s32 $0x5208, s11;
	[dreg:$0x10] =	wrdreg s21;
	s15 =	sadd.s32 s10, s22  }
0x16: {  	s10 =	sadd.s32 s10, s16;
	s16 =	sadd.s32 $0x1B58, s11;
	[dreg:$0xa] =	wrdreg s15  }
0x17: {  	s22 =	sadd.s32 $0x2AF8, s11;
	[dreg:$0xb] =	wrdreg s10;
	s15 =	sshrl.u32 s25, $0x3  }
0x18: {  	s10 =	sadd.s32 s0, s23;
	s26 =	sadd.s32 s0, s15;
	s15 =	sadd.s32 $0x1388, s11  }
0x19: {  	s19 =	sshrl.u32 s16, $0x3;
	s23 =	sadd.s32 $0x32C8, s11;
	s14 =	sshrl.u32 s15, $0x3  }
0x1a: {  	[dreg:$0xd] =	wrdreg s26;
	s26 =	sshrl.u32 s24, $0x3;
	s14 =	sadd.s32 s0, s14  }
0x1b: {  	s25 =	sshrl.u32 s23, $0x3;
	s16 =	sadd.s32 s0, s26;
	[dreg:$0xe] =	wrdreg s14  }
0x1c: {  	s24 =	sadd.s32 $0x59D8, s11;
	s14 =	sadd.s32 s0, s19;
	[dreg:$0x13] =	wrdreg s16  }
0x1d: {  	s26 =	sadd.s32 $0x6978, s11;
	[dreg:$0xf] =	wrdreg s14;
	s14 =	sshrl.u32 s22, $0x3  }
0x1e: {  	s16 =	sshrl.u32 s26, $0x3;
	s26 =	rddreg [dreg:$0x3];
	s14 =	sadd.s32 s0, s14  }
0x1f: {  	s19 =	sadd.s32 $0x4A38, s11;
	[dreg:$0x11] =	wrdreg s14;
	s14 =	sadd.s32 s0, s25  }
0x20: {  	s21 =	sshrl.u32 s19, $0x3;
	[dreg:$0x12] =	wrdreg s14;
	s14 =	sshrl.u32 s18, $0x3  }
0x21: {  	s22 =	sshrl.u32 s20, $0x3;
	s19 =	sadd.s32 $0x7148, s11;
	s14 =	sadd.s32 s0, s14  }
0x22: {  	s23 =	sadd.s32 s0, s22;
	[dreg:$0x14] =	wrdreg s14;
	s14 =	sadd.s32 s0, s21  }
0x23: {  	s25 =	sadd.s32 $0x61A8, s11;
	[dreg:$0x15] =	wrdreg s14;
	s14 =	sshrl.u32 s24, $0x3  }
0x24: {  	[dreg:$0x16] =	wrdreg s23;
	s15 =	sshrl.u32 s25, $0x3;
	s14 =	sadd.s32 s0, s14  }
0x25: {  	s11 =	sadd.s32 $0x7918, s11;
	[dreg:$0x17] =	wrdreg s14;
	s14 =	sadd.s32 s0, s15  }
0x26: {  	s18 =	sadd.s32 s0, s16;
	[dreg:$0x18] =	wrdreg s14;
	s14 =	sshrl.u32 s19, $0x3  }
0x27: {  	s11 =	sshrl.u32 s11, $0x3;
	[dreg:$0x19] =	wrdreg s18;
	s14 =	sadd.s32 s0, s14  }
0x28: {  	s0 =	sadd.s32 s0, s11;
	[dreg:$0x1a] =	wrdreg s14  }
0x29: {  	s20 =	sadd.s32 s3, s26;
	[dreg:$0x1b] =	wrdreg s0  }
0x2a: {  	s21 =	sadd.s32 s5, s26;
	_ =	strace $0x80000047;
	[dreg:$0x1c] =	wrdreg s20  }
0x2b: {  	s22 =	sadd.s32 s6, s26;
	[dreg:$0x1d] =	wrdreg s21  }
0x2c: {  	s23 =	sadd.s32 s7, s26;
	[dreg:$0x1e] =	wrdreg s22  }
0x2d: {  	s24 =	sadd.s32 s8, s26;
	[dreg:$0x1f] =	wrdreg s23  }
0x2e: {  	s25 =	sadd.s32 s12, s26;
	[smem:$0x7EA] =	sst s24  }
0x2f: {  	s5 =	sadd.s32 s13, s26;
	[smem:$0x7EB] =	sst s25  }
0x30: {  	s6 =	sadd.s32 $0x3200, s2;
	[smem:$0x7EC] =	sst s5  }
0x31: {  	s7 =	smax.u32 s4, $0x1;
	[smem:$0x7ED] =	sst s6  }
0x32: {  	v4 =	vlaneseq.u32;
	s8 =	sadd.s32 $0x1, s9;
	[smem:$0x7EE] =	sst s7  }
0x33: {  	s31 =	simm.s32 $0x3;
	v4 =	vmul.u32 $0x10, v4;
	s11 =	sadd.s32 $0x2, s9;
	[smem:$0x7EF] =	sst s8  }
0x34: {  	p0 =	slt.u32 s17, $0x4;
	s12 =	sadd.s32 $0x3, s9;
	[smem:$0x7F0] =	sst s11  }
0x35: {  	v4 =	vor.u32 s17, v4;
	s17 =	simm.s32 $0x6;
	s13 =	sadd.s32 $0xFA, s10;
	[smem:$0x7F1] =	sst s12  }
0x36: {  	s28 =	sadd.s32 $0xCB2, s10;
	s14 =	sadd.s32 $0x1F4, s10;
	[smem:$0x7F2] =	sst s13  }
0x37: {  	s29 =	sadd.s32 $0xDAC, s10;
	s15 =	sadd.s32 $0x2EE, s10;
	[smem:$0x7F3] =	sst s14  }
0x38: {  	v0 =	vimm.s32 $0xFEDCBA98;
	s30 =	sadd.s32 $0xEA6, s10;
	s16 =	sadd.s32 $0x3E8, s10;
	[smem:$0x7F4] =	sst s15  }
0x39: {  	v1 =	vimm.s32 $0x76543210;
	v2 =	vimm.s32 $0xBA98FEDC;
	v0 =	vunpack.c.l.s4.s8 v0;
	s3 =	simm.s32 $0x7;
	s18 =	sadd.s32 $0x4E2, s10;
	[smem:$0x7F5] =	sst s16  }
0x3a: {  	v3 =	vimm.s32 $0x32107654;
	v5 =	vimm.s32 $0xDCFE98BA;
	v1 =	vunpack.c.l.s4.s8 v1;
	s3 =	simm.s32 @!p0 $0x6;
	s19 =	sadd.s32 $0x5DC, s10;
	[smem:$0x7F6] =	sst s18  }
0x3b: {  	v6 =	vimm.s32 $0xEFCDAB89;
	v0 =	vunpack.c.0.s8.s32 v0;
	[smem:$0x7F7] =	sst s19;
	s20 =	sadd.s32 $0x6D6, s10;
	s21 =	sadd.s32 $0x7D0, s10  }
0x3c: {  	v7 =	vimm.s32 $0x67452301;
	v1 =	vunpack.c.0.s8.s32 v1;
	s22 =	sadd.s32 $0x8CA, s10;
	s23 =	sadd.s32 $0x9C4, s10;
	s24 =	sadd.s32 $0xABE, s10  }
0x3d: {  	v2 =	vunpack.c.l.s4.s8 v2;
	v3 =	vunpack.c.l.s4.s8 v3;
	v0 =	vand.u32 $0xF, v0;
	s25 =	sadd.s32 $0xBB8, s10;
	s6 =	simm.s32 $0x37B0;
	[smem:$0x7F8] =	sst s20  }
0x3e: {  	v5 =	vunpack.c.l.s4.s8 v5;
	v0 =	vcombine.low v0, v1;
	v1 =	vimm.s32 $0x54761032;
	s7 =	simm.s32 $0x56F0;
	s8 =	simm.s32 $0x7630;
	[smem:$0x7F9] =	sst s21  }
0x3f: {  	v6 =	vunpack.c.l.s4.s8 v6;
	v7 =	vunpack.c.l.s4.s8 v7;
	v1 =	vunpack.c.l.s4.s8 v1;
	s11 =	simm.s32 $0xEFE8;
	s12 =	simm.s32 $0x2;
	[smem:$0x7FA] =	sst s22  }
0x40: {  	v2 =	vunpack.c.0.s8.s32 v2;
	v3 =	vunpack.c.0.s8.s32 v3;
	v5 =	vunpack.c.0.s8.s32 v5;
	s13 =	simm.s32 $0x5;
	s14 =	simm.s32 $0x1;
	[smem:$0x7FB] =	sst s23  }
0x41: {  	v6 =	vunpack.c.0.s8.s32 v6;
	v7 =	vunpack.c.0.s8.s32 v7;
	v8 =	vunpack.c.0.s8.s32 v1;
	s15 =	simm.s32 $0x8;
	s16 =	simm.s32 $0x4;
	[smem:$0x7FC] =	sst s24  }
0x42: {  	vm0 =	vmmov $0xff;
	v1 =	vcombine.low v3, v2;
	v2 =	vmin.u32 v4, $0x63;
	s18 =	simm.s32 $0x0;
	[smem:$0x7FD] =	sst s25;
	s22 =	simm.s32 $0x95A0  }
0x43: {  	v4 =	vimm.f32 $0.0e+00;
	v3 =	vcombine.low v8, v5;
	v5 =	vcombine.low v7, v6;
	s23 =	simm.s32 $0x9570;
	s24 =	simm.s32 $0x9578;
	s25 =	simm.s32 $0x9580  }
.LBB2_1:
0x44: {  	_ =	strace $0x80000048  }
0x45: {  	[tilespmem:$0x9590] =	vst v2;
	s0 =	rddreg [dreg:$0x5]  }
0x46: {  	[tilespmem:s22], [sflag:$0x2] =	stream.linear.gather [hbm4b:s0+s1], $0x3E8, $0x200038;
	[tilespmem:$0xF3E0] =	vst v63  }
0x47: {  	s2 =	simm.s32 $0x9988;
	s5 =	rddreg [dreg:$0x6]  }
0x48: {  	[tilespmem:s2], [sflag:$0x2] =	stream.linear.gather [hbm4b:s5+s1], $0x3E8, $0x200038;
	[tilespmem:$0xF3E0] =	vst v63  }
0x49: {  	s20 =	simm.s32 $0x9D70;
	s19 =	rddreg [dreg:$0x7]  }
0x4a: {  	[tilespmem:s20], [sflag:$0x2] =	stream.linear.gather [hbm4b:s19+s1], $0x3E8, $0x200038;
	[tilespmem:$0xF3E0] =	vst v63  }
0x4b: {  	s21 =	rddreg [dreg:$0x8];
	s22 =	simm.s32 $0xA158  }
0x4c: {  	[tilespmem:s22], [sflag:$0x2] =	stream.linear.gather [hbm4b:s21+s1], $0x3E8, $0x200038;
	[tilespmem:$0xF3E0] =	vst v63  }
0x4d: {  	s4 =	rddreg [dreg:$0x9];
	s5 =	simm.s32 $0xA540  }
0x4e: {  	[tilespmem:s5], [sflag:$0x2] =	stream.linear.gather [hbm4b:s4+s1], $0x3E8, $0x200038;
	[tilespmem:$0xF3E0] =	vst v63  }
0x4f: {  	s19 =	rddreg [dreg:$0xa];
	s20 =	simm.s32 $0xA928  }
0x50: {  	[tilespmem:s20], [sflag:$0x2] =	stream.linear.gather [hbm4b:s19+s1], $0x3E8, $0x200038;
	[tilespmem:$0xF3E0] =	vst v63  }
0x51: {  	s21 =	rddreg [dreg:$0xb];
	s22 =	simm.s32 $0xAD10  }
0x52: {  	[tilespmem:s22], [sflag:$0x2] =	stream.linear.gather [hbm4b:s21+s1], $0x3E8, $0x200038;
	[tilespmem:$0xF3E0] =	vst v63  }
0x53: {  	_ =	strace $0x90000048  }
0x54: {  	_ =	strace $0x80000049  }
0x55: {  	[tilespmem:s23], [sflag:$0x5] =	stream.linear.gather [hbm4b:s9+s1], $0x8, $0x200038;
	[tilespmem:$0xF3E0] =	vst v63  }
0x56: {  	s23 =	sld [smem:$0x7EF];
	_ =	sdelay $0x1  }
0x57: {  	s2 =	sld [smem:$0x7F0]  }
0x58: {  	[tilespmem:s24], [sflag:$0x5] =	stream.linear.gather [hbm4b:s23+s1], $0x8, $0x200038;
	[tilespmem:$0xF3E0] =	vst v63  }
0x59: {  	s4 =	sld [smem:$0x7F1]  }
0x5a: {  	[tilespmem:s25], [sflag:$0x5] =	stream.linear.gather [hbm4b:s2+s1], $0x8, $0x200038;
	[tilespmem:$0xF3E0] =	vst v63  }
0x5b: {  	s5 =	simm.s32 $0x9588  }
0x5c: {  	[tilespmem:s5], [sflag:$0x5] =	stream.linear.gather [hbm4b:s4+s1], $0x8, $0x200038;
	[tilespmem:$0xF3E0] =	vst v63  }
0x5d: {  	s19 =	simm.s32 $0x1870;
	s20 =	rddreg [dreg:$0xc]  }
0x5e: {  	[tilespmem:s19], [sflag:$0x1] =	stream.linear.gather [hbm4b:s10+s1], $0x3E8, $0x200038;
	[tilespmem:$0xF3E0] =	vst v63  }
0x5f: {  	s21 =	simm.s32 $0x1C58;
	s22 =	sld [smem:$0x7F2]  }
0x60: {  	[tilespmem:s21], [sflag:$0x1] =	stream.linear.gather [hbm4b:s20+s1], $0x3E8, $0x200038;
	[tilespmem:$0xF3E0] =	vst v63  }
0x61: {  	s23 =	simm.s32 $0x2040;
	s24 =	rddreg [dreg:$0xd]  }
0x62: {  	[tilespmem:s23], [sflag:$0x1] =	stream.linear.gather [hbm4b:s22+s1], $0x3E8, $0x200038;
	[tilespmem:$0xF3E0] =	vst v63  }
0x63: {  	s25 =	simm.s32 $0x2428;
	s4 =	sld [smem:$0x7F3]  }
0x64: {  	[tilespmem:s25], [sflag:$0x1] =	stream.linear.gather [hbm4b:s24+s1], $0x3E8, $0x200038;
	[tilespmem:$0xF3E0] =	vst v63  }
0x65: {  	s5 =	simm.s32 $0x2810;
	s19 =	rddreg [dreg:$0xe]  }
0x66: {  	[tilespmem:s5], [sflag:$0x1] =	stream.linear.gather [hbm4b:s4+s1], $0x3E8, $0x200038;
	[tilespmem:$0xF3E0] =	vst v63  }
0x67: {  	s20 =	simm.s32 $0x2BF8;
	s21 =	sld [smem:$0x7F4]  }
0x68: {  	[tilespmem:s20], [sflag:$0x1] =	stream.linear.gather [hbm4b:s19+s1], $0x3E8, $0x200038;
	[tilespmem:$0xF3E0] =	vst v63  }
0x69: {  	s22 =	simm.s32 $0x2FE0;
	s23 =	rddreg [dreg:$0xf]  }
0x6a: {  	[tilespmem:s22], [sflag:$0x1] =	stream.linear.gather [hbm4b:s21+s1], $0x3E8, $0x200038;
	[tilespmem:$0xF3E0] =	vst v63  }
0x6b: {  	s24 =	simm.s32 $0x33C8;
	s25 =	sld [smem:$0x7F5]  }
0x6c: {  	[tilespmem:s24], [sflag:$0x1] =	stream.linear.gather [hbm4b:s23+s1], $0x3E8, $0x200038;
	[tilespmem:$0xF3E0] =	vst v63  }
0x6d: {  	s2 =	rddreg [dreg:$0x10]  }
0x6e: {  	[tilespmem:s6], [sflag:$0x1] =	stream.linear.gather [hbm4b:s25+s1], $0x3E8, $0x200038;
	[tilespmem:$0xF3E0] =	vst v63  }
0x6f: {  	s4 =	simm.s32 $0x3B98;
	s5 =	sld [smem:$0x7F6]  }
0x70: {  	[tilespmem:s4], [sflag:$0x1] =	stream.linear.gather [hbm4b:s2+s1], $0x3E8, $0x200038;
	[tilespmem:$0xF3E0] =	vst v63  }
0x71: {  	s19 =	simm.s32 $0x3F80;
	s20 =	rddreg [dreg:$0x11]  }
0x72: {  	[tilespmem:s19], [sflag:$0x1] =	stream.linear.gather [hbm4b:s5+s1], $0x3E8, $0x200038;
	[tilespmem:$0xF3E0] =	vst v63  }
0x73: {  	s21 =	simm.s32 $0x4368;
	s22 =	sld [smem:$0x7F7]  }
0x74: {  	[tilespmem:s21], [sflag:$0x1] =	stream.linear.gather [hbm4b:s20+s1], $0x3E8, $0x200038;
	[tilespmem:$0xF3E0] =	vst v63  }
0x75: {  	s23 =	simm.s32 $0x4750;
	s24 =	rddreg [dreg:$0x12]  }
0x76: {  	[tilespmem:s23], [sflag:$0x1] =	stream.linear.gather [hbm4b:s22+s1], $0x3E8, $0x200038;
	[tilespmem:$0xF3E0] =	vst v63  }
0x77: {  	s25 =	simm.s32 $0x4B38;
	s4 =	sld [smem:$0x7F8]  }
0x78: {  	[tilespmem:s25], [sflag:$0x1] =	stream.linear.gather [hbm4b:s24+s1], $0x3E8, $0x200038;
	[tilespmem:$0xF3E0] =	vst v63  }
0x79: {  	s5 =	simm.s32 $0x4F20;
	s19 =	rddreg [dreg:$0x13]  }
0x7a: {  	[tilespmem:s5], [sflag:$0x1] =	stream.linear.gather [hbm4b:s4+s1], $0x3E8, $0x200038;
	[tilespmem:$0xF3E0] =	vst v63  }
0x7b: {  	s20 =	simm.s32 $0x5308;
	s21 =	sld [smem:$0x7F9]  }
0x7c: {  	[tilespmem:s20], [sflag:$0x1] =	stream.linear.gather [hbm4b:s19+s1], $0x3E8, $0x200038;
	[tilespmem:$0xF3E0] =	vst v63  }
0x7d: {  	s22 =	rddreg [dreg:$0x14]  }
0x7e: {  	[tilespmem:s7], [sflag:$0x1] =	stream.linear.gather [hbm4b:s21+s1], $0x3E8, $0x200038;
	[tilespmem:$0xF3E0] =	vst v63  }
0x7f: {  	s23 =	simm.s32 $0x5AD8;
	s24 =	sld [smem:$0x7FA]  }
0x80: {  	[tilespmem:s23], [sflag:$0x1] =	stream.linear.gather [hbm4b:s22+s1], $0x3E8, $0x200038;
	[tilespmem:$0xF3E0] =	vst v63  }
0x81: {  	s2 =	rddreg [dreg:$0x15];
	s25 =	simm.s32 $0x5EC0  }
0x82: {  	[tilespmem:s25], [sflag:$0x1] =	stream.linear.gather [hbm4b:s24+s1], $0x3E8, $0x200038;
	[tilespmem:$0xF3E0] =	vst v63  }
0x83: {  	s4 =	simm.s32 $0x62A8;
	s5 =	sld [smem:$0x7FB]  }
0x84: {  	[tilespmem:s4], [sflag:$0x1] =	stream.linear.gather [hbm4b:s2+s1], $0x3E8, $0x200038;
	[tilespmem:$0xF3E0] =	vst v63  }
0x85: {  	s19 =	simm.s32 $0x6690;
	s20 =	rddreg [dreg:$0x16]  }
0x86: {  	[tilespmem:s19], [sflag:$0x1] =	stream.linear.gather [hbm4b:s5+s1], $0x3E8, $0x200038;
	[tilespmem:$0xF3E0] =	vst v63  }
0x87: {  	s21 =	simm.s32 $0x6A78;
	s22 =	sld [smem:$0x7FC]  }
0x88: {  	[tilespmem:s21], [sflag:$0x1] =	stream.linear.gather [hbm4b:s20+s1], $0x3E8, $0x200038;
	[tilespmem:$0xF3E0] =	vst v63  }
0x89: {  	s23 =	simm.s32 $0x6E60;
	s24 =	rddreg [dreg:$0x17]  }
0x8a: {  	[tilespmem:s23], [sflag:$0x1] =	stream.linear.gather [hbm4b:s22+s1], $0x3E8, $0x200038;
	[tilespmem:$0xF3E0] =	vst v63  }
0x8b: {  	s25 =	simm.s32 $0x7248;
	s4 =	sld [smem:$0x7FD]  }
0x8c: {  	[tilespmem:s25], [sflag:$0x1] =	stream.linear.gather [hbm4b:s24+s1], $0x3E8, $0x200038;
	[tilespmem:$0xF3E0] =	vst v63  }
0x8d: {  	_ = 	snop  }
0x8e: {  	[tilespmem:s8], [sflag:$0x1] =	stream.linear.gather [hbm4b:s4+s1], $0x3E8, $0x200038;
	[tilespmem:$0xF3E0] =	vst v63  }
0x8f: {  	s5 =	rddreg [dreg:$0x18];
	s19 =	simm.s32 $0x7A18  }
0x90: {  	[tilespmem:s19], [sflag:$0x1] =	stream.linear.gather [hbm4b:s5+s1], $0x3E8, $0x200038;
	[tilespmem:$0xF3E0] =	vst v63  }
0x91: {  	s20 =	simm.s32 $0x7E00  }
0x92: {  	[tilespmem:s20], [sflag:$0x1] =	stream.linear.gather [hbm4b:s28+s1], $0x3E8, $0x200038;
	[tilespmem:$0xF3E0] =	vst v63  }
0x93: {  	s21 =	rddreg [dreg:$0x19];
	s22 =	simm.s32 $0x81E8  }
0x94: {  	[tilespmem:s22], [sflag:$0x1] =	stream.linear.gather [hbm4b:s21+s1], $0x3E8, $0x200038;
	[tilespmem:$0xF3E0] =	vst v63  }
0x95: {  	s23 =	simm.s32 $0x85D0  }
0x96: {  	[tilespmem:s23], [sflag:$0x1] =	stream.linear.gather [hbm4b:s29+s1], $0x3E8, $0x200038;
	[tilespmem:$0xF3E0] =	vst v63  }
0x97: {  	s24 =	rddreg [dreg:$0x1a];
	s25 =	simm.s32 $0x89B8  }
0x98: {  	[tilespmem:s25], [sflag:$0x1] =	stream.linear.gather [hbm4b:s24+s1], $0x3E8, $0x200038;
	[tilespmem:$0xF3E0] =	vst v63  }
0x99: {  	s2 =	simm.s32 $0x8DA0  }
0x9a: {  	[tilespmem:s2], [sflag:$0x1] =	stream.linear.gather [hbm4b:s30+s1], $0x3E8, $0x200038;
	[tilespmem:$0xF3E0] =	vst v63  }
0x9b: {  	s4 =	rddreg [dreg:$0x1b];
	s5 =	simm.s32 $0x9188  }
0x9c: {  	[tilespmem:s5], [sflag:$0x1] =	stream.linear.gather [hbm4b:s4+s1], $0x3E8, $0x200038;
	[tilespmem:$0xF3E0] =	vst v63  }
0x9d: {  	_ =	strace $0x90000049  }
0x9e: {  	_ =	strace $0x8000004A;
	[tilespmem:$0xEFE8] =	vst v4  }
0x9f: {  	[tilespmem:$0xEFF8] =	vst v4  }
0xa0: {  	[tilespmem:$0xF008] =	vst v4  }
0xa1: {  	[tilespmem:$0xF018] =	vst v4  }
0xa2: {  	[tilespmem:$0xF028] =	vst v4  }
0xa3: {  	[tilespmem:$0xF038] =	vst v4  }
0xa4: {  	[tilespmem:$0xF048] =	vst v4  }
0xa5: {  	[tilespmem:$0xF058] =	vst v4  }
0xa6: {  	[tilespmem:$0xF068] =	vst v4  }
0xa7: {  	[tilespmem:$0xF078] =	vst v4  }
0xa8: {  	[tilespmem:$0xF088] =	vst v4  }
0xa9: {  	[tilespmem:$0xF098] =	vst v4  }
0xaa: {  	[tilespmem:$0xF0A8] =	vst v4  }
0xab: {  	[tilespmem:$0xF0B8] =	vst v4  }
0xac: {  	[tilespmem:$0xF0C8] =	vst v4  }
0xad: {  	[tilespmem:$0xF0D8] =	vst v4  }
0xae: {  	[tilespmem:$0xF0E8] =	vst v4  }
0xaf: {  	[tilespmem:$0xF0F8] =	vst v4  }
0xb0: {  	[tilespmem:$0xF108] =	vst v4  }
0xb1: {  	[tilespmem:$0xF118] =	vst v4  }
0xb2: {  	[tilespmem:$0xF128] =	vst v4  }
0xb3: {  	[tilespmem:$0xF138] =	vst v4  }
0xb4: {  	[tilespmem:$0xF148] =	vst v4  }
0xb5: {  	[tilespmem:$0xF158] =	vst v4  }
0xb6: {  	[tilespmem:$0xF168] =	vst v4  }
0xb7: {  	[tilespmem:$0xF178] =	vst v4  }
0xb8: {  	[tilespmem:$0xF188] =	vst v4  }
0xb9: {  	[tilespmem:$0xF198] =	vst v4  }
0xba: {  	[tilespmem:$0xF1A8] =	vst v4  }
0xbb: {  	[tilespmem:$0xF1B8] =	vst v4  }
0xbc: {  	[tilespmem:$0xF1C8] =	vst v4  }
0xbd: {  	[tilespmem:$0xF1D8] =	vst v4  }
0xbe: {  	[tilespmem:$0xF1E8] =	vst v4  }
0xbf: {  	[tilespmem:$0xF1F8] =	vst v4  }
0xc0: {  	[tilespmem:$0xF208] =	vst v4  }
0xc1: {  	[tilespmem:$0xF218] =	vst v4  }
0xc2: {  	[tilespmem:$0xF228] =	vst v4  }
0xc3: {  	[tilespmem:$0xF238] =	vst v4  }
0xc4: {  	[tilespmem:$0xF248] =	vst v4  }
0xc5: {  	[tilespmem:$0xF258] =	vst v4  }
0xc6: {  	[tilespmem:$0xF268] =	vst v4  }
0xc7: {  	[tilespmem:$0xF278] =	vst v4  }
0xc8: {  	[tilespmem:$0xF288] =	vst v4  }
0xc9: {  	[tilespmem:$0xF298] =	vst v4  }
0xca: {  	[tilespmem:$0xF2A8] =	vst v4  }
0xcb: {  	[tilespmem:$0xF2B8] =	vst v4  }
0xcc: {  	[tilespmem:$0xF2C8] =	vst v4  }
0xcd: {  	[tilespmem:$0xF2D8] =	vst v4  }
0xce: {  	[tilespmem:$0xF2E8] =	vst v4  }
0xcf: {  	[tilespmem:$0xF2F8] =	vst v4  }
0xd0: {  	[tilespmem:$0xF308] =	vst v4  }
0xd1: {  	[tilespmem:$0xF318] =	vst v4  }
0xd2: {  	[tilespmem:$0xF328] =	vst v4  }
0xd3: {  	[tilespmem:$0xF338] =	vst v4  }
0xd4: {  	[tilespmem:$0xF348] =	vst v4  }
0xd5: {  	[tilespmem:$0xF358] =	vst v4  }
0xd6: {  	[tilespmem:$0xF368] =	vst v4  }
0xd7: {  	[tilespmem:$0xF378] =	vst v4  }
0xd8: {  	[tilespmem:$0xF388] =	vst v4  }
0xd9: {  	[tilespmem:$0xF398] =	vst v4  }
0xda: {  	[tilespmem:$0xF3A8] =	vst v4  }
0xdb: {  	[tilespmem:$0xF3B8] =	vst v4;
	s19 =	rddreg [dreg:$0x1c]  }
0xdc: {  	[tilespmem:$0xF3C0] =	vst v4;
	s20 =	rddreg [dreg:$0x1d]  }
0xdd: {  	[spmem:s19] =	stream.linear.scatter [tilespmem:s11], [sflag:$0x3], $0x3E8, $0x200038;
	[tilespmem:$0xF3E0] =	vst v63  }
0xde: {  	s21 =	rddreg [dreg:$0x1e]  }
0xdf: {  	[spmem:s20] =	stream.linear.scatter [tilespmem:s11], [sflag:$0x3], $0x3E8, $0x200038;
	[tilespmem:$0xF3E0] =	vst v63  }
0xe0: {  	s22 =	rddreg [dreg:$0x1f]  }
0xe1: {  	[spmem:s21] =	stream.linear.scatter [tilespmem:s11], [sflag:$0x3], $0x3E8, $0x200038;
	[tilespmem:$0xF3E0] =	vst v63  }
0xe2: {  	s23 =	sld [smem:$0x7EA]  }
0xe3: {  	[spmem:s22] =	stream.linear.scatter [tilespmem:s11], [sflag:$0x3], $0x3E8, $0x200038;
	[tilespmem:$0xF3E0] =	vst v63  }
0xe4: {  	s24 =	sld [smem:$0x7EB]  }
0xe5: {  	[spmem:s23] =	stream.linear.scatter [tilespmem:s11], [sflag:$0x3], $0x3E8, $0x200038;
	[tilespmem:$0xF3E0] =	vst v63  }
0xe6: {  	s25 =	sld [smem:$0x7EC]  }
0xe7: {  	[spmem:s24] =	stream.linear.scatter [tilespmem:s11], [sflag:$0x3], $0x3E8, $0x200038;
	[tilespmem:$0xF3E0] =	vst v63  }
0xe8: {  	_ = 	snop  }
0xe9: {  	[spmem:s25] =	stream.linear.scatter [tilespmem:s11], [sflag:$0x3], $0x3E8, $0x200038;
	[tilespmem:$0xF3E0] =	vst v63  }
0xea: {  	_ =	swait.ge [sflag:s31], $0x3E8  }
0xeb: {  	[sflag:s31] =	ssyncset.done $0x0  }
0xec: {  	[sflag:s31] =	ssyncadd.s32 $0xFFFFFC18  }
0xed: {  	_ =	swait.ge [sflag:s31], $0x3E8  }
0xee: {  	[sflag:s31] =	ssyncset.done $0x0  }
0xef: {  	[sflag:s31] =	ssyncadd.s32 $0xFFFFFC18  }
0xf0: {  	_ =	swait.ge [sflag:s31], $0x3E8  }
0xf1: {  	[sflag:s31] =	ssyncset.done $0x0  }
0xf2: {  	[sflag:s31] =	ssyncadd.s32 $0xFFFFFC18  }
0xf3: {  	_ =	swait.ge [sflag:s31], $0x3E8  }
0xf4: {  	[sflag:s31] =	ssyncset.done $0x0  }
0xf5: {  	[sflag:s31] =	ssyncadd.s32 $0xFFFFFC18  }
0xf6: {  	_ =	swait.ge [sflag:s31], $0x3E8  }
0xf7: {  	[sflag:s31] =	ssyncset.done $0x0  }
0xf8: {  	[sflag:s31] =	ssyncadd.s32 $0xFFFFFC18  }
0xf9: {  	_ =	swait.ge [sflag:s31], $0x3E8  }
0xfa: {  	[sflag:s31] =	ssyncset.done $0x0  }
0xfb: {  	[sflag:s31] =	ssyncadd.s32 $0xFFFFFC18  }
0xfc: {  	_ =	swait.ge [sflag:s31], $0x3E8  }
0xfd: {  	[sflag:s31] =	ssyncset.done $0x0  }
0xfe: {  	[sflag:s31] =	ssyncadd.s32 $0xFFFFFC18  }
0xff: {  	_ =	strace $0x9000004A  }
0x100: {  	_ =	strace $0x8000004B  }
0x101: {  	[bflag:$0x0] =	sbarrier.arrive $0xFFFF  }
0x102: {  	_ =	strace $0x9000004B  }
0x103: {  	_ =	strace $0x8000004C  }
0x104: {  	_ =	swait.ge [sflag:s12], $0x3E8  }
0x105: {  	[sflag:s12] =	ssyncset.done $0x0  }
0x106: {  	[sflag:s12] =	ssyncadd.s32 $0xFFFFFC18  }
0x107: {  	_ =	swait.ge [sflag:s12], $0x3E8  }
0x108: {  	[sflag:s12] =	ssyncset.done $0x0  }
0x109: {  	[sflag:s12] =	ssyncadd.s32 $0xFFFFFC18  }
0x10a: {  	_ =	swait.ge [sflag:s12], $0x3E8  }
0x10b: {  	[sflag:s12] =	ssyncset.done $0x0  }
0x10c: {  	[sflag:s12] =	ssyncadd.s32 $0xFFFFFC18  }
0x10d: {  	_ =	swait.ge [sflag:s12], $0x3E8  }
0x10e: {  	[sflag:s12] =	ssyncset.done $0x0  }
0x10f: {  	[sflag:s12] =	ssyncadd.s32 $0xFFFFFC18  }
0x110: {  	_ =	swait.ge [sflag:s12], $0x3E8  }
0x111: {  	[sflag:s12] =	ssyncset.done $0x0  }
0x112: {  	[sflag:s12] =	ssyncadd.s32 $0xFFFFFC18  }
0x113: {  	_ =	swait.ge [sflag:s12], $0x3E8  }
0x114: {  	[sflag:s12] =	ssyncset.done $0x0  }
0x115: {  	[sflag:s12] =	ssyncadd.s32 $0xFFFFFC18  }
0x116: {  	s0 =	simm.s32 $0x9920;
	s2 =	simm.s32 $0x0;
	_ =	swait.ge [sflag:s12], $0x3E8  }
0x117: {  	s20 =	simm.s32 $0xD7A0;
	s21 =	simm.s32 $0xD440;
	[sflag:s12] =	ssyncset.done $0x0  }
0x118: {  	s24 =	simm.s32 $0xD460;
	s25 =	simm.s32 $0x95E0;
	[sflag:s12] =	ssyncadd.s32 $0xFFFFFC18  }
.LBB2_2:
0x119: {  	v6 =	vld [tilespmem:s25+$0xFFFFFFD0];
	_ =	sdelay $0x1  }
0x11a: {  	v8 =	vld [tilespmem:s25+$0x20]  }
0x11b: {  	v9 =	vld [tilespmem:s25+$0x10]  }
0x11c: {  	v7 =	vld [tilespmem:s25+$0x30]  }
0x11d: {  	v11 =	vld [tilespmem:s25+$0xFFFFFFF0];
	v18 =	vadd.f32 $-1.000000000e+00, v6  }
0x11e: {  	v12 =	vld [tilespmem:s25+$0xFFFFFFE0]  }
0x11f: {  	v10 =	vld [tilespmem:s25+$0xFFFFFFC0];
	v21 =	vadd.f32 $-1.000000000e+00, v8;
	v19 =	vmul.f32 $4.530469780e-01, v18  }
0x120: {  	v22 =	vadd.f32 $-1.000000000e+00, v9;
	v20 =	vmul.f32 $5.393416500e-04, v18;
	v8 =	vmul.f32 $2.718281750e+00, v18  }
0x121: {  	v9 =	vadd.f32 $-1.000000000e+00, v7;
	v13 =	vmul.f32 $2.265234850e-02, v18;
	v15 =	vmul.f32 $2.265234850e-02, v21  }
0x122: {  	v17 =	vadd.f32 $-1.000000000e+00, v11;
	v16 =	vmul.f32 $5.393416500e-04, v22;
	v24 =	vmul.f32 $4.530469780e-01, v22  }
0x123: {  	v25 =	vadd.f32 $-1.000000000e+00, v12;
	v7 =	vmul.f32 $5.393416500e-04, v9;
	v11 =	vmul.f32 v9, v9  }
0x124: {  	v14 =	vadd.f32 $-1.000000000e+00, v10;
	v10 =	vmul.f32 $2.265234850e-02, v17;
	v12 =	vmul.f32 $2.265234850e-02, v9  }
0x125: {  	v28 =	vmul.f32 $4.530469780e-01, v17;
	v30 =	vmul.f32 $4.530469780e-01, v25  }
0x126: {  	v33 =	vmul.f32 v21, v21;
	v34 =	vmul.f32 $5.393416500e-04, v17  }
0x127: {  	v35 =	vmul.f32 $2.718281750e+00, v21;
	v37 =	vmul.f32 v17, v17  }
0x128: {  	v38 =	vmul.f32 $4.530469780e-01, v21;
	v40 =	vmul.f32 v25, v25  }
0x129: {  	v43 =	vmul.f32 $2.265234850e-02, v22;
	v44 =	vmul.f32 $4.530469780e-01, v14  }
0x12a: {  	v17 =	vmul.f32 $2.718281750e+00, v17;
	v54 =	vmul.f32 $2.265234850e-02, v14  }
0x12b: {  	v56 =	vmul.f32 $2.265234850e-02, v25;
	v18 =	vmul.f32 v18, v18  }
0x12c: {  	v21 =	vmul.f32 $5.393416500e-04, v21;
	v48 =	vmul.f32 v22, v22  }
0x12d: {  	v62 =	vmul.f32 $2.718281750e+00, v25;
	v26 =	vadd.f32 $3.775391490e-03, v7;
	v27 =	vadd.f32 $2.718281750e+00, v8  }
0x12e: {  	v8 =	vmul.f32 $4.530469780e-01, v9;
	v12 =	vadd.f32 $1.132617440e-01, v12;
	v32 =	vadd.f32 $1.132617440e-01, v13  }
0x12f: {  	v6 =	vld [tilespmem:s25+$0x0];
	v7 =	vmul.f32 v14, v14;
	v35 =	vadd.f32 $2.718281750e+00, v35;
	v42 =	vadd.f32 $3.775391490e-03, v16  }
0x130: {  	v29 =	vmul.f32 v11, v11;
	v34 =	vadd.f32 $3.775391490e-03, v34;
	v38 =	vadd.f32 $1.359140870e+00, v38  }
0x131: {  	v9 =	vmul.f32 $2.718281750e+00, v9;
	v30 =	vadd.f32 $1.359140870e+00, v30;
	v17 =	vadd.f32 $2.718281750e+00, v17  }
0x132: {  	v41 =	vmul.f32 v37, v37;
	v24 =	vadd.f32 $1.359140870e+00, v24;
	v20 =	vadd.f32 $3.775391490e-03, v20  }
0x133: {  	v19 =	vadd.f32 $1.359140870e+00, v19;
	v21 =	vadd.f32 $3.775391490e-03, v21;
	v61 =	vmul.f32 v18, v18  }
0x134: {  	v23 =	vadd.f32 $-1.000000000e+00, v6;
	v6 =	vmul.f32 $2.718281750e+00, v22;
	v31 =	vadd.f32 $1.359140870e+00, v8  }
0x135: {  	v8 =	vmul.f32 $5.393416500e-04, v14;
	v13 =	vmul.f32 v26, v11;
	v36 =	vadd.f32 $2.718281750e+00, v9  }
0x136: {  	v9 =	vadd.f32 $1.132617440e-01, v15;
	v15 =	vmul.f32 $2.718281750e+00, v14;
	v16 =	vmul.f32 $6.741770630e-05, v29  }
0x137: {  	v22 =	vadd.f32 $1.132617440e-01, v43;
	v34 =	vmul.f32 v34, v37;
	v20 =	vmul.f32 v20, v18  }
0x138: {  	v26 =	vadd.f32 $1.132617440e-01, v10;
	v47 =	vmul.f32 v19, v18;
	v19 =	vmul.f32 v24, v48  }
0x139: {  	v24 =	vadd.f32 $1.359140870e+00, v28;
	v42 =	vmul.f32 v42, v48;
	v18 =	vmul.f32 v38, v33  }
0x13a: {  	v6 =	vadd.f32 $2.718281750e+00, v6;
	v10 =	vmul.f32 $2.718281750e+00, v23;
	v59 =	vmul.f32 $2.265234850e-02, v23  }
0x13b: {  	v12 =	vadd.f32 v13, v12;
	v39 =	vadd.f32 $3.775391490e-03, v8;
	v13 =	vmul.f32 $5.393416500e-04, v23  }
0x13c: {  	v8 =	vadd.f32 $2.718281750e+00, v15;
	v15 =	vmul.f32 $6.741770630e-05, v41;
	v26 =	vadd.f32 v34, v26  }
0x13d: {  	v31 =	vmul.f32 v31, v11;
	v34 =	vadd.f32 $1.132617440e-01, v54;
	v32 =	vadd.f32 v20, v32  }
0x13e: {  	v11 =	vmul.f32 v33, v33;
	v22 =	vadd.f32 v42, v22;
	v18 =	vadd.f32 v18, v35  }
0x13f: {  	v10 =	vadd.f32 $2.718281750e+00, v10;
	v45 =	vadd.f32 $3.775391490e-03, v13;
	v13 =	vmul.f32 v40, v40  }
0x140: {  	v12 =	vadd.f32 v12, v16;
	v16 =	vmul.f32 $5.393416500e-04, v25;
	v14 =	vmul.f32 $6.741770630e-05, v11  }
0x141: {  	v15 =	vadd.f32 v26, v15;
	v26 =	vmul.f32 v23, v23;
	v55 =	vmul.f32 v39, v7  }
0x142: {  	v60 =	vadd.f32 $1.132617440e-01, v59;
	v23 =	vmul.f32 $4.530469780e-01, v23;
	v25 =	vmul.f32 v24, v37  }
0x143: {  	v31 =	vadd.f32 v31, v36;
	v24 =	vmul.f32 v48, v48;
	v46 =	vmul.f32 $6.741770630e-05, v13  }
0x144: {  	v39 =	vadd.f32 $1.132617440e-01, v56;
	v12 =	vmul.f32 v12, v29;
	v15 =	vmul.f32 v15, v41  }
0x145: {  	v29 =	vadd.f32 $3.775391490e-03, v16;
	v57 =	vmul.f32 v45, v26;
	v20 =	vmul.f32 v26, v26  }
0x146: {  	v28 =	vadd.f32 $1.359140870e+00, v23;
	v23 =	vadd.f32 v47, v27;
	v27 =	vmul.f32 v21, v33  }
0x147: {  	v31 =	vadd.f32 v12, v31;
	v12 =	vmul.f32 v7, v7;
	v29 =	vmul.f32 v29, v40  }
0x148: {  	v16 =	vadd.f32 $1.359140870e+00, v44;
	v26 =	vmul.f32 v28, v26;
	v28 =	vmul.f32 $6.741770630e-05, v61  }
0x149: {  	v21 =	vadd.f32 v55, v34;
	v41 =	vadd.f32 v57, v60;
	v58 =	vmul.f32 $6.741770630e-05, v12  }
0x14a: {  	v63 =	vmul.f32 $6.741770630e-05, v20;
	v32 =	vadd.f32 v32, v28;
	v29 =	vadd.f32 v29, v39  }
0x14b: {  	s22 =	smul.u32 $0x3E8, s2;
	s23 =	simm.s32 $0x0;
	v28 =	vmul.f32 v30, v40;
	v30 =	vadd.f32 $2.718281750e+00, v62;
	v21 =	vadd.f32 v21, v58  }
0x14c: {  	s5 =	sadd.s32 $0x80, s25;
	s4 =	smov.u32 s24;
	s19 =	smov.u32 s24;
	[tilespmem:s24+$0x30] =	vst v31;
	v32 =	vmul.f32 v32, v61;
	v31 =	vadd.f32 v29, v46;
	v29 =	vadd.f32 v41, v63  }
.LBB2_3:
0x14d: {  	v33 =	vld [tilespmem:s5+$0xFFFFFFD0];
	s23 =	sadd.s32 $0x8, s23;
	v10 =	vadd.f32 v26, v10;
	v26 =	vmul.f32 $6.741770630e-05, v24;
	v9 =	vadd.f32 v27, v9;
	s4 =	sadd.s32 $0x80, s4  }
0x14e: {  	v28 =	vadd.f32 v28, v30;
	v27 =	vld [tilespmem:s5+$0x30];
	p0 =	slt.u32 s23, $0x30;
	v23 =	vadd.f32 v32, v23;
	v13 =	vmul.f32 v31, v13  }
0x14f: {  	v7 =	vmul.f32 v16, v7;
	v16 =	vadd.f32 v25, v17;
	v30 =	vld [tilespmem:s5+$0x20];
	v17 =	vadd.f32 v22, v26  }
0x150: {  	v20 =	vmul.f32 v29, v20;
	v9 =	vadd.f32 v9, v14;
	v22 =	vld [tilespmem:s5+$0x10];
	[tilespmem:s19+$0xFFFFFFD0] =	vst v23;
	v13 =	vadd.f32 v13, v28  }
0x151: {  	v6 =	vadd.f32 v19, v6;
	v15 =	vadd.f32 v15, v16;
	v14 =	vld [tilespmem:s5+$0xFFFFFFF0];
	v16 =	vmul.f32 v17, v24  }
0x152: {  	v10 =	vadd.f32 v20, v10;
	v9 =	vmul.f32 v9, v11;
	v17 =	vld [tilespmem:s5+$0xFFFFFFC0];
	v19 =	vadd.f32 $-1.000000000e+00, v33;
	[tilespmem:s19+$0xFFFFFFE0] =	vst v13  }
0x153: {  	v7 =	vadd.f32 v7, v8;
	v11 =	vld [tilespmem:s5+$0x0];
	[tilespmem:s19+$0xFFFFFFF0] =	vst v15;
	v6 =	vadd.f32 v16, v6  }
0x154: {  	v9 =	vadd.f32 v9, v18;
	v20 =	vmul.f32 $4.530469780e-01, v19;
	v23 =	vmul.f32 $5.393416500e-04, v19;
	v8 =	vld [tilespmem:s5+$0xFFFFFFE0];
	[tilespmem:s19+$0x0] =	vst v10  }
0x155: {  	v12 =	vmul.f32 v21, v12;
	v10 =	vmul.f32 $2.718281750e+00, v19;
	v24 =	vadd.f32 $-1.000000000e+00, v30;
	[tilespmem:s19+$0x10] =	vst v6  }
0x156: {  	v15 =	vadd.f32 $-1.000000000e+00, v27;
	v13 =	vmul.f32 $2.265234850e-02, v19;
	v21 =	vadd.f32 $-1.000000000e+00, v22  }
0x157: {  	v6 =	vadd.f32 v12, v7;
	v16 =	vadd.f32 $-1.000000000e+00, v17;
	v17 =	vmul.f32 $2.265234850e-02, v24  }
0x158: {  	v7 =	vmul.f32 $2.718281750e+00, v21;
	v22 =	vadd.f32 $-1.000000000e+00, v11;
	v11 =	vmul.f32 $5.393416500e-04, v21  }
0x159: {  	v12 =	vadd.f32 $-1.000000000e+00, v14;
	v14 =	vmul.f32 $5.393416500e-04, v15;
	v25 =	vmul.f32 $4.530469780e-01, v21;
	[tilespmem:s19+$0xFFFFFFC0] =	vst v6  }
0x15a: {  	v26 =	vmul.f32 v15, v15;
	v18 =	vadd.f32 $-1.000000000e+00, v8;
	v6 =	vadd.f32 $2.718281750e+00, v7  }
0x15b: {  	v27 =	vmul.f32 $2.265234850e-02, v15;
	v14 =	vadd.f32 $3.775391490e-03, v14;
	v8 =	vmul.f32 $2.265234850e-02, v12;
	[tilespmem:s19+$0x20] =	vst v9;
	s19 =	smov.u32 s4  }
0x15c: {  	v28 =	vadd.f32 $2.718281750e+00, v10;
	v29 =	vmul.f32 $4.530469780e-01, v12;
	v9 =	vmul.f32 $4.530469780e-01, v15  }
0x15d: {  	v30 =	vmul.f32 v26, v26;
	v27 =	vadd.f32 $1.132617440e-01, v27;
	v7 =	vmul.f32 v16, v16  }
0x15e: {  	v10 =	vmul.f32 $2.718281750e+00, v15;
	v31 =	vmul.f32 $4.530469780e-01, v18;
	v15 =	vadd.f32 $1.359140870e+00, v9  }
0x15f: {  	v33 =	vadd.f32 $1.132617440e-01, v13;
	v32 =	vmul.f32 $5.393416500e-04, v16;
	v13 =	vmul.f32 v14, v26  }
0x160: {  	v34 =	vmul.f32 v24, v24;
	v14 =	vadd.f32 $1.132617440e-01, v8;
	v8 =	vmul.f32 $2.718281750e+00, v22  }
0x161: {  	v36 =	vmul.f32 $2.718281750e+00, v24;
	v35 =	vmul.f32 $5.393416500e-04, v12;
	v37 =	vadd.f32 $2.718281750e+00, v10  }
0x162: {  	v38 =	vmul.f32 v12, v12;
	v10 =	vadd.f32 $2.718281750e+00, v8;
	v9 =	vadd.f32 $1.132617440e-01, v17  }
0x163: {  	v27 =	vadd.f32 v13, v27;
	v8 =	vmul.f32 $2.718281750e+00, v16;
	v17 =	vmul.f32 $4.530469780e-01, v24  }
0x164: {  	v36 =	vadd.f32 $2.718281750e+00, v36;
	v32 =	vadd.f32 $3.775391490e-03, v32;
	v39 =	vmul.f32 v18, v18  }
0x165: {  	v40 =	vmul.f32 v38, v38;
	v41 =	vadd.f32 $3.775391490e-03, v11;
	v11 =	vmul.f32 $6.741770630e-05, v30  }
0x166: {  	v42 =	vmul.f32 $2.265234850e-02, v21;
	v35 =	vadd.f32 $3.775391490e-03, v35;
	v13 =	vmul.f32 $5.393416500e-04, v22  }
0x167: {  	v43 =	vmul.f32 $6.741770630e-05, v40;
	v8 =	vadd.f32 $2.718281750e+00, v8;
	v15 =	vmul.f32 v15, v26  }
0x168: {  	v44 =	vadd.f32 $3.775391490e-03, v13;
	v26 =	vmul.f32 $4.530469780e-01, v16;
	v45 =	vadd.f32 $1.359140870e+00, v17  }
0x169: {  	v13 =	vmul.f32 v39, v39;
	v27 =	vadd.f32 v27, v11;
	v17 =	vmul.f32 v35, v38  }
0x16a: {  	v31 =	vadd.f32 $1.359140870e+00, v31;
	v11 =	vmul.f32 v34, v34;
	v35 =	vmul.f32 $5.393416500e-04, v18  }
0x16b: {  	v46 =	vmul.f32 $6.741770630e-05, v13;
	v14 =	vadd.f32 v17, v14;
	v17 =	vmul.f32 v27, v30  }
0x16c: {  	v12 =	vmul.f32 $2.718281750e+00, v12;
	v27 =	vadd.f32 $3.775391490e-03, v35;
	v15 =	vadd.f32 v15, v37  }
0x16d: {  	v30 =	vmul.f32 $2.265234850e-02, v16;
	v35 =	vadd.f32 v14, v43;
	v14 =	vmul.f32 $6.741770630e-05, v11  }
0x16e: {  	v16 =	vadd.f32 $1.359140870e+00, v26;
	v26 =	vmul.f32 v22, v22;
	v37 =	vadd.f32 v17, v15  }
0x16f: {  	v32 =	vmul.f32 v32, v7;
	v17 =	vadd.f32 $2.718281750e+00, v12;
	v15 =	vmul.f32 v35, v40  }
0x170: {  	v25 =	vadd.f32 $1.359140870e+00, v25;
	v12 =	vmul.f32 v7, v7;
	v35 =	vmul.f32 $2.265234850e-02, v18  }
0x171: {  	v40 =	vmul.f32 v19, v19;
	v19 =	vadd.f32 $3.775391490e-03, v23;
	v23 =	vmul.f32 v44, v26;
	[tilespmem:s4+$0x30] =	vst v37  }
0x172: {  	v20 =	vadd.f32 $1.359140870e+00, v20;
	v24 =	vmul.f32 $5.393416500e-04, v24;
	v37 =	vmul.f32 $6.741770630e-05, v12  }
0x173: {  	v30 =	vadd.f32 $1.132617440e-01, v30;
	v43 =	vmul.f32 $2.265234850e-02, v22;
	v19 =	vmul.f32 v19, v40  }
0x174: {  	v47 =	vmul.f32 v21, v21;
	v21 =	vadd.f32 $1.132617440e-01, v42;
	v44 =	vmul.f32 v20, v40  }
0x175: {  	v22 =	vmul.f32 $4.530469780e-01, v22;
	v42 =	vadd.f32 $1.132617440e-01, v43;
	v33 =	vadd.f32 v19, v33  }
0x176: {  	v24 =	vadd.f32 $3.775391490e-03, v24;
	v20 =	vmul.f32 v26, v26;
	v19 =	vmul.f32 v25, v47  }
0x177: {  	v22 =	vadd.f32 $1.359140870e+00, v22;
	v25 =	vadd.f32 $1.359140870e+00, v29;
	v29 =	vmul.f32 v41, v47  }
0x178: {  	v40 =	vmul.f32 v40, v40;
	v42 =	vadd.f32 v23, v42;
	v41 =	vmul.f32 v27, v39  }
0x179: {  	v35 =	vadd.f32 $1.132617440e-01, v35;
	v23 =	vadd.f32 v44, v28;
	v28 =	vmul.f32 v45, v34  }
0x17a: {  	v26 =	vmul.f32 v22, v26;
	v27 =	vmul.f32 v24, v34;
	v22 =	vadd.f32 v29, v21  }
.Ltmp0:
0x17b: {  	v24 =	vmul.f32 $6.741770630e-05, v40;
	v21 =	vadd.f32 v32, v30;
	v29 =	vmul.f32 $2.718281750e+00, v18;
	(pc) =	sbr.rel @p0 .LBB2_3-.Ltmp0, $4  }
0x17c: {  	v34 =	vmul.f32 $6.741770630e-05, v20;
	v25 =	vmul.f32 v25, v38;
	v18 =	vadd.f32 v28, v36  }
0x17d: {  	v32 =	vadd.f32 v33, v24;
	v28 =	vmul.f32 v31, v39;
	v31 =	vadd.f32 v41, v35  }
0x17e: {  	v24 =	vmul.f32 v47, v47;
	v30 =	vadd.f32 $2.718281750e+00, v29;
	v21 =	vadd.f32 v21, v37  }
0x17f: {  	s5 =	sadd.s32 $0x80, s5;
	v32 =	vmul.f32 v32, v40;
	v31 =	vadd.f32 v31, v46;
	v29 =	vadd.f32 v42, v34  }
0x180: {  	v10 =	vadd.f32 v26, v10;
	v56 =	vmul.f32 $6.741770630e-05, v24;
	v9 =	vadd.f32 v27, v9  }
0x181: {  	v57 =	vadd.f32 v28, v30;
	v7 =	vmul.f32 v16, v7;
	v58 =	vadd.f32 v25, v17  }
0x182: {  	v23 =	vadd.f32 v32, v23;
	v13 =	vmul.f32 v31, v13;
	v59 =	vadd.f32 v22, v56  }
0x183: {  	v20 =	vmul.f32 v29, v20;
	v9 =	vadd.f32 v9, v14;
	v60 =	vadd.f32 v15, v58  }
0x184: {  	v62 =	vmul.f32 v21, v12;
	v7 =	vadd.f32 v7, v8;
	v13 =	vadd.f32 v13, v57;
	[tilespmem:s19+$0xFFFFFFD0] =	vst v23  }
0x185: {  	v6 =	vadd.f32 v19, v6;
	v10 =	vadd.f32 v20, v10;
	v61 =	vmul.f32 v59, v24;
	[tilespmem:s19+$0xFFFFFFF0] =	vst v60  }
0x186: {  	v9 =	vmul.f32 v9, v11;
	v7 =	vadd.f32 v62, v7;
	[tilespmem:s19+$0xFFFFFFE0] =	vst v13  }
0x187: {  	[tilespmem:s19+$0x0] =	vst v10;
	v6 =	vadd.f32 v61, v6  }
0x188: {  	v63 =	vadd.f32 v9, v18;
	[tilespmem:s19+$0xFFFFFFC0] =	vst v7  }
0x189: {  	[tilespmem:s19+$0x10] =	vst v6  }
0x18a: {  	s4 =	simm.s32 $0x0;
	[tilespmem:s19+$0x20] =	vst v63  }
.LBB2_5:
0x18b: {  	s5 =	sshra.s32 s4, $0x2  }
0x18c: {  	s19 =	sadd.s32 s5, s0  }
0x18d: {  	v6 =	vld [tilespmem:s19+$0x0];
	_ =	sdelay $0x4  }
0x18e: {  	v6 =	vadd.f32 $-1.000000000e+00, v6;
	_ =	sdelay $0x1  }
0x18f: {  	v7 =	vmul.f32 $5.393416500e-04, v6;
	_ =	sdelay $0x1  }
0x190: {  	v8 =	vmul.f32 v6, v6;
	v9 =	vmul.f32 $2.265234850e-02, v6;
	v7 =	vadd.f32 $3.775391490e-03, v7  }
0x191: {  	v11 =	vmul.f32 $4.530469780e-01, v6  }
0x192: {  	v10 =	vmul.f32 v8, v8;
	v9 =	vadd.f32 $1.132617440e-01, v9;
	v7 =	vmul.f32 v7, v8  }
0x193: {  	v6 =	vmul.f32 $2.718281750e+00, v6  }
0x194: {  	v11 =	vadd.f32 $1.359140870e+00, v11;
	v63 =	vmul.f32 $6.741770630e-05, v10;
	v7 =	vadd.f32 v7, v9;
	_ =	sdelay $0x1  }
0x195: {  	v6 =	vadd.f32 $2.718281750e+00, v6;
	v8 =	vmul.f32 v11, v8;
	v7 =	vadd.f32 v7, v63  }
0x196: {  	p0 =	sne.s32 s4, $0x140  }
.Ltmp1:
0x197: {  	v6 =	vadd.f32 v8, v6;
	v7 =	vmul.f32 v7, v10;
	(pc) =	sbr.rel @p0 .LBB2_5-.Ltmp1, $4  }
0x198: {  	_ = 	snop  }
0x199: {  	v6 =	vadd.f32 v7, v6  }
0x19a: {  	s5 =	sadd.s32 s5, s20  }
0x19b: {  	s4 =	sadd.s32 $0x40, s4;
	[tilespmem:s5+$0x0] =	vst v6  }
0x19c: {  	v6 =	vld [tilespmem:s22+$0x9978];
	_ =	sdelay $0x4  }
0x19d: {  	v6 =	vadd.f32 $-1.000000000e+00, v6;
	_ =	sdelay $0x1  }
0x19e: {  	v7 =	vmul.f32 $5.393416500e-04, v6;
	_ =	sdelay $0x1  }
0x19f: {  	v8 =	vmul.f32 v6, v6;
	v9 =	vmul.f32 $2.265234850e-02, v6;
	v7 =	vadd.f32 $3.775391490e-03, v7  }
0x1a0: {  	v11 =	vmul.f32 $4.530469780e-01, v6  }
0x1a1: {  	v10 =	vmul.f32 v8, v8;
	v9 =	vadd.f32 $1.132617440e-01, v9;
	v7 =	vmul.f32 v7, v8  }
0x1a2: {  	v6 =	vmul.f32 $2.718281750e+00, v6  }
0x1a3: {  	v11 =	vadd.f32 $1.359140870e+00, v11;
	v7 =	vadd.f32 v7, v9;
	v9 =	vmul.f32 $6.741770630e-05, v10;
	_ =	sdelay $0x1  }
0x1a4: {  	v6 =	vadd.f32 $2.718281750e+00, v6;
	v8 =	vmul.f32 v11, v8;
	v7 =	vadd.f32 v7, v9;
	_ =	sdelay $0x1  }
0x1a5: {  	v6 =	vadd.f32 v8, v6;
	v7 =	vmul.f32 v7, v10;
	_ =	sdelay $0x1  }
0x1a6: {  	v6 =	vadd.f32 v7, v6;
	_ =	sdelay $0x1  }
0x1a7: {  	[tilespmem:s22+$0xD7F8] =	vst v6  }
0x1a8: {  	v7 =	vld [tilespmem:s21+$0x0];
	_ =	sdelay $0x1  }
0x1a9: {  	v9 =	vld [tilespmem:s21+$0xFFFFFFE0]  }
0x1aa: {  	v10 =	vld [tilespmem:s21+$0xFFFFFFF0]  }
0x1ab: {  	v8 =	vimm.f32 $0.0e+00;
	v11 =	vld [tilespmem:s21+$0x10]  }
0x1ac: {  	s4 =	simm.s32 $0x0;
	s5 =	sadd.s32 $0x40, s21;
	v12 =	vimm.f32 $0.0e+00;
	v13 =	vimm.f32 $0.0e+00;
	v7 =	vadd.f32 v7, v8  }
.LBB2_7:
0x1ad: {  	s4 =	sadd.s32 $0x4, s4  }
0x1ae: {  	v14 =	vld [tilespmem:s5+$0x0];
	v8 =	vadd.f32 v9, v8;
	p0 =	slt.u32 s4, $0x38  }
.Ltmp2:
0x1af: {  	v9 =	vld [tilespmem:s5+$0xFFFFFFE0];
	v12 =	vadd.f32 v10, v12;
	(pc) =	sbr.rel @p0 .LBB2_7-.Ltmp2, $3  }
0x1b0: {  	v10 =	vld [tilespmem:s5+$0xFFFFFFF0];
	v13 =	vadd.f32 v11, v13  }
0x1b1: {  	v11 =	vld [tilespmem:s5+$0x10];
	_ =	sdelay $0x1  }
0x1b2: {  	s5 =	sadd.s32 $0x40, s5;
	v7 =	vadd.f32 v14, v7  }
0x1b3: {  	_ = 	snop  }
0x1b4: {  	v8 =	vadd.f32 v9, v8  }
0x1b5: {  	v60 =	vadd.f32 v10, v12;
	v61 =	vadd.f32 v11, v13  }
0x1b6: {  	v62 =	vld [tilespmem:s22+$0xD7E0]  }
0x1b7: {  	v8 =	vadd.f32 v60, v8;
	v7 =	vadd.f32 v61, v7  }
0x1b8: {  	v63 =	vld [tilespmem:s22+$0xD7F0]  }
0x1b9: {  	v7 =	vadd.f32 v7, v8;
	_ =	sdelay $0x1  }
0x1ba: {  	v7 =	vadd.f32 v62, v7;
	_ =	sdelay $0x1  }
0x1bb: {  	v7 =	vadd.f32 v63, v7  }
0x1bc: {  	v6 =	vsel vm0, $0x0, v6  }
0x1bd: {  	v6 =	vadd.f32 v7, v6;
	_ =	sdelay $0x1  }
0x1be: {  	v7 =	vperm.xlane v6, v0;
	_ =	sdelay $0x1  }
0x1bf: {  	v6 =	vadd.f32 v6, v7;
	_ =	sdelay $0x1  }
0x1c0: {  	v7 =	vperm.xlane v6, v1;
	_ =	sdelay $0x1  }
0x1c1: {  	v6 =	vadd.f32 v6, v7;
	_ =	sdelay $0x1  }
0x1c2: {  	v7 =	vperm.xlane v6, v3;
	_ =	sdelay $0x1  }
0x1c3: {  	v6 =	vadd.f32 v6, v7;
	_ =	sdelay $0x1  }
0x1c4: {  	v7 =	vperm.xlane v6, v5;
	_ =	sdelay $0x1  }
0x1c5: {  	v6 =	vadd.f32 v6, v7;
	_ =	sdelay $0x1  }
0x1c6: {  	(erf) = vrcp.f32 v6;
	_ =	sdelay $0x3  }
0x1c7: {  	s4 =	sshll.u32 s2, $0x6;
	s2 =	sadd.s32 $0x1, s2  }
0x1c8: {  	p0 =	sne.s32 s2, s3  }
.Ltmp3:
0x1c9: {  	_ = 	snop;
	(pc) =	sbr.rel @p0 .LBB2_2-.Ltmp3, $3  }
0x1ca: {  	_ =	sdelay $0x1  }
0x1cb: {  	s24 =	sadd.s32 $0x3E8, s24;
	s25 =	sadd.s32 $0x3E8, s25;
	s4 =	sshra.s32 s4, $0x2;
	v6 =	vpop (erf)  }
0x1cc: {  	s20 =	sadd.s32 $0x3E8, s20;
	s0 =	sadd.s32 $0x3E8, s0;
	s21 =	sadd.s32 $0x3E8, s21;
	[tilespmem:s4+$0xEF78] =	vst v6  }
0x1cd: {  	_ =	strace $0x9000004C  }
0x1ce: {  	_ =	strace $0x8000004D  }
0x1cf: {  	_ =	swait.ge [sflag:s13], $0x8  }
0x1d0: {  	[sflag:s13] =	ssyncset.done $0x0  }
0x1d1: {  	[sflag:s13] =	ssyncadd.s32 $0xFFFFFFF8  }
0x1d2: {  	_ =	swait.ge [sflag:s13], $0x8  }
0x1d3: {  	[sflag:s13] =	ssyncset.done $0x0  }
0x1d4: {  	[sflag:s13] =	ssyncadd.s32 $0xFFFFFFF8  }
0x1d5: {  	_ =	swait.ge [sflag:s13], $0x8  }
0x1d6: {  	[sflag:s13] =	ssyncset.done $0x0  }
0x1d7: {  	[sflag:s13] =	ssyncadd.s32 $0xFFFFFFF8  }
0x1d8: {  	_ =	swait.ge [sflag:s13], $0x8  }
0x1d9: {  	[sflag:s13] =	ssyncset.done $0x0  }
0x1da: {  	[sflag:s13] =	ssyncadd.s32 $0xFFFFFFF8  }
0x1db: {  	_ =	swait.ge [sflag:s14], $0x3E8  }
0x1dc: {  	[sflag:s14] =	ssyncset.done $0x0  }
0x1dd: {  	[sflag:s14] =	ssyncadd.s32 $0xFFFFFC18  }
0x1de: {  	_ =	swait.ge [sflag:s14], $0x3E8  }
0x1df: {  	[sflag:s14] =	ssyncset.done $0x0  }
0x1e0: {  	[sflag:s14] =	ssyncadd.s32 $0xFFFFFC18  }
0x1e1: {  	_ =	swait.ge [sflag:s14], $0x3E8  }
0x1e2: {  	[sflag:s14] =	ssyncset.done $0x0  }
0x1e3: {  	[sflag:s14] =	ssyncadd.s32 $0xFFFFFC18  }
0x1e4: {  	_ =	swait.ge [sflag:s14], $0x3E8  }
0x1e5: {  	[sflag:s14] =	ssyncset.done $0x0  }
0x1e6: {  	[sflag:s14] =	ssyncadd.s32 $0xFFFFFC18  }
0x1e7: {  	_ =	swait.ge [sflag:s14], $0x3E8  }
0x1e8: {  	[sflag:s14] =	ssyncset.done $0x0  }
0x1e9: {  	[sflag:s14] =	ssyncadd.s32 $0xFFFFFC18  }
0x1ea: {  	_ =	swait.ge [sflag:s14], $0x3E8  }
0x1eb: {  	[sflag:s14] =	ssyncset.done $0x0  }
0x1ec: {  	[sflag:s14] =	ssyncadd.s32 $0xFFFFFC18  }
0x1ed: {  	_ =	swait.ge [sflag:s14], $0x3E8  }
0x1ee: {  	[sflag:s14] =	ssyncset.done $0x0  }
0x1ef: {  	[sflag:s14] =	ssyncadd.s32 $0xFFFFFC18  }
0x1f0: {  	_ =	swait.ge [sflag:s14], $0x3E8  }
0x1f1: {  	[sflag:s14] =	ssyncset.done $0x0  }
0x1f2: {  	s23 =	simm.s32 $0x9570;
	s0 =	simm.s32 $0x1870;
	[sflag:s14] =	ssyncadd.s32 $0xFFFFFC18  }
0x1f3: {  	[spmem:s26] =	stream.indirect.scatter.add.f32 [tilespmem:s0], [sflag:$0x4], $0x3E8, s23, s15, $0x2000b8;
	[tilespmem:$0xF3E0] =	vst v63  }
0x1f4: {  	_ =	swait.ge [sflag:s14], $0x3E8  }
0x1f5: {  	[sflag:s14] =	ssyncset.done $0x0  }
0x1f6: {  	[sflag:s14] =	ssyncadd.s32 $0xFFFFFC18  }
0x1f7: {  	_ =	swait.ge [sflag:s14], $0x3E8  }
0x1f8: {  	[sflag:s14] =	ssyncset.done $0x0  }
0x1f9: {  	[sflag:s14] =	ssyncadd.s32 $0xFFFFFC18  }
0x1fa: {  	_ =	swait.ge [sflag:s14], $0x3E8  }
0x1fb: {  	[sflag:s14] =	ssyncset.done $0x0  }
0x1fc: {  	[sflag:s14] =	ssyncadd.s32 $0xFFFFFC18  }
0x1fd: {  	_ =	swait.ge [sflag:s14], $0x3E8  }
0x1fe: {  	[sflag:s14] =	ssyncset.done $0x0  }
0x1ff: {  	[sflag:s14] =	ssyncadd.s32 $0xFFFFFC18  }
0x200: {  	_ =	swait.ge [sflag:s14], $0x3E8  }
0x201: {  	[sflag:s14] =	ssyncset.done $0x0  }
0x202: {  	[sflag:s14] =	ssyncadd.s32 $0xFFFFFC18  }
0x203: {  	_ =	swait.ge [sflag:s14], $0x3E8  }
0x204: {  	[sflag:s14] =	ssyncset.done $0x0  }
0x205: {  	[sflag:s14] =	ssyncadd.s32 $0xFFFFFC18  }
0x206: {  	_ =	swait.ge [sflag:s14], $0x3E8  }
0x207: {  	[sflag:s14] =	ssyncset.done $0x0  }
0x208: {  	[sflag:s14] =	ssyncadd.s32 $0xFFFFFC18  }
0x209: {  	_ =	swait.ge [sflag:s14], $0x3E8  }
0x20a: {  	[sflag:s14] =	ssyncset.done $0x0  }
0x20b: {  	s24 =	simm.s32 $0x9578;
	[sflag:s14] =	ssyncadd.s32 $0xFFFFFC18  }
0x20c: {  	[spmem:s26] =	stream.indirect.scatter.add.f32 [tilespmem:s6], [sflag:$0x4], $0x3E8, s24, s15, $0x2000b8;
	[tilespmem:$0xF3E0] =	vst v63  }
0x20d: {  	_ =	swait.ge [sflag:s14], $0x3E8  }
0x20e: {  	[sflag:s14] =	ssyncset.done $0x0  }
0x20f: {  	[sflag:s14] =	ssyncadd.s32 $0xFFFFFC18  }
0x210: {  	_ =	swait.ge [sflag:s14], $0x3E8  }
0x211: {  	[sflag:s14] =	ssyncset.done $0x0  }
0x212: {  	[sflag:s14] =	ssyncadd.s32 $0xFFFFFC18  }
0x213: {  	_ =	swait.ge [sflag:s14], $0x3E8  }
0x214: {  	[sflag:s14] =	ssyncset.done $0x0  }
0x215: {  	[sflag:s14] =	ssyncadd.s32 $0xFFFFFC18  }
0x216: {  	_ =	swait.ge [sflag:s14], $0x3E8  }
0x217: {  	[sflag:s14] =	ssyncset.done $0x0  }
0x218: {  	[sflag:s14] =	ssyncadd.s32 $0xFFFFFC18  }
0x219: {  	_ =	swait.ge [sflag:s14], $0x3E8  }
0x21a: {  	[sflag:s14] =	ssyncset.done $0x0  }
0x21b: {  	[sflag:s14] =	ssyncadd.s32 $0xFFFFFC18  }
0x21c: {  	_ =	swait.ge [sflag:s14], $0x3E8  }
0x21d: {  	[sflag:s14] =	ssyncset.done $0x0  }
0x21e: {  	[sflag:s14] =	ssyncadd.s32 $0xFFFFFC18  }
0x21f: {  	_ =	swait.ge [sflag:s14], $0x3E8  }
0x220: {  	[sflag:s14] =	ssyncset.done $0x0  }
0x221: {  	[sflag:s14] =	ssyncadd.s32 $0xFFFFFC18  }
0x222: {  	_ =	swait.ge [sflag:s14], $0x3E8  }
0x223: {  	[sflag:s14] =	ssyncset.done $0x0  }
0x224: {  	s25 =	simm.s32 $0x9580;
	[sflag:s14] =	ssyncadd.s32 $0xFFFFFC18  }
0x225: {  	[spmem:s26] =	stream.indirect.scatter.add.f32 [tilespmem:s7], [sflag:$0x4], $0x3E8, s25, s15, $0x2000b8;
	[tilespmem:$0xF3E0] =	vst v63  }
0x226: {  	_ =	swait.ge [sflag:s14], $0x3E8  }
0x227: {  	[sflag:s14] =	ssyncset.done $0x0  }
0x228: {  	[sflag:s14] =	ssyncadd.s32 $0xFFFFFC18  }
0x229: {  	_ =	swait.ge [sflag:s14], $0x3E8  }
0x22a: {  	[sflag:s14] =	ssyncset.done $0x0  }
0x22b: {  	[sflag:s14] =	ssyncadd.s32 $0xFFFFFC18  }
0x22c: {  	_ =	swait.ge [sflag:s14], $0x3E8  }
0x22d: {  	[sflag:s14] =	ssyncset.done $0x0  }
0x22e: {  	[sflag:s14] =	ssyncadd.s32 $0xFFFFFC18  }
0x22f: {  	_ =	swait.ge [sflag:s14], $0x3E8  }
0x230: {  	[sflag:s14] =	ssyncset.done $0x0  }
0x231: {  	[sflag:s14] =	ssyncadd.s32 $0xFFFFFC18  }
0x232: {  	_ =	swait.ge [sflag:s14], $0x3E8  }
0x233: {  	[sflag:s14] =	ssyncset.done $0x0  }
0x234: {  	[sflag:s14] =	ssyncadd.s32 $0xFFFFFC18  }
0x235: {  	_ =	swait.ge [sflag:s14], $0x3E8  }
0x236: {  	[sflag:s14] =	ssyncset.done $0x0  }
0x237: {  	[sflag:s14] =	ssyncadd.s32 $0xFFFFFC18  }
0x238: {  	_ =	swait.ge [sflag:s14], $0x3E8  }
0x239: {  	[sflag:s14] =	ssyncset.done $0x0  }
0x23a: {  	[sflag:s14] =	ssyncadd.s32 $0xFFFFFC18  }
0x23b: {  	_ =	swait.ge [sflag:s14], $0x3E8  }
0x23c: {  	[sflag:s14] =	ssyncset.done $0x0  }
0x23d: {  	s20 =	simm.s32 $0x9588;
	[sflag:s14] =	ssyncadd.s32 $0xFFFFFC18  }
0x23e: {  	[spmem:s26] =	stream.indirect.scatter.add.f32 [tilespmem:s8], [sflag:$0x4], $0x3E8, s20, s15, $0x2000b8;
	[tilespmem:$0xF3E0] =	vst v63  }
0x23f: {  	_ =	swait.ge [sflag:s16], $0x1F40  }
0x240: {  	[sflag:s16] =	ssyncset.done $0x0  }
0x241: {  	[sflag:s16] =	ssyncadd.s32 $0xFFFFE0C0  }
0x242: {  	_ =	swait.ge [sflag:s16], $0x1F40  }
0x243: {  	[sflag:s16] =	ssyncset.done $0x0  }
0x244: {  	[sflag:s16] =	ssyncadd.s32 $0xFFFFE0C0  }
0x245: {  	_ =	swait.ge [sflag:s16], $0x1F40  }
0x246: {  	[sflag:s16] =	ssyncset.done $0x0  }
0x247: {  	[sflag:s16] =	ssyncadd.s32 $0xFFFFE0C0  }
0x248: {  	_ =	swait.ge [sflag:s16], $0x1F40  }
0x249: {  	[sflag:s16] =	ssyncset.done $0x0  }
0x24a: {  	[sflag:s16] =	ssyncadd.s32 $0xFFFFE0C0  }
0x24b: {  	_ =	strace $0x9000004D  }
0x24c: {  	_ =	strace $0x8000004E  }
0x24d: {  	[bflag:$0x0] =	sbarrier.arrive $0xFFFF  }
0x24e: {  	s22 =	simm.s32 $0x95A0;
	_ =	strace $0x9000004E  }
0x24f: {  	s21 =	simm.s32 $0x10;
	s2 =	simm.s32 $0x9590;
	_ =	strace $0x8000004F  }
0x250: {  	[tilespmem:s22], [sflag:$0x2] =	stream.indirect.gather [spmem:s26], $0x3E8, s2, s21, $0x2000b8;
	[tilespmem:$0xF3E0] =	vst v63  }
0x251: {  	_ =	swait.ge [sflag:s12], $0x3E80  }
0x252: {  	s4 =	simm.s32 $0x95C0;
	[sflag:s12] =	ssyncset.done $0x0  }
0x253: {  	v6 =	vimm.f32 $0.0e+00;
	s0 =	simm.s32 $0x0;
	s2 =	simm.s32 $0xD440;
	[sflag:s12] =	ssyncadd.s32 $0xFFFFC180  }
.LBB2_10:
0x254: {  	v7 =	vld [tilespmem:s4+$0x10]  }
0x255: {  	v8 =	vld [tilespmem:s2+$0x10]  }
0x256: {  	v13 =	vld [tilespmem:s2+$0xFFFFFFE0]  }
0x257: {  	v10 =	vld [tilespmem:s4+$0xFFFFFFF0]  }
0x258: {  	v15 =	vld [tilespmem:s2+$0xFFFFFFF0]  }
0x259: {  	v12 =	vld [tilespmem:s4+$0x0]  }
0x25a: {  	v14 =	vld [tilespmem:s2+$0x0];
	s5 =	smul.u32 $0x3E8, s0;
	v11 =	vimm.f32 $0.0e+00;
	v17 =	vmul.f32 v8, v7  }
0x25b: {  	s19 =	simm.s32 $0x0;
	v16 =	vld [tilespmem:s4+$0xFFFFFFE0];
	s20 =	sadd.s32 $0x40, s4;
	s21 =	smov.u32 s2;
	v9 =	vimm.f32 $0.0e+00;
	v7 =	vimm.f32 $0.0e+00;
	v8 =	vimm.f32 $0.0e+00  }
.LBB2_11:
0x25c: {  	v18 =	vld [tilespmem:s20+$0x10];
	v7 =	vadd.f32 v17, v7;
	s21 =	sadd.s32 $0x40, s21  }
0x25d: {  	s19 =	sadd.s32 $0x4, s19;
	v17 =	vld [tilespmem:s21+$0x10];
	v15 =	vmul.f32 v15, v10  }
0x25e: {  	p0 =	slt.u32 s19, $0x38;
	v19 =	vld [tilespmem:s21+$0xFFFFFFE0]  }
.Ltmp4:
0x25f: {  	v10 =	vld [tilespmem:s20+$0xFFFFFFF0];
	v11 =	vadd.f32 v15, v11;
	v14 =	vmul.f32 v14, v12;
	(pc) =	sbr.rel @p0 .LBB2_11-.Ltmp4, $4  }
0x260: {  	v15 =	vld [tilespmem:s21+$0xFFFFFFF0];
	v20 =	vmul.f32 v13, v16  }
0x261: {  	v12 =	vld [tilespmem:s20+$0x0];
	v8 =	vadd.f32 v14, v8  }
0x262: {  	v14 =	vld [tilespmem:s21+$0x0];
	v17 =	vmul.f32 v17, v18;
	v9 =	vadd.f32 v20, v9  }
0x263: {  	v16 =	vld [tilespmem:s20+$0xFFFFFFE0];
	s20 =	sadd.s32 $0x40, s20;
	v13 =	vmov v19  }
0x264: {  	_ =	sdelay $0x2  }
0x265: {  	v56 =	vld [tilespmem:s5+$0x9960];
	v10 =	vmul.f32 v15, v10  }
0x266: {  	v57 =	vld [tilespmem:s5+$0xD7E0];
	v12 =	vmul.f32 v14, v12;
	v13 =	vmul.f32 v13, v16  }
0x267: {  	v7 =	vadd.f32 v17, v7;
	v58 =	vld [tilespmem:s5+$0x9970];
	v10 =	vadd.f32 v10, v11  }
0x268: {  	v59 =	vld [tilespmem:s5+$0xD7F0];
	v8 =	vadd.f32 v12, v8;
	v9 =	vadd.f32 v13, v9  }
0x269: {  	v60 =	vld [tilespmem:s5+$0x9978]  }
0x26a: {  	v7 =	vadd.f32 v7, v8;
	v8 =	vld [tilespmem:s5+$0xD7F8];
	v9 =	vadd.f32 v10, v9;
	_ =	sdelay $0x1  }
0x26b: {  	v61 =	vmul.f32 v57, v56;
	v7 =	vadd.f32 v7, v9  }
0x26c: {  	s21 =	sshll.u32 s0, $0x6  }
0x26d: {  	v62 =	vmul.f32 v59, v58;
	s5 =	sshra.s32 s21, $0x2;
	v7 =	vadd.f32 v61, v7  }
0x26e: {  	v63 =	vld [tilespmem:s5+$0xEF78];
	v8 =	vmul.f32 v8, v60  }
0x26f: {  	s0 =	sadd.s32 $0x1, s0;
	v7 =	vadd.f32 v62, v7  }
0x270: {  	p0 =	sne.s32 s0, s3;
	v8 =	vsel vm0, $0x0, v8  }
.Ltmp5:
0x271: {  	v7 =	vadd.f32 v8, v7;
	(pc) =	sbr.rel @p0 .LBB2_10-.Ltmp5, $3  }
0x272: {  	_ = 	snop  }
0x273: {  	v7 =	vmul.f32 v7, v63;
	_ =	sdelay $0x1  }
0x274: {  	s2 =	sadd.s32 $0x3E8, s2;
	s4 =	sadd.s32 $0x3E8, s4;
	v6 =	vadd.f32 v7, v6  }
0x275: {  	_ =	strace $0x9000004F  }
0x276: {  	_ =	strace $0x80000050  }
0x277: {  	s0 =	sld [smem:$0x7ED];
	_ =	sdelay $0x1  }
0x278: {  	s2 =	simm.s32 $0xF3D0;
	[tilespmem:$0xF3D0] =	vst v6  }
0x279: {  	[hbm4b:s0+s1] =	stream.linear.scatter [tilespmem:s2], [sflag:$0x6], $0x10, $0x200038;
	[tilespmem:$0xF3E0] =	vst v63  }
0x27a: {  	_ =	swait.ge [sflag:s17], $0x10  }
0x27b: {  	s21 =	sld [smem:$0x7EE];
	_ =	sdelay $0x1  }
0x27c: {  	s18 =	sadd.s32 $0x1, s18  }
0x27d: {  	p0 =	sne.s32 s18, s21  }
.Ltmp6:
0x27e: {  	_ = 	snop;
	(pc) =	sbr.rel @p0 .LBB2_1-.Ltmp6, $4  }
0x27f: {  	_ = 	snop  }
0x280: {  	[sflag:s17] =	ssyncset.done $0x0  }
0x281: {  	[sflag:s17] =	ssyncadd.s32 $0xFFFFFFF0  }
0x282: {  	_ =	strace $0x90000050  }
0x283: {  	_ =	sfence.sel $0x180000  }
0x284: {  	[bflag:$0x0] =	sbarrier.arrive $0xFFFF  }
0x285: {  	_ =	strace $0x90000047  }
0x286: {  	s0 =	stileid.u32;
	[bflag:$0x2] =	sbarrier.arrive $0xFFFF  }
0x287: {  	p0 =	sne.s32 s0, $0x0;
	s0 =	rddreg [dreg:$0x4]  }
0x288: {  	s0 =	sadd.s32 @!p0 $0x100000, s0  }
0x289: {  	[sflag:s0] =	ssyncadd.tile.s32 @!p0 $0x1;
	_ =	shalt  }
.Lfunc_end2:
_tile_overlayer_lowered:
.L_overlay_start_2:
0x28a: {  	(tag) =	ssettag $0x2  }
0x28b: {  	s0 =	rddreg [dreg:$0x0];
	s2 =	stileid.u32  }
0x28c: {  	s1 =	rddreg [dreg:$0x1];
	p0 =	sne.s32 s2, $0x0  }
0x28d: {  	s3 =	rddreg [dreg:$0x2];
	[bflag:$0x3] =	sbarrier.arrive $0xFFFF;
	s2 =	simm.s32 @!p0 $0x1C06  }
0x28e: {  	[timem:s3], [sflag:s2] =	dma.local @!p0 [hbm:s0], s1  }
0x28f: {  	s0 =	simm.s32 @!p0 $0x6  }
0x290: {  	_ =	swait.ge @!p0 [sflag:s0], s1  }
0x291: {  	s1 =	ssub.s32 @!p0 $0x0, s1;
	[sflag:s0] =	ssyncset.done @!p0 $0x0  }
0x292: {  	[sflag:s0] =	ssyncadd.s32 @!p0 s1  }
0x293: {  	[bflag:$0x3] =	sbarrier.arrive $0xFFFF  }
0x294: {  	_ =	shalt  }

</sc_bundles>
